<compile_context>
chip_gen: v7x
topology: tpu7x:2x2x1
jax: 0.10.2.dev20260603
libtpu: 0.0.44.dev20260713+nightly
codegen_flags: <defaults>
</compile_context>

<pallas_src>
import functools

import jax
import jax.numpy as jnp
from jax import lax
from jax.experimental import pallas as pl
from jax.experimental.pallas import tpu as pltpu
from jax.experimental.pallas import tpu_sc as plsc

N = 10000
E = 320000
NC = 2
NS = 16
NW = NC * NS
EPT = E // NW
C = 80
NCH = EPT // C
NBUF = 3
NRING = (NCH - 2) // NBUF
DC = 80
DNCH = EPT // DC
ROWS_PER = N // NS
RSUB = 25
NPAD = 16 * 640
DEG_ROWS = NPAD // NS

_MESH = plsc.VectorSubcoreMesh(core_axis_name="c", subcore_axis_name="s")
_SC_PARAMS = pltpu.CompilerParams(use_tc_tiling_on_sc=False)


def _deg_body(dst3, p0, p1, dstv, ones_v, dbounce, acc):
    c = lax.axis_index("c")
    s = lax.axis_index("s")
    w = c * NS + s
    pltpu.sync_copy(dst3.at[w], dstv)
    for i in range(DC // 16):
        ones_v[pl.ds(i * 16, 16)] = jnp.ones((16,), jnp.float32)
    for i in range(DEG_ROWS // 16):
        dbounce[pl.ds(i * 16, 16)] = jnp.zeros((16,), jnp.float32)
    r0 = s * DEG_ROWS
    pltpu.sync_copy(dbounce, acc.at[pl.ds(r0, DEG_ROWS)])
    plsc.subcore_barrier()

    def chunk(j, carry):
        pltpu.sync_copy(ones_v, acc.at[dstv.at[j]], add=True)
        return carry

    lax.fori_loop(0, DNCH, chunk, 0)
    plsc.subcore_barrier()
    pltpu.sync_copy(acc.at[pl.ds(r0, DEG_ROWS)], dbounce)

    @pl.when(c == 0)
    def _():
        pltpu.sync_copy(dbounce, p0.at[pl.ds(r0, DEG_ROWS)])

    @pl.when(c == 1)
    def _():
        pltpu.sync_copy(dbounce, p1.at[pl.ds(r0, DEG_ROWS)])


_deg_call = pl.kernel(
    _deg_body,
    out_type=(jax.ShapeDtypeStruct((NPAD,), jnp.float32),
              jax.ShapeDtypeStruct((NPAD,), jnp.float32)),
    mesh=_MESH,
    scratch_types=[
        pltpu.VMEM((DNCH, DC), jnp.int32),
        pltpu.VMEM((DC,), jnp.float32),
        pltpu.VMEM((DEG_ROWS,), jnp.float32),
        pltpu.VMEM_SHARED((NPAD,), jnp.float32),
    ],
    compiler_params=_SC_PARAMS,
)


_BCH = [(0, NBUF * C), (NBUF * C, NBUF * C), (2 * NBUF * C, ROWS_PER - 2 * NBUF * C)]


def _agg_body(d, hp, src3, dst3, p0, p1, srcv, dstv, rows, acc, sem):
    c = lax.axis_index("c")
    s = lax.axis_index("s")
    w = c * NS + s
    pltpu.sync_copy(src3.at[w], srcv)
    pltpu.sync_copy(dst3.at[w], dstv)
    r0 = s * ROWS_PER

    @pl.when(c == 0)
    def _():
        for off, ln in _BCH:
            pltpu.sync_copy(hp.at[pl.ds(r0 + off, ln)], rows.at[pl.ds(0, ln)])
            pltpu.sync_copy(rows.at[pl.ds(0, ln)], acc.at[pl.ds(r0 + off, ln)])

    @pl.when(c == 1)
    def _():
        def zrow(r, carry):
            for k in range(d // 16):
                rows[r, pl.ds(k * 16, 16)] = jnp.zeros((16,), jnp.float32)
            return carry

        lax.fori_loop(0, NBUF * C, zrow, 0)
        for off, ln in _BCH:
            pltpu.sync_copy(rows.at[pl.ds(0, ln)], acc.at[pl.ds(r0 + off, ln)])

    plsc.subcore_barrier()

    def slot(j, b):
        buf = rows.at[pl.ds(b * C, C)]
        pltpu.make_async_copy(hp.at[srcv.at[j]], buf, sem.at[b]).wait()
        pltpu.sync_copy(buf, acc.at[dstv.at[j]], add=True)

        @pl.when(j + NBUF < NCH)
        def _():
            pltpu.async_copy(hp.at[srcv.at[j + NBUF]], buf, sem.at[b])

    for b in range(NBUF):
        pltpu.async_copy(hp.at[srcv.at[b]], rows.at[pl.ds(b * C, C)], sem.at[b])

    def outer(g, carry):
        base = g * NBUF
        for b in range(NBUF):
            slot(base + b, b)
        return carry

    lax.fori_loop(0, NRING, outer, 0)
    for j in range(NBUF * NRING, NCH):
        slot(j, j % NBUF)
    plsc.subcore_barrier()

    @pl.when(c == 0)
    def _():
        for off, ln in _BCH:
            pltpu.sync_copy(acc.at[pl.ds(r0 + off, ln)], rows.at[pl.ds(0, ln)])
            pltpu.sync_copy(rows.at[pl.ds(0, ln)], p0.at[pl.ds(r0 + off, ln)])

    @pl.when(c == 1)
    def _():
        for off, ln in _BCH:
            pltpu.sync_copy(acc.at[pl.ds(r0 + off, ln)], rows.at[pl.ds(0, ln)])
            pltpu.sync_copy(rows.at[pl.ds(0, ln)], p1.at[pl.ds(r0 + off, ln)])


def _make_agg(d):
    return pl.kernel(
        functools.partial(_agg_body, d),
        out_type=(jax.ShapeDtypeStruct((N, d), jnp.float32),
                  jax.ShapeDtypeStruct((N, d), jnp.float32)),
        mesh=_MESH,
        scratch_types=[
            pltpu.VMEM((NCH, C), jnp.int32),
            pltpu.VMEM((NCH, C), jnp.int32),
            pltpu.VMEM((NBUF * C, d), jnp.float32),
            pltpu.VMEM_SHARED((N, d), jnp.float32),
            pltpu.SemaphoreType.DMA((NBUF,)),
        ],
        compiler_params=_SC_PARAMS,
    )


_agg128 = _make_agg(128)
_agg64 = _make_agg(64)


_RB = 1000


def _m1_body(x_ref, w_ref, h_ref):
    h_ref[...] = jnp.dot(x_ref[...], w_ref[...], preferred_element_type=jnp.float32)


def _t1_body(h_ref, d0_ref, d1_ref, hp_ref, dinv_ref):
    deg = 1.0 + d0_ref[...] + d1_ref[...]
    dinv = lax.rsqrt(deg)
    hp_ref[...] = h_ref[...] * dinv
    dinv_ref[...] = dinv


def _t2_body(p0_ref, p1_ref, dinv_ref, b_ref, w_ref, out_ref):
    dinv = dinv_ref[...]
    h = (p0_ref[...] + p1_ref[...]) * dinv + b_ref[...]
    h = jnp.maximum(h, 0.0)
    out_ref[...] = jnp.dot(h, w_ref[...], preferred_element_type=jnp.float32) * dinv


def _t3_body(q0_ref, q1_ref, dinv_ref, b_ref, out_ref):
    o = (q0_ref[...] + q1_ref[...]) * dinv_ref[...] + b_ref[...]
    m = jnp.max(o, axis=1, keepdims=True)
    lse = m + jnp.log(jnp.sum(jnp.exp(o - m), axis=1, keepdims=True))
    out_ref[...] = o - lse


def _row_spec(d):
    return pl.BlockSpec((_RB, d), lambda i: (i, 0))


def _full_spec(r, c):
    return pl.BlockSpec((r, c), lambda i: (0, 0))


_m1_call = pl.pallas_call(
    _m1_body,
    grid=(N // _RB,),
    in_specs=[_row_spec(128), _full_spec(128, 128)],
    out_specs=_row_spec(128),
    out_shape=jax.ShapeDtypeStruct((N, 128), jnp.float32),
)

_t1_call = pl.pallas_call(
    _t1_body,
    grid=(N // _RB,),
    in_specs=[_row_spec(128), _row_spec(1), _row_spec(1)],
    out_specs=(_row_spec(128), _row_spec(1)),
    out_shape=(jax.ShapeDtypeStruct((N, 128), jnp.float32),
               jax.ShapeDtypeStruct((N, 1), jnp.float32)),
)

_t2_call = pl.pallas_call(
    _t2_body,
    grid=(N // _RB,),
    in_specs=[_row_spec(128), _row_spec(128), _row_spec(1),
              _full_spec(1, 128), _full_spec(128, 64)],
    out_specs=_row_spec(64),
    out_shape=jax.ShapeDtypeStruct((N, 64), jnp.float32),
)

_t3_call = pl.pallas_call(
    _t3_body,
    grid=(N // _RB,),
    in_specs=[_row_spec(64), _row_spec(64), _row_spec(1), _full_spec(1, 64)],
    out_specs=_row_spec(64),
    out_shape=jax.ShapeDtypeStruct((N, 64), jnp.float32),
)


def kernel(x, edge_index, W1, b1, W2, b2):
    src3 = edge_index[0].reshape(NW, NCH, C)
    dst3 = edge_index[1].reshape(NW, NCH, C)

    h1 = _m1_call(x, W1)
    d0, d1 = _deg_call(edge_index[1].reshape(NW, DNCH, DC))
    d0 = d0[:N, None]
    d1 = d1[:N, None]

    hp, dinv = _t1_call(h1, d0, d1)
    p0, p1 = _agg128(hp, src3, dst3)
    h2p = _t2_call(p0, p1, dinv, b1.reshape(1, 128), W2)
    q0, q1 = _agg64(h2p, src3, dst3)
    return _t3_call(q0, q1, dinv, b2.reshape(1, 64))

# --- scband reference (transcript-rebuilt; emitter-appended) ---
"""Pipeline reference for scband-gcn-with-dropout-77721728189011 (READ-ONLY COPY).

The authoritative reference and input builder live on the scoring server;
editing this copy changes nothing except your own understanding.
"""

import jax, jax.numpy as jnp
import numpy as np

N = 10000
E = 320000
D_IN = 128
D_HID = 128
D_OUT = 64


def gcn_conv(x, edge_index, W, b):
    # Faithful PyG-style GCNConv: add self-loops, symmetric normalization,
    # linear transform, scatter-add aggregation, bias.
    n = x.shape[0]
    loop = jnp.arange(n, dtype=edge_index.dtype)
    src = jnp.concatenate([edge_index[0], loop])
    dst = jnp.concatenate([edge_index[1], loop])
    h = x @ W
    deg = jnp.zeros((n,), dtype=h.dtype).at[dst].add(1.0)
    dinv = jax.lax.rsqrt(deg)
    norm = dinv[src] * dinv[dst]
    msg = h[src] * norm[:, None]
    out = jnp.zeros((n, h.shape[1]), dtype=h.dtype).at[dst].add(msg)
    return out + b


def setup_inputs(seed: int = 0) -> dict:
    key = jax.random.key(seed)
    k1, k2, k3, k4 = jax.random.split(key, 4)
    x = jax.random.normal(k1, (N, D_IN), dtype=jnp.float32)
    edge_index = jax.random.randint(k2, (2, E), 0, N, dtype=jnp.int32)
    W1 = jax.random.normal(k3, (D_IN, D_HID), dtype=jnp.float32) * (1.0 / np.sqrt(D_IN))
    b1 = jnp.zeros((D_HID,), dtype=jnp.float32)
    W2 = jax.random.normal(k4, (D_HID, D_OUT), dtype=jnp.float32) * (1.0 / np.sqrt(D_HID))
    b2 = jnp.zeros((D_OUT,), dtype=jnp.float32)
    return {"x": x, "edge_index": edge_index, "W1": W1, "b1": b1, "W2": W2, "b2": b2}


def reference(x, edge_index, W1, b1, W2, b2):
    h = jax.nn.relu(gcn_conv(x, edge_index, W1, b1))
    # F.dropout with training=False (eval mode) is the identity
    out = gcn_conv(h, edge_index, W2, b2)
    return jax.nn.log_softmax(out, axis=1)

if __name__ == "__main__":
    import jax
    _d = setup_inputs()
    print(jax.jit(kernel)(*tuple(_d.values())))

</pallas_src>

<mosaic_0001>
#map = affine_map<(d0, d1) -> (0, 0)>
#map1 = affine_map<(d0, d1) -> (0, 0, 0)>
module attributes {stable_mosaic.version = 14 : i64} {
  func.func @_agg_body(%arg0: i32, %arg1: i32, %arg2: memref<10000x64xf32, #tpu.memory_space<hbm>>, %arg3: memref<32x125x80xi32, #tpu.memory_space<hbm>>, %arg4: memref<32x125x80xi32, #tpu.memory_space<hbm>>, %arg5: memref<10000x64xf32, #tpu.memory_space<hbm>>, %arg6: memref<10000x64xf32, #tpu.memory_space<hbm>>, %arg7: memref<125x80xi32, #tpu.memory_space<vmem>>, %arg8: memref<125x80xi32, #tpu.memory_space<vmem>>, %arg9: memref<240x64xf32, #tpu.memory_space<vmem>>, %arg10: memref<10000x64xf32, #tpu.memory_space<vmem_shared>>, %arg11: memref<3x!tpu.dma_semaphore, #tpu.memory_space<semaphore_mem>>) attributes {dimension_semantics = [#tpu.dimension_semantics<core_parallel>, #tpu.dimension_semantics<subcore_parallel>], iteration_bounds = array<i64: 2, 16>, scalar_prefetch = 0 : i64, scratch_operands = 5 : i64, tpu.core_type = #tpu.core_type<sc_vector_subcore>, window_params = [{transform_indices = #map}, {transform_indices = #map1}, {transform_indices = #map1}, {transform_indices = #map}, {transform_indices = #map}]} {
    %mul3A = arith.constant 16 : i32
    %mul3A_0 = arith.muli %arg0, %mul3A : i32
    %add3A = arith.addi %mul3A_0, %arg1 : i32
    "tpu.region"() ({
      %run_scoped3A_90 = tpu.sem_alloc : memref<!tpu.dma_semaphore, #tpu.memory_space<semaphore_mem>>
      %dma_start3A_91 = arith.constant 0 : i32
      %dma_start3A_92 = arith.constant 0 : i32
      %dma_start3A_93 = tpu.memref_slice %arg3[%add3A, %dma_start3A_91, %dma_start3A_92] : memref<32x125x80xi32, #tpu.memory_space<hbm>> -> memref<1x125x80xi32, #tpu.memory_space<hbm>>
      %dma_start3A_94 = tpu.memref_squeeze %dma_start3A_93 : memref<1x125x80xi32, #tpu.memory_space<hbm>> -> memref<125x80xi32, #tpu.memory_space<hbm>>
      %dma_start3A_95 = arith.constant 0 : i32
      %dma_start3A_96 = arith.constant 0 : i32
      %dma_start3A_97 = tpu.memref_slice %arg3[%add3A, %dma_start3A_95, %dma_start3A_96] : memref<32x125x80xi32, #tpu.memory_space<hbm>> -> memref<1x125x80xi32, #tpu.memory_space<hbm>>
      %dma_start3A_98 = tpu.memref_squeeze %dma_start3A_97 : memref<1x125x80xi32, #tpu.memory_space<hbm>> -> memref<125x80xi32, #tpu.memory_space<hbm>>
      tpu.enqueue_dma source(%dma_start3A_98 : memref<125x80xi32, #tpu.memory_space<hbm>>) target(%arg7 : memref<125x80xi32, #tpu.memory_space<vmem>>) target_semaphore(%run_scoped3A_90 : memref<!tpu.dma_semaphore, #tpu.memory_space<semaphore_mem>>)
      %dma_wait3A_99 = arith.constant 0 : i32
      %dma_wait3A_100 = arith.constant 0 : i32
      %dma_wait3A_101 = tpu.memref_slice %arg3[%add3A, %dma_wait3A_99, %dma_wait3A_100] : memref<32x125x80xi32, #tpu.memory_space<hbm>> -> memref<1x125x80xi32, #tpu.memory_space<hbm>>
      %dma_wait3A_102 = tpu.memref_squeeze %dma_wait3A_101 : memref<1x125x80xi32, #tpu.memory_space<hbm>> -> memref<125x80xi32, #tpu.memory_space<hbm>>
      %dma_wait3A_103 = arith.constant 0 : i32
      %dma_wait3A_104 = arith.constant 0 : i32
      %dma_wait3A_105 = tpu.memref_slice %arg3[%add3A, %dma_wait3A_103, %dma_wait3A_104] : memref<32x125x80xi32, #tpu.memory_space<hbm>> -> memref<1x125x80xi32, #tpu.memory_space<hbm>>
      %dma_wait3A_106 = tpu.memref_squeeze %dma_wait3A_105 : memref<1x125x80xi32, #tpu.memory_space<hbm>> -> memref<125x80xi32, #tpu.memory_space<hbm>>
      tpu.wait_dma2 semaphore(%run_scoped3A_90 : memref<!tpu.dma_semaphore, #tpu.memory_space<semaphore_mem>>) src(%dma_wait3A_106 : memref<125x80xi32, #tpu.memory_space<hbm>>) dst(%arg7 : memref<125x80xi32, #tpu.memory_space<vmem>>)
      tpu.yield
    }) : () -> ()
    "tpu.region"() ({
      %run_scoped3A_90 = tpu.sem_alloc : memref<!tpu.dma_semaphore, #tpu.memory_space<semaphore_mem>>
      %dma_start3A_91 = arith.constant 0 : i32
      %dma_start3A_92 = arith.constant 0 : i32
      %dma_start3A_93 = tpu.memref_slice %arg4[%add3A, %dma_start3A_91, %dma_start3A_92] : memref<32x125x80xi32, #tpu.memory_space<hbm>> -> memref<1x125x80xi32, #tpu.memory_space<hbm>>
      %dma_start3A_94 = tpu.memref_squeeze %dma_start3A_93 : memref<1x125x80xi32, #tpu.memory_space<hbm>> -> memref<125x80xi32, #tpu.memory_space<hbm>>
      %dma_start3A_95 = arith.constant 0 : i32
      %dma_start3A_96 = arith.constant 0 : i32
      %dma_start3A_97 = tpu.memref_slice %arg4[%add3A, %dma_start3A_95, %dma_start3A_96] : memref<32x125x80xi32, #tpu.memory_space<hbm>> -> memref<1x125x80xi32, #tpu.memory_space<hbm>>
      %dma_start3A_98 = tpu.memref_squeeze %dma_start3A_97 : memref<1x125x80xi32, #tpu.memory_space<hbm>> -> memref<125x80xi32, #tpu.memory_space<hbm>>
      tpu.enqueue_dma source(%dma_start3A_98 : memref<125x80xi32, #tpu.memory_space<hbm>>) target(%arg8 : memref<125x80xi32, #tpu.memory_space<vmem>>) target_semaphore(%run_scoped3A_90 : memref<!tpu.dma_semaphore, #tpu.memory_space<semaphore_mem>>)
      %dma_wait3A_99 = arith.constant 0 : i32
      %dma_wait3A_100 = arith.constant 0 : i32
      %dma_wait3A_101 = tpu.memref_slice %arg4[%add3A, %dma_wait3A_99, %dma_wait3A_100] : memref<32x125x80xi32, #tpu.memory_space<hbm>> -> memref<1x125x80xi32, #tpu.memory_space<hbm>>
      %dma_wait3A_102 = tpu.memref_squeeze %dma_wait3A_101 : memref<1x125x80xi32, #tpu.memory_space<hbm>> -> memref<125x80xi32, #tpu.memory_space<hbm>>
      %dma_wait3A_103 = arith.constant 0 : i32
      %dma_wait3A_104 = arith.constant 0 : i32
      %dma_wait3A_105 = tpu.memref_slice %arg4[%add3A, %dma_wait3A_103, %dma_wait3A_104] : memref<32x125x80xi32, #tpu.memory_space<hbm>> -> memref<1x125x80xi32, #tpu.memory_space<hbm>>
      %dma_wait3A_106 = tpu.memref_squeeze %dma_wait3A_105 : memref<1x125x80xi32, #tpu.memory_space<hbm>> -> memref<125x80xi32, #tpu.memory_space<hbm>>
      tpu.wait_dma2 semaphore(%run_scoped3A_90 : memref<!tpu.dma_semaphore, #tpu.memory_space<semaphore_mem>>) src(%dma_wait3A_106 : memref<125x80xi32, #tpu.memory_space<hbm>>) dst(%arg8 : memref<125x80xi32, #tpu.memory_space<vmem>>)
      tpu.yield
    }) : () -> ()
    %mul3A_1 = arith.constant 625 : i32
    %mul3A_2 = arith.muli %arg1, %mul3A_1 : i32
    %eq3A = arith.constant 0 : i32
    %eq3A_3 = arith.cmpi eq, %arg0, %eq3A : i32
    %convert_element_type3A = arith.extui %eq3A_3 : i1 to i32
    %cond3A = arith.constant 0 : i32
    %cond3A_4 = arith.cmpi ne, %convert_element_type3A, %cond3A : i32
    scf.if %cond3A_4 {
      %add3A_90 = arith.constant 0 : i32
      %add3A_91 = arith.addi %mul3A_2, %add3A_90 : i32
      "tpu.region"() ({
        %run_scoped3A_102 = tpu.sem_alloc : memref<!tpu.dma_semaphore, #tpu.memory_space<semaphore_mem>>
        %dma_start3A_103 = arith.constant 0 : i32
        %dma_start3A_104 = arith.constant 0 : i32
        %dma_start3A_105 = tpu.memref_slice %arg9[%dma_start3A_103, %dma_start3A_104] : memref<240x64xf32, #tpu.memory_space<vmem>> -> memref<240x64xf32, #tpu.memory_space<vmem>>
        %dma_start3A_106 = arith.constant 0 : i32
        %dma_start3A_107 = tpu.memref_slice %arg2[%add3A_91, %dma_start3A_106] : memref<10000x64xf32, #tpu.memory_space<hbm>> -> memref<240x64xf32, #tpu.memory_space<hbm>>
        %dma_start3A_108 = arith.constant 0 : i32
        %dma_start3A_109 = arith.constant 0 : i32
        %dma_start3A_110 = tpu.memref_slice %arg9[%dma_start3A_108, %dma_start3A_109] : memref<240x64xf32, #tpu.memory_space<vmem>> -> memref<240x64xf32, #tpu.memory_space<vmem>>
        %dma_start3A_111 = arith.constant 0 : i32
        %dma_start3A_112 = tpu.memref_slice %arg2[%add3A_91, %dma_start3A_111] : memref<10000x64xf32, #tpu.memory_space<hbm>> -> memref<240x64xf32, #tpu.memory_space<hbm>>
        tpu.enqueue_dma source(%dma_start3A_112 : memref<240x64xf32, #tpu.memory_space<hbm>>) target(%dma_start3A_110 : memref<240x64xf32, #tpu.memory_space<vmem>>) target_semaphore(%run_scoped3A_102 : memref<!tpu.dma_semaphore, #tpu.memory_space<semaphore_mem>>)
        %dma_wait3A_113 = arith.constant 0 : i32
        %dma_wait3A_114 = arith.constant 0 : i32
        %dma_wait3A_115 = tpu.memref_slice %arg9[%dma_wait3A_113, %dma_wait3A_114] : memref<240x64xf32, #tpu.memory_space<vmem>> -> memref<240x64xf32, #tpu.memory_space<vmem>>
        %dma_wait3A_116 = arith.constant 0 : i32
        %dma_wait3A_117 = tpu.memref_slice %arg2[%add3A_91, %dma_wait3A_116] : memref<10000x64xf32, #tpu.memory_space<hbm>> -> memref<240x64xf32, #tpu.memory_space<hbm>>
        %dma_wait3A_118 = arith.constant 0 : i32
        %dma_wait3A_119 = arith.constant 0 : i32
        %dma_wait3A_120 = tpu.memref_slice %arg9[%dma_wait3A_118, %dma_wait3A_119] : memref<240x64xf32, #tpu.memory_space<vmem>> -> memref<240x64xf32, #tpu.memory_space<vmem>>
        %dma_wait3A_121 = arith.constant 0 : i32
        %dma_wait3A_122 = tpu.memref_slice %arg2[%add3A_91, %dma_wait3A_121] : memref<10000x64xf32, #tpu.memory_space<hbm>> -> memref<240x64xf32, #tpu.memory_space<hbm>>
        tpu.wait_dma2 semaphore(%run_scoped3A_102 : memref<!tpu.dma_semaphore, #tpu.memory_space<semaphore_mem>>) src(%dma_wait3A_122 : memref<240x64xf32, #tpu.memory_space<hbm>>) dst(%dma_wait3A_120 : memref<240x64xf32, #tpu.memory_space<vmem>>)
        tpu.yield
      }) : () -> ()
      %add3A_92 = arith.constant 0 : i32
      %add3A_93 = arith.addi %mul3A_2, %add3A_92 : i32
      "tpu.region"() ({
        %run_scoped3A_102 = tpu.sem_alloc : memref<!tpu.dma_semaphore, #tpu.memory_space<semaphore_mem>>
        %dma_start3A_103 = arith.constant 0 : i32
        %dma_start3A_104 = arith.constant 0 : i32
        %dma_start3A_105 = tpu.memref_slice %arg9[%dma_start3A_103, %dma_start3A_104] : memref<240x64xf32, #tpu.memory_space<vmem>> -> memref<240x64xf32, #tpu.memory_space<vmem>>
        %dma_start3A_106 = arith.constant 0 : i32
        %dma_start3A_107 = tpu.memref_slice %arg10[%add3A_93, %dma_start3A_106] : memref<10000x64xf32, #tpu.memory_space<vmem_shared>> -> memref<240x64xf32, #tpu.memory_space<vmem_shared>>
        %dma_start3A_108 = arith.constant 0 : i32
        %dma_start3A_109 = tpu.memref_slice %arg10[%add3A_93, %dma_start3A_108] : memref<10000x64xf32, #tpu.memory_space<vmem_shared>> -> memref<240x64xf32, #tpu.memory_space<vmem_shared>>
        %dma_start3A_110 = arith.constant 0 : i32
        %dma_start3A_111 = arith.constant 0 : i32
        %dma_start3A_112 = tpu.memref_slice %arg9[%dma_start3A_110, %dma_start3A_111] : memref<240x64xf32, #tpu.memory_space<vmem>> -> memref<240x64xf32, #tpu.memory_space<vmem>>
        tpu.enqueue_dma source(%dma_start3A_112 : memref<240x64xf32, #tpu.memory_space<vmem>>) target(%dma_start3A_109 : memref<240x64xf32, #tpu.memory_space<vmem_shared>>) target_semaphore(%run_scoped3A_102 : memref<!tpu.dma_semaphore, #tpu.memory_space<semaphore_mem>>)
        %dma_wait3A_113 = arith.constant 0 : i32
        %dma_wait3A_114 = arith.constant 0 : i32
        %dma_wait3A_115 = tpu.memref_slice %arg9[%dma_wait3A_113, %dma_wait3A_114] : memref<240x64xf32, #tpu.memory_space<vmem>> -> memref<240x64xf32, #tpu.memory_space<vmem>>
        %dma_wait3A_116 = arith.constant 0 : i32
        %dma_wait3A_117 = tpu.memref_slice %arg10[%add3A_93, %dma_wait3A_116] : memref<10000x64xf32, #tpu.memory_space<vmem_shared>> -> memref<240x64xf32, #tpu.memory_space<vmem_shared>>
        %dma_wait3A_118 = arith.constant 0 : i32
        %dma_wait3A_119 = tpu.memref_slice %arg10[%add3A_93, %dma_wait3A_118] : memref<10000x64xf32, #tpu.memory_space<vmem_shared>> -> memref<240x64xf32, #tpu.memory_space<vmem_shared>>
        %dma_wait3A_120 = arith.constant 0 : i32
        %dma_wait3A_121 = arith.constant 0 : i32
        %dma_wait3A_122 = tpu.memref_slice %arg9[%dma_wait3A_120, %dma_wait3A_121] : memref<240x64xf32, #tpu.memory_space<vmem>> -> memref<240x64xf32, #tpu.memory_space<vmem>>
        tpu.wait_dma2 semaphore(%run_scoped3A_102 : memref<!tpu.dma_semaphore, #tpu.memory_space<semaphore_mem>>) src(%dma_wait3A_122 : memref<240x64xf32, #tpu.memory_space<vmem>>) dst(%dma_wait3A_119 : memref<240x64xf32, #tpu.memory_space<vmem_shared>>)
        tpu.yield
      }) : () -> ()
      %add3A_94 = arith.constant 240 : i32
      %add3A_95 = arith.addi %mul3A_2, %add3A_94 : i32
      "tpu.region"() ({
        %run_scoped3A_102 = tpu.sem_alloc : memref<!tpu.dma_semaphore, #tpu.memory_space<semaphore_mem>>
        %dma_start3A_103 = arith.constant 0 : i32
        %dma_start3A_104 = arith.constant 0 : i32
        %dma_start3A_105 = tpu.memref_slice %arg9[%dma_start3A_103, %dma_start3A_104] : memref<240x64xf32, #tpu.memory_space<vmem>> -> memref<240x64xf32, #tpu.memory_space<vmem>>
        %dma_start3A_106 = arith.constant 0 : i32
        %dma_start3A_107 = tpu.memref_slice %arg2[%add3A_95, %dma_start3A_106] : memref<10000x64xf32, #tpu.memory_space<hbm>> -> memref<240x64xf32, #tpu.memory_space<hbm>>
        %dma_start3A_108 = arith.constant 0 : i32
        %dma_start3A_109 = arith.constant 0 : i32
        %dma_start3A_110 = tpu.memref_slice %arg9[%dma_start3A_108, %dma_start3A_109] : memref<240x64xf32, #tpu.memory_space<vmem>> -> memref<240x64xf32, #tpu.memory_space<vmem>>
        %dma_start3A_111 = arith.constant 0 : i32
        %dma_start3A_112 = tpu.memref_slice %arg2[%add3A_95, %dma_start3A_111] : memref<10000x64xf32, #tpu.memory_space<hbm>> -> memref<240x64xf32, #tpu.memory_space<hbm>>
        tpu.enqueue_dma source(%dma_start3A_112 : memref<240x64xf32, #tpu.memory_space<hbm>>) target(%dma_start3A_110 : memref<240x64xf32, #tpu.memory_space<vmem>>) target_semaphore(%run_scoped3A_102 : memref<!tpu.dma_semaphore, #tpu.memory_space<semaphore_mem>>)
        %dma_wait3A_113 = arith.constant 0 : i32
        %dma_wait3A_114 = arith.constant 0 : i32
        %dma_wait3A_115 = tpu.memref_slice %arg9[%dma_wait3A_113, %dma_wait3A_114] : memref<240x64xf32, #tpu.memory_space<vmem>> -> memref<240x64xf32, #tpu.memory_space<vmem>>
        %dma_wait3A_116 = arith.constant 0 : i32
        %dma_wait3A_117 = tpu.memref_slice %arg2[%add3A_95, %dma_wait3A_116] : memref<10000x64xf32, #tpu.memory_space<hbm>> -> memref<240x64xf32, #tpu.memory_space<hbm>>
        %dma_wait3A_118 = arith.constant 0 : i32
        %dma_wait3A_119 = arith.constant 0 : i32
        %dma_wait3A_120 = tpu.memref_slice %arg9[%dma_wait3A_118, %dma_wait3A_119] : memref<240x64xf32, #tpu.memory_space<vmem>> -> memref<240x64xf32, #tpu.memory_space<vmem>>
        %dma_wait3A_121 = arith.constant 0 : i32
        %dma_wait3A_122 = tpu.memref_slice %arg2[%add3A_95, %dma_wait3A_121] : memref<10000x64xf32, #tpu.memory_space<hbm>> -> memref<240x64xf32, #tpu.memory_space<hbm>>
        tpu.wait_dma2 semaphore(%run_scoped3A_102 : memref<!tpu.dma_semaphore, #tpu.memory_space<semaphore_mem>>) src(%dma_wait3A_122 : memref<240x64xf32, #tpu.memory_space<hbm>>) dst(%dma_wait3A_120 : memref<240x64xf32, #tpu.memory_space<vmem>>)
        tpu.yield
      }) : () -> ()
      %add3A_96 = arith.constant 240 : i32
      %add3A_97 = arith.addi %mul3A_2, %add3A_96 : i32
      "tpu.region"() ({
        %run_scoped3A_102 = tpu.sem_alloc : memref<!tpu.dma_semaphore, #tpu.memory_space<semaphore_mem>>
        %dma_start3A_103 = arith.constant 0 : i32
        %dma_start3A_104 = arith.constant 0 : i32
        %dma_start3A_105 = tpu.memref_slice %arg9[%dma_start3A_103, %dma_start3A_104] : memref<240x64xf32, #tpu.memory_space<vmem>> -> memref<240x64xf32, #tpu.memory_space<vmem>>
        %dma_start3A_106 = arith.constant 0 : i32
        %dma_start3A_107 = tpu.memref_slice %arg10[%add3A_97, %dma_start3A_106] : memref<10000x64xf32, #tpu.memory_space<vmem_shared>> -> memref<240x64xf32, #tpu.memory_space<vmem_shared>>
        %dma_start3A_108 = arith.constant 0 : i32
        %dma_start3A_109 = tpu.memref_slice %arg10[%add3A_97, %dma_start3A_108] : memref<10000x64xf32, #tpu.memory_space<vmem_shared>> -> memref<240x64xf32, #tpu.memory_space<vmem_shared>>
        %dma_start3A_110 = arith.constant 0 : i32
        %dma_start3A_111 = arith.constant 0 : i32
        %dma_start3A_112 = tpu.memref_slice %arg9[%dma_start3A_110, %dma_start3A_111] : memref<240x64xf32, #tpu.memory_space<vmem>> -> memref<240x64xf32, #tpu.memory_space<vmem>>
        tpu.enqueue_dma source(%dma_start3A_112 : memref<240x64xf32, #tpu.memory_space<vmem>>) target(%dma_start3A_109 : memref<240x64xf32, #tpu.memory_space<vmem_shared>>) target_semaphore(%run_scoped3A_102 : memref<!tpu.dma_semaphore, #tpu.memory_space<semaphore_mem>>)
        %dma_wait3A_113 = arith.constant 0 : i32
        %dma_wait3A_114 = arith.constant 0 : i32
        %dma_wait3A_115 = tpu.memref_slice %arg9[%dma_wait3A_113, %dma_wait3A_114] : memref<240x64xf32, #tpu.memory_space<vmem>> -> memref<240x64xf32, #tpu.memory_space<vmem>>
        %dma_wait3A_116 = arith.constant 0 : i32
        %dma_wait3A_117 = tpu.memref_slice %arg10[%add3A_97, %dma_wait3A_116] : memref<10000x64xf32, #tpu.memory_space<vmem_shared>> -> memref<240x64xf32, #tpu.memory_space<vmem_shared>>
        %dma_wait3A_118 = arith.constant 0 : i32
        %dma_wait3A_119 = tpu.memref_slice %arg10[%add3A_97, %dma_wait3A_118] : memref<10000x64xf32, #tpu.memory_space<vmem_shared>> -> memref<240x64xf32, #tpu.memory_space<vmem_shared>>
        %dma_wait3A_120 = arith.constant 0 : i32
        %dma_wait3A_121 = arith.constant 0 : i32
        %dma_wait3A_122 = tpu.memref_slice %arg9[%dma_wait3A_120, %dma_wait3A_121] : memref<240x64xf32, #tpu.memory_space<vmem>> -> memref<240x64xf32, #tpu.memory_space<vmem>>
        tpu.wait_dma2 semaphore(%run_scoped3A_102 : memref<!tpu.dma_semaphore, #tpu.memory_space<semaphore_mem>>) src(%dma_wait3A_122 : memref<240x64xf32, #tpu.memory_space<vmem>>) dst(%dma_wait3A_119 : memref<240x64xf32, #tpu.memory_space<vmem_shared>>)
        tpu.yield
      }) : () -> ()
      %add3A_98 = arith.constant 480 : i32
      %add3A_99 = arith.addi %mul3A_2, %add3A_98 : i32
      "tpu.region"() ({
        %run_scoped3A_102 = tpu.sem_alloc : memref<!tpu.dma_semaphore, #tpu.memory_space<semaphore_mem>>
        %dma_start3A_103 = arith.constant 0 : i32
        %dma_start3A_104 = arith.constant 0 : i32
        %dma_start3A_105 = tpu.memref_slice %arg9[%dma_start3A_103, %dma_start3A_104] : memref<240x64xf32, #tpu.memory_space<vmem>> -> memref<145x64xf32, #tpu.memory_space<vmem>>
        %dma_start3A_106 = arith.constant 0 : i32
        %dma_start3A_107 = tpu.memref_slice %arg2[%add3A_99, %dma_start3A_106] : memref<10000x64xf32, #tpu.memory_space<hbm>> -> memref<145x64xf32, #tpu.memory_space<hbm>>
        %dma_start3A_108 = arith.constant 0 : i32
        %dma_start3A_109 = arith.constant 0 : i32
        %dma_start3A_110 = tpu.memref_slice %arg9[%dma_start3A_108, %dma_start3A_109] : memref<240x64xf32, #tpu.memory_space<vmem>> -> memref<145x64xf32, #tpu.memory_space<vmem>>
        %dma_start3A_111 = arith.constant 0 : i32
        %dma_start3A_112 = tpu.memref_slice %arg2[%add3A_99, %dma_start3A_111] : memref<10000x64xf32, #tpu.memory_space<hbm>> -> memref<145x64xf32, #tpu.memory_space<hbm>>
        tpu.enqueue_dma source(%dma_start3A_112 : memref<145x64xf32, #tpu.memory_space<hbm>>) target(%dma_start3A_110 : memref<145x64xf32, #tpu.memory_space<vmem>>) target_semaphore(%run_scoped3A_102 : memref<!tpu.dma_semaphore, #tpu.memory_space<semaphore_mem>>)
        %dma_wait3A_113 = arith.constant 0 : i32
        %dma_wait3A_114 = arith.constant 0 : i32
        %dma_wait3A_115 = tpu.memref_slice %arg9[%dma_wait3A_113, %dma_wait3A_114] : memref<240x64xf32, #tpu.memory_space<vmem>> -> memref<145x64xf32, #tpu.memory_space<vmem>>
        %dma_wait3A_116 = arith.constant 0 : i32
        %dma_wait3A_117 = tpu.memref_slice %arg2[%add3A_99, %dma_wait3A_116] : memref<10000x64xf32, #tpu.memory_space<hbm>> -> memref<145x64xf32, #tpu.memory_space<hbm>>
        %dma_wait3A_118 = arith.constant 0 : i32
        %dma_wait3A_119 = arith.constant 0 : i32
        %dma_wait3A_120 = tpu.memref_slice %arg9[%dma_wait3A_118, %dma_wait3A_119] : memref<240x64xf32, #tpu.memory_space<vmem>> -> memref<145x64xf32, #tpu.memory_space<vmem>>
        %dma_wait3A_121 = arith.constant 0 : i32
        %dma_wait3A_122 = tpu.memref_slice %arg2[%add3A_99, %dma_wait3A_121] : memref<10000x64xf32, #tpu.memory_space<hbm>> -> memref<145x64xf32, #tpu.memory_space<hbm>>
        tpu.wait_dma2 semaphore(%run_scoped3A_102 : memref<!tpu.dma_semaphore, #tpu.memory_space<semaphore_mem>>) src(%dma_wait3A_122 : memref<145x64xf32, #tpu.memory_space<hbm>>) dst(%dma_wait3A_120 : memref<145x64xf32, #tpu.memory_space<vmem>>)
        tpu.yield
      }) : () -> ()
      %add3A_100 = arith.constant 480 : i32
      %add3A_101 = arith.addi %mul3A_2, %add3A_100 : i32
      "tpu.region"() ({
        %run_scoped3A_102 = tpu.sem_alloc : memref<!tpu.dma_semaphore, #tpu.memory_space<semaphore_mem>>
        %dma_start3A_103 = arith.constant 0 : i32
        %dma_start3A_104 = arith.constant 0 : i32
        %dma_start3A_105 = tpu.memref_slice %arg9[%dma_start3A_103, %dma_start3A_104] : memref<240x64xf32, #tpu.memory_space<vmem>> -> memref<145x64xf32, #tpu.memory_space<vmem>>
        %dma_start3A_106 = arith.constant 0 : i32
        %dma_start3A_107 = tpu.memref_slice %arg10[%add3A_101, %dma_start3A_106] : memref<10000x64xf32, #tpu.memory_space<vmem_shared>> -> memref<145x64xf32, #tpu.memory_space<vmem_shared>>
        %dma_start3A_108 = arith.constant 0 : i32
        %dma_start3A_109 = tpu.memref_slice %arg10[%add3A_101, %dma_start3A_108] : memref<10000x64xf32, #tpu.memory_space<vmem_shared>> -> memref<145x64xf32, #tpu.memory_space<vmem_shared>>
        %dma_start3A_110 = arith.constant 0 : i32
        %dma_start3A_111 = arith.constant 0 : i32
        %dma_start3A_112 = tpu.memref_slice %arg9[%dma_start3A_110, %dma_start3A_111] : memref<240x64xf32, #tpu.memory_space<vmem>> -> memref<145x64xf32, #tpu.memory_space<vmem>>
        tpu.enqueue_dma source(%dma_start3A_112 : memref<145x64xf32, #tpu.memory_space<vmem>>) target(%dma_start3A_109 : memref<145x64xf32, #tpu.memory_space<vmem_shared>>) target_semaphore(%run_scoped3A_102 : memref<!tpu.dma_semaphore, #tpu.memory_space<semaphore_mem>>)
        %dma_wait3A_113 = arith.constant 0 : i32
        %dma_wait3A_114 = arith.constant 0 : i32
        %dma_wait3A_115 = tpu.memref_slice %arg9[%dma_wait3A_113, %dma_wait3A_114] : memref<240x64xf32, #tpu.memory_space<vmem>> -> memref<145x64xf32, #tpu.memory_space<vmem>>
        %dma_wait3A_116 = arith.constant 0 : i32
        %dma_wait3A_117 = tpu.memref_slice %arg10[%add3A_101, %dma_wait3A_116] : memref<10000x64xf32, #tpu.memory_space<vmem_shared>> -> memref<145x64xf32, #tpu.memory_space<vmem_shared>>
        %dma_wait3A_118 = arith.constant 0 : i32
        %dma_wait3A_119 = tpu.memref_slice %arg10[%add3A_101, %dma_wait3A_118] : memref<10000x64xf32, #tpu.memory_space<vmem_shared>> -> memref<145x64xf32, #tpu.memory_space<vmem_shared>>
        %dma_wait3A_120 = arith.constant 0 : i32
        %dma_wait3A_121 = arith.constant 0 : i32
        %dma_wait3A_122 = tpu.memref_slice %arg9[%dma_wait3A_120, %dma_wait3A_121] : memref<240x64xf32, #tpu.memory_space<vmem>> -> memref<145x64xf32, #tpu.memory_space<vmem>>
        tpu.wait_dma2 semaphore(%run_scoped3A_102 : memref<!tpu.dma_semaphore, #tpu.memory_space<semaphore_mem>>) src(%dma_wait3A_122 : memref<145x64xf32, #tpu.memory_space<vmem>>) dst(%dma_wait3A_119 : memref<145x64xf32, #tpu.memory_space<vmem_shared>>)
        tpu.yield
      }) : () -> ()
    } else {
    }
    %eq3A_5 = arith.constant 1 : i32
    %eq3A_6 = arith.cmpi eq, %arg0, %eq3A_5 : i32
    %convert_element_type3A_7 = arith.extui %eq3A_6 : i1 to i32
    %cond3A_8 = arith.constant 0 : i32
    %cond3A_9 = arith.cmpi ne, %convert_element_type3A_7, %cond3A_8 : i32
    scf.if %cond3A_9 {
      %scan3A_90 = arith.constant 0 : i32
      %scan3A_91 = arith.constant 0 : i32
      %scan3A_92 = arith.constant 240 : i32
      %scan3A_93 = arith.addi %scan3A_91, %scan3A_92 : i32
      %scan3A_94 = arith.constant 1 : i32
      scf.for %scan3A_102 = %scan3A_91 to %scan3A_93 step %scan3A_94  : i32 {
        %broadcast_in_dim3A = arith.constant 0.000000e+00 : f32
        %broadcast_in_dim3A_103 = vector.broadcast %broadcast_in_dim3A : f32 to vector<16xf32>
        %swap3A = arith.index_cast %scan3A_102 : i32 to index
        %swap3A_104 = arith.constant 0 : index
        %swap3A_105 = tpu.vector_load %arg9[%swap3A, %swap3A_104] {strides = array<i32>} : memref<240x64xf32, #tpu.memory_space<vmem>>, vector<1x16xf32>,
        %swap3A_106 = vector.shape_cast %swap3A_105 : vector<1x16xf32> to vector<16xf32>
        %swap3A_107 = vector.shape_cast %broadcast_in_dim3A_103 : vector<16xf32> to vector<1x16xf32>
        tpu.vector_store %arg9[%swap3A, %swap3A_104], %swap3A_107 {strides = array<i32>} : memref<240x64xf32, #tpu.memory_space<vmem>>, vector<1x16xf32>,
        %broadcast_in_dim3A_108 = arith.constant 0.000000e+00 : f32
        %broadcast_in_dim3A_109 = vector.broadcast %broadcast_in_dim3A_108 : f32 to vector<16xf32>
        %swap3A_110 = arith.index_cast %scan3A_102 : i32 to index
        %swap3A_111 = arith.constant 16 : index
        %swap3A_112 = tpu.vector_load %arg9[%swap3A_110, %swap3A_111] {strides = array<i32>} : memref<240x64xf32, #tpu.memory_space<vmem>>, vector<1x16xf32>,
        %swap3A_113 = vector.shape_cast %swap3A_112 : vector<1x16xf32> to vector<16xf32>
        %swap3A_114 = vector.shape_cast %broadcast_in_dim3A_109 : vector<16xf32> to vector<1x16xf32>
        tpu.vector_store %arg9[%swap3A_110, %swap3A_111], %swap3A_114 {strides = array<i32>} : memref<240x64xf32, #tpu.memory_space<vmem>>, vector<1x16xf32>,
        %broadcast_in_dim3A_115 = arith.constant 0.000000e+00 : f32
        %broadcast_in_dim3A_116 = vector.broadcast %broadcast_in_dim3A_115 : f32 to vector<16xf32>
        %swap3A_117 = arith.index_cast %scan3A_102 : i32 to index
        %swap3A_118 = arith.constant 32 : index
        %swap3A_119 = tpu.vector_load %arg9[%swap3A_117, %swap3A_118] {strides = array<i32>} : memref<240x64xf32, #tpu.memory_space<vmem>>, vector<1x16xf32>,
        %swap3A_120 = vector.shape_cast %swap3A_119 : vector<1x16xf32> to vector<16xf32>
        %swap3A_121 = vector.shape_cast %broadcast_in_dim3A_116 : vector<16xf32> to vector<1x16xf32>
        tpu.vector_store %arg9[%swap3A_117, %swap3A_118], %swap3A_121 {strides = array<i32>} : memref<240x64xf32, #tpu.memory_space<vmem>>, vector<1x16xf32>,
        %broadcast_in_dim3A_122 = arith.constant 0.000000e+00 : f32
        %broadcast_in_dim3A_123 = vector.broadcast %broadcast_in_dim3A_122 : f32 to vector<16xf32>
        %swap3A_124 = arith.index_cast %scan3A_102 : i32 to index
        %swap3A_125 = arith.constant 48 : index
        %swap3A_126 = tpu.vector_load %arg9[%swap3A_124, %swap3A_125] {strides = array<i32>} : memref<240x64xf32, #tpu.memory_space<vmem>>, vector<1x16xf32>,
        %swap3A_127 = vector.shape_cast %swap3A_126 : vector<1x16xf32> to vector<16xf32>
        %swap3A_128 = vector.shape_cast %broadcast_in_dim3A_123 : vector<16xf32> to vector<1x16xf32>
        tpu.vector_store %arg9[%swap3A_124, %swap3A_125], %swap3A_128 {strides = array<i32>} : memref<240x64xf32, #tpu.memory_space<vmem>>, vector<1x16xf32>,
      }
      %scan3A_95 = arith.constant 240 : i32
      %add3A_96 = arith.constant 0 : i32
      %add3A_97 = arith.addi %mul3A_2, %add3A_96 : i32
      "tpu.region"() ({
        %run_scoped3A_102 = tpu.sem_alloc : memref<!tpu.dma_semaphore, #tpu.memory_space<semaphore_mem>>
        %dma_start3A_103 = arith.constant 0 : i32
        %dma_start3A_104 = arith.constant 0 : i32
        %dma_start3A_105 = tpu.memref_slice %arg9[%dma_start3A_103, %dma_start3A_104] : memref<240x64xf32, #tpu.memory_space<vmem>> -> memref<240x64xf32, #tpu.memory_space<vmem>>
        %dma_start3A_106 = arith.constant 0 : i32
        %dma_start3A_107 = tpu.memref_slice %arg10[%add3A_97, %dma_start3A_106] : memref<10000x64xf32, #tpu.memory_space<vmem_shared>> -> memref<240x64xf32, #tpu.memory_space<vmem_shared>>
        %dma_start3A_108 = arith.constant 0 : i32
        %dma_start3A_109 = tpu.memref_slice %arg10[%add3A_97, %dma_start3A_108] : memref<10000x64xf32, #tpu.memory_space<vmem_shared>> -> memref<240x64xf32, #tpu.memory_space<vmem_shared>>
        %dma_start3A_110 = arith.constant 0 : i32
        %dma_start3A_111 = arith.constant 0 : i32
        %dma_start3A_112 = tpu.memref_slice %arg9[%dma_start3A_110, %dma_start3A_111] : memref<240x64xf32, #tpu.memory_space<vmem>> -> memref<240x64xf32, #tpu.memory_space<vmem>>
        tpu.enqueue_dma source(%dma_start3A_112 : memref<240x64xf32, #tpu.memory_space<vmem>>) target(%dma_start3A_109 : memref<240x64xf32, #tpu.memory_space<vmem_shared>>) target_semaphore(%run_scoped3A_102 : memref<!tpu.dma_semaphore, #tpu.memory_space<semaphore_mem>>)
        %dma_wait3A_113 = arith.constant 0 : i32
        %dma_wait3A_114 = arith.constant 0 : i32
        %dma_wait3A_115 = tpu.memref_slice %arg9[%dma_wait3A_113, %dma_wait3A_114] : memref<240x64xf32, #tpu.memory_space<vmem>> -> memref<240x64xf32, #tpu.memory_space<vmem>>
        %dma_wait3A_116 = arith.constant 0 : i32
        %dma_wait3A_117 = tpu.memref_slice %arg10[%add3A_97, %dma_wait3A_116] : memref<10000x64xf32, #tpu.memory_space<vmem_shared>> -> memref<240x64xf32, #tpu.memory_space<vmem_shared>>
        %dma_wait3A_118 = arith.constant 0 : i32
        %dma_wait3A_119 = tpu.memref_slice %arg10[%add3A_97, %dma_wait3A_118] : memref<10000x64xf32, #tpu.memory_space<vmem_shared>> -> memref<240x64xf32, #tpu.memory_space<vmem_shared>>
        %dma_wait3A_120 = arith.constant 0 : i32
        %dma_wait3A_121 = arith.constant 0 : i32
        %dma_wait3A_122 = tpu.memref_slice %arg9[%dma_wait3A_120, %dma_wait3A_121] : memref<240x64xf32, #tpu.memory_space<vmem>> -> memref<240x64xf32, #tpu.memory_space<vmem>>
        tpu.wait_dma2 semaphore(%run_scoped3A_102 : memref<!tpu.dma_semaphore, #tpu.memory_space<semaphore_mem>>) src(%dma_wait3A_122 : memref<240x64xf32, #tpu.memory_space<vmem>>) dst(%dma_wait3A_119 : memref<240x64xf32, #tpu.memory_space<vmem_shared>>)
        tpu.yield
      }) : () -> ()
      %add3A_98 = arith.constant 240 : i32
      %add3A_99 = arith.addi %mul3A_2, %add3A_98 : i32
      "tpu.region"() ({
        %run_scoped3A_102 = tpu.sem_alloc : memref<!tpu.dma_semaphore, #tpu.memory_space<semaphore_mem>>
        %dma_start3A_103 = arith.constant 0 : i32
        %dma_start3A_104 = arith.constant 0 : i32
        %dma_start3A_105 = tpu.memref_slice %arg9[%dma_start3A_103, %dma_start3A_104] : memref<240x64xf32, #tpu.memory_space<vmem>> -> memref<240x64xf32, #tpu.memory_space<vmem>>
        %dma_start3A_106 = arith.constant 0 : i32
        %dma_start3A_107 = tpu.memref_slice %arg10[%add3A_99, %dma_start3A_106] : memref<10000x64xf32, #tpu.memory_space<vmem_shared>> -> memref<240x64xf32, #tpu.memory_space<vmem_shared>>
        %dma_start3A_108 = arith.constant 0 : i32
        %dma_start3A_109 = tpu.memref_slice %arg10[%add3A_99, %dma_start3A_108] : memref<10000x64xf32, #tpu.memory_space<vmem_shared>> -> memref<240x64xf32, #tpu.memory_space<vmem_shared>>
        %dma_start3A_110 = arith.constant 0 : i32
        %dma_start3A_111 = arith.constant 0 : i32
        %dma_start3A_112 = tpu.memref_slice %arg9[%dma_start3A_110, %dma_start3A_111] : memref<240x64xf32, #tpu.memory_space<vmem>> -> memref<240x64xf32, #tpu.memory_space<vmem>>
        tpu.enqueue_dma source(%dma_start3A_112 : memref<240x64xf32, #tpu.memory_space<vmem>>) target(%dma_start3A_109 : memref<240x64xf32, #tpu.memory_space<vmem_shared>>) target_semaphore(%run_scoped3A_102 : memref<!tpu.dma_semaphore, #tpu.memory_space<semaphore_mem>>)
        %dma_wait3A_113 = arith.constant 0 : i32
        %dma_wait3A_114 = arith.constant 0 : i32
        %dma_wait3A_115 = tpu.memref_slice %arg9[%dma_wait3A_113, %dma_wait3A_114] : memref<240x64xf32, #tpu.memory_space<vmem>> -> memref<240x64xf32, #tpu.memory_space<vmem>>
        %dma_wait3A_116 = arith.constant 0 : i32
        %dma_wait3A_117 = tpu.memref_slice %arg10[%add3A_99, %dma_wait3A_116] : memref<10000x64xf32, #tpu.memory_space<vmem_shared>> -> memref<240x64xf32, #tpu.memory_space<vmem_shared>>
        %dma_wait3A_118 = arith.constant 0 : i32
        %dma_wait3A_119 = tpu.memref_slice %arg10[%add3A_99, %dma_wait3A_118] : memref<10000x64xf32, #tpu.memory_space<vmem_shared>> -> memref<240x64xf32, #tpu.memory_space<vmem_shared>>
        %dma_wait3A_120 = arith.constant 0 : i32
        %dma_wait3A_121 = arith.constant 0 : i32
        %dma_wait3A_122 = tpu.memref_slice %arg9[%dma_wait3A_120, %dma_wait3A_121] : memref<240x64xf32, #tpu.memory_space<vmem>> -> memref<240x64xf32, #tpu.memory_space<vmem>>
        tpu.wait_dma2 semaphore(%run_scoped3A_102 : memref<!tpu.dma_semaphore, #tpu.memory_space<semaphore_mem>>) src(%dma_wait3A_122 : memref<240x64xf32, #tpu.memory_space<vmem>>) dst(%dma_wait3A_119 : memref<240x64xf32, #tpu.memory_space<vmem_shared>>)
        tpu.yield
      }) : () -> ()
      %add3A_100 = arith.constant 480 : i32
      %add3A_101 = arith.addi %mul3A_2, %add3A_100 : i32
      "tpu.region"() ({
        %run_scoped3A_102 = tpu.sem_alloc : memref<!tpu.dma_semaphore, #tpu.memory_space<semaphore_mem>>
        %dma_start3A_103 = arith.constant 0 : i32
        %dma_start3A_104 = arith.constant 0 : i32
        %dma_start3A_105 = tpu.memref_slice %arg9[%dma_start3A_103, %dma_start3A_104] : memref<240x64xf32, #tpu.memory_space<vmem>> -> memref<145x64xf32, #tpu.memory_space<vmem>>
        %dma_start3A_106 = arith.constant 0 : i32
        %dma_start3A_107 = tpu.memref_slice %arg10[%add3A_101, %dma_start3A_106] : memref<10000x64xf32, #tpu.memory_space<vmem_shared>> -> memref<145x64xf32, #tpu.memory_space<vmem_shared>>
        %dma_start3A_108 = arith.constant 0 : i32
        %dma_start3A_109 = tpu.memref_slice %arg10[%add3A_101, %dma_start3A_108] : memref<10000x64xf32, #tpu.memory_space<vmem_shared>> -> memref<145x64xf32, #tpu.memory_space<vmem_shared>>
        %dma_start3A_110 = arith.constant 0 : i32
        %dma_start3A_111 = arith.constant 0 : i32
        %dma_start3A_112 = tpu.memref_slice %arg9[%dma_start3A_110, %dma_start3A_111] : memref<240x64xf32, #tpu.memory_space<vmem>> -> memref<145x64xf32, #tpu.memory_space<vmem>>
        tpu.enqueue_dma source(%dma_start3A_112 : memref<145x64xf32, #tpu.memory_space<vmem>>) target(%dma_start3A_109 : memref<145x64xf32, #tpu.memory_space<vmem_shared>>) target_semaphore(%run_scoped3A_102 : memref<!tpu.dma_semaphore, #tpu.memory_space<semaphore_mem>>)
        %dma_wait3A_113 = arith.constant 0 : i32
        %dma_wait3A_114 = arith.constant 0 : i32
        %dma_wait3A_115 = tpu.memref_slice %arg9[%dma_wait3A_113, %dma_wait3A_114] : memref<240x64xf32, #tpu.memory_space<vmem>> -> memref<145x64xf32, #tpu.memory_space<vmem>>
        %dma_wait3A_116 = arith.constant 0 : i32
        %dma_wait3A_117 = tpu.memref_slice %arg10[%add3A_101, %dma_wait3A_116] : memref<10000x64xf32, #tpu.memory_space<vmem_shared>> -> memref<145x64xf32, #tpu.memory_space<vmem_shared>>
        %dma_wait3A_118 = arith.constant 0 : i32
        %dma_wait3A_119 = tpu.memref_slice %arg10[%add3A_101, %dma_wait3A_118] : memref<10000x64xf32, #tpu.memory_space<vmem_shared>> -> memref<145x64xf32, #tpu.memory_space<vmem_shared>>
        %dma_wait3A_120 = arith.constant 0 : i32
        %dma_wait3A_121 = arith.constant 0 : i32
        %dma_wait3A_122 = tpu.memref_slice %arg9[%dma_wait3A_120, %dma_wait3A_121] : memref<240x64xf32, #tpu.memory_space<vmem>> -> memref<145x64xf32, #tpu.memory_space<vmem>>
        tpu.wait_dma2 semaphore(%run_scoped3A_102 : memref<!tpu.dma_semaphore, #tpu.memory_space<semaphore_mem>>) src(%dma_wait3A_122 : memref<145x64xf32, #tpu.memory_space<vmem>>) dst(%dma_wait3A_119 : memref<145x64xf32, #tpu.memory_space<vmem_shared>>)
        tpu.yield
      }) : () -> ()
    } else {
    }
    %barrier3A = arith.constant 0 : index
    tpu.barrier barrier_id(%barrier3A)
    %dma_start3A = arith.constant 0 : i32
    %dma_start3A_10 = arith.constant 0 : i32
    %dma_start3A_11 = arith.constant 0 : i32
    %dma_start3A_12 = arith.constant 0 : i32
    %dma_start3A_13 = tpu.memref_slice %arg9[%dma_start3A_11, %dma_start3A_12] : memref<240x64xf32, #tpu.memory_space<vmem>> -> memref<80x64xf32, #tpu.memory_space<vmem>>
    %dma_start3A_14 = arith.constant 0 : i32
    %dma_start3A_15 = tpu.memref_slice %arg7[%dma_start3A, %dma_start3A_14] : memref<125x80xi32, #tpu.memory_space<vmem>> -> memref<1x80xi32, #tpu.memory_space<vmem>>
    %dma_start3A_16 = tpu.memref_squeeze %dma_start3A_15 : memref<1x80xi32, #tpu.memory_space<vmem>> -> memref<80xi32, #tpu.memory_space<vmem>>
    %dma_start3A_17 = arith.constant 0 : i32
    %dma_start3A_18 = arith.constant 0 : i32
    %dma_start3A_19 = tpu.memref_slice %arg2[%dma_start3A_17, %dma_start3A_18] : memref<10000x64xf32, #tpu.memory_space<hbm>> -> memref<10000x64xf32, #tpu.memory_space<hbm>>
    %dma_start3A_20 = tpu.memref_slice %arg11[%dma_start3A_10] : memref<3x!tpu.dma_semaphore, #tpu.memory_space<semaphore_mem>> -> memref<1x!tpu.dma_semaphore, #tpu.memory_space<semaphore_mem>>
    %dma_start3A_21 = tpu.memref_squeeze %dma_start3A_20 : memref<1x!tpu.dma_semaphore, #tpu.memory_space<semaphore_mem>> -> memref<!tpu.dma_semaphore, #tpu.memory_space<semaphore_mem>>
    tpu.enqueue_indirect_dma source(%dma_start3A_19 : memref<10000x64xf32, #tpu.memory_space<hbm>>) target(%dma_start3A_13 : memref<80x64xf32, #tpu.memory_space<vmem>>) offsets(%dma_start3A_16 : memref<80xi32, #tpu.memory_space<vmem>>) semaphore(%dma_start3A_21 : memref<!tpu.dma_semaphore, #tpu.memory_space<semaphore_mem>>)
    %dma_start3A_22 = arith.constant 1 : i32
    %dma_start3A_23 = arith.constant 1 : i32
    %dma_start3A_24 = arith.constant 80 : i32
    %dma_start3A_25 = arith.constant 0 : i32
    %dma_start3A_26 = tpu.memref_slice %arg9[%dma_start3A_24, %dma_start3A_25] : memref<240x64xf32, #tpu.memory_space<vmem>> -> memref<80x64xf32, #tpu.memory_space<vmem>>
    %dma_start3A_27 = arith.constant 0 : i32
    %dma_start3A_28 = tpu.memref_slice %arg7[%dma_start3A_22, %dma_start3A_27] : memref<125x80xi32, #tpu.memory_space<vmem>> -> memref<1x80xi32, #tpu.memory_space<vmem>>
    %dma_start3A_29 = tpu.memref_squeeze %dma_start3A_28 : memref<1x80xi32, #tpu.memory_space<vmem>> -> memref<80xi32, #tpu.memory_space<vmem>>
    %dma_start3A_30 = arith.constant 0 : i32
    %dma_start3A_31 = arith.constant 0 : i32
    %dma_start3A_32 = tpu.memref_slice %arg2[%dma_start3A_30, %dma_start3A_31] : memref<10000x64xf32, #tpu.memory_space<hbm>> -> memref<10000x64xf32, #tpu.memory_space<hbm>>
    %dma_start3A_33 = tpu.memref_slice %arg11[%dma_start3A_23] : memref<3x!tpu.dma_semaphore, #tpu.memory_space<semaphore_mem>> -> memref<1x!tpu.dma_semaphore, #tpu.memory_space<semaphore_mem>>
    %dma_start3A_34 = tpu.memref_squeeze %dma_start3A_33 : memref<1x!tpu.dma_semaphore, #tpu.memory_space<semaphore_mem>> -> memref<!tpu.dma_semaphore, #tpu.memory_space<semaphore_mem>>
    tpu.enqueue_indirect_dma source(%dma_start3A_32 : memref<10000x64xf32, #tpu.memory_space<hbm>>) target(%dma_start3A_26 : memref<80x64xf32, #tpu.memory_space<vmem>>) offsets(%dma_start3A_29 : memref<80xi32, #tpu.memory_space<vmem>>) semaphore(%dma_start3A_34 : memref<!tpu.dma_semaphore, #tpu.memory_space<semaphore_mem>>)
    %dma_start3A_35 = arith.constant 2 : i32
    %dma_start3A_36 = arith.constant 2 : i32
    %dma_start3A_37 = arith.constant 160 : i32
    %dma_start3A_38 = arith.constant 0 : i32
    %dma_start3A_39 = tpu.memref_slice %arg9[%dma_start3A_37, %dma_start3A_38] : memref<240x64xf32, #tpu.memory_space<vmem>> -> memref<80x64xf32, #tpu.memory_space<vmem>>
    %dma_start3A_40 = arith.constant 0 : i32
    %dma_start3A_41 = tpu.memref_slice %arg7[%dma_start3A_35, %dma_start3A_40] : memref<125x80xi32, #tpu.memory_space<vmem>> -> memref<1x80xi32, #tpu.memory_space<vmem>>
    %dma_start3A_42 = tpu.memref_squeeze %dma_start3A_41 : memref<1x80xi32, #tpu.memory_space<vmem>> -> memref<80xi32, #tpu.memory_space<vmem>>
    %dma_start3A_43 = arith.constant 0 : i32
    %dma_start3A_44 = arith.constant 0 : i32
    %dma_start3A_45 = tpu.memref_slice %arg2[%dma_start3A_43, %dma_start3A_44] : memref<10000x64xf32, #tpu.memory_space<hbm>> -> memref<10000x64xf32, #tpu.memory_space<hbm>>
    %dma_start3A_46 = tpu.memref_slice %arg11[%dma_start3A_36] : memref<3x!tpu.dma_semaphore, #tpu.memory_space<semaphore_mem>> -> memref<1x!tpu.dma_semaphore, #tpu.memory_space<semaphore_mem>>
    %dma_start3A_47 = tpu.memref_squeeze %dma_start3A_46 : memref<1x!tpu.dma_semaphore, #tpu.memory_space<semaphore_mem>> -> memref<!tpu.dma_semaphore, #tpu.memory_space<semaphore_mem>>
    tpu.enqueue_indirect_dma source(%dma_start3A_45 : memref<10000x64xf32, #tpu.memory_space<hbm>>) target(%dma_start3A_39 : memref<80x64xf32, #tpu.memory_space<vmem>>) offsets(%dma_start3A_42 : memref<80xi32, #tpu.memory_space<vmem>>) semaphore(%dma_start3A_47 : memref<!tpu.dma_semaphore, #tpu.memory_space<semaphore_mem>>)
    %scan3A = arith.constant 0 : i32
    %scan3A_48 = arith.constant 0 : i32
    %scan3A_49 = arith.constant 41 : i32
    %scan3A_50 = arith.addi %scan3A_48, %scan3A_49 : i32
    %scan3A_51 = arith.constant 1 : i32
    scf.for %scan3A_90 = %scan3A_48 to %scan3A_50 step %scan3A_51  : i32 {
      %mul3A_91 = arith.constant 3 : i32
      %mul3A_92 = arith.muli %scan3A_90, %mul3A_91 : i32
      %add3A_93 = arith.constant 0 : i32
      %add3A_94 = arith.addi %mul3A_92, %add3A_93 : i32
      %dma_wait3A_95 = arith.constant 0 : i32
      %dma_wait3A_96 = arith.constant 0 : i32
      %dma_wait3A_97 = arith.constant 0 : i32
      %dma_wait3A_98 = tpu.memref_slice %arg9[%dma_wait3A_96, %dma_wait3A_97] : memref<240x64xf32, #tpu.memory_space<vmem>> -> memref<80x64xf32, #tpu.memory_space<vmem>>
      %dma_wait3A_99 = arith.constant 0 : i32
      %dma_wait3A_100 = tpu.memref_slice %arg7[%add3A_94, %dma_wait3A_99] : memref<125x80xi32, #tpu.memory_space<vmem>> -> memref<1x80xi32, #tpu.memory_space<vmem>>
      %dma_wait3A_101 = tpu.memref_squeeze %dma_wait3A_100 : memref<1x80xi32, #tpu.memory_space<vmem>> -> memref<80xi32, #tpu.memory_space<vmem>>
      %dma_wait3A_102 = arith.constant 0 : i32
      %dma_wait3A_103 = arith.constant 0 : i32
      %dma_wait3A_104 = tpu.memref_slice %arg2[%dma_wait3A_102, %dma_wait3A_103] : memref<10000x64xf32, #tpu.memory_space<hbm>> -> memref<10000x64xf32, #tpu.memory_space<hbm>>
      %dma_wait3A_105 = tpu.memref_slice %arg11[%dma_wait3A_95] : memref<3x!tpu.dma_semaphore, #tpu.memory_space<semaphore_mem>> -> memref<1x!tpu.dma_semaphore, #tpu.memory_space<semaphore_mem>>
      %dma_wait3A_106 = tpu.memref_squeeze %dma_wait3A_105 : memref<1x!tpu.dma_semaphore, #tpu.memory_space<semaphore_mem>> -> memref<!tpu.dma_semaphore, #tpu.memory_space<semaphore_mem>>
      tpu.wait_indirect_dma semaphore(%dma_wait3A_106 : memref<!tpu.dma_semaphore, #tpu.memory_space<semaphore_mem>>) src(%dma_wait3A_104 : memref<10000x64xf32, #tpu.memory_space<hbm>>) dst(%dma_wait3A_98 : memref<80x64xf32, #tpu.memory_space<vmem>>)
      "tpu.region"() ({
        %run_scoped3A_155 = tpu.sem_alloc : memref<!tpu.dma_semaphore, #tpu.memory_space<semaphore_mem>>
        %dma_start3A_156 = arith.constant 0 : i32
        %dma_start3A_157 = arith.constant 0 : i32
        %dma_start3A_158 = tpu.memref_slice %arg9[%dma_start3A_156, %dma_start3A_157] : memref<240x64xf32, #tpu.memory_space<vmem>> -> memref<80x64xf32, #tpu.memory_space<vmem>>
        %dma_start3A_159 = arith.constant 0 : i32
        %dma_start3A_160 = tpu.memref_slice %arg8[%add3A_94, %dma_start3A_159] : memref<125x80xi32, #tpu.memory_space<vmem>> -> memref<1x80xi32, #tpu.memory_space<vmem>>
        %dma_start3A_161 = tpu.memref_squeeze %dma_start3A_160 : memref<1x80xi32, #tpu.memory_space<vmem>> -> memref<80xi32, #tpu.memory_space<vmem>>
        %dma_start3A_162 = arith.constant 0 : i32
        %dma_start3A_163 = arith.constant 0 : i32
        %dma_start3A_164 = tpu.memref_slice %arg10[%dma_start3A_162, %dma_start3A_163] : memref<10000x64xf32, #tpu.memory_space<vmem_shared>> -> memref<10000x64xf32, #tpu.memory_space<vmem_shared>>
        tpu.enqueue_indirect_dma source(%dma_start3A_158 : memref<80x64xf32, #tpu.memory_space<vmem>>) target(%dma_start3A_164 : memref<10000x64xf32, #tpu.memory_space<vmem_shared>>) offsets(%dma_start3A_161 : memref<80xi32, #tpu.memory_space<vmem>>) semaphore(%run_scoped3A_155 : memref<!tpu.dma_semaphore, #tpu.memory_space<semaphore_mem>>) {add = true}
        %dma_wait3A_165 = arith.constant 0 : i32
        %dma_wait3A_166 = arith.constant 0 : i32
        %dma_wait3A_167 = tpu.memref_slice %arg9[%dma_wait3A_165, %dma_wait3A_166] : memref<240x64xf32, #tpu.memory_space<vmem>> -> memref<80x64xf32, #tpu.memory_space<vmem>>
        %dma_wait3A_168 = arith.constant 0 : i32
        %dma_wait3A_169 = tpu.memref_slice %arg8[%add3A_94, %dma_wait3A_168] : memref<125x80xi32, #tpu.memory_space<vmem>> -> memref<1x80xi32, #tpu.memory_space<vmem>>
        %dma_wait3A_170 = tpu.memref_squeeze %dma_wait3A_169 : memref<1x80xi32, #tpu.memory_space<vmem>> -> memref<80xi32, #tpu.memory_space<vmem>>
        %dma_wait3A_171 = arith.constant 0 : i32
        %dma_wait3A_172 = arith.constant 0 : i32
        %dma_wait3A_173 = tpu.memref_slice %arg10[%dma_wait3A_171, %dma_wait3A_172] : memref<10000x64xf32, #tpu.memory_space<vmem_shared>> -> memref<10000x64xf32, #tpu.memory_space<vmem_shared>>
        tpu.wait_indirect_dma semaphore(%run_scoped3A_155 : memref<!tpu.dma_semaphore, #tpu.memory_space<semaphore_mem>>) src(%dma_wait3A_167 : memref<80x64xf32, #tpu.memory_space<vmem>>) dst(%dma_wait3A_173 : memref<10000x64xf32, #tpu.memory_space<vmem_shared>>)
        tpu.yield
      }) : () -> ()
      %add3A_107 = arith.constant 3 : i32
      %add3A_108 = arith.addi %add3A_94, %add3A_107 : i32
      %lt3A = arith.constant 125 : i32
      %lt3A_109 = arith.cmpi slt, %add3A_108, %lt3A : i32
      %convert_element_type3A_110 = arith.extui %lt3A_109 : i1 to i32
      %cond3A_111 = arith.constant 0 : i32
      %cond3A_112 = arith.cmpi ne, %convert_element_type3A_110, %cond3A_111 : i32
      scf.if %cond3A_112 {
        %add3A_155 = arith.constant 3 : i32
        %add3A_156 = arith.addi %add3A_94, %add3A_155 : i32
        %dma_start3A_157 = arith.constant 0 : i32
        %dma_start3A_158 = arith.constant 0 : i32
        %dma_start3A_159 = arith.constant 0 : i32
        %dma_start3A_160 = tpu.memref_slice %arg9[%dma_start3A_158, %dma_start3A_159] : memref<240x64xf32, #tpu.memory_space<vmem>> -> memref<80x64xf32, #tpu.memory_space<vmem>>
        %dma_start3A_161 = arith.constant 0 : i32
        %dma_start3A_162 = tpu.memref_slice %arg7[%add3A_156, %dma_start3A_161] : memref<125x80xi32, #tpu.memory_space<vmem>> -> memref<1x80xi32, #tpu.memory_space<vmem>>
        %dma_start3A_163 = tpu.memref_squeeze %dma_start3A_162 : memref<1x80xi32, #tpu.memory_space<vmem>> -> memref<80xi32, #tpu.memory_space<vmem>>
        %dma_start3A_164 = arith.constant 0 : i32
        %dma_start3A_165 = arith.constant 0 : i32
        %dma_start3A_166 = tpu.memref_slice %arg2[%dma_start3A_164, %dma_start3A_165] : memref<10000x64xf32, #tpu.memory_space<hbm>> -> memref<10000x64xf32, #tpu.memory_space<hbm>>
        %dma_start3A_167 = tpu.memref_slice %arg11[%dma_start3A_157] : memref<3x!tpu.dma_semaphore, #tpu.memory_space<semaphore_mem>> -> memref<1x!tpu.dma_semaphore, #tpu.memory_space<semaphore_mem>>
        %dma_start3A_168 = tpu.memref_squeeze %dma_start3A_167 : memref<1x!tpu.dma_semaphore, #tpu.memory_space<semaphore_mem>> -> memref<!tpu.dma_semaphore, #tpu.memory_space<semaphore_mem>>
        tpu.enqueue_indirect_dma source(%dma_start3A_166 : memref<10000x64xf32, #tpu.memory_space<hbm>>) target(%dma_start3A_160 : memref<80x64xf32, #tpu.memory_space<vmem>>) offsets(%dma_start3A_163 : memref<80xi32, #tpu.memory_space<vmem>>) semaphore(%dma_start3A_168 : memref<!tpu.dma_semaphore, #tpu.memory_space<semaphore_mem>>)
      } else {
      }
      %add3A_113 = arith.constant 1 : i32
      %add3A_114 = arith.addi %mul3A_92, %add3A_113 : i32
      %dma_wait3A_115 = arith.constant 1 : i32
      %dma_wait3A_116 = arith.constant 80 : i32
      %dma_wait3A_117 = arith.constant 0 : i32
      %dma_wait3A_118 = tpu.memref_slice %arg9[%dma_wait3A_116, %dma_wait3A_117] : memref<240x64xf32, #tpu.memory_space<vmem>> -> memref<80x64xf32, #tpu.memory_space<vmem>>
      %dma_wait3A_119 = arith.constant 0 : i32
      %dma_wait3A_120 = tpu.memref_slice %arg7[%add3A_114, %dma_wait3A_119] : memref<125x80xi32, #tpu.memory_space<vmem>> -> memref<1x80xi32, #tpu.memory_space<vmem>>
      %dma_wait3A_121 = tpu.memref_squeeze %dma_wait3A_120 : memref<1x80xi32, #tpu.memory_space<vmem>> -> memref<80xi32, #tpu.memory_space<vmem>>
      %dma_wait3A_122 = arith.constant 0 : i32
      %dma_wait3A_123 = arith.constant 0 : i32
      %dma_wait3A_124 = tpu.memref_slice %arg2[%dma_wait3A_122, %dma_wait3A_123] : memref<10000x64xf32, #tpu.memory_space<hbm>> -> memref<10000x64xf32, #tpu.memory_space<hbm>>
      %dma_wait3A_125 = tpu.memref_slice %arg11[%dma_wait3A_115] : memref<3x!tpu.dma_semaphore, #tpu.memory_space<semaphore_mem>> -> memref<1x!tpu.dma_semaphore, #tpu.memory_space<semaphore_mem>>
      %dma_wait3A_126 = tpu.memref_squeeze %dma_wait3A_125 : memref<1x!tpu.dma_semaphore, #tpu.memory_space<semaphore_mem>> -> memref<!tpu.dma_semaphore, #tpu.memory_space<semaphore_mem>>
      tpu.wait_indirect_dma semaphore(%dma_wait3A_126 : memref<!tpu.dma_semaphore, #tpu.memory_space<semaphore_mem>>) src(%dma_wait3A_124 : memref<10000x64xf32, #tpu.memory_space<hbm>>) dst(%dma_wait3A_118 : memref<80x64xf32, #tpu.memory_space<vmem>>)
      "tpu.region"() ({
        %run_scoped3A_155 = tpu.sem_alloc : memref<!tpu.dma_semaphore, #tpu.memory_space<semaphore_mem>>
        %dma_start3A_156 = arith.constant 80 : i32
        %dma_start3A_157 = arith.constant 0 : i32
        %dma_start3A_158 = tpu.memref_slice %arg9[%dma_start3A_156, %dma_start3A_157] : memref<240x64xf32, #tpu.memory_space<vmem>> -> memref<80x64xf32, #tpu.memory_space<vmem>>
        %dma_start3A_159 = arith.constant 0 : i32
        %dma_start3A_160 = tpu.memref_slice %arg8[%add3A_114, %dma_start3A_159] : memref<125x80xi32, #tpu.memory_space<vmem>> -> memref<1x80xi32, #tpu.memory_space<vmem>>
        %dma_start3A_161 = tpu.memref_squeeze %dma_start3A_160 : memref<1x80xi32, #tpu.memory_space<vmem>> -> memref<80xi32, #tpu.memory_space<vmem>>
        %dma_start3A_162 = arith.constant 0 : i32
        %dma_start3A_163 = arith.constant 0 : i32
        %dma_start3A_164 = tpu.memref_slice %arg10[%dma_start3A_162, %dma_start3A_163] : memref<10000x64xf32, #tpu.memory_space<vmem_shared>> -> memref<10000x64xf32, #tpu.memory_space<vmem_shared>>
        tpu.enqueue_indirect_dma source(%dma_start3A_158 : memref<80x64xf32, #tpu.memory_space<vmem>>) target(%dma_start3A_164 : memref<10000x64xf32, #tpu.memory_space<vmem_shared>>) offsets(%dma_start3A_161 : memref<80xi32, #tpu.memory_space<vmem>>) semaphore(%run_scoped3A_155 : memref<!tpu.dma_semaphore, #tpu.memory_space<semaphore_mem>>) {add = true}
        %dma_wait3A_165 = arith.constant 80 : i32
        %dma_wait3A_166 = arith.constant 0 : i32
        %dma_wait3A_167 = tpu.memref_slice %arg9[%dma_wait3A_165, %dma_wait3A_166] : memref<240x64xf32, #tpu.memory_space<vmem>> -> memref<80x64xf32, #tpu.memory_space<vmem>>
        %dma_wait3A_168 = arith.constant 0 : i32
        %dma_wait3A_169 = tpu.memref_slice %arg8[%add3A_114, %dma_wait3A_168] : memref<125x80xi32, #tpu.memory_space<vmem>> -> memref<1x80xi32, #tpu.memory_space<vmem>>
        %dma_wait3A_170 = tpu.memref_squeeze %dma_wait3A_169 : memref<1x80xi32, #tpu.memory_space<vmem>> -> memref<80xi32, #tpu.memory_space<vmem>>
        %dma_wait3A_171 = arith.constant 0 : i32
        %dma_wait3A_172 = arith.constant 0 : i32
        %dma_wait3A_173 = tpu.memref_slice %arg10[%dma_wait3A_171, %dma_wait3A_172] : memref<10000x64xf32, #tpu.memory_space<vmem_shared>> -> memref<10000x64xf32, #tpu.memory_space<vmem_shared>>
        tpu.wait_indirect_dma semaphore(%run_scoped3A_155 : memref<!tpu.dma_semaphore, #tpu.memory_space<semaphore_mem>>) src(%dma_wait3A_167 : memref<80x64xf32, #tpu.memory_space<vmem>>) dst(%dma_wait3A_173 : memref<10000x64xf32, #tpu.memory_space<vmem_shared>>)
        tpu.yield
      }) : () -> ()
      %add3A_127 = arith.constant 3 : i32
      %add3A_128 = arith.addi %add3A_114, %add3A_127 : i32
      %lt3A_129 = arith.constant 125 : i32
      %lt3A_130 = arith.cmpi slt, %add3A_128, %lt3A_129 : i32
      %convert_element_type3A_131 = arith.extui %lt3A_130 : i1 to i32
      %cond3A_132 = arith.constant 0 : i32
      %cond3A_133 = arith.cmpi ne, %convert_element_type3A_131, %cond3A_132 : i32
      scf.if %cond3A_133 {
        %add3A_155 = arith.constant 3 : i32
        %add3A_156 = arith.addi %add3A_114, %add3A_155 : i32
        %dma_start3A_157 = arith.constant 1 : i32
        %dma_start3A_158 = arith.constant 80 : i32
        %dma_start3A_159 = arith.constant 0 : i32
        %dma_start3A_160 = tpu.memref_slice %arg9[%dma_start3A_158, %dma_start3A_159] : memref<240x64xf32, #tpu.memory_space<vmem>> -> memref<80x64xf32, #tpu.memory_space<vmem>>
        %dma_start3A_161 = arith.constant 0 : i32
        %dma_start3A_162 = tpu.memref_slice %arg7[%add3A_156, %dma_start3A_161] : memref<125x80xi32, #tpu.memory_space<vmem>> -> memref<1x80xi32, #tpu.memory_space<vmem>>
        %dma_start3A_163 = tpu.memref_squeeze %dma_start3A_162 : memref<1x80xi32, #tpu.memory_space<vmem>> -> memref<80xi32, #tpu.memory_space<vmem>>
        %dma_start3A_164 = arith.constant 0 : i32
        %dma_start3A_165 = arith.constant 0 : i32
        %dma_start3A_166 = tpu.memref_slice %arg2[%dma_start3A_164, %dma_start3A_165] : memref<10000x64xf32, #tpu.memory_space<hbm>> -> memref<10000x64xf32, #tpu.memory_space<hbm>>
        %dma_start3A_167 = tpu.memref_slice %arg11[%dma_start3A_157] : memref<3x!tpu.dma_semaphore, #tpu.memory_space<semaphore_mem>> -> memref<1x!tpu.dma_semaphore, #tpu.memory_space<semaphore_mem>>
        %dma_start3A_168 = tpu.memref_squeeze %dma_start3A_167 : memref<1x!tpu.dma_semaphore, #tpu.memory_space<semaphore_mem>> -> memref<!tpu.dma_semaphore, #tpu.memory_space<semaphore_mem>>
        tpu.enqueue_indirect_dma source(%dma_start3A_166 : memref<10000x64xf32, #tpu.memory_space<hbm>>) target(%dma_start3A_160 : memref<80x64xf32, #tpu.memory_space<vmem>>) offsets(%dma_start3A_163 : memref<80xi32, #tpu.memory_space<vmem>>) semaphore(%dma_start3A_168 : memref<!tpu.dma_semaphore, #tpu.memory_space<semaphore_mem>>)
      } else {
      }
      %add3A_134 = arith.constant 2 : i32
      %add3A_135 = arith.addi %mul3A_92, %add3A_134 : i32
      %dma_wait3A_136 = arith.constant 2 : i32
      %dma_wait3A_137 = arith.constant 160 : i32
      %dma_wait3A_138 = arith.constant 0 : i32
      %dma_wait3A_139 = tpu.memref_slice %arg9[%dma_wait3A_137, %dma_wait3A_138] : memref<240x64xf32, #tpu.memory_space<vmem>> -> memref<80x64xf32, #tpu.memory_space<vmem>>
      %dma_wait3A_140 = arith.constant 0 : i32
      %dma_wait3A_141 = tpu.memref_slice %arg7[%add3A_135, %dma_wait3A_140] : memref<125x80xi32, #tpu.memory_space<vmem>> -> memref<1x80xi32, #tpu.memory_space<vmem>>
      %dma_wait3A_142 = tpu.memref_squeeze %dma_wait3A_141 : memref<1x80xi32, #tpu.memory_space<vmem>> -> memref<80xi32, #tpu.memory_space<vmem>>
      %dma_wait3A_143 = arith.constant 0 : i32
      %dma_wait3A_144 = arith.constant 0 : i32
      %dma_wait3A_145 = tpu.memref_slice %arg2[%dma_wait3A_143, %dma_wait3A_144] : memref<10000x64xf32, #tpu.memory_space<hbm>> -> memref<10000x64xf32, #tpu.memory_space<hbm>>
      %dma_wait3A_146 = tpu.memref_slice %arg11[%dma_wait3A_136] : memref<3x!tpu.dma_semaphore, #tpu.memory_space<semaphore_mem>> -> memref<1x!tpu.dma_semaphore, #tpu.memory_space<semaphore_mem>>
      %dma_wait3A_147 = tpu.memref_squeeze %dma_wait3A_146 : memref<1x!tpu.dma_semaphore, #tpu.memory_space<semaphore_mem>> -> memref<!tpu.dma_semaphore, #tpu.memory_space<semaphore_mem>>
      tpu.wait_indirect_dma semaphore(%dma_wait3A_147 : memref<!tpu.dma_semaphore, #tpu.memory_space<semaphore_mem>>) src(%dma_wait3A_145 : memref<10000x64xf32, #tpu.memory_space<hbm>>) dst(%dma_wait3A_139 : memref<80x64xf32, #tpu.memory_space<vmem>>)
      "tpu.region"() ({
        %run_scoped3A_155 = tpu.sem_alloc : memref<!tpu.dma_semaphore, #tpu.memory_space<semaphore_mem>>
        %dma_start3A_156 = arith.constant 160 : i32
        %dma_start3A_157 = arith.constant 0 : i32
        %dma_start3A_158 = tpu.memref_slice %arg9[%dma_start3A_156, %dma_start3A_157] : memref<240x64xf32, #tpu.memory_space<vmem>> -> memref<80x64xf32, #tpu.memory_space<vmem>>
        %dma_start3A_159 = arith.constant 0 : i32
        %dma_start3A_160 = tpu.memref_slice %arg8[%add3A_135, %dma_start3A_159] : memref<125x80xi32, #tpu.memory_space<vmem>> -> memref<1x80xi32, #tpu.memory_space<vmem>>
        %dma_start3A_161 = tpu.memref_squeeze %dma_start3A_160 : memref<1x80xi32, #tpu.memory_space<vmem>> -> memref<80xi32, #tpu.memory_space<vmem>>
        %dma_start3A_162 = arith.constant 0 : i32
        %dma_start3A_163 = arith.constant 0 : i32
        %dma_start3A_164 = tpu.memref_slice %arg10[%dma_start3A_162, %dma_start3A_163] : memref<10000x64xf32, #tpu.memory_space<vmem_shared>> -> memref<10000x64xf32, #tpu.memory_space<vmem_shared>>
        tpu.enqueue_indirect_dma source(%dma_start3A_158 : memref<80x64xf32, #tpu.memory_space<vmem>>) target(%dma_start3A_164 : memref<10000x64xf32, #tpu.memory_space<vmem_shared>>) offsets(%dma_start3A_161 : memref<80xi32, #tpu.memory_space<vmem>>) semaphore(%run_scoped3A_155 : memref<!tpu.dma_semaphore, #tpu.memory_space<semaphore_mem>>) {add = true}
        %dma_wait3A_165 = arith.constant 160 : i32
        %dma_wait3A_166 = arith.constant 0 : i32
        %dma_wait3A_167 = tpu.memref_slice %arg9[%dma_wait3A_165, %dma_wait3A_166] : memref<240x64xf32, #tpu.memory_space<vmem>> -> memref<80x64xf32, #tpu.memory_space<vmem>>
        %dma_wait3A_168 = arith.constant 0 : i32
        %dma_wait3A_169 = tpu.memref_slice %arg8[%add3A_135, %dma_wait3A_168] : memref<125x80xi32, #tpu.memory_space<vmem>> -> memref<1x80xi32, #tpu.memory_space<vmem>>
        %dma_wait3A_170 = tpu.memref_squeeze %dma_wait3A_169 : memref<1x80xi32, #tpu.memory_space<vmem>> -> memref<80xi32, #tpu.memory_space<vmem>>
        %dma_wait3A_171 = arith.constant 0 : i32
        %dma_wait3A_172 = arith.constant 0 : i32
        %dma_wait3A_173 = tpu.memref_slice %arg10[%dma_wait3A_171, %dma_wait3A_172] : memref<10000x64xf32, #tpu.memory_space<vmem_shared>> -> memref<10000x64xf32, #tpu.memory_space<vmem_shared>>
        tpu.wait_indirect_dma semaphore(%run_scoped3A_155 : memref<!tpu.dma_semaphore, #tpu.memory_space<semaphore_mem>>) src(%dma_wait3A_167 : memref<80x64xf32, #tpu.memory_space<vmem>>) dst(%dma_wait3A_173 : memref<10000x64xf32, #tpu.memory_space<vmem_shared>>)
        tpu.yield
      }) : () -> ()
      %add3A_148 = arith.constant 3 : i32
      %add3A_149 = arith.addi %add3A_135, %add3A_148 : i32
      %lt3A_150 = arith.constant 125 : i32
      %lt3A_151 = arith.cmpi slt, %add3A_149, %lt3A_150 : i32
      %convert_element_type3A_152 = arith.extui %lt3A_151 : i1 to i32
      %cond3A_153 = arith.constant 0 : i32
      %cond3A_154 = arith.cmpi ne, %convert_element_type3A_152, %cond3A_153 : i32
      scf.if %cond3A_154 {
        %add3A_155 = arith.constant 3 : i32
        %add3A_156 = arith.addi %add3A_135, %add3A_155 : i32
        %dma_start3A_157 = arith.constant 2 : i32
        %dma_start3A_158 = arith.constant 160 : i32
        %dma_start3A_159 = arith.constant 0 : i32
        %dma_start3A_160 = tpu.memref_slice %arg9[%dma_start3A_158, %dma_start3A_159] : memref<240x64xf32, #tpu.memory_space<vmem>> -> memref<80x64xf32, #tpu.memory_space<vmem>>
        %dma_start3A_161 = arith.constant 0 : i32
        %dma_start3A_162 = tpu.memref_slice %arg7[%add3A_156, %dma_start3A_161] : memref<125x80xi32, #tpu.memory_space<vmem>> -> memref<1x80xi32, #tpu.memory_space<vmem>>
        %dma_start3A_163 = tpu.memref_squeeze %dma_start3A_162 : memref<1x80xi32, #tpu.memory_space<vmem>> -> memref<80xi32, #tpu.memory_space<vmem>>
        %dma_start3A_164 = arith.constant 0 : i32
        %dma_start3A_165 = arith.constant 0 : i32
        %dma_start3A_166 = tpu.memref_slice %arg2[%dma_start3A_164, %dma_start3A_165] : memref<10000x64xf32, #tpu.memory_space<hbm>> -> memref<10000x64xf32, #tpu.memory_space<hbm>>
        %dma_start3A_167 = tpu.memref_slice %arg11[%dma_start3A_157] : memref<3x!tpu.dma_semaphore, #tpu.memory_space<semaphore_mem>> -> memref<1x!tpu.dma_semaphore, #tpu.memory_space<semaphore_mem>>
        %dma_start3A_168 = tpu.memref_squeeze %dma_start3A_167 : memref<1x!tpu.dma_semaphore, #tpu.memory_space<semaphore_mem>> -> memref<!tpu.dma_semaphore, #tpu.memory_space<semaphore_mem>>
        tpu.enqueue_indirect_dma source(%dma_start3A_166 : memref<10000x64xf32, #tpu.memory_space<hbm>>) target(%dma_start3A_160 : memref<80x64xf32, #tpu.memory_space<vmem>>) offsets(%dma_start3A_163 : memref<80xi32, #tpu.memory_space<vmem>>) semaphore(%dma_start3A_168 : memref<!tpu.dma_semaphore, #tpu.memory_space<semaphore_mem>>)
      } else {
      }
    }
    %scan3A_52 = arith.constant 41 : i32
    %dma_wait3A = arith.constant 123 : i32
    %dma_wait3A_53 = arith.constant 0 : i32
    %dma_wait3A_54 = arith.constant 0 : i32
    %dma_wait3A_55 = arith.constant 0 : i32
    %dma_wait3A_56 = tpu.memref_slice %arg9[%dma_wait3A_54, %dma_wait3A_55] : memref<240x64xf32, #tpu.memory_space<vmem>> -> memref<80x64xf32, #tpu.memory_space<vmem>>
    %dma_wait3A_57 = arith.constant 0 : i32
    %dma_wait3A_58 = tpu.memref_slice %arg7[%dma_wait3A, %dma_wait3A_57] : memref<125x80xi32, #tpu.memory_space<vmem>> -> memref<1x80xi32, #tpu.memory_space<vmem>>
    %dma_wait3A_59 = tpu.memref_squeeze %dma_wait3A_58 : memref<1x80xi32, #tpu.memory_space<vmem>> -> memref<80xi32, #tpu.memory_space<vmem>>
    %dma_wait3A_60 = arith.constant 0 : i32
    %dma_wait3A_61 = arith.constant 0 : i32
    %dma_wait3A_62 = tpu.memref_slice %arg2[%dma_wait3A_60, %dma_wait3A_61] : memref<10000x64xf32, #tpu.memory_space<hbm>> -> memref<10000x64xf32, #tpu.memory_space<hbm>>
    %dma_wait3A_63 = tpu.memref_slice %arg11[%dma_wait3A_53] : memref<3x!tpu.dma_semaphore, #tpu.memory_space<semaphore_mem>> -> memref<1x!tpu.dma_semaphore, #tpu.memory_space<semaphore_mem>>
    %dma_wait3A_64 = tpu.memref_squeeze %dma_wait3A_63 : memref<1x!tpu.dma_semaphore, #tpu.memory_space<semaphore_mem>> -> memref<!tpu.dma_semaphore, #tpu.memory_space<semaphore_mem>>
    tpu.wait_indirect_dma semaphore(%dma_wait3A_64 : memref<!tpu.dma_semaphore, #tpu.memory_space<semaphore_mem>>) src(%dma_wait3A_62 : memref<10000x64xf32, #tpu.memory_space<hbm>>) dst(%dma_wait3A_56 : memref<80x64xf32, #tpu.memory_space<vmem>>)
    %run_scoped3A = arith.constant 123 : i32
    "tpu.region"() ({
      %run_scoped3A_90 = tpu.sem_alloc : memref<!tpu.dma_semaphore, #tpu.memory_space<semaphore_mem>>
      %dma_start3A_91 = arith.constant 0 : i32
      %dma_start3A_92 = arith.constant 0 : i32
      %dma_start3A_93 = tpu.memref_slice %arg9[%dma_start3A_91, %dma_start3A_92] : memref<240x64xf32, #tpu.memory_space<vmem>> -> memref<80x64xf32, #tpu.memory_space<vmem>>
      %dma_start3A_94 = arith.constant 0 : i32
      %dma_start3A_95 = tpu.memref_slice %arg8[%run_scoped3A, %dma_start3A_94] : memref<125x80xi32, #tpu.memory_space<vmem>> -> memref<1x80xi32, #tpu.memory_space<vmem>>
      %dma_start3A_96 = tpu.memref_squeeze %dma_start3A_95 : memref<1x80xi32, #tpu.memory_space<vmem>> -> memref<80xi32, #tpu.memory_space<vmem>>
      %dma_start3A_97 = arith.constant 0 : i32
      %dma_start3A_98 = arith.constant 0 : i32
      %dma_start3A_99 = tpu.memref_slice %arg10[%dma_start3A_97, %dma_start3A_98] : memref<10000x64xf32, #tpu.memory_space<vmem_shared>> -> memref<10000x64xf32, #tpu.memory_space<vmem_shared>>
      tpu.enqueue_indirect_dma source(%dma_start3A_93 : memref<80x64xf32, #tpu.memory_space<vmem>>) target(%dma_start3A_99 : memref<10000x64xf32, #tpu.memory_space<vmem_shared>>) offsets(%dma_start3A_96 : memref<80xi32, #tpu.memory_space<vmem>>) semaphore(%run_scoped3A_90 : memref<!tpu.dma_semaphore, #tpu.memory_space<semaphore_mem>>) {add = true}
      %dma_wait3A_100 = arith.constant 0 : i32
      %dma_wait3A_101 = arith.constant 0 : i32
      %dma_wait3A_102 = tpu.memref_slice %arg9[%dma_wait3A_100, %dma_wait3A_101] : memref<240x64xf32, #tpu.memory_space<vmem>> -> memref<80x64xf32, #tpu.memory_space<vmem>>
      %dma_wait3A_103 = arith.constant 0 : i32
      %dma_wait3A_104 = tpu.memref_slice %arg8[%run_scoped3A, %dma_wait3A_103] : memref<125x80xi32, #tpu.memory_space<vmem>> -> memref<1x80xi32, #tpu.memory_space<vmem>>
      %dma_wait3A_105 = tpu.memref_squeeze %dma_wait3A_104 : memref<1x80xi32, #tpu.memory_space<vmem>> -> memref<80xi32, #tpu.memory_space<vmem>>
      %dma_wait3A_106 = arith.constant 0 : i32
      %dma_wait3A_107 = arith.constant 0 : i32
      %dma_wait3A_108 = tpu.memref_slice %arg10[%dma_wait3A_106, %dma_wait3A_107] : memref<10000x64xf32, #tpu.memory_space<vmem_shared>> -> memref<10000x64xf32, #tpu.memory_space<vmem_shared>>
      tpu.wait_indirect_dma semaphore(%run_scoped3A_90 : memref<!tpu.dma_semaphore, #tpu.memory_space<semaphore_mem>>) src(%dma_wait3A_102 : memref<80x64xf32, #tpu.memory_space<vmem>>) dst(%dma_wait3A_108 : memref<10000x64xf32, #tpu.memory_space<vmem_shared>>)
      tpu.yield
    }) : () -> ()
    %dma_wait3A_65 = arith.constant 124 : i32
    %dma_wait3A_66 = arith.constant 1 : i32
    %dma_wait3A_67 = arith.constant 80 : i32
    %dma_wait3A_68 = arith.constant 0 : i32
    %dma_wait3A_69 = tpu.memref_slice %arg9[%dma_wait3A_67, %dma_wait3A_68] : memref<240x64xf32, #tpu.memory_space<vmem>> -> memref<80x64xf32, #tpu.memory_space<vmem>>
    %dma_wait3A_70 = arith.constant 0 : i32
    %dma_wait3A_71 = tpu.memref_slice %arg7[%dma_wait3A_65, %dma_wait3A_70] : memref<125x80xi32, #tpu.memory_space<vmem>> -> memref<1x80xi32, #tpu.memory_space<vmem>>
    %dma_wait3A_72 = tpu.memref_squeeze %dma_wait3A_71 : memref<1x80xi32, #tpu.memory_space<vmem>> -> memref<80xi32, #tpu.memory_space<vmem>>
    %dma_wait3A_73 = arith.constant 0 : i32
    %dma_wait3A_74 = arith.constant 0 : i32
    %dma_wait3A_75 = tpu.memref_slice %arg2[%dma_wait3A_73, %dma_wait3A_74] : memref<10000x64xf32, #tpu.memory_space<hbm>> -> memref<10000x64xf32, #tpu.memory_space<hbm>>
    %dma_wait3A_76 = tpu.memref_slice %arg11[%dma_wait3A_66] : memref<3x!tpu.dma_semaphore, #tpu.memory_space<semaphore_mem>> -> memref<1x!tpu.dma_semaphore, #tpu.memory_space<semaphore_mem>>
    %dma_wait3A_77 = tpu.memref_squeeze %dma_wait3A_76 : memref<1x!tpu.dma_semaphore, #tpu.memory_space<semaphore_mem>> -> memref<!tpu.dma_semaphore, #tpu.memory_space<semaphore_mem>>
    tpu.wait_indirect_dma semaphore(%dma_wait3A_77 : memref<!tpu.dma_semaphore, #tpu.memory_space<semaphore_mem>>) src(%dma_wait3A_75 : memref<10000x64xf32, #tpu.memory_space<hbm>>) dst(%dma_wait3A_69 : memref<80x64xf32, #tpu.memory_space<vmem>>)
    %run_scoped3A_78 = arith.constant 124 : i32
    "tpu.region"() ({
      %run_scoped3A_90 = tpu.sem_alloc : memref<!tpu.dma_semaphore, #tpu.memory_space<semaphore_mem>>
      %dma_start3A_91 = arith.constant 80 : i32
      %dma_start3A_92 = arith.constant 0 : i32
      %dma_start3A_93 = tpu.memref_slice %arg9[%dma_start3A_91, %dma_start3A_92] : memref<240x64xf32, #tpu.memory_space<vmem>> -> memref<80x64xf32, #tpu.memory_space<vmem>>
      %dma_start3A_94 = arith.constant 0 : i32
      %dma_start3A_95 = tpu.memref_slice %arg8[%run_scoped3A_78, %dma_start3A_94] : memref<125x80xi32, #tpu.memory_space<vmem>> -> memref<1x80xi32, #tpu.memory_space<vmem>>
      %dma_start3A_96 = tpu.memref_squeeze %dma_start3A_95 : memref<1x80xi32, #tpu.memory_space<vmem>> -> memref<80xi32, #tpu.memory_space<vmem>>
      %dma_start3A_97 = arith.constant 0 : i32
      %dma_start3A_98 = arith.constant 0 : i32
      %dma_start3A_99 = tpu.memref_slice %arg10[%dma_start3A_97, %dma_start3A_98] : memref<10000x64xf32, #tpu.memory_space<vmem_shared>> -> memref<10000x64xf32, #tpu.memory_space<vmem_shared>>
      tpu.enqueue_indirect_dma source(%dma_start3A_93 : memref<80x64xf32, #tpu.memory_space<vmem>>) target(%dma_start3A_99 : memref<10000x64xf32, #tpu.memory_space<vmem_shared>>) offsets(%dma_start3A_96 : memref<80xi32, #tpu.memory_space<vmem>>) semaphore(%run_scoped3A_90 : memref<!tpu.dma_semaphore, #tpu.memory_space<semaphore_mem>>) {add = true}
      %dma_wait3A_100 = arith.constant 80 : i32
      %dma_wait3A_101 = arith.constant 0 : i32
      %dma_wait3A_102 = tpu.memref_slice %arg9[%dma_wait3A_100, %dma_wait3A_101] : memref<240x64xf32, #tpu.memory_space<vmem>> -> memref<80x64xf32, #tpu.memory_space<vmem>>
      %dma_wait3A_103 = arith.constant 0 : i32
      %dma_wait3A_104 = tpu.memref_slice %arg8[%run_scoped3A_78, %dma_wait3A_103] : memref<125x80xi32, #tpu.memory_space<vmem>> -> memref<1x80xi32, #tpu.memory_space<vmem>>
      %dma_wait3A_105 = tpu.memref_squeeze %dma_wait3A_104 : memref<1x80xi32, #tpu.memory_space<vmem>> -> memref<80xi32, #tpu.memory_space<vmem>>
      %dma_wait3A_106 = arith.constant 0 : i32
      %dma_wait3A_107 = arith.constant 0 : i32
      %dma_wait3A_108 = tpu.memref_slice %arg10[%dma_wait3A_106, %dma_wait3A_107] : memref<10000x64xf32, #tpu.memory_space<vmem_shared>> -> memref<10000x64xf32, #tpu.memory_space<vmem_shared>>
      tpu.wait_indirect_dma semaphore(%run_scoped3A_90 : memref<!tpu.dma_semaphore, #tpu.memory_space<semaphore_mem>>) src(%dma_wait3A_102 : memref<80x64xf32, #tpu.memory_space<vmem>>) dst(%dma_wait3A_108 : memref<10000x64xf32, #tpu.memory_space<vmem_shared>>)
      tpu.yield
    }) : () -> ()
    %barrier3A_79 = arith.constant 0 : index
    tpu.barrier barrier_id(%barrier3A_79)
    %eq3A_80 = arith.constant 0 : i32
    %eq3A_81 = arith.cmpi eq, %arg0, %eq3A_80 : i32
    %convert_element_type3A_82 = arith.extui %eq3A_81 : i1 to i32
    %cond3A_83 = arith.constant 0 : i32
    %cond3A_84 = arith.cmpi ne, %convert_element_type3A_82, %cond3A_83 : i32
    scf.if %cond3A_84 {
      %add3A_90 = arith.constant 0 : i32
      %add3A_91 = arith.addi %mul3A_2, %add3A_90 : i32
      "tpu.region"() ({
        %run_scoped3A_102 = tpu.sem_alloc : memref<!tpu.dma_semaphore, #tpu.memory_space<semaphore_mem>>
        %dma_start3A_103 = arith.constant 0 : i32
        %dma_start3A_104 = arith.constant 0 : i32
        %dma_start3A_105 = tpu.memref_slice %arg9[%dma_start3A_103, %dma_start3A_104] : memref<240x64xf32, #tpu.memory_space<vmem>> -> memref<240x64xf32, #tpu.memory_space<vmem>>
        %dma_start3A_106 = arith.constant 0 : i32
        %dma_start3A_107 = tpu.memref_slice %arg10[%add3A_91, %dma_start3A_106] : memref<10000x64xf32, #tpu.memory_space<vmem_shared>> -> memref<240x64xf32, #tpu.memory_space<vmem_shared>>
        %dma_start3A_108 = arith.constant 0 : i32
        %dma_start3A_109 = arith.constant 0 : i32
        %dma_start3A_110 = tpu.memref_slice %arg9[%dma_start3A_108, %dma_start3A_109] : memref<240x64xf32, #tpu.memory_space<vmem>> -> memref<240x64xf32, #tpu.memory_space<vmem>>
        %dma_start3A_111 = arith.constant 0 : i32
        %dma_start3A_112 = tpu.memref_slice %arg10[%add3A_91, %dma_start3A_111] : memref<10000x64xf32, #tpu.memory_space<vmem_shared>> -> memref<240x64xf32, #tpu.memory_space<vmem_shared>>
        tpu.enqueue_dma source(%dma_start3A_112 : memref<240x64xf32, #tpu.memory_space<vmem_shared>>) target(%dma_start3A_110 : memref<240x64xf32, #tpu.memory_space<vmem>>) target_semaphore(%run_scoped3A_102 : memref<!tpu.dma_semaphore, #tpu.memory_space<semaphore_mem>>)
        %dma_wait3A_113 = arith.constant 0 : i32
        %dma_wait3A_114 = arith.constant 0 : i32
        %dma_wait3A_115 = tpu.memref_slice %arg9[%dma_wait3A_113, %dma_wait3A_114] : memref<240x64xf32, #tpu.memory_space<vmem>> -> memref<240x64xf32, #tpu.memory_space<vmem>>
        %dma_wait3A_116 = arith.constant 0 : i32
        %dma_wait3A_117 = tpu.memref_slice %arg10[%add3A_91, %dma_wait3A_116] : memref<10000x64xf32, #tpu.memory_space<vmem_shared>> -> memref<240x64xf32, #tpu.memory_space<vmem_shared>>
        %dma_wait3A_118 = arith.constant 0 : i32
        %dma_wait3A_119 = arith.constant 0 : i32
        %dma_wait3A_120 = tpu.memref_slice %arg9[%dma_wait3A_118, %dma_wait3A_119] : memref<240x64xf32, #tpu.memory_space<vmem>> -> memref<240x64xf32, #tpu.memory_space<vmem>>
        %dma_wait3A_121 = arith.constant 0 : i32
        %dma_wait3A_122 = tpu.memref_slice %arg10[%add3A_91, %dma_wait3A_121] : memref<10000x64xf32, #tpu.memory_space<vmem_shared>> -> memref<240x64xf32, #tpu.memory_space<vmem_shared>>
        tpu.wait_dma2 semaphore(%run_scoped3A_102 : memref<!tpu.dma_semaphore, #tpu.memory_space<semaphore_mem>>) src(%dma_wait3A_122 : memref<240x64xf32, #tpu.memory_space<vmem_shared>>) dst(%dma_wait3A_120 : memref<240x64xf32, #tpu.memory_space<vmem>>)
        tpu.yield
      }) : () -> ()
      %add3A_92 = arith.constant 0 : i32
      %add3A_93 = arith.addi %mul3A_2, %add3A_92 : i32
      "tpu.region"() ({
        %run_scoped3A_102 = tpu.sem_alloc : memref<!tpu.dma_semaphore, #tpu.memory_space<semaphore_mem>>
        %dma_start3A_103 = arith.constant 0 : i32
        %dma_start3A_104 = arith.constant 0 : i32
        %dma_start3A_105 = tpu.memref_slice %arg9[%dma_start3A_103, %dma_start3A_104] : memref<240x64xf32, #tpu.memory_space<vmem>> -> memref<240x64xf32, #tpu.memory_space<vmem>>
        %dma_start3A_106 = arith.constant 0 : i32
        %dma_start3A_107 = tpu.memref_slice %arg5[%add3A_93, %dma_start3A_106] : memref<10000x64xf32, #tpu.memory_space<hbm>> -> memref<240x64xf32, #tpu.memory_space<hbm>>
        %dma_start3A_108 = arith.constant 0 : i32
        %dma_start3A_109 = tpu.memref_slice %arg5[%add3A_93, %dma_start3A_108] : memref<10000x64xf32, #tpu.memory_space<hbm>> -> memref<240x64xf32, #tpu.memory_space<hbm>>
        %dma_start3A_110 = arith.constant 0 : i32
        %dma_start3A_111 = arith.constant 0 : i32
        %dma_start3A_112 = tpu.memref_slice %arg9[%dma_start3A_110, %dma_start3A_111] : memref<240x64xf32, #tpu.memory_space<vmem>> -> memref<240x64xf32, #tpu.memory_space<vmem>>
        tpu.enqueue_dma source(%dma_start3A_112 : memref<240x64xf32, #tpu.memory_space<vmem>>) target(%dma_start3A_109 : memref<240x64xf32, #tpu.memory_space<hbm>>) target_semaphore(%run_scoped3A_102 : memref<!tpu.dma_semaphore, #tpu.memory_space<semaphore_mem>>)
        %dma_wait3A_113 = arith.constant 0 : i32
        %dma_wait3A_114 = arith.constant 0 : i32
        %dma_wait3A_115 = tpu.memref_slice %arg9[%dma_wait3A_113, %dma_wait3A_114] : memref<240x64xf32, #tpu.memory_space<vmem>> -> memref<240x64xf32, #tpu.memory_space<vmem>>
        %dma_wait3A_116 = arith.constant 0 : i32
        %dma_wait3A_117 = tpu.memref_slice %arg5[%add3A_93, %dma_wait3A_116] : memref<10000x64xf32, #tpu.memory_space<hbm>> -> memref<240x64xf32, #tpu.memory_space<hbm>>
        %dma_wait3A_118 = arith.constant 0 : i32
        %dma_wait3A_119 = tpu.memref_slice %arg5[%add3A_93, %dma_wait3A_118] : memref<10000x64xf32, #tpu.memory_space<hbm>> -> memref<240x64xf32, #tpu.memory_space<hbm>>
        %dma_wait3A_120 = arith.constant 0 : i32
        %dma_wait3A_121 = arith.constant 0 : i32
        %dma_wait3A_122 = tpu.memref_slice %arg9[%dma_wait3A_120, %dma_wait3A_121] : memref<240x64xf32, #tpu.memory_space<vmem>> -> memref<240x64xf32, #tpu.memory_space<vmem>>
        tpu.wait_dma2 semaphore(%run_scoped3A_102 : memref<!tpu.dma_semaphore, #tpu.memory_space<semaphore_mem>>) src(%dma_wait3A_122 : memref<240x64xf32, #tpu.memory_space<vmem>>) dst(%dma_wait3A_119 : memref<240x64xf32, #tpu.memory_space<hbm>>)
        tpu.yield
      }) : () -> ()
      %add3A_94 = arith.constant 240 : i32
      %add3A_95 = arith.addi %mul3A_2, %add3A_94 : i32
      "tpu.region"() ({
        %run_scoped3A_102 = tpu.sem_alloc : memref<!tpu.dma_semaphore, #tpu.memory_space<semaphore_mem>>
        %dma_start3A_103 = arith.constant 0 : i32
        %dma_start3A_104 = arith.constant 0 : i32
        %dma_start3A_105 = tpu.memref_slice %arg9[%dma_start3A_103, %dma_start3A_104] : memref<240x64xf32, #tpu.memory_space<vmem>> -> memref<240x64xf32, #tpu.memory_space<vmem>>
        %dma_start3A_106 = arith.constant 0 : i32
        %dma_start3A_107 = tpu.memref_slice %arg10[%add3A_95, %dma_start3A_106] : memref<10000x64xf32, #tpu.memory_space<vmem_shared>> -> memref<240x64xf32, #tpu.memory_space<vmem_shared>>
        %dma_start3A_108 = arith.constant 0 : i32
        %dma_start3A_109 = arith.constant 0 : i32
        %dma_start3A_110 = tpu.memref_slice %arg9[%dma_start3A_108, %dma_start3A_109] : memref<240x64xf32, #tpu.memory_space<vmem>> -> memref<240x64xf32, #tpu.memory_space<vmem>>
        %dma_start3A_111 = arith.constant 0 : i32
        %dma_start3A_112 = tpu.memref_slice %arg10[%add3A_95, %dma_start3A_111] : memref<10000x64xf32, #tpu.memory_space<vmem_shared>> -> memref<240x64xf32, #tpu.memory_space<vmem_shared>>
        tpu.enqueue_dma source(%dma_start3A_112 : memref<240x64xf32, #tpu.memory_space<vmem_shared>>) target(%dma_start3A_110 : memref<240x64xf32, #tpu.memory_space<vmem>>) target_semaphore(%run_scoped3A_102 : memref<!tpu.dma_semaphore, #tpu.memory_space<semaphore_mem>>)
        %dma_wait3A_113 = arith.constant 0 : i32
        %dma_wait3A_114 = arith.constant 0 : i32
        %dma_wait3A_115 = tpu.memref_slice %arg9[%dma_wait3A_113, %dma_wait3A_114] : memref<240x64xf32, #tpu.memory_space<vmem>> -> memref<240x64xf32, #tpu.memory_space<vmem>>
        %dma_wait3A_116 = arith.constant 0 : i32
        %dma_wait3A_117 = tpu.memref_slice %arg10[%add3A_95, %dma_wait3A_116] : memref<10000x64xf32, #tpu.memory_space<vmem_shared>> -> memref<240x64xf32, #tpu.memory_space<vmem_shared>>
        %dma_wait3A_118 = arith.constant 0 : i32
        %dma_wait3A_119 = arith.constant 0 : i32
        %dma_wait3A_120 = tpu.memref_slice %arg9[%dma_wait3A_118, %dma_wait3A_119] : memref<240x64xf32, #tpu.memory_space<vmem>> -> memref<240x64xf32, #tpu.memory_space<vmem>>
        %dma_wait3A_121 = arith.constant 0 : i32
        %dma_wait3A_122 = tpu.memref_slice %arg10[%add3A_95, %dma_wait3A_121] : memref<10000x64xf32, #tpu.memory_space<vmem_shared>> -> memref<240x64xf32, #tpu.memory_space<vmem_shared>>
        tpu.wait_dma2 semaphore(%run_scoped3A_102 : memref<!tpu.dma_semaphore, #tpu.memory_space<semaphore_mem>>) src(%dma_wait3A_122 : memref<240x64xf32, #tpu.memory_space<vmem_shared>>) dst(%dma_wait3A_120 : memref<240x64xf32, #tpu.memory_space<vmem>>)
        tpu.yield
      }) : () -> ()
      %add3A_96 = arith.constant 240 : i32
      %add3A_97 = arith.addi %mul3A_2, %add3A_96 : i32
      "tpu.region"() ({
        %run_scoped3A_102 = tpu.sem_alloc : memref<!tpu.dma_semaphore, #tpu.memory_space<semaphore_mem>>
        %dma_start3A_103 = arith.constant 0 : i32
        %dma_start3A_104 = arith.constant 0 : i32
        %dma_start3A_105 = tpu.memref_slice %arg9[%dma_start3A_103, %dma_start3A_104] : memref<240x64xf32, #tpu.memory_space<vmem>> -> memref<240x64xf32, #tpu.memory_space<vmem>>
        %dma_start3A_106 = arith.constant 0 : i32
        %dma_start3A_107 = tpu.memref_slice %arg5[%add3A_97, %dma_start3A_106] : memref<10000x64xf32, #tpu.memory_space<hbm>> -> memref<240x64xf32, #tpu.memory_space<hbm>>
        %dma_start3A_108 = arith.constant 0 : i32
        %dma_start3A_109 = tpu.memref_slice %arg5[%add3A_97, %dma_start3A_108] : memref<10000x64xf32, #tpu.memory_space<hbm>> -> memref<240x64xf32, #tpu.memory_space<hbm>>
        %dma_start3A_110 = arith.constant 0 : i32
        %dma_start3A_111 = arith.constant 0 : i32
        %dma_start3A_112 = tpu.memref_slice %arg9[%dma_start3A_110, %dma_start3A_111] : memref<240x64xf32, #tpu.memory_space<vmem>> -> memref<240x64xf32, #tpu.memory_space<vmem>>
        tpu.enqueue_dma source(%dma_start3A_112 : memref<240x64xf32, #tpu.memory_space<vmem>>) target(%dma_start3A_109 : memref<240x64xf32, #tpu.memory_space<hbm>>) target_semaphore(%run_scoped3A_102 : memref<!tpu.dma_semaphore, #tpu.memory_space<semaphore_mem>>)
        %dma_wait3A_113 = arith.constant 0 : i32
        %dma_wait3A_114 = arith.constant 0 : i32
        %dma_wait3A_115 = tpu.memref_slice %arg9[%dma_wait3A_113, %dma_wait3A_114] : memref<240x64xf32, #tpu.memory_space<vmem>> -> memref<240x64xf32, #tpu.memory_space<vmem>>
        %dma_wait3A_116 = arith.constant 0 : i32
        %dma_wait3A_117 = tpu.memref_slice %arg5[%add3A_97, %dma_wait3A_116] : memref<10000x64xf32, #tpu.memory_space<hbm>> -> memref<240x64xf32, #tpu.memory_space<hbm>>
        %dma_wait3A_118 = arith.constant 0 : i32
        %dma_wait3A_119 = tpu.memref_slice %arg5[%add3A_97, %dma_wait3A_118] : memref<10000x64xf32, #tpu.memory_space<hbm>> -> memref<240x64xf32, #tpu.memory_space<hbm>>
        %dma_wait3A_120 = arith.constant 0 : i32
        %dma_wait3A_121 = arith.constant 0 : i32
        %dma_wait3A_122 = tpu.memref_slice %arg9[%dma_wait3A_120, %dma_wait3A_121] : memref<240x64xf32, #tpu.memory_space<vmem>> -> memref<240x64xf32, #tpu.memory_space<vmem>>
        tpu.wait_dma2 semaphore(%run_scoped3A_102 : memref<!tpu.dma_semaphore, #tpu.memory_space<semaphore_mem>>) src(%dma_wait3A_122 : memref<240x64xf32, #tpu.memory_space<vmem>>) dst(%dma_wait3A_119 : memref<240x64xf32, #tpu.memory_space<hbm>>)
        tpu.yield
      }) : () -> ()
      %add3A_98 = arith.constant 480 : i32
      %add3A_99 = arith.addi %mul3A_2, %add3A_98 : i32
      "tpu.region"() ({
        %run_scoped3A_102 = tpu.sem_alloc : memref<!tpu.dma_semaphore, #tpu.memory_space<semaphore_mem>>
        %dma_start3A_103 = arith.constant 0 : i32
        %dma_start3A_104 = arith.constant 0 : i32
        %dma_start3A_105 = tpu.memref_slice %arg9[%dma_start3A_103, %dma_start3A_104] : memref<240x64xf32, #tpu.memory_space<vmem>> -> memref<145x64xf32, #tpu.memory_space<vmem>>
        %dma_start3A_106 = arith.constant 0 : i32
        %dma_start3A_107 = tpu.memref_slice %arg10[%add3A_99, %dma_start3A_106] : memref<10000x64xf32, #tpu.memory_space<vmem_shared>> -> memref<145x64xf32, #tpu.memory_space<vmem_shared>>
        %dma_start3A_108 = arith.constant 0 : i32
        %dma_start3A_109 = arith.constant 0 : i32
        %dma_start3A_110 = tpu.memref_slice %arg9[%dma_start3A_108, %dma_start3A_109] : memref<240x64xf32, #tpu.memory_space<vmem>> -> memref<145x64xf32, #tpu.memory_space<vmem>>
        %dma_start3A_111 = arith.constant 0 : i32
        %dma_start3A_112 = tpu.memref_slice %arg10[%add3A_99, %dma_start3A_111] : memref<10000x64xf32, #tpu.memory_space<vmem_shared>> -> memref<145x64xf32, #tpu.memory_space<vmem_shared>>
        tpu.enqueue_dma source(%dma_start3A_112 : memref<145x64xf32, #tpu.memory_space<vmem_shared>>) target(%dma_start3A_110 : memref<145x64xf32, #tpu.memory_space<vmem>>) target_semaphore(%run_scoped3A_102 : memref<!tpu.dma_semaphore, #tpu.memory_space<semaphore_mem>>)
        %dma_wait3A_113 = arith.constant 0 : i32
        %dma_wait3A_114 = arith.constant 0 : i32
        %dma_wait3A_115 = tpu.memref_slice %arg9[%dma_wait3A_113, %dma_wait3A_114] : memref<240x64xf32, #tpu.memory_space<vmem>> -> memref<145x64xf32, #tpu.memory_space<vmem>>
        %dma_wait3A_116 = arith.constant 0 : i32
        %dma_wait3A_117 = tpu.memref_slice %arg10[%add3A_99, %dma_wait3A_116] : memref<10000x64xf32, #tpu.memory_space<vmem_shared>> -> memref<145x64xf32, #tpu.memory_space<vmem_shared>>
        %dma_wait3A_118 = arith.constant 0 : i32
        %dma_wait3A_119 = arith.constant 0 : i32
        %dma_wait3A_120 = tpu.memref_slice %arg9[%dma_wait3A_118, %dma_wait3A_119] : memref<240x64xf32, #tpu.memory_space<vmem>> -> memref<145x64xf32, #tpu.memory_space<vmem>>
        %dma_wait3A_121 = arith.constant 0 : i32
        %dma_wait3A_122 = tpu.memref_slice %arg10[%add3A_99, %dma_wait3A_121] : memref<10000x64xf32, #tpu.memory_space<vmem_shared>> -> memref<145x64xf32, #tpu.memory_space<vmem_shared>>
        tpu.wait_dma2 semaphore(%run_scoped3A_102 : memref<!tpu.dma_semaphore, #tpu.memory_space<semaphore_mem>>) src(%dma_wait3A_122 : memref<145x64xf32, #tpu.memory_space<vmem_shared>>) dst(%dma_wait3A_120 : memref<145x64xf32, #tpu.memory_space<vmem>>)
        tpu.yield
      }) : () -> ()
      %add3A_100 = arith.constant 480 : i32
      %add3A_101 = arith.addi %mul3A_2, %add3A_100 : i32
      "tpu.region"() ({
        %run_scoped3A_102 = tpu.sem_alloc : memref<!tpu.dma_semaphore, #tpu.memory_space<semaphore_mem>>
        %dma_start3A_103 = arith.constant 0 : i32
        %dma_start3A_104 = arith.constant 0 : i32
        %dma_start3A_105 = tpu.memref_slice %arg9[%dma_start3A_103, %dma_start3A_104] : memref<240x64xf32, #tpu.memory_space<vmem>> -> memref<145x64xf32, #tpu.memory_space<vmem>>
        %dma_start3A_106 = arith.constant 0 : i32
        %dma_start3A_107 = tpu.memref_slice %arg5[%add3A_101, %dma_start3A_106] : memref<10000x64xf32, #tpu.memory_space<hbm>> -> memref<145x64xf32, #tpu.memory_space<hbm>>
        %dma_start3A_108 = arith.constant 0 : i32
        %dma_start3A_109 = tpu.memref_slice %arg5[%add3A_101, %dma_start3A_108] : memref<10000x64xf32, #tpu.memory_space<hbm>> -> memref<145x64xf32, #tpu.memory_space<hbm>>
        %dma_start3A_110 = arith.constant 0 : i32
        %dma_start3A_111 = arith.constant 0 : i32
        %dma_start3A_112 = tpu.memref_slice %arg9[%dma_start3A_110, %dma_start3A_111] : memref<240x64xf32, #tpu.memory_space<vmem>> -> memref<145x64xf32, #tpu.memory_space<vmem>>
        tpu.enqueue_dma source(%dma_start3A_112 : memref<145x64xf32, #tpu.memory_space<vmem>>) target(%dma_start3A_109 : memref<145x64xf32, #tpu.memory_space<hbm>>) target_semaphore(%run_scoped3A_102 : memref<!tpu.dma_semaphore, #tpu.memory_space<semaphore_mem>>)
        %dma_wait3A_113 = arith.constant 0 : i32
        %dma_wait3A_114 = arith.constant 0 : i32
        %dma_wait3A_115 = tpu.memref_slice %arg9[%dma_wait3A_113, %dma_wait3A_114] : memref<240x64xf32, #tpu.memory_space<vmem>> -> memref<145x64xf32, #tpu.memory_space<vmem>>
        %dma_wait3A_116 = arith.constant 0 : i32
        %dma_wait3A_117 = tpu.memref_slice %arg5[%add3A_101, %dma_wait3A_116] : memref<10000x64xf32, #tpu.memory_space<hbm>> -> memref<145x64xf32, #tpu.memory_space<hbm>>
        %dma_wait3A_118 = arith.constant 0 : i32
        %dma_wait3A_119 = tpu.memref_slice %arg5[%add3A_101, %dma_wait3A_118] : memref<10000x64xf32, #tpu.memory_space<hbm>> -> memref<145x64xf32, #tpu.memory_space<hbm>>
        %dma_wait3A_120 = arith.constant 0 : i32
        %dma_wait3A_121 = arith.constant 0 : i32
        %dma_wait3A_122 = tpu.memref_slice %arg9[%dma_wait3A_120, %dma_wait3A_121] : memref<240x64xf32, #tpu.memory_space<vmem>> -> memref<145x64xf32, #tpu.memory_space<vmem>>
        tpu.wait_dma2 semaphore(%run_scoped3A_102 : memref<!tpu.dma_semaphore, #tpu.memory_space<semaphore_mem>>) src(%dma_wait3A_122 : memref<145x64xf32, #tpu.memory_space<vmem>>) dst(%dma_wait3A_119 : memref<145x64xf32, #tpu.memory_space<hbm>>)
        tpu.yield
      }) : () -> ()
    } else {
    }
    %eq3A_85 = arith.constant 1 : i32
    %eq3A_86 = arith.cmpi eq, %arg0, %eq3A_85 : i32
    %convert_element_type3A_87 = arith.extui %eq3A_86 : i1 to i32
    %cond3A_88 = arith.constant 0 : i32
    %cond3A_89 = arith.cmpi ne, %convert_element_type3A_87, %cond3A_88 : i32
    scf.if %cond3A_89 {
      %add3A_90 = arith.constant 0 : i32
      %add3A_91 = arith.addi %mul3A_2, %add3A_90 : i32
      "tpu.region"() ({
        %run_scoped3A_102 = tpu.sem_alloc : memref<!tpu.dma_semaphore, #tpu.memory_space<semaphore_mem>>
        %dma_start3A_103 = arith.constant 0 : i32
        %dma_start3A_104 = arith.constant 0 : i32
        %dma_start3A_105 = tpu.memref_slice %arg9[%dma_start3A_103, %dma_start3A_104] : memref<240x64xf32, #tpu.memory_space<vmem>> -> memref<240x64xf32, #tpu.memory_space<vmem>>
        %dma_start3A_106 = arith.constant 0 : i32
        %dma_start3A_107 = tpu.memref_slice %arg10[%add3A_91, %dma_start3A_106] : memref<10000x64xf32, #tpu.memory_space<vmem_shared>> -> memref<240x64xf32, #tpu.memory_space<vmem_shared>>
        %dma_start3A_108 = arith.constant 0 : i32
        %dma_start3A_109 = arith.constant 0 : i32
        %dma_start3A_110 = tpu.memref_slice %arg9[%dma_start3A_108, %dma_start3A_109] : memref<240x64xf32, #tpu.memory_space<vmem>> -> memref<240x64xf32, #tpu.memory_space<vmem>>
        %dma_start3A_111 = arith.constant 0 : i32
        %dma_start3A_112 = tpu.memref_slice %arg10[%add3A_91, %dma_start3A_111] : memref<10000x64xf32, #tpu.memory_space<vmem_shared>> -> memref<240x64xf32, #tpu.memory_space<vmem_shared>>
        tpu.enqueue_dma source(%dma_start3A_112 : memref<240x64xf32, #tpu.memory_space<vmem_shared>>) target(%dma_start3A_110 : memref<240x64xf32, #tpu.memory_space<vmem>>) target_semaphore(%run_scoped3A_102 : memref<!tpu.dma_semaphore, #tpu.memory_space<semaphore_mem>>)
        %dma_wait3A_113 = arith.constant 0 : i32
        %dma_wait3A_114 = arith.constant 0 : i32
        %dma_wait3A_115 = tpu.memref_slice %arg9[%dma_wait3A_113, %dma_wait3A_114] : memref<240x64xf32, #tpu.memory_space<vmem>> -> memref<240x64xf32, #tpu.memory_space<vmem>>
        %dma_wait3A_116 = arith.constant 0 : i32
        %dma_wait3A_117 = tpu.memref_slice %arg10[%add3A_91, %dma_wait3A_116] : memref<10000x64xf32, #tpu.memory_space<vmem_shared>> -> memref<240x64xf32, #tpu.memory_space<vmem_shared>>
        %dma_wait3A_118 = arith.constant 0 : i32
        %dma_wait3A_119 = arith.constant 0 : i32
        %dma_wait3A_120 = tpu.memref_slice %arg9[%dma_wait3A_118, %dma_wait3A_119] : memref<240x64xf32, #tpu.memory_space<vmem>> -> memref<240x64xf32, #tpu.memory_space<vmem>>
        %dma_wait3A_121 = arith.constant 0 : i32
        %dma_wait3A_122 = tpu.memref_slice %arg10[%add3A_91, %dma_wait3A_121] : memref<10000x64xf32, #tpu.memory_space<vmem_shared>> -> memref<240x64xf32, #tpu.memory_space<vmem_shared>>
        tpu.wait_dma2 semaphore(%run_scoped3A_102 : memref<!tpu.dma_semaphore, #tpu.memory_space<semaphore_mem>>) src(%dma_wait3A_122 : memref<240x64xf32, #tpu.memory_space<vmem_shared>>) dst(%dma_wait3A_120 : memref<240x64xf32, #tpu.memory_space<vmem>>)
        tpu.yield
      }) : () -> ()
      %add3A_92 = arith.constant 0 : i32
      %add3A_93 = arith.addi %mul3A_2, %add3A_92 : i32
      "tpu.region"() ({
        %run_scoped3A_102 = tpu.sem_alloc : memref<!tpu.dma_semaphore, #tpu.memory_space<semaphore_mem>>
        %dma_start3A_103 = arith.constant 0 : i32
        %dma_start3A_104 = arith.constant 0 : i32
        %dma_start3A_105 = tpu.memref_slice %arg9[%dma_start3A_103, %dma_start3A_104] : memref<240x64xf32, #tpu.memory_space<vmem>> -> memref<240x64xf32, #tpu.memory_space<vmem>>
        %dma_start3A_106 = arith.constant 0 : i32
        %dma_start3A_107 = tpu.memref_slice %arg6[%add3A_93, %dma_start3A_106] : memref<10000x64xf32, #tpu.memory_space<hbm>> -> memref<240x64xf32, #tpu.memory_space<hbm>>
        %dma_start3A_108 = arith.constant 0 : i32
        %dma_start3A_109 = tpu.memref_slice %arg6[%add3A_93, %dma_start3A_108] : memref<10000x64xf32, #tpu.memory_space<hbm>> -> memref<240x64xf32, #tpu.memory_space<hbm>>
        %dma_start3A_110 = arith.constant 0 : i32
        %dma_start3A_111 = arith.constant 0 : i32
        %dma_start3A_112 = tpu.memref_slice %arg9[%dma_start3A_110, %dma_start3A_111] : memref<240x64xf32, #tpu.memory_space<vmem>> -> memref<240x64xf32, #tpu.memory_space<vmem>>
        tpu.enqueue_dma source(%dma_start3A_112 : memref<240x64xf32, #tpu.memory_space<vmem>>) target(%dma_start3A_109 : memref<240x64xf32, #tpu.memory_space<hbm>>) target_semaphore(%run_scoped3A_102 : memref<!tpu.dma_semaphore, #tpu.memory_space<semaphore_mem>>)
        %dma_wait3A_113 = arith.constant 0 : i32
        %dma_wait3A_114 = arith.constant 0 : i32
        %dma_wait3A_115 = tpu.memref_slice %arg9[%dma_wait3A_113, %dma_wait3A_114] : memref<240x64xf32, #tpu.memory_space<vmem>> -> memref<240x64xf32, #tpu.memory_space<vmem>>
        %dma_wait3A_116 = arith.constant 0 : i32
        %dma_wait3A_117 = tpu.memref_slice %arg6[%add3A_93, %dma_wait3A_116] : memref<10000x64xf32, #tpu.memory_space<hbm>> -> memref<240x64xf32, #tpu.memory_space<hbm>>
        %dma_wait3A_118 = arith.constant 0 : i32
        %dma_wait3A_119 = tpu.memref_slice %arg6[%add3A_93, %dma_wait3A_118] : memref<10000x64xf32, #tpu.memory_space<hbm>> -> memref<240x64xf32, #tpu.memory_space<hbm>>
        %dma_wait3A_120 = arith.constant 0 : i32
        %dma_wait3A_121 = arith.constant 0 : i32
        %dma_wait3A_122 = tpu.memref_slice %arg9[%dma_wait3A_120, %dma_wait3A_121] : memref<240x64xf32, #tpu.memory_space<vmem>> -> memref<240x64xf32, #tpu.memory_space<vmem>>
        tpu.wait_dma2 semaphore(%run_scoped3A_102 : memref<!tpu.dma_semaphore, #tpu.memory_space<semaphore_mem>>) src(%dma_wait3A_122 : memref<240x64xf32, #tpu.memory_space<vmem>>) dst(%dma_wait3A_119 : memref<240x64xf32, #tpu.memory_space<hbm>>)
        tpu.yield
      }) : () -> ()
      %add3A_94 = arith.constant 240 : i32
      %add3A_95 = arith.addi %mul3A_2, %add3A_94 : i32
      "tpu.region"() ({
        %run_scoped3A_102 = tpu.sem_alloc : memref<!tpu.dma_semaphore, #tpu.memory_space<semaphore_mem>>
        %dma_start3A_103 = arith.constant 0 : i32
        %dma_start3A_104 = arith.constant 0 : i32
        %dma_start3A_105 = tpu.memref_slice %arg9[%dma_start3A_103, %dma_start3A_104] : memref<240x64xf32, #tpu.memory_space<vmem>> -> memref<240x64xf32, #tpu.memory_space<vmem>>
        %dma_start3A_106 = arith.constant 0 : i32
        %dma_start3A_107 = tpu.memref_slice %arg10[%add3A_95, %dma_start3A_106] : memref<10000x64xf32, #tpu.memory_space<vmem_shared>> -> memref<240x64xf32, #tpu.memory_space<vmem_shared>>
        %dma_start3A_108 = arith.constant 0 : i32
        %dma_start3A_109 = arith.constant 0 : i32
        %dma_start3A_110 = tpu.memref_slice %arg9[%dma_start3A_108, %dma_start3A_109] : memref<240x64xf32, #tpu.memory_space<vmem>> -> memref<240x64xf32, #tpu.memory_space<vmem>>
        %dma_start3A_111 = arith.constant 0 : i32
        %dma_start3A_112 = tpu.memref_slice %arg10[%add3A_95, %dma_start3A_111] : memref<10000x64xf32, #tpu.memory_space<vmem_shared>> -> memref<240x64xf32, #tpu.memory_space<vmem_shared>>
        tpu.enqueue_dma source(%dma_start3A_112 : memref<240x64xf32, #tpu.memory_space<vmem_shared>>) target(%dma_start3A_110 : memref<240x64xf32, #tpu.memory_space<vmem>>) target_semaphore(%run_scoped3A_102 : memref<!tpu.dma_semaphore, #tpu.memory_space<semaphore_mem>>)
        %dma_wait3A_113 = arith.constant 0 : i32
        %dma_wait3A_114 = arith.constant 0 : i32
        %dma_wait3A_115 = tpu.memref_slice %arg9[%dma_wait3A_113, %dma_wait3A_114] : memref<240x64xf32, #tpu.memory_space<vmem>> -> memref<240x64xf32, #tpu.memory_space<vmem>>
        %dma_wait3A_116 = arith.constant 0 : i32
        %dma_wait3A_117 = tpu.memref_slice %arg10[%add3A_95, %dma_wait3A_116] : memref<10000x64xf32, #tpu.memory_space<vmem_shared>> -> memref<240x64xf32, #tpu.memory_space<vmem_shared>>
        %dma_wait3A_118 = arith.constant 0 : i32
        %dma_wait3A_119 = arith.constant 0 : i32
        %dma_wait3A_120 = tpu.memref_slice %arg9[%dma_wait3A_118, %dma_wait3A_119] : memref<240x64xf32, #tpu.memory_space<vmem>> -> memref<240x64xf32, #tpu.memory_space<vmem>>
        %dma_wait3A_121 = arith.constant 0 : i32
        %dma_wait3A_122 = tpu.memref_slice %arg10[%add3A_95, %dma_wait3A_121] : memref<10000x64xf32, #tpu.memory_space<vmem_shared>> -> memref<240x64xf32, #tpu.memory_space<vmem_shared>>
        tpu.wait_dma2 semaphore(%run_scoped3A_102 : memref<!tpu.dma_semaphore, #tpu.memory_space<semaphore_mem>>) src(%dma_wait3A_122 : memref<240x64xf32, #tpu.memory_space<vmem_shared>>) dst(%dma_wait3A_120 : memref<240x64xf32, #tpu.memory_space<vmem>>)
        tpu.yield
      }) : () -> ()
      %add3A_96 = arith.constant 240 : i32
      %add3A_97 = arith.addi %mul3A_2, %add3A_96 : i32
      "tpu.region"() ({
        %run_scoped3A_102 = tpu.sem_alloc : memref<!tpu.dma_semaphore, #tpu.memory_space<semaphore_mem>>
        %dma_start3A_103 = arith.constant 0 : i32
        %dma_start3A_104 = arith.constant 0 : i32
        %dma_start3A_105 = tpu.memref_slice %arg9[%dma_start3A_103, %dma_start3A_104] : memref<240x64xf32, #tpu.memory_space<vmem>> -> memref<240x64xf32, #tpu.memory_space<vmem>>
        %dma_start3A_106 = arith.constant 0 : i32
        %dma_start3A_107 = tpu.memref_slice %arg6[%add3A_97, %dma_start3A_106] : memref<10000x64xf32, #tpu.memory_space<hbm>> -> memref<240x64xf32, #tpu.memory_space<hbm>>
        %dma_start3A_108 = arith.constant 0 : i32
        %dma_start3A_109 = tpu.memref_slice %arg6[%add3A_97, %dma_start3A_108] : memref<10000x64xf32, #tpu.memory_space<hbm>> -> memref<240x64xf32, #tpu.memory_space<hbm>>
        %dma_start3A_110 = arith.constant 0 : i32
        %dma_start3A_111 = arith.constant 0 : i32
        %dma_start3A_112 = tpu.memref_slice %arg9[%dma_start3A_110, %dma_start3A_111] : memref<240x64xf32, #tpu.memory_space<vmem>> -> memref<240x64xf32, #tpu.memory_space<vmem>>
        tpu.enqueue_dma source(%dma_start3A_112 : memref<240x64xf32, #tpu.memory_space<vmem>>) target(%dma_start3A_109 : memref<240x64xf32, #tpu.memory_space<hbm>>) target_semaphore(%run_scoped3A_102 : memref<!tpu.dma_semaphore, #tpu.memory_space<semaphore_mem>>)
        %dma_wait3A_113 = arith.constant 0 : i32
        %dma_wait3A_114 = arith.constant 0 : i32
        %dma_wait3A_115 = tpu.memref_slice %arg9[%dma_wait3A_113, %dma_wait3A_114] : memref<240x64xf32, #tpu.memory_space<vmem>> -> memref<240x64xf32, #tpu.memory_space<vmem>>
        %dma_wait3A_116 = arith.constant 0 : i32
        %dma_wait3A_117 = tpu.memref_slice %arg6[%add3A_97, %dma_wait3A_116] : memref<10000x64xf32, #tpu.memory_space<hbm>> -> memref<240x64xf32, #tpu.memory_space<hbm>>
        %dma_wait3A_118 = arith.constant 0 : i32
        %dma_wait3A_119 = tpu.memref_slice %arg6[%add3A_97, %dma_wait3A_118] : memref<10000x64xf32, #tpu.memory_space<hbm>> -> memref<240x64xf32, #tpu.memory_space<hbm>>
        %dma_wait3A_120 = arith.constant 0 : i32
        %dma_wait3A_121 = arith.constant 0 : i32
        %dma_wait3A_122 = tpu.memref_slice %arg9[%dma_wait3A_120, %dma_wait3A_121] : memref<240x64xf32, #tpu.memory_space<vmem>> -> memref<240x64xf32, #tpu.memory_space<vmem>>
        tpu.wait_dma2 semaphore(%run_scoped3A_102 : memref<!tpu.dma_semaphore, #tpu.memory_space<semaphore_mem>>) src(%dma_wait3A_122 : memref<240x64xf32, #tpu.memory_space<vmem>>) dst(%dma_wait3A_119 : memref<240x64xf32, #tpu.memory_space<hbm>>)
        tpu.yield
      }) : () -> ()
      %add3A_98 = arith.constant 480 : i32
      %add3A_99 = arith.addi %mul3A_2, %add3A_98 : i32
      "tpu.region"() ({
        %run_scoped3A_102 = tpu.sem_alloc : memref<!tpu.dma_semaphore, #tpu.memory_space<semaphore_mem>>
        %dma_start3A_103 = arith.constant 0 : i32
        %dma_start3A_104 = arith.constant 0 : i32
        %dma_start3A_105 = tpu.memref_slice %arg9[%dma_start3A_103, %dma_start3A_104] : memref<240x64xf32, #tpu.memory_space<vmem>> -> memref<145x64xf32, #tpu.memory_space<vmem>>
        %dma_start3A_106 = arith.constant 0 : i32
        %dma_start3A_107 = tpu.memref_slice %arg10[%add3A_99, %dma_start3A_106] : memref<10000x64xf32, #tpu.memory_space<vmem_shared>> -> memref<145x64xf32, #tpu.memory_space<vmem_shared>>
        %dma_start3A_108 = arith.constant 0 : i32
        %dma_start3A_109 = arith.constant 0 : i32
        %dma_start3A_110 = tpu.memref_slice %arg9[%dma_start3A_108, %dma_start3A_109] : memref<240x64xf32, #tpu.memory_space<vmem>> -> memref<145x64xf32, #tpu.memory_space<vmem>>
        %dma_start3A_111 = arith.constant 0 : i32
        %dma_start3A_112 = tpu.memref_slice %arg10[%add3A_99, %dma_start3A_111] : memref<10000x64xf32, #tpu.memory_space<vmem_shared>> -> memref<145x64xf32, #tpu.memory_space<vmem_shared>>
        tpu.enqueue_dma source(%dma_start3A_112 : memref<145x64xf32, #tpu.memory_space<vmem_shared>>) target(%dma_start3A_110 : memref<145x64xf32, #tpu.memory_space<vmem>>) target_semaphore(%run_scoped3A_102 : memref<!tpu.dma_semaphore, #tpu.memory_space<semaphore_mem>>)
        %dma_wait3A_113 = arith.constant 0 : i32
        %dma_wait3A_114 = arith.constant 0 : i32
        %dma_wait3A_115 = tpu.memref_slice %arg9[%dma_wait3A_113, %dma_wait3A_114] : memref<240x64xf32, #tpu.memory_space<vmem>> -> memref<145x64xf32, #tpu.memory_space<vmem>>
        %dma_wait3A_116 = arith.constant 0 : i32
        %dma_wait3A_117 = tpu.memref_slice %arg10[%add3A_99, %dma_wait3A_116] : memref<10000x64xf32, #tpu.memory_space<vmem_shared>> -> memref<145x64xf32, #tpu.memory_space<vmem_shared>>
        %dma_wait3A_118 = arith.constant 0 : i32
        %dma_wait3A_119 = arith.constant 0 : i32
        %dma_wait3A_120 = tpu.memref_slice %arg9[%dma_wait3A_118, %dma_wait3A_119] : memref<240x64xf32, #tpu.memory_space<vmem>> -> memref<145x64xf32, #tpu.memory_space<vmem>>
        %dma_wait3A_121 = arith.constant 0 : i32
        %dma_wait3A_122 = tpu.memref_slice %arg10[%add3A_99, %dma_wait3A_121] : memref<10000x64xf32, #tpu.memory_space<vmem_shared>> -> memref<145x64xf32, #tpu.memory_space<vmem_shared>>
        tpu.wait_dma2 semaphore(%run_scoped3A_102 : memref<!tpu.dma_semaphore, #tpu.memory_space<semaphore_mem>>) src(%dma_wait3A_122 : memref<145x64xf32, #tpu.memory_space<vmem_shared>>) dst(%dma_wait3A_120 : memref<145x64xf32, #tpu.memory_space<vmem>>)
        tpu.yield
      }) : () -> ()
      %add3A_100 = arith.constant 480 : i32
      %add3A_101 = arith.addi %mul3A_2, %add3A_100 : i32
      "tpu.region"() ({
        %run_scoped3A_102 = tpu.sem_alloc : memref<!tpu.dma_semaphore, #tpu.memory_space<semaphore_mem>>
        %dma_start3A_103 = arith.constant 0 : i32
        %dma_start3A_104 = arith.constant 0 : i32
        %dma_start3A_105 = tpu.memref_slice %arg9[%dma_start3A_103, %dma_start3A_104] : memref<240x64xf32, #tpu.memory_space<vmem>> -> memref<145x64xf32, #tpu.memory_space<vmem>>
        %dma_start3A_106 = arith.constant 0 : i32
        %dma_start3A_107 = tpu.memref_slice %arg6[%add3A_101, %dma_start3A_106] : memref<10000x64xf32, #tpu.memory_space<hbm>> -> memref<145x64xf32, #tpu.memory_space<hbm>>
        %dma_start3A_108 = arith.constant 0 : i32
        %dma_start3A_109 = tpu.memref_slice %arg6[%add3A_101, %dma_start3A_108] : memref<10000x64xf32, #tpu.memory_space<hbm>> -> memref<145x64xf32, #tpu.memory_space<hbm>>
        %dma_start3A_110 = arith.constant 0 : i32
        %dma_start3A_111 = arith.constant 0 : i32
        %dma_start3A_112 = tpu.memref_slice %arg9[%dma_start3A_110, %dma_start3A_111] : memref<240x64xf32, #tpu.memory_space<vmem>> -> memref<145x64xf32, #tpu.memory_space<vmem>>
        tpu.enqueue_dma source(%dma_start3A_112 : memref<145x64xf32, #tpu.memory_space<vmem>>) target(%dma_start3A_109 : memref<145x64xf32, #tpu.memory_space<hbm>>) target_semaphore(%run_scoped3A_102 : memref<!tpu.dma_semaphore, #tpu.memory_space<semaphore_mem>>)
        %dma_wait3A_113 = arith.constant 0 : i32
        %dma_wait3A_114 = arith.constant 0 : i32
        %dma_wait3A_115 = tpu.memref_slice %arg9[%dma_wait3A_113, %dma_wait3A_114] : memref<240x64xf32, #tpu.memory_space<vmem>> -> memref<145x64xf32, #tpu.memory_space<vmem>>
        %dma_wait3A_116 = arith.constant 0 : i32
        %dma_wait3A_117 = tpu.memref_slice %arg6[%add3A_101, %dma_wait3A_116] : memref<10000x64xf32, #tpu.memory_space<hbm>> -> memref<145x64xf32, #tpu.memory_space<hbm>>
        %dma_wait3A_118 = arith.constant 0 : i32
        %dma_wait3A_119 = tpu.memref_slice %arg6[%add3A_101, %dma_wait3A_118] : memref<10000x64xf32, #tpu.memory_space<hbm>> -> memref<145x64xf32, #tpu.memory_space<hbm>>
        %dma_wait3A_120 = arith.constant 0 : i32
        %dma_wait3A_121 = arith.constant 0 : i32
        %dma_wait3A_122 = tpu.memref_slice %arg9[%dma_wait3A_120, %dma_wait3A_121] : memref<240x64xf32, #tpu.memory_space<vmem>> -> memref<145x64xf32, #tpu.memory_space<vmem>>
        tpu.wait_dma2 semaphore(%run_scoped3A_102 : memref<!tpu.dma_semaphore, #tpu.memory_space<semaphore_mem>>) src(%dma_wait3A_122 : memref<145x64xf32, #tpu.memory_space<vmem>>) dst(%dma_wait3A_119 : memref<145x64xf32, #tpu.memory_space<hbm>>)
        tpu.yield
      }) : () -> ()
    } else {
    }
    return
  }
}

#map = affine_map<(d0, d1) -> (0, 0)>
#map1 = affine_map<(d0, d1) -> (0, 0, 0)>
module attributes {stable_mosaic.version = 14 : i64} {
  func.func @_agg_body(%arg0: i32, %arg1: i32, %arg2: memref<10000x128xf32, #tpu.memory_space<hbm>>, %arg3: memref<32x125x80xi32, #tpu.memory_space<hbm>>, %arg4: memref<32x125x80xi32, #tpu.memory_space<hbm>>, %arg5: memref<10000x128xf32, #tpu.memory_space<hbm>>, %arg6: memref<10000x128xf32, #tpu.memory_space<hbm>>, %arg7: memref<125x80xi32, #tpu.memory_space<vmem>>, %arg8: memref<125x80xi32, #tpu.memory_space<vmem>>, %arg9: memref<240x128xf32, #tpu.memory_space<vmem>>, %arg10: memref<10000x128xf32, #tpu.memory_space<vmem_shared>>, %arg11: memref<3x!tpu.dma_semaphore, #tpu.memory_space<semaphore_mem>>) attributes {dimension_semantics = [#tpu.dimension_semantics<core_parallel>, #tpu.dimension_semantics<subcore_parallel>], iteration_bounds = array<i64: 2, 16>, scalar_prefetch = 0 : i64, scratch_operands = 5 : i64, tpu.core_type = #tpu.core_type<sc_vector_subcore>, window_params = [{transform_indices = #map}, {transform_indices = #map1}, {transform_indices = #map1}, {transform_indices = #map}, {transform_indices = #map}]} {
    %mul3A = arith.constant 16 : i32
    %mul3A_0 = arith.muli %arg0, %mul3A : i32
    %add3A = arith.addi %mul3A_0, %arg1 : i32
    "tpu.region"() ({
      %run_scoped3A_90 = tpu.sem_alloc : memref<!tpu.dma_semaphore, #tpu.memory_space<semaphore_mem>>
      %dma_start3A_91 = arith.constant 0 : i32
      %dma_start3A_92 = arith.constant 0 : i32
      %dma_start3A_93 = tpu.memref_slice %arg3[%add3A, %dma_start3A_91, %dma_start3A_92] : memref<32x125x80xi32, #tpu.memory_space<hbm>> -> memref<1x125x80xi32, #tpu.memory_space<hbm>>
      %dma_start3A_94 = tpu.memref_squeeze %dma_start3A_93 : memref<1x125x80xi32, #tpu.memory_space<hbm>> -> memref<125x80xi32, #tpu.memory_space<hbm>>
      %dma_start3A_95 = arith.constant 0 : i32
      %dma_start3A_96 = arith.constant 0 : i32
      %dma_start3A_97 = tpu.memref_slice %arg3[%add3A, %dma_start3A_95, %dma_start3A_96] : memref<32x125x80xi32, #tpu.memory_space<hbm>> -> memref<1x125x80xi32, #tpu.memory_space<hbm>>
      %dma_start3A_98 = tpu.memref_squeeze %dma_start3A_97 : memref<1x125x80xi32, #tpu.memory_space<hbm>> -> memref<125x80xi32, #tpu.memory_space<hbm>>
      tpu.enqueue_dma source(%dma_start3A_98 : memref<125x80xi32, #tpu.memory_space<hbm>>) target(%arg7 : memref<125x80xi32, #tpu.memory_space<vmem>>) target_semaphore(%run_scoped3A_90 : memref<!tpu.dma_semaphore, #tpu.memory_space<semaphore_mem>>)
      %dma_wait3A_99 = arith.constant 0 : i32
      %dma_wait3A_100 = arith.constant 0 : i32
      %dma_wait3A_101 = tpu.memref_slice %arg3[%add3A, %dma_wait3A_99, %dma_wait3A_100] : memref<32x125x80xi32, #tpu.memory_space<hbm>> -> memref<1x125x80xi32, #tpu.memory_space<hbm>>
      %dma_wait3A_102 = tpu.memref_squeeze %dma_wait3A_101 : memref<1x125x80xi32, #tpu.memory_space<hbm>> -> memref<125x80xi32, #tpu.memory_space<hbm>>
      %dma_wait3A_103 = arith.constant 0 : i32
      %dma_wait3A_104 = arith.constant 0 : i32
      %dma_wait3A_105 = tpu.memref_slice %arg3[%add3A, %dma_wait3A_103, %dma_wait3A_104] : memref<32x125x80xi32, #tpu.memory_space<hbm>> -> memref<1x125x80xi32, #tpu.memory_space<hbm>>
      %dma_wait3A_106 = tpu.memref_squeeze %dma_wait3A_105 : memref<1x125x80xi32, #tpu.memory_space<hbm>> -> memref<125x80xi32, #tpu.memory_space<hbm>>
      tpu.wait_dma2 semaphore(%run_scoped3A_90 : memref<!tpu.dma_semaphore, #tpu.memory_space<semaphore_mem>>) src(%dma_wait3A_106 : memref<125x80xi32, #tpu.memory_space<hbm>>) dst(%arg7 : memref<125x80xi32, #tpu.memory_space<vmem>>)
      tpu.yield
    }) : () -> ()
    "tpu.region"() ({
      %run_scoped3A_90 = tpu.sem_alloc : memref<!tpu.dma_semaphore, #tpu.memory_space<semaphore_mem>>
      %dma_start3A_91 = arith.constant 0 : i32
      %dma_start3A_92 = arith.constant 0 : i32
      %dma_start3A_93 = tpu.memref_slice %arg4[%add3A, %dma_start3A_91, %dma_start3A_92] : memref<32x125x80xi32, #tpu.memory_space<hbm>> -> memref<1x125x80xi32, #tpu.memory_space<hbm>>
      %dma_start3A_94 = tpu.memref_squeeze %dma_start3A_93 : memref<1x125x80xi32, #tpu.memory_space<hbm>> -> memref<125x80xi32, #tpu.memory_space<hbm>>
      %dma_start3A_95 = arith.constant 0 : i32
      %dma_start3A_96 = arith.constant 0 : i32
      %dma_start3A_97 = tpu.memref_slice %arg4[%add3A, %dma_start3A_95, %dma_start3A_96] : memref<32x125x80xi32, #tpu.memory_space<hbm>> -> memref<1x125x80xi32, #tpu.memory_space<hbm>>
      %dma_start3A_98 = tpu.memref_squeeze %dma_start3A_97 : memref<1x125x80xi32, #tpu.memory_space<hbm>> -> memref<125x80xi32, #tpu.memory_space<hbm>>
      tpu.enqueue_dma source(%dma_start3A_98 : memref<125x80xi32, #tpu.memory_space<hbm>>) target(%arg8 : memref<125x80xi32, #tpu.memory_space<vmem>>) target_semaphore(%run_scoped3A_90 : memref<!tpu.dma_semaphore, #tpu.memory_space<semaphore_mem>>)
      %dma_wait3A_99 = arith.constant 0 : i32
      %dma_wait3A_100 = arith.constant 0 : i32
      %dma_wait3A_101 = tpu.memref_slice %arg4[%add3A, %dma_wait3A_99, %dma_wait3A_100] : memref<32x125x80xi32, #tpu.memory_space<hbm>> -> memref<1x125x80xi32, #tpu.memory_space<hbm>>
      %dma_wait3A_102 = tpu.memref_squeeze %dma_wait3A_101 : memref<1x125x80xi32, #tpu.memory_space<hbm>> -> memref<125x80xi32, #tpu.memory_space<hbm>>
      %dma_wait3A_103 = arith.constant 0 : i32
      %dma_wait3A_104 = arith.constant 0 : i32
      %dma_wait3A_105 = tpu.memref_slice %arg4[%add3A, %dma_wait3A_103, %dma_wait3A_104] : memref<32x125x80xi32, #tpu.memory_space<hbm>> -> memref<1x125x80xi32, #tpu.memory_space<hbm>>
      %dma_wait3A_106 = tpu.memref_squeeze %dma_wait3A_105 : memref<1x125x80xi32, #tpu.memory_space<hbm>> -> memref<125x80xi32, #tpu.memory_space<hbm>>
      tpu.wait_dma2 semaphore(%run_scoped3A_90 : memref<!tpu.dma_semaphore, #tpu.memory_space<semaphore_mem>>) src(%dma_wait3A_106 : memref<125x80xi32, #tpu.memory_space<hbm>>) dst(%arg8 : memref<125x80xi32, #tpu.memory_space<vmem>>)
      tpu.yield
    }) : () -> ()
    %mul3A_1 = arith.constant 625 : i32
    %mul3A_2 = arith.muli %arg1, %mul3A_1 : i32
    %eq3A = arith.constant 0 : i32
    %eq3A_3 = arith.cmpi eq, %arg0, %eq3A : i32
    %convert_element_type3A = arith.extui %eq3A_3 : i1 to i32
    %cond3A = arith.constant 0 : i32
    %cond3A_4 = arith.cmpi ne, %convert_element_type3A, %cond3A : i32
    scf.if %cond3A_4 {
      %add3A_90 = arith.constant 0 : i32
      %add3A_91 = arith.addi %mul3A_2, %add3A_90 : i32
      "tpu.region"() ({
        %run_scoped3A_102 = tpu.sem_alloc : memref<!tpu.dma_semaphore, #tpu.memory_space<semaphore_mem>>
        %dma_start3A_103 = arith.constant 0 : i32
        %dma_start3A_104 = arith.constant 0 : i32
        %dma_start3A_105 = tpu.memref_slice %arg9[%dma_start3A_103, %dma_start3A_104] : memref<240x128xf32, #tpu.memory_space<vmem>> -> memref<240x128xf32, #tpu.memory_space<vmem>>
        %dma_start3A_106 = arith.constant 0 : i32
        %dma_start3A_107 = tpu.memref_slice %arg2[%add3A_91, %dma_start3A_106] : memref<10000x128xf32, #tpu.memory_space<hbm>> -> memref<240x128xf32, #tpu.memory_space<hbm>>
        %dma_start3A_108 = arith.constant 0 : i32
        %dma_start3A_109 = arith.constant 0 : i32
        %dma_start3A_110 = tpu.memref_slice %arg9[%dma_start3A_108, %dma_start3A_109] : memref<240x128xf32, #tpu.memory_space<vmem>> -> memref<240x128xf32, #tpu.memory_space<vmem>>
        %dma_start3A_111 = arith.constant 0 : i32
        %dma_start3A_112 = tpu.memref_slice %arg2[%add3A_91, %dma_start3A_111] : memref<10000x128xf32, #tpu.memory_space<hbm>> -> memref<240x128xf32, #tpu.memory_space<hbm>>
        tpu.enqueue_dma source(%dma_start3A_112 : memref<240x128xf32, #tpu.memory_space<hbm>>) target(%dma_start3A_110 : memref<240x128xf32, #tpu.memory_space<vmem>>) target_semaphore(%run_scoped3A_102 : memref<!tpu.dma_semaphore, #tpu.memory_space<semaphore_mem>>)
        %dma_wait3A_113 = arith.constant 0 : i32
        %dma_wait3A_114 = arith.constant 0 : i32
        %dma_wait3A_115 = tpu.memref_slice %arg9[%dma_wait3A_113, %dma_wait3A_114] : memref<240x128xf32, #tpu.memory_space<vmem>> -> memref<240x128xf32, #tpu.memory_space<vmem>>
        %dma_wait3A_116 = arith.constant 0 : i32
        %dma_wait3A_117 = tpu.memref_slice %arg2[%add3A_91, %dma_wait3A_116] : memref<10000x128xf32, #tpu.memory_space<hbm>> -> memref<240x128xf32, #tpu.memory_space<hbm>>
        %dma_wait3A_118 = arith.constant 0 : i32
        %dma_wait3A_119 = arith.constant 0 : i32
        %dma_wait3A_120 = tpu.memref_slice %arg9[%dma_wait3A_118, %dma_wait3A_119] : memref<240x128xf32, #tpu.memory_space<vmem>> -> memref<240x128xf32, #tpu.memory_space<vmem>>
        %dma_wait3A_121 = arith.constant 0 : i32
        %dma_wait3A_122 = tpu.memref_slice %arg2[%add3A_91, %dma_wait3A_121] : memref<10000x128xf32, #tpu.memory_space<hbm>> -> memref<240x128xf32, #tpu.memory_space<hbm>>
        tpu.wait_dma2 semaphore(%run_scoped3A_102 : memref<!tpu.dma_semaphore, #tpu.memory_space<semaphore_mem>>) src(%dma_wait3A_122 : memref<240x128xf32, #tpu.memory_space<hbm>>) dst(%dma_wait3A_120 : memref<240x128xf32, #tpu.memory_space<vmem>>)
        tpu.yield
      }) : () -> ()
      %add3A_92 = arith.constant 0 : i32
      %add3A_93 = arith.addi %mul3A_2, %add3A_92 : i32
      "tpu.region"() ({
        %run_scoped3A_102 = tpu.sem_alloc : memref<!tpu.dma_semaphore, #tpu.memory_space<semaphore_mem>>
        %dma_start3A_103 = arith.constant 0 : i32
        %dma_start3A_104 = arith.constant 0 : i32
        %dma_start3A_105 = tpu.memref_slice %arg9[%dma_start3A_103, %dma_start3A_104] : memref<240x128xf32, #tpu.memory_space<vmem>> -> memref<240x128xf32, #tpu.memory_space<vmem>>
        %dma_start3A_106 = arith.constant 0 : i32
        %dma_start3A_107 = tpu.memref_slice %arg10[%add3A_93, %dma_start3A_106] : memref<10000x128xf32, #tpu.memory_space<vmem_shared>> -> memref<240x128xf32, #tpu.memory_space<vmem_shared>>
        %dma_start3A_108 = arith.constant 0 : i32
        %dma_start3A_109 = tpu.memref_slice %arg10[%add3A_93, %dma_start3A_108] : memref<10000x128xf32, #tpu.memory_space<vmem_shared>> -> memref<240x128xf32, #tpu.memory_space<vmem_shared>>
        %dma_start3A_110 = arith.constant 0 : i32
        %dma_start3A_111 = arith.constant 0 : i32
        %dma_start3A_112 = tpu.memref_slice %arg9[%dma_start3A_110, %dma_start3A_111] : memref<240x128xf32, #tpu.memory_space<vmem>> -> memref<240x128xf32, #tpu.memory_space<vmem>>
        tpu.enqueue_dma source(%dma_start3A_112 : memref<240x128xf32, #tpu.memory_space<vmem>>) target(%dma_start3A_109 : memref<240x128xf32, #tpu.memory_space<vmem_shared>>) target_semaphore(%run_scoped3A_102 : memref<!tpu.dma_semaphore, #tpu.memory_space<semaphore_mem>>)
        %dma_wait3A_113 = arith.constant 0 : i32
        %dma_wait3A_114 = arith.constant 0 : i32
        %dma_wait3A_115 = tpu.memref_slice %arg9[%dma_wait3A_113, %dma_wait3A_114] : memref<240x128xf32, #tpu.memory_space<vmem>> -> memref<240x128xf32, #tpu.memory_space<vmem>>
        %dma_wait3A_116 = arith.constant 0 : i32
        %dma_wait3A_117 = tpu.memref_slice %arg10[%add3A_93, %dma_wait3A_116] : memref<10000x128xf32, #tpu.memory_space<vmem_shared>> -> memref<240x128xf32, #tpu.memory_space<vmem_shared>>
        %dma_wait3A_118 = arith.constant 0 : i32
        %dma_wait3A_119 = tpu.memref_slice %arg10[%add3A_93, %dma_wait3A_118] : memref<10000x128xf32, #tpu.memory_space<vmem_shared>> -> memref<240x128xf32, #tpu.memory_space<vmem_shared>>
        %dma_wait3A_120 = arith.constant 0 : i32
        %dma_wait3A_121 = arith.constant 0 : i32
        %dma_wait3A_122 = tpu.memref_slice %arg9[%dma_wait3A_120, %dma_wait3A_121] : memref<240x128xf32, #tpu.memory_space<vmem>> -> memref<240x128xf32, #tpu.memory_space<vmem>>
        tpu.wait_dma2 semaphore(%run_scoped3A_102 : memref<!tpu.dma_semaphore, #tpu.memory_space<semaphore_mem>>) src(%dma_wait3A_122 : memref<240x128xf32, #tpu.memory_space<vmem>>) dst(%dma_wait3A_119 : memref<240x128xf32, #tpu.memory_space<vmem_shared>>)
        tpu.yield
      }) : () -> ()
      %add3A_94 = arith.constant 240 : i32
      %add3A_95 = arith.addi %mul3A_2, %add3A_94 : i32
      "tpu.region"() ({
        %run_scoped3A_102 = tpu.sem_alloc : memref<!tpu.dma_semaphore, #tpu.memory_space<semaphore_mem>>
        %dma_start3A_103 = arith.constant 0 : i32
        %dma_start3A_104 = arith.constant 0 : i32
        %dma_start3A_105 = tpu.memref_slice %arg9[%dma_start3A_103, %dma_start3A_104] : memref<240x128xf32, #tpu.memory_space<vmem>> -> memref<240x128xf32, #tpu.memory_space<vmem>>
        %dma_start3A_106 = arith.constant 0 : i32
        %dma_start3A_107 = tpu.memref_slice %arg2[%add3A_95, %dma_start3A_106] : memref<10000x128xf32, #tpu.memory_space<hbm>> -> memref<240x128xf32, #tpu.memory_space<hbm>>
        %dma_start3A_108 = arith.constant 0 : i32
        %dma_start3A_109 = arith.constant 0 : i32
        %dma_start3A_110 = tpu.memref_slice %arg9[%dma_start3A_108, %dma_start3A_109] : memref<240x128xf32, #tpu.memory_space<vmem>> -> memref<240x128xf32, #tpu.memory_space<vmem>>
        %dma_start3A_111 = arith.constant 0 : i32
        %dma_start3A_112 = tpu.memref_slice %arg2[%add3A_95, %dma_start3A_111] : memref<10000x128xf32, #tpu.memory_space<hbm>> -> memref<240x128xf32, #tpu.memory_space<hbm>>
        tpu.enqueue_dma source(%dma_start3A_112 : memref<240x128xf32, #tpu.memory_space<hbm>>) target(%dma_start3A_110 : memref<240x128xf32, #tpu.memory_space<vmem>>) target_semaphore(%run_scoped3A_102 : memref<!tpu.dma_semaphore, #tpu.memory_space<semaphore_mem>>)
        %dma_wait3A_113 = arith.constant 0 : i32
        %dma_wait3A_114 = arith.constant 0 : i32
        %dma_wait3A_115 = tpu.memref_slice %arg9[%dma_wait3A_113, %dma_wait3A_114] : memref<240x128xf32, #tpu.memory_space<vmem>> -> memref<240x128xf32, #tpu.memory_space<vmem>>
        %dma_wait3A_116 = arith.constant 0 : i32
        %dma_wait3A_117 = tpu.memref_slice %arg2[%add3A_95, %dma_wait3A_116] : memref<10000x128xf32, #tpu.memory_space<hbm>> -> memref<240x128xf32, #tpu.memory_space<hbm>>
        %dma_wait3A_118 = arith.constant 0 : i32
        %dma_wait3A_119 = arith.constant 0 : i32
        %dma_wait3A_120 = tpu.memref_slice %arg9[%dma_wait3A_118, %dma_wait3A_119] : memref<240x128xf32, #tpu.memory_space<vmem>> -> memref<240x128xf32, #tpu.memory_space<vmem>>
        %dma_wait3A_121 = arith.constant 0 : i32
        %dma_wait3A_122 = tpu.memref_slice %arg2[%add3A_95, %dma_wait3A_121] : memref<10000x128xf32, #tpu.memory_space<hbm>> -> memref<240x128xf32, #tpu.memory_space<hbm>>
        tpu.wait_dma2 semaphore(%run_scoped3A_102 : memref<!tpu.dma_semaphore, #tpu.memory_space<semaphore_mem>>) src(%dma_wait3A_122 : memref<240x128xf32, #tpu.memory_space<hbm>>) dst(%dma_wait3A_120 : memref<240x128xf32, #tpu.memory_space<vmem>>)
        tpu.yield
      }) : () -> ()
      %add3A_96 = arith.constant 240 : i32
      %add3A_97 = arith.addi %mul3A_2, %add3A_96 : i32
      "tpu.region"() ({
        %run_scoped3A_102 = tpu.sem_alloc : memref<!tpu.dma_semaphore, #tpu.memory_space<semaphore_mem>>
        %dma_start3A_103 = arith.constant 0 : i32
        %dma_start3A_104 = arith.constant 0 : i32
        %dma_start3A_105 = tpu.memref_slice %arg9[%dma_start3A_103, %dma_start3A_104] : memref<240x128xf32, #tpu.memory_space<vmem>> -> memref<240x128xf32, #tpu.memory_space<vmem>>
        %dma_start3A_106 = arith.constant 0 : i32
        %dma_start3A_107 = tpu.memref_slice %arg10[%add3A_97, %dma_start3A_106] : memref<10000x128xf32, #tpu.memory_space<vmem_shared>> -> memref<240x128xf32, #tpu.memory_space<vmem_shared>>
        %dma_start3A_108 = arith.constant 0 : i32
        %dma_start3A_109 = tpu.memref_slice %arg10[%add3A_97, %dma_start3A_108] : memref<10000x128xf32, #tpu.memory_space<vmem_shared>> -> memref<240x128xf32, #tpu.memory_space<vmem_shared>>
        %dma_start3A_110 = arith.constant 0 : i32
        %dma_start3A_111 = arith.constant 0 : i32
        %dma_start3A_112 = tpu.memref_slice %arg9[%dma_start3A_110, %dma_start3A_111] : memref<240x128xf32, #tpu.memory_space<vmem>> -> memref<240x128xf32, #tpu.memory_space<vmem>>
        tpu.enqueue_dma source(%dma_start3A_112 : memref<240x128xf32, #tpu.memory_space<vmem>>) target(%dma_start3A_109 : memref<240x128xf32, #tpu.memory_space<vmem_shared>>) target_semaphore(%run_scoped3A_102 : memref<!tpu.dma_semaphore, #tpu.memory_space<semaphore_mem>>)
        %dma_wait3A_113 = arith.constant 0 : i32
        %dma_wait3A_114 = arith.constant 0 : i32
        %dma_wait3A_115 = tpu.memref_slice %arg9[%dma_wait3A_113, %dma_wait3A_114] : memref<240x128xf32, #tpu.memory_space<vmem>> -> memref<240x128xf32, #tpu.memory_space<vmem>>
        %dma_wait3A_116 = arith.constant 0 : i32
        %dma_wait3A_117 = tpu.memref_slice %arg10[%add3A_97, %dma_wait3A_116] : memref<10000x128xf32, #tpu.memory_space<vmem_shared>> -> memref<240x128xf32, #tpu.memory_space<vmem_shared>>
        %dma_wait3A_118 = arith.constant 0 : i32
        %dma_wait3A_119 = tpu.memref_slice %arg10[%add3A_97, %dma_wait3A_118] : memref<10000x128xf32, #tpu.memory_space<vmem_shared>> -> memref<240x128xf32, #tpu.memory_space<vmem_shared>>
        %dma_wait3A_120 = arith.constant 0 : i32
        %dma_wait3A_121 = arith.constant 0 : i32
        %dma_wait3A_122 = tpu.memref_slice %arg9[%dma_wait3A_120, %dma_wait3A_121] : memref<240x128xf32, #tpu.memory_space<vmem>> -> memref<240x128xf32, #tpu.memory_space<vmem>>
        tpu.wait_dma2 semaphore(%run_scoped3A_102 : memref<!tpu.dma_semaphore, #tpu.memory_space<semaphore_mem>>) src(%dma_wait3A_122 : memref<240x128xf32, #tpu.memory_space<vmem>>) dst(%dma_wait3A_119 : memref<240x128xf32, #tpu.memory_space<vmem_shared>>)
        tpu.yield
      }) : () -> ()
      %add3A_98 = arith.constant 480 : i32
      %add3A_99 = arith.addi %mul3A_2, %add3A_98 : i32
      "tpu.region"() ({
        %run_scoped3A_102 = tpu.sem_alloc : memref<!tpu.dma_semaphore, #tpu.memory_space<semaphore_mem>>
        %dma_start3A_103 = arith.constant 0 : i32
        %dma_start3A_104 = arith.constant 0 : i32
        %dma_start3A_105 = tpu.memref_slice %arg9[%dma_start3A_103, %dma_start3A_104] : memref<240x128xf32, #tpu.memory_space<vmem>> -> memref<145x128xf32, #tpu.memory_space<vmem>>
        %dma_start3A_106 = arith.constant 0 : i32
        %dma_start3A_107 = tpu.memref_slice %arg2[%add3A_99, %dma_start3A_106] : memref<10000x128xf32, #tpu.memory_space<hbm>> -> memref<145x128xf32, #tpu.memory_space<hbm>>
        %dma_start3A_108 = arith.constant 0 : i32
        %dma_start3A_109 = arith.constant 0 : i32
        %dma_start3A_110 = tpu.memref_slice %arg9[%dma_start3A_108, %dma_start3A_109] : memref<240x128xf32, #tpu.memory_space<vmem>> -> memref<145x128xf32, #tpu.memory_space<vmem>>
        %dma_start3A_111 = arith.constant 0 : i32
        %dma_start3A_112 = tpu.memref_slice %arg2[%add3A_99, %dma_start3A_111] : memref<10000x128xf32, #tpu.memory_space<hbm>> -> memref<145x128xf32, #tpu.memory_space<hbm>>
        tpu.enqueue_dma source(%dma_start3A_112 : memref<145x128xf32, #tpu.memory_space<hbm>>) target(%dma_start3A_110 : memref<145x128xf32, #tpu.memory_space<vmem>>) target_semaphore(%run_scoped3A_102 : memref<!tpu.dma_semaphore, #tpu.memory_space<semaphore_mem>>)
        %dma_wait3A_113 = arith.constant 0 : i32
        %dma_wait3A_114 = arith.constant 0 : i32
        %dma_wait3A_115 = tpu.memref_slice %arg9[%dma_wait3A_113, %dma_wait3A_114] : memref<240x128xf32, #tpu.memory_space<vmem>> -> memref<145x128xf32, #tpu.memory_space<vmem>>
        %dma_wait3A_116 = arith.constant 0 : i32
        %dma_wait3A_117 = tpu.memref_slice %arg2[%add3A_99, %dma_wait3A_116] : memref<10000x128xf32, #tpu.memory_space<hbm>> -> memref<145x128xf32, #tpu.memory_space<hbm>>
        %dma_wait3A_118 = arith.constant 0 : i32
        %dma_wait3A_119 = arith.constant 0 : i32
        %dma_wait3A_120 = tpu.memref_slice %arg9[%dma_wait3A_118, %dma_wait3A_119] : memref<240x128xf32, #tpu.memory_space<vmem>> -> memref<145x128xf32, #tpu.memory_space<vmem>>
        %dma_wait3A_121 = arith.constant 0 : i32
        %dma_wait3A_122 = tpu.memref_slice %arg2[%add3A_99, %dma_wait3A_121] : memref<10000x128xf32, #tpu.memory_space<hbm>> -> memref<145x128xf32, #tpu.memory_space<hbm>>
        tpu.wait_dma2 semaphore(%run_scoped3A_102 : memref<!tpu.dma_semaphore, #tpu.memory_space<semaphore_mem>>) src(%dma_wait3A_122 : memref<145x128xf32, #tpu.memory_space<hbm>>) dst(%dma_wait3A_120 : memref<145x128xf32, #tpu.memory_space<vmem>>)
        tpu.yield
      }) : () -> ()
      %add3A_100 = arith.constant 480 : i32
      %add3A_101 = arith.addi %mul3A_2, %add3A_100 : i32
      "tpu.region"() ({
        %run_scoped3A_102 = tpu.sem_alloc : memref<!tpu.dma_semaphore, #tpu.memory_space<semaphore_mem>>
        %dma_start3A_103 = arith.constant 0 : i32
        %dma_start3A_104 = arith.constant 0 : i32
        %dma_start3A_105 = tpu.memref_slice %arg9[%dma_start3A_103, %dma_start3A_104] : memref<240x128xf32, #tpu.memory_space<vmem>> -> memref<145x128xf32, #tpu.memory_space<vmem>>
        %dma_start3A_106 = arith.constant 0 : i32
        %dma_start3A_107 = tpu.memref_slice %arg10[%add3A_101, %dma_start3A_106] : memref<10000x128xf32, #tpu.memory_space<vmem_shared>> -> memref<145x128xf32, #tpu.memory_space<vmem_shared>>
        %dma_start3A_108 = arith.constant 0 : i32
        %dma_start3A_109 = tpu.memref_slice %arg10[%add3A_101, %dma_start3A_108] : memref<10000x128xf32, #tpu.memory_space<vmem_shared>> -> memref<145x128xf32, #tpu.memory_space<vmem_shared>>
        %dma_start3A_110 = arith.constant 0 : i32
        %dma_start3A_111 = arith.constant 0 : i32
        %dma_start3A_112 = tpu.memref_slice %arg9[%dma_start3A_110, %dma_start3A_111] : memref<240x128xf32, #tpu.memory_space<vmem>> -> memref<145x128xf32, #tpu.memory_space<vmem>>
        tpu.enqueue_dma source(%dma_start3A_112 : memref<145x128xf32, #tpu.memory_space<vmem>>) target(%dma_start3A_109 : memref<145x128xf32, #tpu.memory_space<vmem_shared>>) target_semaphore(%run_scoped3A_102 : memref<!tpu.dma_semaphore, #tpu.memory_space<semaphore_mem>>)
        %dma_wait3A_113 = arith.constant 0 : i32
        %dma_wait3A_114 = arith.constant 0 : i32
        %dma_wait3A_115 = tpu.memref_slice %arg9[%dma_wait3A_113, %dma_wait3A_114] : memref<240x128xf32, #tpu.memory_space<vmem>> -> memref<145x128xf32, #tpu.memory_space<vmem>>
        %dma_wait3A_116 = arith.constant 0 : i32
        %dma_wait3A_117 = tpu.memref_slice %arg10[%add3A_101, %dma_wait3A_116] : memref<10000x128xf32, #tpu.memory_space<vmem_shared>> -> memref<145x128xf32, #tpu.memory_space<vmem_shared>>
        %dma_wait3A_118 = arith.constant 0 : i32
        %dma_wait3A_119 = tpu.memref_slice %arg10[%add3A_101, %dma_wait3A_118] : memref<10000x128xf32, #tpu.memory_space<vmem_shared>> -> memref<145x128xf32, #tpu.memory_space<vmem_shared>>
        %dma_wait3A_120 = arith.constant 0 : i32
        %dma_wait3A_121 = arith.constant 0 : i32
        %dma_wait3A_122 = tpu.memref_slice %arg9[%dma_wait3A_120, %dma_wait3A_121] : memref<240x128xf32, #tpu.memory_space<vmem>> -> memref<145x128xf32, #tpu.memory_space<vmem>>
        tpu.wait_dma2 semaphore(%run_scoped3A_102 : memref<!tpu.dma_semaphore, #tpu.memory_space<semaphore_mem>>) src(%dma_wait3A_122 : memref<145x128xf32, #tpu.memory_space<vmem>>) dst(%dma_wait3A_119 : memref<145x128xf32, #tpu.memory_space<vmem_shared>>)
        tpu.yield
      }) : () -> ()
    } else {
    }
    %eq3A_5 = arith.constant 1 : i32
    %eq3A_6 = arith.cmpi eq, %arg0, %eq3A_5 : i32
    %convert_element_type3A_7 = arith.extui %eq3A_6 : i1 to i32
    %cond3A_8 = arith.constant 0 : i32
    %cond3A_9 = arith.cmpi ne, %convert_element_type3A_7, %cond3A_8 : i32
    scf.if %cond3A_9 {
      %scan3A_90 = arith.constant 0 : i32
      %scan3A_91 = arith.constant 0 : i32
      %scan3A_92 = arith.constant 240 : i32
      %scan3A_93 = arith.addi %scan3A_91, %scan3A_92 : i32
      %scan3A_94 = arith.constant 1 : i32
      scf.for %scan3A_102 = %scan3A_91 to %scan3A_93 step %scan3A_94  : i32 {
        %broadcast_in_dim3A = arith.constant 0.000000e+00 : f32
        %broadcast_in_dim3A_103 = vector.broadcast %broadcast_in_dim3A : f32 to vector<16xf32>
        %swap3A = arith.index_cast %scan3A_102 : i32 to index
        %swap3A_104 = arith.constant 0 : index
        %swap3A_105 = tpu.vector_load %arg9[%swap3A, %swap3A_104] {strides = array<i32>} : memref<240x128xf32, #tpu.memory_space<vmem>>, vector<1x16xf32>,
        %swap3A_106 = vector.shape_cast %swap3A_105 : vector<1x16xf32> to vector<16xf32>
        %swap3A_107 = vector.shape_cast %broadcast_in_dim3A_103 : vector<16xf32> to vector<1x16xf32>
        tpu.vector_store %arg9[%swap3A, %swap3A_104], %swap3A_107 {strides = array<i32>} : memref<240x128xf32, #tpu.memory_space<vmem>>, vector<1x16xf32>,
        %broadcast_in_dim3A_108 = arith.constant 0.000000e+00 : f32
        %broadcast_in_dim3A_109 = vector.broadcast %broadcast_in_dim3A_108 : f32 to vector<16xf32>
        %swap3A_110 = arith.index_cast %scan3A_102 : i32 to index
        %swap3A_111 = arith.constant 16 : index
        %swap3A_112 = tpu.vector_load %arg9[%swap3A_110, %swap3A_111] {strides = array<i32>} : memref<240x128xf32, #tpu.memory_space<vmem>>, vector<1x16xf32>,
        %swap3A_113 = vector.shape_cast %swap3A_112 : vector<1x16xf32> to vector<16xf32>
        %swap3A_114 = vector.shape_cast %broadcast_in_dim3A_109 : vector<16xf32> to vector<1x16xf32>
        tpu.vector_store %arg9[%swap3A_110, %swap3A_111], %swap3A_114 {strides = array<i32>} : memref<240x128xf32, #tpu.memory_space<vmem>>, vector<1x16xf32>,
        %broadcast_in_dim3A_115 = arith.constant 0.000000e+00 : f32
        %broadcast_in_dim3A_116 = vector.broadcast %broadcast_in_dim3A_115 : f32 to vector<16xf32>
        %swap3A_117 = arith.index_cast %scan3A_102 : i32 to index
        %swap3A_118 = arith.constant 32 : index
        %swap3A_119 = tpu.vector_load %arg9[%swap3A_117, %swap3A_118] {strides = array<i32>} : memref<240x128xf32, #tpu.memory_space<vmem>>, vector<1x16xf32>,
        %swap3A_120 = vector.shape_cast %swap3A_119 : vector<1x16xf32> to vector<16xf32>
        %swap3A_121 = vector.shape_cast %broadcast_in_dim3A_116 : vector<16xf32> to vector<1x16xf32>
        tpu.vector_store %arg9[%swap3A_117, %swap3A_118], %swap3A_121 {strides = array<i32>} : memref<240x128xf32, #tpu.memory_space<vmem>>, vector<1x16xf32>,
        %broadcast_in_dim3A_122 = arith.constant 0.000000e+00 : f32
        %broadcast_in_dim3A_123 = vector.broadcast %broadcast_in_dim3A_122 : f32 to vector<16xf32>
        %swap3A_124 = arith.index_cast %scan3A_102 : i32 to index
        %swap3A_125 = arith.constant 48 : index
        %swap3A_126 = tpu.vector_load %arg9[%swap3A_124, %swap3A_125] {strides = array<i32>} : memref<240x128xf32, #tpu.memory_space<vmem>>, vector<1x16xf32>,
        %swap3A_127 = vector.shape_cast %swap3A_126 : vector<1x16xf32> to vector<16xf32>
        %swap3A_128 = vector.shape_cast %broadcast_in_dim3A_123 : vector<16xf32> to vector<1x16xf32>
        tpu.vector_store %arg9[%swap3A_124, %swap3A_125], %swap3A_128 {strides = array<i32>} : memref<240x128xf32, #tpu.memory_space<vmem>>, vector<1x16xf32>,
        %broadcast_in_dim3A_129 = arith.constant 0.000000e+00 : f32
        %broadcast_in_dim3A_130 = vector.broadcast %broadcast_in_dim3A_129 : f32 to vector<16xf32>
        %swap3A_131 = arith.index_cast %scan3A_102 : i32 to index
        %swap3A_132 = arith.constant 64 : index
        %swap3A_133 = tpu.vector_load %arg9[%swap3A_131, %swap3A_132] {strides = array<i32>} : memref<240x128xf32, #tpu.memory_space<vmem>>, vector<1x16xf32>,
        %swap3A_134 = vector.shape_cast %swap3A_133 : vector<1x16xf32> to vector<16xf32>
        %swap3A_135 = vector.shape_cast %broadcast_in_dim3A_130 : vector<16xf32> to vector<1x16xf32>
        tpu.vector_store %arg9[%swap3A_131, %swap3A_132], %swap3A_135 {strides = array<i32>} : memref<240x128xf32, #tpu.memory_space<vmem>>, vector<1x16xf32>,
        %broadcast_in_dim3A_136 = arith.constant 0.000000e+00 : f32
        %broadcast_in_dim3A_137 = vector.broadcast %broadcast_in_dim3A_136 : f32 to vector<16xf32>
        %swap3A_138 = arith.index_cast %scan3A_102 : i32 to index
        %swap3A_139 = arith.constant 80 : index
        %swap3A_140 = tpu.vector_load %arg9[%swap3A_138, %swap3A_139] {strides = array<i32>} : memref<240x128xf32, #tpu.memory_space<vmem>>, vector<1x16xf32>,
        %swap3A_141 = vector.shape_cast %swap3A_140 : vector<1x16xf32> to vector<16xf32>
        %swap3A_142 = vector.shape_cast %broadcast_in_dim3A_137 : vector<16xf32> to vector<1x16xf32>
        tpu.vector_store %arg9[%swap3A_138, %swap3A_139], %swap3A_142 {strides = array<i32>} : memref<240x128xf32, #tpu.memory_space<vmem>>, vector<1x16xf32>,
        %broadcast_in_dim3A_143 = arith.constant 0.000000e+00 : f32
        %broadcast_in_dim3A_144 = vector.broadcast %broadcast_in_dim3A_143 : f32 to vector<16xf32>
        %swap3A_145 = arith.index_cast %scan3A_102 : i32 to index
        %swap3A_146 = arith.constant 96 : index
        %swap3A_147 = tpu.vector_load %arg9[%swap3A_145, %swap3A_146] {strides = array<i32>} : memref<240x128xf32, #tpu.memory_space<vmem>>, vector<1x16xf32>,
        %swap3A_148 = vector.shape_cast %swap3A_147 : vector<1x16xf32> to vector<16xf32>
        %swap3A_149 = vector.shape_cast %broadcast_in_dim3A_144 : vector<16xf32> to vector<1x16xf32>
        tpu.vector_store %arg9[%swap3A_145, %swap3A_146], %swap3A_149 {strides = array<i32>} : memref<240x128xf32, #tpu.memory_space<vmem>>, vector<1x16xf32>,
        %broadcast_in_dim3A_150 = arith.constant 0.000000e+00 : f32
        %broadcast_in_dim3A_151 = vector.broadcast %broadcast_in_dim3A_150 : f32 to vector<16xf32>
        %swap3A_152 = arith.index_cast %scan3A_102 : i32 to index
        %swap3A_153 = arith.constant 112 : index
        %swap3A_154 = tpu.vector_load %arg9[%swap3A_152, %swap3A_153] {strides = array<i32>} : memref<240x128xf32, #tpu.memory_space<vmem>>, vector<1x16xf32>,
        %swap3A_155 = vector.shape_cast %swap3A_154 : vector<1x16xf32> to vector<16xf32>
        %swap3A_156 = vector.shape_cast %broadcast_in_dim3A_151 : vector<16xf32> to vector<1x16xf32>
        tpu.vector_store %arg9[%swap3A_152, %swap3A_153], %swap3A_156 {strides = array<i32>} : memref<240x128xf32, #tpu.memory_space<vmem>>, vector<1x16xf32>,
      }
      %scan3A_95 = arith.constant 240 : i32
      %add3A_96 = arith.constant 0 : i32
      %add3A_97 = arith.addi %mul3A_2, %add3A_96 : i32
      "tpu.region"() ({
        %run_scoped3A_102 = tpu.sem_alloc : memref<!tpu.dma_semaphore, #tpu.memory_space<semaphore_mem>>
        %dma_start3A_103 = arith.constant 0 : i32
        %dma_start3A_104 = arith.constant 0 : i32
        %dma_start3A_105 = tpu.memref_slice %arg9[%dma_start3A_103, %dma_start3A_104] : memref<240x128xf32, #tpu.memory_space<vmem>> -> memref<240x128xf32, #tpu.memory_space<vmem>>
        %dma_start3A_106 = arith.constant 0 : i32
        %dma_start3A_107 = tpu.memref_slice %arg10[%add3A_97, %dma_start3A_106] : memref<10000x128xf32, #tpu.memory_space<vmem_shared>> -> memref<240x128xf32, #tpu.memory_space<vmem_shared>>
        %dma_start3A_108 = arith.constant 0 : i32
        %dma_start3A_109 = tpu.memref_slice %arg10[%add3A_97, %dma_start3A_108] : memref<10000x128xf32, #tpu.memory_space<vmem_shared>> -> memref<240x128xf32, #tpu.memory_space<vmem_shared>>
        %dma_start3A_110 = arith.constant 0 : i32
        %dma_start3A_111 = arith.constant 0 : i32
        %dma_start3A_112 = tpu.memref_slice %arg9[%dma_start3A_110, %dma_start3A_111] : memref<240x128xf32, #tpu.memory_space<vmem>> -> memref<240x128xf32, #tpu.memory_space<vmem>>
        tpu.enqueue_dma source(%dma_start3A_112 : memref<240x128xf32, #tpu.memory_space<vmem>>) target(%dma_start3A_109 : memref<240x128xf32, #tpu.memory_space<vmem_shared>>) target_semaphore(%run_scoped3A_102 : memref<!tpu.dma_semaphore, #tpu.memory_space<semaphore_mem>>)
        %dma_wait3A_113 = arith.constant 0 : i32
        %dma_wait3A_114 = arith.constant 0 : i32
        %dma_wait3A_115 = tpu.memref_slice %arg9[%dma_wait3A_113, %dma_wait3A_114] : memref<240x128xf32, #tpu.memory_space<vmem>> -> memref<240x128xf32, #tpu.memory_space<vmem>>
        %dma_wait3A_116 = arith.constant 0 : i32
        %dma_wait3A_117 = tpu.memref_slice %arg10[%add3A_97, %dma_wait3A_116] : memref<10000x128xf32, #tpu.memory_space<vmem_shared>> -> memref<240x128xf32, #tpu.memory_space<vmem_shared>>
        %dma_wait3A_118 = arith.constant 0 : i32
        %dma_wait3A_119 = tpu.memref_slice %arg10[%add3A_97, %dma_wait3A_118] : memref<10000x128xf32, #tpu.memory_space<vmem_shared>> -> memref<240x128xf32, #tpu.memory_space<vmem_shared>>
        %dma_wait3A_120 = arith.constant 0 : i32
        %dma_wait3A_121 = arith.constant 0 : i32
        %dma_wait3A_122 = tpu.memref_slice %arg9[%dma_wait3A_120, %dma_wait3A_121] : memref<240x128xf32, #tpu.memory_space<vmem>> -> memref<240x128xf32, #tpu.memory_space<vmem>>
        tpu.wait_dma2 semaphore(%run_scoped3A_102 : memref<!tpu.dma_semaphore, #tpu.memory_space<semaphore_mem>>) src(%dma_wait3A_122 : memref<240x128xf32, #tpu.memory_space<vmem>>) dst(%dma_wait3A_119 : memref<240x128xf32, #tpu.memory_space<vmem_shared>>)
        tpu.yield
      }) : () -> ()
      %add3A_98 = arith.constant 240 : i32
      %add3A_99 = arith.addi %mul3A_2, %add3A_98 : i32
      "tpu.region"() ({
        %run_scoped3A_102 = tpu.sem_alloc : memref<!tpu.dma_semaphore, #tpu.memory_space<semaphore_mem>>
        %dma_start3A_103 = arith.constant 0 : i32
        %dma_start3A_104 = arith.constant 0 : i32
        %dma_start3A_105 = tpu.memref_slice %arg9[%dma_start3A_103, %dma_start3A_104] : memref<240x128xf32, #tpu.memory_space<vmem>> -> memref<240x128xf32, #tpu.memory_space<vmem>>
        %dma_start3A_106 = arith.constant 0 : i32
        %dma_start3A_107 = tpu.memref_slice %arg10[%add3A_99, %dma_start3A_106] : memref<10000x128xf32, #tpu.memory_space<vmem_shared>> -> memref<240x128xf32, #tpu.memory_space<vmem_shared>>
        %dma_start3A_108 = arith.constant 0 : i32
        %dma_start3A_109 = tpu.memref_slice %arg10[%add3A_99, %dma_start3A_108] : memref<10000x128xf32, #tpu.memory_space<vmem_shared>> -> memref<240x128xf32, #tpu.memory_space<vmem_shared>>
        %dma_start3A_110 = arith.constant 0 : i32
        %dma_start3A_111 = arith.constant 0 : i32
        %dma_start3A_112 = tpu.memref_slice %arg9[%dma_start3A_110, %dma_start3A_111] : memref<240x128xf32, #tpu.memory_space<vmem>> -> memref<240x128xf32, #tpu.memory_space<vmem>>
        tpu.enqueue_dma source(%dma_start3A_112 : memref<240x128xf32, #tpu.memory_space<vmem>>) target(%dma_start3A_109 : memref<240x128xf32, #tpu.memory_space<vmem_shared>>) target_semaphore(%run_scoped3A_102 : memref<!tpu.dma_semaphore, #tpu.memory_space<semaphore_mem>>)
        %dma_wait3A_113 = arith.constant 0 : i32
        %dma_wait3A_114 = arith.constant 0 : i32
        %dma_wait3A_115 = tpu.memref_slice %arg9[%dma_wait3A_113, %dma_wait3A_114] : memref<240x128xf32, #tpu.memory_space<vmem>> -> memref<240x128xf32, #tpu.memory_space<vmem>>
        %dma_wait3A_116 = arith.constant 0 : i32
        %dma_wait3A_117 = tpu.memref_slice %arg10[%add3A_99, %dma_wait3A_116] : memref<10000x128xf32, #tpu.memory_space<vmem_shared>> -> memref<240x128xf32, #tpu.memory_space<vmem_shared>>
        %dma_wait3A_118 = arith.constant 0 : i32
        %dma_wait3A_119 = tpu.memref_slice %arg10[%add3A_99, %dma_wait3A_118] : memref<10000x128xf32, #tpu.memory_space<vmem_shared>> -> memref<240x128xf32, #tpu.memory_space<vmem_shared>>
        %dma_wait3A_120 = arith.constant 0 : i32
        %dma_wait3A_121 = arith.constant 0 : i32
        %dma_wait3A_122 = tpu.memref_slice %arg9[%dma_wait3A_120, %dma_wait3A_121] : memref<240x128xf32, #tpu.memory_space<vmem>> -> memref<240x128xf32, #tpu.memory_space<vmem>>
        tpu.wait_dma2 semaphore(%run_scoped3A_102 : memref<!tpu.dma_semaphore, #tpu.memory_space<semaphore_mem>>) src(%dma_wait3A_122 : memref<240x128xf32, #tpu.memory_space<vmem>>) dst(%dma_wait3A_119 : memref<240x128xf32, #tpu.memory_space<vmem_shared>>)
        tpu.yield
      }) : () -> ()
      %add3A_100 = arith.constant 480 : i32
      %add3A_101 = arith.addi %mul3A_2, %add3A_100 : i32
      "tpu.region"() ({
        %run_scoped3A_102 = tpu.sem_alloc : memref<!tpu.dma_semaphore, #tpu.memory_space<semaphore_mem>>
        %dma_start3A_103 = arith.constant 0 : i32
        %dma_start3A_104 = arith.constant 0 : i32
        %dma_start3A_105 = tpu.memref_slice %arg9[%dma_start3A_103, %dma_start3A_104] : memref<240x128xf32, #tpu.memory_space<vmem>> -> memref<145x128xf32, #tpu.memory_space<vmem>>
        %dma_start3A_106 = arith.constant 0 : i32
        %dma_start3A_107 = tpu.memref_slice %arg10[%add3A_101, %dma_start3A_106] : memref<10000x128xf32, #tpu.memory_space<vmem_shared>> -> memref<145x128xf32, #tpu.memory_space<vmem_shared>>
        %dma_start3A_108 = arith.constant 0 : i32
        %dma_start3A_109 = tpu.memref_slice %arg10[%add3A_101, %dma_start3A_108] : memref<10000x128xf32, #tpu.memory_space<vmem_shared>> -> memref<145x128xf32, #tpu.memory_space<vmem_shared>>
        %dma_start3A_110 = arith.constant 0 : i32
        %dma_start3A_111 = arith.constant 0 : i32
        %dma_start3A_112 = tpu.memref_slice %arg9[%dma_start3A_110, %dma_start3A_111] : memref<240x128xf32, #tpu.memory_space<vmem>> -> memref<145x128xf32, #tpu.memory_space<vmem>>
        tpu.enqueue_dma source(%dma_start3A_112 : memref<145x128xf32, #tpu.memory_space<vmem>>) target(%dma_start3A_109 : memref<145x128xf32, #tpu.memory_space<vmem_shared>>) target_semaphore(%run_scoped3A_102 : memref<!tpu.dma_semaphore, #tpu.memory_space<semaphore_mem>>)
        %dma_wait3A_113 = arith.constant 0 : i32
        %dma_wait3A_114 = arith.constant 0 : i32
        %dma_wait3A_115 = tpu.memref_slice %arg9[%dma_wait3A_113, %dma_wait3A_114] : memref<240x128xf32, #tpu.memory_space<vmem>> -> memref<145x128xf32, #tpu.memory_space<vmem>>
        %dma_wait3A_116 = arith.constant 0 : i32
        %dma_wait3A_117 = tpu.memref_slice %arg10[%add3A_101, %dma_wait3A_116] : memref<10000x128xf32, #tpu.memory_space<vmem_shared>> -> memref<145x128xf32, #tpu.memory_space<vmem_shared>>
        %dma_wait3A_118 = arith.constant 0 : i32
        %dma_wait3A_119 = tpu.memref_slice %arg10[%add3A_101, %dma_wait3A_118] : memref<10000x128xf32, #tpu.memory_space<vmem_shared>> -> memref<145x128xf32, #tpu.memory_space<vmem_shared>>
        %dma_wait3A_120 = arith.constant 0 : i32
        %dma_wait3A_121 = arith.constant 0 : i32
        %dma_wait3A_122 = tpu.memref_slice %arg9[%dma_wait3A_120, %dma_wait3A_121] : memref<240x128xf32, #tpu.memory_space<vmem>> -> memref<145x128xf32, #tpu.memory_space<vmem>>
        tpu.wait_dma2 semaphore(%run_scoped3A_102 : memref<!tpu.dma_semaphore, #tpu.memory_space<semaphore_mem>>) src(%dma_wait3A_122 : memref<145x128xf32, #tpu.memory_space<vmem>>) dst(%dma_wait3A_119 : memref<145x128xf32, #tpu.memory_space<vmem_shared>>)
        tpu.yield
      }) : () -> ()
    } else {
    }
    %barrier3A = arith.constant 0 : index
    tpu.barrier barrier_id(%barrier3A)
    %dma_start3A = arith.constant 0 : i32
    %dma_start3A_10 = arith.constant 0 : i32
    %dma_start3A_11 = arith.constant 0 : i32
    %dma_start3A_12 = arith.constant 0 : i32
    %dma_start3A_13 = tpu.memref_slice %arg9[%dma_start3A_11, %dma_start3A_12] : memref<240x128xf32, #tpu.memory_space<vmem>> -> memref<80x128xf32, #tpu.memory_space<vmem>>
    %dma_start3A_14 = arith.constant 0 : i32
    %dma_start3A_15 = tpu.memref_slice %arg7[%dma_start3A, %dma_start3A_14] : memref<125x80xi32, #tpu.memory_space<vmem>> -> memref<1x80xi32, #tpu.memory_space<vmem>>
    %dma_start3A_16 = tpu.memref_squeeze %dma_start3A_15 : memref<1x80xi32, #tpu.memory_space<vmem>> -> memref<80xi32, #tpu.memory_space<vmem>>
    %dma_start3A_17 = arith.constant 0 : i32
    %dma_start3A_18 = arith.constant 0 : i32
    %dma_start3A_19 = tpu.memref_slice %arg2[%dma_start3A_17, %dma_start3A_18] : memref<10000x128xf32, #tpu.memory_space<hbm>> -> memref<10000x128xf32, #tpu.memory_space<hbm>>
    %dma_start3A_20 = tpu.memref_slice %arg11[%dma_start3A_10] : memref<3x!tpu.dma_semaphore, #tpu.memory_space<semaphore_mem>> -> memref<1x!tpu.dma_semaphore, #tpu.memory_space<semaphore_mem>>
    %dma_start3A_21 = tpu.memref_squeeze %dma_start3A_20 : memref<1x!tpu.dma_semaphore, #tpu.memory_space<semaphore_mem>> -> memref<!tpu.dma_semaphore, #tpu.memory_space<semaphore_mem>>
    tpu.enqueue_indirect_dma source(%dma_start3A_19 : memref<10000x128xf32, #tpu.memory_space<hbm>>) target(%dma_start3A_13 : memref<80x128xf32, #tpu.memory_space<vmem>>) offsets(%dma_start3A_16 : memref<80xi32, #tpu.memory_space<vmem>>) semaphore(%dma_start3A_21 : memref<!tpu.dma_semaphore, #tpu.memory_space<semaphore_mem>>)
    %dma_start3A_22 = arith.constant 1 : i32
    %dma_start3A_23 = arith.constant 1 : i32
    %dma_start3A_24 = arith.constant 80 : i32
    %dma_start3A_25 = arith.constant 0 : i32
    %dma_start3A_26 = tpu.memref_slice %arg9[%dma_start3A_24, %dma_start3A_25] : memref<240x128xf32, #tpu.memory_space<vmem>> -> memref<80x128xf32, #tpu.memory_space<vmem>>
    %dma_start3A_27 = arith.constant 0 : i32
    %dma_start3A_28 = tpu.memref_slice %arg7[%dma_start3A_22, %dma_start3A_27] : memref<125x80xi32, #tpu.memory_space<vmem>> -> memref<1x80xi32, #tpu.memory_space<vmem>>
    %dma_start3A_29 = tpu.memref_squeeze %dma_start3A_28 : memref<1x80xi32, #tpu.memory_space<vmem>> -> memref<80xi32, #tpu.memory_space<vmem>>
    %dma_start3A_30 = arith.constant 0 : i32
    %dma_start3A_31 = arith.constant 0 : i32
    %dma_start3A_32 = tpu.memref_slice %arg2[%dma_start3A_30, %dma_start3A_31] : memref<10000x128xf32, #tpu.memory_space<hbm>> -> memref<10000x128xf32, #tpu.memory_space<hbm>>
    %dma_start3A_33 = tpu.memref_slice %arg11[%dma_start3A_23] : memref<3x!tpu.dma_semaphore, #tpu.memory_space<semaphore_mem>> -> memref<1x!tpu.dma_semaphore, #tpu.memory_space<semaphore_mem>>
    %dma_start3A_34 = tpu.memref_squeeze %dma_start3A_33 : memref<1x!tpu.dma_semaphore, #tpu.memory_space<semaphore_mem>> -> memref<!tpu.dma_semaphore, #tpu.memory_space<semaphore_mem>>
    tpu.enqueue_indirect_dma source(%dma_start3A_32 : memref<10000x128xf32, #tpu.memory_space<hbm>>) target(%dma_start3A_26 : memref<80x128xf32, #tpu.memory_space<vmem>>) offsets(%dma_start3A_29 : memref<80xi32, #tpu.memory_space<vmem>>) semaphore(%dma_start3A_34 : memref<!tpu.dma_semaphore, #tpu.memory_space<semaphore_mem>>)
    %dma_start3A_35 = arith.constant 2 : i32
    %dma_start3A_36 = arith.constant 2 : i32
    %dma_start3A_37 = arith.constant 160 : i32
    %dma_start3A_38 = arith.constant 0 : i32
    %dma_start3A_39 = tpu.memref_slice %arg9[%dma_start3A_37, %dma_start3A_38] : memref<240x128xf32, #tpu.memory_space<vmem>> -> memref<80x128xf32, #tpu.memory_space<vmem>>
    %dma_start3A_40 = arith.constant 0 : i32
    %dma_start3A_41 = tpu.memref_slice %arg7[%dma_start3A_35, %dma_start3A_40] : memref<125x80xi32, #tpu.memory_space<vmem>> -> memref<1x80xi32, #tpu.memory_space<vmem>>
    %dma_start3A_42 = tpu.memref_squeeze %dma_start3A_41 : memref<1x80xi32, #tpu.memory_space<vmem>> -> memref<80xi32, #tpu.memory_space<vmem>>
    %dma_start3A_43 = arith.constant 0 : i32
    %dma_start3A_44 = arith.constant 0 : i32
    %dma_start3A_45 = tpu.memref_slice %arg2[%dma_start3A_43, %dma_start3A_44] : memref<10000x128xf32, #tpu.memory_space<hbm>> -> memref<10000x128xf32, #tpu.memory_space<hbm>>
    %dma_start3A_46 = tpu.memref_slice %arg11[%dma_start3A_36] : memref<3x!tpu.dma_semaphore, #tpu.memory_space<semaphore_mem>> -> memref<1x!tpu.dma_semaphore, #tpu.memory_space<semaphore_mem>>
    %dma_start3A_47 = tpu.memref_squeeze %dma_start3A_46 : memref<1x!tpu.dma_semaphore, #tpu.memory_space<semaphore_mem>> -> memref<!tpu.dma_semaphore, #tpu.memory_space<semaphore_mem>>
    tpu.enqueue_indirect_dma source(%dma_start3A_45 : memref<10000x128xf32, #tpu.memory_space<hbm>>) target(%dma_start3A_39 : memref<80x128xf32, #tpu.memory_space<vmem>>) offsets(%dma_start3A_42 : memref<80xi32, #tpu.memory_space<vmem>>) semaphore(%dma_start3A_47 : memref<!tpu.dma_semaphore, #tpu.memory_space<semaphore_mem>>)
    %scan3A = arith.constant 0 : i32
    %scan3A_48 = arith.constant 0 : i32
    %scan3A_49 = arith.constant 41 : i32
    %scan3A_50 = arith.addi %scan3A_48, %scan3A_49 : i32
    %scan3A_51 = arith.constant 1 : i32
    scf.for %scan3A_90 = %scan3A_48 to %scan3A_50 step %scan3A_51  : i32 {
      %mul3A_91 = arith.constant 3 : i32
      %mul3A_92 = arith.muli %scan3A_90, %mul3A_91 : i32
      %add3A_93 = arith.constant 0 : i32
      %add3A_94 = arith.addi %mul3A_92, %add3A_93 : i32
      %dma_wait3A_95 = arith.constant 0 : i32
      %dma_wait3A_96 = arith.constant 0 : i32
      %dma_wait3A_97 = arith.constant 0 : i32
      %dma_wait3A_98 = tpu.memref_slice %arg9[%dma_wait3A_96, %dma_wait3A_97] : memref<240x128xf32, #tpu.memory_space<vmem>> -> memref<80x128xf32, #tpu.memory_space<vmem>>
      %dma_wait3A_99 = arith.constant 0 : i32
      %dma_wait3A_100 = tpu.memref_slice %arg7[%add3A_94, %dma_wait3A_99] : memref<125x80xi32, #tpu.memory_space<vmem>> -> memref<1x80xi32, #tpu.memory_space<vmem>>
      %dma_wait3A_101 = tpu.memref_squeeze %dma_wait3A_100 : memref<1x80xi32, #tpu.memory_space<vmem>> -> memref<80xi32, #tpu.memory_space<vmem>>
      %dma_wait3A_102 = arith.constant 0 : i32
      %dma_wait3A_103 = arith.constant 0 : i32
      %dma_wait3A_104 = tpu.memref_slice %arg2[%dma_wait3A_102, %dma_wait3A_103] : memref<10000x128xf32, #tpu.memory_space<hbm>> -> memref<10000x128xf32, #tpu.memory_space<hbm>>
      %dma_wait3A_105 = tpu.memref_slice %arg11[%dma_wait3A_95] : memref<3x!tpu.dma_semaphore, #tpu.memory_space<semaphore_mem>> -> memref<1x!tpu.dma_semaphore, #tpu.memory_space<semaphore_mem>>
      %dma_wait3A_106 = tpu.memref_squeeze %dma_wait3A_105 : memref<1x!tpu.dma_semaphore, #tpu.memory_space<semaphore_mem>> -> memref<!tpu.dma_semaphore, #tpu.memory_space<semaphore_mem>>
      tpu.wait_indirect_dma semaphore(%dma_wait3A_106 : memref<!tpu.dma_semaphore, #tpu.memory_space<semaphore_mem>>) src(%dma_wait3A_104 : memref<10000x128xf32, #tpu.memory_space<hbm>>) dst(%dma_wait3A_98 : memref<80x128xf32, #tpu.memory_space<vmem>>)
      "tpu.region"() ({
        %run_scoped3A_155 = tpu.sem_alloc : memref<!tpu.dma_semaphore, #tpu.memory_space<semaphore_mem>>
        %dma_start3A_156 = arith.constant 0 : i32
        %dma_start3A_157 = arith.constant 0 : i32
        %dma_start3A_158 = tpu.memref_slice %arg9[%dma_start3A_156, %dma_start3A_157] : memref<240x128xf32, #tpu.memory_space<vmem>> -> memref<80x128xf32, #tpu.memory_space<vmem>>
        %dma_start3A_159 = arith.constant 0 : i32
        %dma_start3A_160 = tpu.memref_slice %arg8[%add3A_94, %dma_start3A_159] : memref<125x80xi32, #tpu.memory_space<vmem>> -> memref<1x80xi32, #tpu.memory_space<vmem>>
        %dma_start3A_161 = tpu.memref_squeeze %dma_start3A_160 : memref<1x80xi32, #tpu.memory_space<vmem>> -> memref<80xi32, #tpu.memory_space<vmem>>
        %dma_start3A_162 = arith.constant 0 : i32
        %dma_start3A_163 = arith.constant 0 : i32
        %dma_start3A_164 = tpu.memref_slice %arg10[%dma_start3A_162, %dma_start3A_163] : memref<10000x128xf32, #tpu.memory_space<vmem_shared>> -> memref<10000x128xf32, #tpu.memory_space<vmem_shared>>
        tpu.enqueue_indirect_dma source(%dma_start3A_158 : memref<80x128xf32, #tpu.memory_space<vmem>>) target(%dma_start3A_164 : memref<10000x128xf32, #tpu.memory_space<vmem_shared>>) offsets(%dma_start3A_161 : memref<80xi32, #tpu.memory_space<vmem>>) semaphore(%run_scoped3A_155 : memref<!tpu.dma_semaphore, #tpu.memory_space<semaphore_mem>>) {add = true}
        %dma_wait3A_165 = arith.constant 0 : i32
        %dma_wait3A_166 = arith.constant 0 : i32
        %dma_wait3A_167 = tpu.memref_slice %arg9[%dma_wait3A_165, %dma_wait3A_166] : memref<240x128xf32, #tpu.memory_space<vmem>> -> memref<80x128xf32, #tpu.memory_space<vmem>>
        %dma_wait3A_168 = arith.constant 0 : i32
        %dma_wait3A_169 = tpu.memref_slice %arg8[%add3A_94, %dma_wait3A_168] : memref<125x80xi32, #tpu.memory_space<vmem>> -> memref<1x80xi32, #tpu.memory_space<vmem>>
        %dma_wait3A_170 = tpu.memref_squeeze %dma_wait3A_169 : memref<1x80xi32, #tpu.memory_space<vmem>> -> memref<80xi32, #tpu.memory_space<vmem>>
        %dma_wait3A_171 = arith.constant 0 : i32
        %dma_wait3A_172 = arith.constant 0 : i32
        %dma_wait3A_173 = tpu.memref_slice %arg10[%dma_wait3A_171, %dma_wait3A_172] : memref<10000x128xf32, #tpu.memory_space<vmem_shared>> -> memref<10000x128xf32, #tpu.memory_space<vmem_shared>>
        tpu.wait_indirect_dma semaphore(%run_scoped3A_155 : memref<!tpu.dma_semaphore, #tpu.memory_space<semaphore_mem>>) src(%dma_wait3A_167 : memref<80x128xf32, #tpu.memory_space<vmem>>) dst(%dma_wait3A_173 : memref<10000x128xf32, #tpu.memory_space<vmem_shared>>)
        tpu.yield
      }) : () -> ()
      %add3A_107 = arith.constant 3 : i32
      %add3A_108 = arith.addi %add3A_94, %add3A_107 : i32
      %lt3A = arith.constant 125 : i32
      %lt3A_109 = arith.cmpi slt, %add3A_108, %lt3A : i32
      %convert_element_type3A_110 = arith.extui %lt3A_109 : i1 to i32
      %cond3A_111 = arith.constant 0 : i32
      %cond3A_112 = arith.cmpi ne, %convert_element_type3A_110, %cond3A_111 : i32
      scf.if %cond3A_112 {
        %add3A_155 = arith.constant 3 : i32
        %add3A_156 = arith.addi %add3A_94, %add3A_155 : i32
        %dma_start3A_157 = arith.constant 0 : i32
        %dma_start3A_158 = arith.constant 0 : i32
        %dma_start3A_159 = arith.constant 0 : i32
        %dma_start3A_160 = tpu.memref_slice %arg9[%dma_start3A_158, %dma_start3A_159] : memref<240x128xf32, #tpu.memory_space<vmem>> -> memref<80x128xf32, #tpu.memory_space<vmem>>
        %dma_start3A_161 = arith.constant 0 : i32
        %dma_start3A_162 = tpu.memref_slice %arg7[%add3A_156, %dma_start3A_161] : memref<125x80xi32, #tpu.memory_space<vmem>> -> memref<1x80xi32, #tpu.memory_space<vmem>>
        %dma_start3A_163 = tpu.memref_squeeze %dma_start3A_162 : memref<1x80xi32, #tpu.memory_space<vmem>> -> memref<80xi32, #tpu.memory_space<vmem>>
        %dma_start3A_164 = arith.constant 0 : i32
        %dma_start3A_165 = arith.constant 0 : i32
        %dma_start3A_166 = tpu.memref_slice %arg2[%dma_start3A_164, %dma_start3A_165] : memref<10000x128xf32, #tpu.memory_space<hbm>> -> memref<10000x128xf32, #tpu.memory_space<hbm>>
        %dma_start3A_167 = tpu.memref_slice %arg11[%dma_start3A_157] : memref<3x!tpu.dma_semaphore, #tpu.memory_space<semaphore_mem>> -> memref<1x!tpu.dma_semaphore, #tpu.memory_space<semaphore_mem>>
        %dma_start3A_168 = tpu.memref_squeeze %dma_start3A_167 : memref<1x!tpu.dma_semaphore, #tpu.memory_space<semaphore_mem>> -> memref<!tpu.dma_semaphore, #tpu.memory_space<semaphore_mem>>
        tpu.enqueue_indirect_dma source(%dma_start3A_166 : memref<10000x128xf32, #tpu.memory_space<hbm>>) target(%dma_start3A_160 : memref<80x128xf32, #tpu.memory_space<vmem>>) offsets(%dma_start3A_163 : memref<80xi32, #tpu.memory_space<vmem>>) semaphore(%dma_start3A_168 : memref<!tpu.dma_semaphore, #tpu.memory_space<semaphore_mem>>)
      } else {
      }
      %add3A_113 = arith.constant 1 : i32
      %add3A_114 = arith.addi %mul3A_92, %add3A_113 : i32
      %dma_wait3A_115 = arith.constant 1 : i32
      %dma_wait3A_116 = arith.constant 80 : i32
      %dma_wait3A_117 = arith.constant 0 : i32
      %dma_wait3A_118 = tpu.memref_slice %arg9[%dma_wait3A_116, %dma_wait3A_117] : memref<240x128xf32, #tpu.memory_space<vmem>> -> memref<80x128xf32, #tpu.memory_space<vmem>>
      %dma_wait3A_119 = arith.constant 0 : i32
      %dma_wait3A_120 = tpu.memref_slice %arg7[%add3A_114, %dma_wait3A_119] : memref<125x80xi32, #tpu.memory_space<vmem>> -> memref<1x80xi32, #tpu.memory_space<vmem>>
      %dma_wait3A_121 = tpu.memref_squeeze %dma_wait3A_120 : memref<1x80xi32, #tpu.memory_space<vmem>> -> memref<80xi32, #tpu.memory_space<vmem>>
      %dma_wait3A_122 = arith.constant 0 : i32
      %dma_wait3A_123 = arith.constant 0 : i32
      %dma_wait3A_124 = tpu.memref_slice %arg2[%dma_wait3A_122, %dma_wait3A_123] : memref<10000x128xf32, #tpu.memory_space<hbm>> -> memref<10000x128xf32, #tpu.memory_space<hbm>>
      %dma_wait3A_125 = tpu.memref_slice %arg11[%dma_wait3A_115] : memref<3x!tpu.dma_semaphore, #tpu.memory_space<semaphore_mem>> -> memref<1x!tpu.dma_semaphore, #tpu.memory_space<semaphore_mem>>
      %dma_wait3A_126 = tpu.memref_squeeze %dma_wait3A_125 : memref<1x!tpu.dma_semaphore, #tpu.memory_space<semaphore_mem>> -> memref<!tpu.dma_semaphore, #tpu.memory_space<semaphore_mem>>
      tpu.wait_indirect_dma semaphore(%dma_wait3A_126 : memref<!tpu.dma_semaphore, #tpu.memory_space<semaphore_mem>>) src(%dma_wait3A_124 : memref<10000x128xf32, #tpu.memory_space<hbm>>) dst(%dma_wait3A_118 : memref<80x128xf32, #tpu.memory_space<vmem>>)
      "tpu.region"() ({
        %run_scoped3A_155 = tpu.sem_alloc : memref<!tpu.dma_semaphore, #tpu.memory_space<semaphore_mem>>
        %dma_start3A_156 = arith.constant 80 : i32
        %dma_start3A_157 = arith.constant 0 : i32
        %dma_start3A_158 = tpu.memref_slice %arg9[%dma_start3A_156, %dma_start3A_157] : memref<240x128xf32, #tpu.memory_space<vmem>> -> memref<80x128xf32, #tpu.memory_space<vmem>>
        %dma_start3A_159 = arith.constant 0 : i32
        %dma_start3A_160 = tpu.memref_slice %arg8[%add3A_114, %dma_start3A_159] : memref<125x80xi32, #tpu.memory_space<vmem>> -> memref<1x80xi32, #tpu.memory_space<vmem>>
        %dma_start3A_161 = tpu.memref_squeeze %dma_start3A_160 : memref<1x80xi32, #tpu.memory_space<vmem>> -> memref<80xi32, #tpu.memory_space<vmem>>
        %dma_start3A_162 = arith.constant 0 : i32
        %dma_start3A_163 = arith.constant 0 : i32
        %dma_start3A_164 = tpu.memref_slice %arg10[%dma_start3A_162, %dma_start3A_163] : memref<10000x128xf32, #tpu.memory_space<vmem_shared>> -> memref<10000x128xf32, #tpu.memory_space<vmem_shared>>
        tpu.enqueue_indirect_dma source(%dma_start3A_158 : memref<80x128xf32, #tpu.memory_space<vmem>>) target(%dma_start3A_164 : memref<10000x128xf32, #tpu.memory_space<vmem_shared>>) offsets(%dma_start3A_161 : memref<80xi32, #tpu.memory_space<vmem>>) semaphore(%run_scoped3A_155 : memref<!tpu.dma_semaphore, #tpu.memory_space<semaphore_mem>>) {add = true}
        %dma_wait3A_165 = arith.constant 80 : i32
        %dma_wait3A_166 = arith.constant 0 : i32
        %dma_wait3A_167 = tpu.memref_slice %arg9[%dma_wait3A_165, %dma_wait3A_166] : memref<240x128xf32, #tpu.memory_space<vmem>> -> memref<80x128xf32, #tpu.memory_space<vmem>>
        %dma_wait3A_168 = arith.constant 0 : i32
        %dma_wait3A_169 = tpu.memref_slice %arg8[%add3A_114, %dma_wait3A_168] : memref<125x80xi32, #tpu.memory_space<vmem>> -> memref<1x80xi32, #tpu.memory_space<vmem>>
        %dma_wait3A_170 = tpu.memref_squeeze %dma_wait3A_169 : memref<1x80xi32, #tpu.memory_space<vmem>> -> memref<80xi32, #tpu.memory_space<vmem>>
        %dma_wait3A_171 = arith.constant 0 : i32
        %dma_wait3A_172 = arith.constant 0 : i32
        %dma_wait3A_173 = tpu.memref_slice %arg10[%dma_wait3A_171, %dma_wait3A_172] : memref<10000x128xf32, #tpu.memory_space<vmem_shared>> -> memref<10000x128xf32, #tpu.memory_space<vmem_shared>>
        tpu.wait_indirect_dma semaphore(%run_scoped3A_155 : memref<!tpu.dma_semaphore, #tpu.memory_space<semaphore_mem>>) src(%dma_wait3A_167 : memref<80x128xf32, #tpu.memory_space<vmem>>) dst(%dma_wait3A_173 : memref<10000x128xf32, #tpu.memory_space<vmem_shared>>)
        tpu.yield
      }) : () -> ()
      %add3A_127 = arith.constant 3 : i32
      %add3A_128 = arith.addi %add3A_114, %add3A_127 : i32
      %lt3A_129 = arith.constant 125 : i32
      %lt3A_130 = arith.cmpi slt, %add3A_128, %lt3A_129 : i32
      %convert_element_type3A_131 = arith.extui %lt3A_130 : i1 to i32
      %cond3A_132 = arith.constant 0 : i32
      %cond3A_133 = arith.cmpi ne, %convert_element_type3A_131, %cond3A_132 : i32
      scf.if %cond3A_133 {
        %add3A_155 = arith.constant 3 : i32
        %add3A_156 = arith.addi %add3A_114, %add3A_155 : i32
        %dma_start3A_157 = arith.constant 1 : i32
        %dma_start3A_158 = arith.constant 80 : i32
        %dma_start3A_159 = arith.constant 0 : i32
        %dma_start3A_160 = tpu.memref_slice %arg9[%dma_start3A_158, %dma_start3A_159] : memref<240x128xf32, #tpu.memory_space<vmem>> -> memref<80x128xf32, #tpu.memory_space<vmem>>
        %dma_start3A_161 = arith.constant 0 : i32
        %dma_start3A_162 = tpu.memref_slice %arg7[%add3A_156, %dma_start3A_161] : memref<125x80xi32, #tpu.memory_space<vmem>> -> memref<1x80xi32, #tpu.memory_space<vmem>>
        %dma_start3A_163 = tpu.memref_squeeze %dma_start3A_162 : memref<1x80xi32, #tpu.memory_space<vmem>> -> memref<80xi32, #tpu.memory_space<vmem>>
        %dma_start3A_164 = arith.constant 0 : i32
        %dma_start3A_165 = arith.constant 0 : i32
        %dma_start3A_166 = tpu.memref_slice %arg2[%dma_start3A_164, %dma_start3A_165] : memref<10000x128xf32, #tpu.memory_space<hbm>> -> memref<10000x128xf32, #tpu.memory_space<hbm>>
        %dma_start3A_167 = tpu.memref_slice %arg11[%dma_start3A_157] : memref<3x!tpu.dma_semaphore, #tpu.memory_space<semaphore_mem>> -> memref<1x!tpu.dma_semaphore, #tpu.memory_space<semaphore_mem>>
        %dma_start3A_168 = tpu.memref_squeeze %dma_start3A_167 : memref<1x!tpu.dma_semaphore, #tpu.memory_space<semaphore_mem>> -> memref<!tpu.dma_semaphore, #tpu.memory_space<semaphore_mem>>
        tpu.enqueue_indirect_dma source(%dma_start3A_166 : memref<10000x128xf32, #tpu.memory_space<hbm>>) target(%dma_start3A_160 : memref<80x128xf32, #tpu.memory_space<vmem>>) offsets(%dma_start3A_163 : memref<80xi32, #tpu.memory_space<vmem>>) semaphore(%dma_start3A_168 : memref<!tpu.dma_semaphore, #tpu.memory_space<semaphore_mem>>)
      } else {
      }
      %add3A_134 = arith.constant 2 : i32
      %add3A_135 = arith.addi %mul3A_92, %add3A_134 : i32
      %dma_wait3A_136 = arith.constant 2 : i32
      %dma_wait3A_137 = arith.constant 160 : i32
      %dma_wait3A_138 = arith.constant 0 : i32
      %dma_wait3A_139 = tpu.memref_slice %arg9[%dma_wait3A_137, %dma_wait3A_138] : memref<240x128xf32, #tpu.memory_space<vmem>> -> memref<80x128xf32, #tpu.memory_space<vmem>>
      %dma_wait3A_140 = arith.constant 0 : i32
      %dma_wait3A_141 = tpu.memref_slice %arg7[%add3A_135, %dma_wait3A_140] : memref<125x80xi32, #tpu.memory_space<vmem>> -> memref<1x80xi32, #tpu.memory_space<vmem>>
      %dma_wait3A_142 = tpu.memref_squeeze %dma_wait3A_141 : memref<1x80xi32, #tpu.memory_space<vmem>> -> memref<80xi32, #tpu.memory_space<vmem>>
      %dma_wait3A_143 = arith.constant 0 : i32
      %dma_wait3A_144 = arith.constant 0 : i32
      %dma_wait3A_145 = tpu.memref_slice %arg2[%dma_wait3A_143, %dma_wait3A_144] : memref<10000x128xf32, #tpu.memory_space<hbm>> -> memref<10000x128xf32, #tpu.memory_space<hbm>>
      %dma_wait3A_146 = tpu.memref_slice %arg11[%dma_wait3A_136] : memref<3x!tpu.dma_semaphore, #tpu.memory_space<semaphore_mem>> -> memref<1x!tpu.dma_semaphore, #tpu.memory_space<semaphore_mem>>
      %dma_wait3A_147 = tpu.memref_squeeze %dma_wait3A_146 : memref<1x!tpu.dma_semaphore, #tpu.memory_space<semaphore_mem>> -> memref<!tpu.dma_semaphore, #tpu.memory_space<semaphore_mem>>
      tpu.wait_indirect_dma semaphore(%dma_wait3A_147 : memref<!tpu.dma_semaphore, #tpu.memory_space<semaphore_mem>>) src(%dma_wait3A_145 : memref<10000x128xf32, #tpu.memory_space<hbm>>) dst(%dma_wait3A_139 : memref<80x128xf32, #tpu.memory_space<vmem>>)
      "tpu.region"() ({
        %run_scoped3A_155 = tpu.sem_alloc : memref<!tpu.dma_semaphore, #tpu.memory_space<semaphore_mem>>
        %dma_start3A_156 = arith.constant 160 : i32
        %dma_start3A_157 = arith.constant 0 : i32
        %dma_start3A_158 = tpu.memref_slice %arg9[%dma_start3A_156, %dma_start3A_157] : memref<240x128xf32, #tpu.memory_space<vmem>> -> memref<80x128xf32, #tpu.memory_space<vmem>>
        %dma_start3A_159 = arith.constant 0 : i32
        %dma_start3A_160 = tpu.memref_slice %arg8[%add3A_135, %dma_start3A_159] : memref<125x80xi32, #tpu.memory_space<vmem>> -> memref<1x80xi32, #tpu.memory_space<vmem>>
        %dma_start3A_161 = tpu.memref_squeeze %dma_start3A_160 : memref<1x80xi32, #tpu.memory_space<vmem>> -> memref<80xi32, #tpu.memory_space<vmem>>
        %dma_start3A_162 = arith.constant 0 : i32
        %dma_start3A_163 = arith.constant 0 : i32
        %dma_start3A_164 = tpu.memref_slice %arg10[%dma_start3A_162, %dma_start3A_163] : memref<10000x128xf32, #tpu.memory_space<vmem_shared>> -> memref<10000x128xf32, #tpu.memory_space<vmem_shared>>
        tpu.enqueue_indirect_dma source(%dma_start3A_158 : memref<80x128xf32, #tpu.memory_space<vmem>>) target(%dma_start3A_164 : memref<10000x128xf32, #tpu.memory_space<vmem_shared>>) offsets(%dma_start3A_161 : memref<80xi32, #tpu.memory_space<vmem>>) semaphore(%run_scoped3A_155 : memref<!tpu.dma_semaphore, #tpu.memory_space<semaphore_mem>>) {add = true}
        %dma_wait3A_165 = arith.constant 160 : i32
        %dma_wait3A_166 = arith.constant 0 : i32
        %dma_wait3A_167 = tpu.memref_slice %arg9[%dma_wait3A_165, %dma_wait3A_166] : memref<240x128xf32, #tpu.memory_space<vmem>> -> memref<80x128xf32, #tpu.memory_space<vmem>>
        %dma_wait3A_168 = arith.constant 0 : i32
        %dma_wait3A_169 = tpu.memref_slice %arg8[%add3A_135, %dma_wait3A_168] : memref<125x80xi32, #tpu.memory_space<vmem>> -> memref<1x80xi32, #tpu.memory_space<vmem>>
        %dma_wait3A_170 = tpu.memref_squeeze %dma_wait3A_169 : memref<1x80xi32, #tpu.memory_space<vmem>> -> memref<80xi32, #tpu.memory_space<vmem>>
        %dma_wait3A_171 = arith.constant 0 : i32
        %dma_wait3A_172 = arith.constant 0 : i32
        %dma_wait3A_173 = tpu.memref_slice %arg10[%dma_wait3A_171, %dma_wait3A_172] : memref<10000x128xf32, #tpu.memory_space<vmem_shared>> -> memref<10000x128xf32, #tpu.memory_space<vmem_shared>>
        tpu.wait_indirect_dma semaphore(%run_scoped3A_155 : memref<!tpu.dma_semaphore, #tpu.memory_space<semaphore_mem>>) src(%dma_wait3A_167 : memref<80x128xf32, #tpu.memory_space<vmem>>) dst(%dma_wait3A_173 : memref<10000x128xf32, #tpu.memory_space<vmem_shared>>)
        tpu.yield
      }) : () -> ()
      %add3A_148 = arith.constant 3 : i32
      %add3A_149 = arith.addi %add3A_135, %add3A_148 : i32
      %lt3A_150 = arith.constant 125 : i32
      %lt3A_151 = arith.cmpi slt, %add3A_149, %lt3A_150 : i32
      %convert_element_type3A_152 = arith.extui %lt3A_151 : i1 to i32
      %cond3A_153 = arith.constant 0 : i32
      %cond3A_154 = arith.cmpi ne, %convert_element_type3A_152, %cond3A_153 : i32
      scf.if %cond3A_154 {
        %add3A_155 = arith.constant 3 : i32
        %add3A_156 = arith.addi %add3A_135, %add3A_155 : i32
        %dma_start3A_157 = arith.constant 2 : i32
        %dma_start3A_158 = arith.constant 160 : i32
        %dma_start3A_159 = arith.constant 0 : i32
        %dma_start3A_160 = tpu.memref_slice %arg9[%dma_start3A_158, %dma_start3A_159] : memref<240x128xf32, #tpu.memory_space<vmem>> -> memref<80x128xf32, #tpu.memory_space<vmem>>
        %dma_start3A_161 = arith.constant 0 : i32
        %dma_start3A_162 = tpu.memref_slice %arg7[%add3A_156, %dma_start3A_161] : memref<125x80xi32, #tpu.memory_space<vmem>> -> memref<1x80xi32, #tpu.memory_space<vmem>>
        %dma_start3A_163 = tpu.memref_squeeze %dma_start3A_162 : memref<1x80xi32, #tpu.memory_space<vmem>> -> memref<80xi32, #tpu.memory_space<vmem>>
        %dma_start3A_164 = arith.constant 0 : i32
        %dma_start3A_165 = arith.constant 0 : i32
        %dma_start3A_166 = tpu.memref_slice %arg2[%dma_start3A_164, %dma_start3A_165] : memref<10000x128xf32, #tpu.memory_space<hbm>> -> memref<10000x128xf32, #tpu.memory_space<hbm>>
        %dma_start3A_167 = tpu.memref_slice %arg11[%dma_start3A_157] : memref<3x!tpu.dma_semaphore, #tpu.memory_space<semaphore_mem>> -> memref<1x!tpu.dma_semaphore, #tpu.memory_space<semaphore_mem>>
        %dma_start3A_168 = tpu.memref_squeeze %dma_start3A_167 : memref<1x!tpu.dma_semaphore, #tpu.memory_space<semaphore_mem>> -> memref<!tpu.dma_semaphore, #tpu.memory_space<semaphore_mem>>
        tpu.enqueue_indirect_dma source(%dma_start3A_166 : memref<10000x128xf32, #tpu.memory_space<hbm>>) target(%dma_start3A_160 : memref<80x128xf32, #tpu.memory_space<vmem>>) offsets(%dma_start3A_163 : memref<80xi32, #tpu.memory_space<vmem>>) semaphore(%dma_start3A_168 : memref<!tpu.dma_semaphore, #tpu.memory_space<semaphore_mem>>)
      } else {
      }
    }
    %scan3A_52 = arith.constant 41 : i32
    %dma_wait3A = arith.constant 123 : i32
    %dma_wait3A_53 = arith.constant 0 : i32
    %dma_wait3A_54 = arith.constant 0 : i32
    %dma_wait3A_55 = arith.constant 0 : i32
    %dma_wait3A_56 = tpu.memref_slice %arg9[%dma_wait3A_54, %dma_wait3A_55] : memref<240x128xf32, #tpu.memory_space<vmem>> -> memref<80x128xf32, #tpu.memory_space<vmem>>
    %dma_wait3A_57 = arith.constant 0 : i32
    %dma_wait3A_58 = tpu.memref_slice %arg7[%dma_wait3A, %dma_wait3A_57] : memref<125x80xi32, #tpu.memory_space<vmem>> -> memref<1x80xi32, #tpu.memory_space<vmem>>
    %dma_wait3A_59 = tpu.memref_squeeze %dma_wait3A_58 : memref<1x80xi32, #tpu.memory_space<vmem>> -> memref<80xi32, #tpu.memory_space<vmem>>
    %dma_wait3A_60 = arith.constant 0 : i32
    %dma_wait3A_61 = arith.constant 0 : i32
    %dma_wait3A_62 = tpu.memref_slice %arg2[%dma_wait3A_60, %dma_wait3A_61] : memref<10000x128xf32, #tpu.memory_space<hbm>> -> memref<10000x128xf32, #tpu.memory_space<hbm>>
    %dma_wait3A_63 = tpu.memref_slice %arg11[%dma_wait3A_53] : memref<3x!tpu.dma_semaphore, #tpu.memory_space<semaphore_mem>> -> memref<1x!tpu.dma_semaphore, #tpu.memory_space<semaphore_mem>>
    %dma_wait3A_64 = tpu.memref_squeeze %dma_wait3A_63 : memref<1x!tpu.dma_semaphore, #tpu.memory_space<semaphore_mem>> -> memref<!tpu.dma_semaphore, #tpu.memory_space<semaphore_mem>>
    tpu.wait_indirect_dma semaphore(%dma_wait3A_64 : memref<!tpu.dma_semaphore, #tpu.memory_space<semaphore_mem>>) src(%dma_wait3A_62 : memref<10000x128xf32, #tpu.memory_space<hbm>>) dst(%dma_wait3A_56 : memref<80x128xf32, #tpu.memory_space<vmem>>)
    %run_scoped3A = arith.constant 123 : i32
    "tpu.region"() ({
      %run_scoped3A_90 = tpu.sem_alloc : memref<!tpu.dma_semaphore, #tpu.memory_space<semaphore_mem>>
      %dma_start3A_91 = arith.constant 0 : i32
      %dma_start3A_92 = arith.constant 0 : i32
      %dma_start3A_93 = tpu.memref_slice %arg9[%dma_start3A_91, %dma_start3A_92] : memref<240x128xf32, #tpu.memory_space<vmem>> -> memref<80x128xf32, #tpu.memory_space<vmem>>
      %dma_start3A_94 = arith.constant 0 : i32
      %dma_start3A_95 = tpu.memref_slice %arg8[%run_scoped3A, %dma_start3A_94] : memref<125x80xi32, #tpu.memory_space<vmem>> -> memref<1x80xi32, #tpu.memory_space<vmem>>
      %dma_start3A_96 = tpu.memref_squeeze %dma_start3A_95 : memref<1x80xi32, #tpu.memory_space<vmem>> -> memref<80xi32, #tpu.memory_space<vmem>>
      %dma_start3A_97 = arith.constant 0 : i32
      %dma_start3A_98 = arith.constant 0 : i32
      %dma_start3A_99 = tpu.memref_slice %arg10[%dma_start3A_97, %dma_start3A_98] : memref<10000x128xf32, #tpu.memory_space<vmem_shared>> -> memref<10000x128xf32, #tpu.memory_space<vmem_shared>>
      tpu.enqueue_indirect_dma source(%dma_start3A_93 : memref<80x128xf32, #tpu.memory_space<vmem>>) target(%dma_start3A_99 : memref<10000x128xf32, #tpu.memory_space<vmem_shared>>) offsets(%dma_start3A_96 : memref<80xi32, #tpu.memory_space<vmem>>) semaphore(%run_scoped3A_90 : memref<!tpu.dma_semaphore, #tpu.memory_space<semaphore_mem>>) {add = true}
      %dma_wait3A_100 = arith.constant 0 : i32
      %dma_wait3A_101 = arith.constant 0 : i32
      %dma_wait3A_102 = tpu.memref_slice %arg9[%dma_wait3A_100, %dma_wait3A_101] : memref<240x128xf32, #tpu.memory_space<vmem>> -> memref<80x128xf32, #tpu.memory_space<vmem>>
      %dma_wait3A_103 = arith.constant 0 : i32
      %dma_wait3A_104 = tpu.memref_slice %arg8[%run_scoped3A, %dma_wait3A_103] : memref<125x80xi32, #tpu.memory_space<vmem>> -> memref<1x80xi32, #tpu.memory_space<vmem>>
      %dma_wait3A_105 = tpu.memref_squeeze %dma_wait3A_104 : memref<1x80xi32, #tpu.memory_space<vmem>> -> memref<80xi32, #tpu.memory_space<vmem>>
      %dma_wait3A_106 = arith.constant 0 : i32
      %dma_wait3A_107 = arith.constant 0 : i32
      %dma_wait3A_108 = tpu.memref_slice %arg10[%dma_wait3A_106, %dma_wait3A_107] : memref<10000x128xf32, #tpu.memory_space<vmem_shared>> -> memref<10000x128xf32, #tpu.memory_space<vmem_shared>>
      tpu.wait_indirect_dma semaphore(%run_scoped3A_90 : memref<!tpu.dma_semaphore, #tpu.memory_space<semaphore_mem>>) src(%dma_wait3A_102 : memref<80x128xf32, #tpu.memory_space<vmem>>) dst(%dma_wait3A_108 : memref<10000x128xf32, #tpu.memory_space<vmem_shared>>)
      tpu.yield
    }) : () -> ()
    %dma_wait3A_65 = arith.constant 124 : i32
    %dma_wait3A_66 = arith.constant 1 : i32
    %dma_wait3A_67 = arith.constant 80 : i32
    %dma_wait3A_68 = arith.constant 0 : i32
    %dma_wait3A_69 = tpu.memref_slice %arg9[%dma_wait3A_67, %dma_wait3A_68] : memref<240x128xf32, #tpu.memory_space<vmem>> -> memref<80x128xf32, #tpu.memory_space<vmem>>
    %dma_wait3A_70 = arith.constant 0 : i32
    %dma_wait3A_71 = tpu.memref_slice %arg7[%dma_wait3A_65, %dma_wait3A_70] : memref<125x80xi32, #tpu.memory_space<vmem>> -> memref<1x80xi32, #tpu.memory_space<vmem>>
    %dma_wait3A_72 = tpu.memref_squeeze %dma_wait3A_71 : memref<1x80xi32, #tpu.memory_space<vmem>> -> memref<80xi32, #tpu.memory_space<vmem>>
    %dma_wait3A_73 = arith.constant 0 : i32
    %dma_wait3A_74 = arith.constant 0 : i32
    %dma_wait3A_75 = tpu.memref_slice %arg2[%dma_wait3A_73, %dma_wait3A_74] : memref<10000x128xf32, #tpu.memory_space<hbm>> -> memref<10000x128xf32, #tpu.memory_space<hbm>>
    %dma_wait3A_76 = tpu.memref_slice %arg11[%dma_wait3A_66] : memref<3x!tpu.dma_semaphore, #tpu.memory_space<semaphore_mem>> -> memref<1x!tpu.dma_semaphore, #tpu.memory_space<semaphore_mem>>
    %dma_wait3A_77 = tpu.memref_squeeze %dma_wait3A_76 : memref<1x!tpu.dma_semaphore, #tpu.memory_space<semaphore_mem>> -> memref<!tpu.dma_semaphore, #tpu.memory_space<semaphore_mem>>
    tpu.wait_indirect_dma semaphore(%dma_wait3A_77 : memref<!tpu.dma_semaphore, #tpu.memory_space<semaphore_mem>>) src(%dma_wait3A_75 : memref<10000x128xf32, #tpu.memory_space<hbm>>) dst(%dma_wait3A_69 : memref<80x128xf32, #tpu.memory_space<vmem>>)
    %run_scoped3A_78 = arith.constant 124 : i32
    "tpu.region"() ({
      %run_scoped3A_90 = tpu.sem_alloc : memref<!tpu.dma_semaphore, #tpu.memory_space<semaphore_mem>>
      %dma_start3A_91 = arith.constant 80 : i32
      %dma_start3A_92 = arith.constant 0 : i32
      %dma_start3A_93 = tpu.memref_slice %arg9[%dma_start3A_91, %dma_start3A_92] : memref<240x128xf32, #tpu.memory_space<vmem>> -> memref<80x128xf32, #tpu.memory_space<vmem>>
      %dma_start3A_94 = arith.constant 0 : i32
      %dma_start3A_95 = tpu.memref_slice %arg8[%run_scoped3A_78, %dma_start3A_94] : memref<125x80xi32, #tpu.memory_space<vmem>> -> memref<1x80xi32, #tpu.memory_space<vmem>>
      %dma_start3A_96 = tpu.memref_squeeze %dma_start3A_95 : memref<1x80xi32, #tpu.memory_space<vmem>> -> memref<80xi32, #tpu.memory_space<vmem>>
      %dma_start3A_97 = arith.constant 0 : i32
      %dma_start3A_98 = arith.constant 0 : i32
      %dma_start3A_99 = tpu.memref_slice %arg10[%dma_start3A_97, %dma_start3A_98] : memref<10000x128xf32, #tpu.memory_space<vmem_shared>> -> memref<10000x128xf32, #tpu.memory_space<vmem_shared>>
      tpu.enqueue_indirect_dma source(%dma_start3A_93 : memref<80x128xf32, #tpu.memory_space<vmem>>) target(%dma_start3A_99 : memref<10000x128xf32, #tpu.memory_space<vmem_shared>>) offsets(%dma_start3A_96 : memref<80xi32, #tpu.memory_space<vmem>>) semaphore(%run_scoped3A_90 : memref<!tpu.dma_semaphore, #tpu.memory_space<semaphore_mem>>) {add = true}
      %dma_wait3A_100 = arith.constant 80 : i32
      %dma_wait3A_101 = arith.constant 0 : i32
      %dma_wait3A_102 = tpu.memref_slice %arg9[%dma_wait3A_100, %dma_wait3A_101] : memref<240x128xf32, #tpu.memory_space<vmem>> -> memref<80x128xf32, #tpu.memory_space<vmem>>
      %dma_wait3A_103 = arith.constant 0 : i32
      %dma_wait3A_104 = tpu.memref_slice %arg8[%run_scoped3A_78, %dma_wait3A_103] : memref<125x80xi32, #tpu.memory_space<vmem>> -> memref<1x80xi32, #tpu.memory_space<vmem>>
      %dma_wait3A_105 = tpu.memref_squeeze %dma_wait3A_104 : memref<1x80xi32, #tpu.memory_space<vmem>> -> memref<80xi32, #tpu.memory_space<vmem>>
      %dma_wait3A_106 = arith.constant 0 : i32
      %dma_wait3A_107 = arith.constant 0 : i32
      %dma_wait3A_108 = tpu.memref_slice %arg10[%dma_wait3A_106, %dma_wait3A_107] : memref<10000x128xf32, #tpu.memory_space<vmem_shared>> -> memref<10000x128xf32, #tpu.memory_space<vmem_shared>>
      tpu.wait_indirect_dma semaphore(%run_scoped3A_90 : memref<!tpu.dma_semaphore, #tpu.memory_space<semaphore_mem>>) src(%dma_wait3A_102 : memref<80x128xf32, #tpu.memory_space<vmem>>) dst(%dma_wait3A_108 : memref<10000x128xf32, #tpu.memory_space<vmem_shared>>)
      tpu.yield
    }) : () -> ()
    %barrier3A_79 = arith.constant 0 : index
    tpu.barrier barrier_id(%barrier3A_79)
    %eq3A_80 = arith.constant 0 : i32
    %eq3A_81 = arith.cmpi eq, %arg0, %eq3A_80 : i32
    %convert_element_type3A_82 = arith.extui %eq3A_81 : i1 to i32
    %cond3A_83 = arith.constant 0 : i32
    %cond3A_84 = arith.cmpi ne, %convert_element_type3A_82, %cond3A_83 : i32
    scf.if %cond3A_84 {
      %add3A_90 = arith.constant 0 : i32
      %add3A_91 = arith.addi %mul3A_2, %add3A_90 : i32
      "tpu.region"() ({
        %run_scoped3A_102 = tpu.sem_alloc : memref<!tpu.dma_semaphore, #tpu.memory_space<semaphore_mem>>
        %dma_start3A_103 = arith.constant 0 : i32
        %dma_start3A_104 = arith.constant 0 : i32
        %dma_start3A_105 = tpu.memref_slice %arg9[%dma_start3A_103, %dma_start3A_104] : memref<240x128xf32, #tpu.memory_space<vmem>> -> memref<240x128xf32, #tpu.memory_space<vmem>>
        %dma_start3A_106 = arith.constant 0 : i32
        %dma_start3A_107 = tpu.memref_slice %arg10[%add3A_91, %dma_start3A_106] : memref<10000x128xf32, #tpu.memory_space<vmem_shared>> -> memref<240x128xf32, #tpu.memory_space<vmem_shared>>
        %dma_start3A_108 = arith.constant 0 : i32
        %dma_start3A_109 = arith.constant 0 : i32
        %dma_start3A_110 = tpu.memref_slice %arg9[%dma_start3A_108, %dma_start3A_109] : memref<240x128xf32, #tpu.memory_space<vmem>> -> memref<240x128xf32, #tpu.memory_space<vmem>>
        %dma_start3A_111 = arith.constant 0 : i32
        %dma_start3A_112 = tpu.memref_slice %arg10[%add3A_91, %dma_start3A_111] : memref<10000x128xf32, #tpu.memory_space<vmem_shared>> -> memref<240x128xf32, #tpu.memory_space<vmem_shared>>
        tpu.enqueue_dma source(%dma_start3A_112 : memref<240x128xf32, #tpu.memory_space<vmem_shared>>) target(%dma_start3A_110 : memref<240x128xf32, #tpu.memory_space<vmem>>) target_semaphore(%run_scoped3A_102 : memref<!tpu.dma_semaphore, #tpu.memory_space<semaphore_mem>>)
        %dma_wait3A_113 = arith.constant 0 : i32
        %dma_wait3A_114 = arith.constant 0 : i32
        %dma_wait3A_115 = tpu.memref_slice %arg9[%dma_wait3A_113, %dma_wait3A_114] : memref<240x128xf32, #tpu.memory_space<vmem>> -> memref<240x128xf32, #tpu.memory_space<vmem>>
        %dma_wait3A_116 = arith.constant 0 : i32
        %dma_wait3A_117 = tpu.memref_slice %arg10[%add3A_91, %dma_wait3A_116] : memref<10000x128xf32, #tpu.memory_space<vmem_shared>> -> memref<240x128xf32, #tpu.memory_space<vmem_shared>>
        %dma_wait3A_118 = arith.constant 0 : i32
        %dma_wait3A_119 = arith.constant 0 : i32
        %dma_wait3A_120 = tpu.memref_slice %arg9[%dma_wait3A_118, %dma_wait3A_119] : memref<240x128xf32, #tpu.memory_space<vmem>> -> memref<240x128xf32, #tpu.memory_space<vmem>>
        %dma_wait3A_121 = arith.constant 0 : i32
        %dma_wait3A_122 = tpu.memref_slice %arg10[%add3A_91, %dma_wait3A_121] : memref<10000x128xf32, #tpu.memory_space<vmem_shared>> -> memref<240x128xf32, #tpu.memory_space<vmem_shared>>
        tpu.wait_dma2 semaphore(%run_scoped3A_102 : memref<!tpu.dma_semaphore, #tpu.memory_space<semaphore_mem>>) src(%dma_wait3A_122 : memref<240x128xf32, #tpu.memory_space<vmem_shared>>) dst(%dma_wait3A_120 : memref<240x128xf32, #tpu.memory_space<vmem>>)
        tpu.yield
      }) : () -> ()
      %add3A_92 = arith.constant 0 : i32
      %add3A_93 = arith.addi %mul3A_2, %add3A_92 : i32
      "tpu.region"() ({
        %run_scoped3A_102 = tpu.sem_alloc : memref<!tpu.dma_semaphore, #tpu.memory_space<semaphore_mem>>
        %dma_start3A_103 = arith.constant 0 : i32
        %dma_start3A_104 = arith.constant 0 : i32
        %dma_start3A_105 = tpu.memref_slice %arg9[%dma_start3A_103, %dma_start3A_104] : memref<240x128xf32, #tpu.memory_space<vmem>> -> memref<240x128xf32, #tpu.memory_space<vmem>>
        %dma_start3A_106 = arith.constant 0 : i32
        %dma_start3A_107 = tpu.memref_slice %arg5[%add3A_93, %dma_start3A_106] : memref<10000x128xf32, #tpu.memory_space<hbm>> -> memref<240x128xf32, #tpu.memory_space<hbm>>
        %dma_start3A_108 = arith.constant 0 : i32
        %dma_start3A_109 = tpu.memref_slice %arg5[%add3A_93, %dma_start3A_108] : memref<10000x128xf32, #tpu.memory_space<hbm>> -> memref<240x128xf32, #tpu.memory_space<hbm>>
        %dma_start3A_110 = arith.constant 0 : i32
        %dma_start3A_111 = arith.constant 0 : i32
        %dma_start3A_112 = tpu.memref_slice %arg9[%dma_start3A_110, %dma_start3A_111] : memref<240x128xf32, #tpu.memory_space<vmem>> -> memref<240x128xf32, #tpu.memory_space<vmem>>
        tpu.enqueue_dma source(%dma_start3A_112 : memref<240x128xf32, #tpu.memory_space<vmem>>) target(%dma_start3A_109 : memref<240x128xf32, #tpu.memory_space<hbm>>) target_semaphore(%run_scoped3A_102 : memref<!tpu.dma_semaphore, #tpu.memory_space<semaphore_mem>>)
        %dma_wait3A_113 = arith.constant 0 : i32
        %dma_wait3A_114 = arith.constant 0 : i32
        %dma_wait3A_115 = tpu.memref_slice %arg9[%dma_wait3A_113, %dma_wait3A_114] : memref<240x128xf32, #tpu.memory_space<vmem>> -> memref<240x128xf32, #tpu.memory_space<vmem>>
        %dma_wait3A_116 = arith.constant 0 : i32
        %dma_wait3A_117 = tpu.memref_slice %arg5[%add3A_93, %dma_wait3A_116] : memref<10000x128xf32, #tpu.memory_space<hbm>> -> memref<240x128xf32, #tpu.memory_space<hbm>>
        %dma_wait3A_118 = arith.constant 0 : i32
        %dma_wait3A_119 = tpu.memref_slice %arg5[%add3A_93, %dma_wait3A_118] : memref<10000x128xf32, #tpu.memory_space<hbm>> -> memref<240x128xf32, #tpu.memory_space<hbm>>
        %dma_wait3A_120 = arith.constant 0 : i32
        %dma_wait3A_121 = arith.constant 0 : i32
        %dma_wait3A_122 = tpu.memref_slice %arg9[%dma_wait3A_120, %dma_wait3A_121] : memref<240x128xf32, #tpu.memory_space<vmem>> -> memref<240x128xf32, #tpu.memory_space<vmem>>
        tpu.wait_dma2 semaphore(%run_scoped3A_102 : memref<!tpu.dma_semaphore, #tpu.memory_space<semaphore_mem>>) src(%dma_wait3A_122 : memref<240x128xf32, #tpu.memory_space<vmem>>) dst(%dma_wait3A_119 : memref<240x128xf32, #tpu.memory_space<hbm>>)
        tpu.yield
      }) : () -> ()
      %add3A_94 = arith.constant 240 : i32
      %add3A_95 = arith.addi %mul3A_2, %add3A_94 : i32
      "tpu.region"() ({
        %run_scoped3A_102 = tpu.sem_alloc : memref<!tpu.dma_semaphore, #tpu.memory_space<semaphore_mem>>
        %dma_start3A_103 = arith.constant 0 : i32
        %dma_start3A_104 = arith.constant 0 : i32
        %dma_start3A_105 = tpu.memref_slice %arg9[%dma_start3A_103, %dma_start3A_104] : memref<240x128xf32, #tpu.memory_space<vmem>> -> memref<240x128xf32, #tpu.memory_space<vmem>>
        %dma_start3A_106 = arith.constant 0 : i32
        %dma_start3A_107 = tpu.memref_slice %arg10[%add3A_95, %dma_start3A_106] : memref<10000x128xf32, #tpu.memory_space<vmem_shared>> -> memref<240x128xf32, #tpu.memory_space<vmem_shared>>
        %dma_start3A_108 = arith.constant 0 : i32
        %dma_start3A_109 = arith.constant 0 : i32
        %dma_start3A_110 = tpu.memref_slice %arg9[%dma_start3A_108, %dma_start3A_109] : memref<240x128xf32, #tpu.memory_space<vmem>> -> memref<240x128xf32, #tpu.memory_space<vmem>>
        %dma_start3A_111 = arith.constant 0 : i32
        %dma_start3A_112 = tpu.memref_slice %arg10[%add3A_95, %dma_start3A_111] : memref<10000x128xf32, #tpu.memory_space<vmem_shared>> -> memref<240x128xf32, #tpu.memory_space<vmem_shared>>
        tpu.enqueue_dma source(%dma_start3A_112 : memref<240x128xf32, #tpu.memory_space<vmem_shared>>) target(%dma_start3A_110 : memref<240x128xf32, #tpu.memory_space<vmem>>) target_semaphore(%run_scoped3A_102 : memref<!tpu.dma_semaphore, #tpu.memory_space<semaphore_mem>>)
        %dma_wait3A_113 = arith.constant 0 : i32
        %dma_wait3A_114 = arith.constant 0 : i32
        %dma_wait3A_115 = tpu.memref_slice %arg9[%dma_wait3A_113, %dma_wait3A_114] : memref<240x128xf32, #tpu.memory_space<vmem>> -> memref<240x128xf32, #tpu.memory_space<vmem>>
        %dma_wait3A_116 = arith.constant 0 : i32
        %dma_wait3A_117 = tpu.memref_slice %arg10[%add3A_95, %dma_wait3A_116] : memref<10000x128xf32, #tpu.memory_space<vmem_shared>> -> memref<240x128xf32, #tpu.memory_space<vmem_shared>>
        %dma_wait3A_118 = arith.constant 0 : i32
        %dma_wait3A_119 = arith.constant 0 : i32
        %dma_wait3A_120 = tpu.memref_slice %arg9[%dma_wait3A_118, %dma_wait3A_119] : memref<240x128xf32, #tpu.memory_space<vmem>> -> memref<240x128xf32, #tpu.memory_space<vmem>>
        %dma_wait3A_121 = arith.constant 0 : i32
        %dma_wait3A_122 = tpu.memref_slice %arg10[%add3A_95, %dma_wait3A_121] : memref<10000x128xf32, #tpu.memory_space<vmem_shared>> -> memref<240x128xf32, #tpu.memory_space<vmem_shared>>
        tpu.wait_dma2 semaphore(%run_scoped3A_102 : memref<!tpu.dma_semaphore, #tpu.memory_space<semaphore_mem>>) src(%dma_wait3A_122 : memref<240x128xf32, #tpu.memory_space<vmem_shared>>) dst(%dma_wait3A_120 : memref<240x128xf32, #tpu.memory_space<vmem>>)
        tpu.yield
      }) : () -> ()
      %add3A_96 = arith.constant 240 : i32
      %add3A_97 = arith.addi %mul3A_2, %add3A_96 : i32
      "tpu.region"() ({
        %run_scoped3A_102 = tpu.sem_alloc : memref<!tpu.dma_semaphore, #tpu.memory_space<semaphore_mem>>
        %dma_start3A_103 = arith.constant 0 : i32
        %dma_start3A_104 = arith.constant 0 : i32
        %dma_start3A_105 = tpu.memref_slice %arg9[%dma_start3A_103, %dma_start3A_104] : memref<240x128xf32, #tpu.memory_space<vmem>> -> memref<240x128xf32, #tpu.memory_space<vmem>>
        %dma_start3A_106 = arith.constant 0 : i32
        %dma_start3A_107 = tpu.memref_slice %arg5[%add3A_97, %dma_start3A_106] : memref<10000x128xf32, #tpu.memory_space<hbm>> -> memref<240x128xf32, #tpu.memory_space<hbm>>
        %dma_start3A_108 = arith.constant 0 : i32
        %dma_start3A_109 = tpu.memref_slice %arg5[%add3A_97, %dma_start3A_108] : memref<10000x128xf32, #tpu.memory_space<hbm>> -> memref<240x128xf32, #tpu.memory_space<hbm>>
        %dma_start3A_110 = arith.constant 0 : i32
        %dma_start3A_111 = arith.constant 0 : i32
        %dma_start3A_112 = tpu.memref_slice %arg9[%dma_start3A_110, %dma_start3A_111] : memref<240x128xf32, #tpu.memory_space<vmem>> -> memref<240x128xf32, #tpu.memory_space<vmem>>
        tpu.enqueue_dma source(%dma_start3A_112 : memref<240x128xf32, #tpu.memory_space<vmem>>) target(%dma_start3A_109 : memref<240x128xf32, #tpu.memory_space<hbm>>) target_semaphore(%run_scoped3A_102 : memref<!tpu.dma_semaphore, #tpu.memory_space<semaphore_mem>>)
        %dma_wait3A_113 = arith.constant 0 : i32
        %dma_wait3A_114 = arith.constant 0 : i32
        %dma_wait3A_115 = tpu.memref_slice %arg9[%dma_wait3A_113, %dma_wait3A_114] : memref<240x128xf32, #tpu.memory_space<vmem>> -> memref<240x128xf32, #tpu.memory_space<vmem>>
        %dma_wait3A_116 = arith.constant 0 : i32
        %dma_wait3A_117 = tpu.memref_slice %arg5[%add3A_97, %dma_wait3A_116] : memref<10000x128xf32, #tpu.memory_space<hbm>> -> memref<240x128xf32, #tpu.memory_space<hbm>>
        %dma_wait3A_118 = arith.constant 0 : i32
        %dma_wait3A_119 = tpu.memref_slice %arg5[%add3A_97, %dma_wait3A_118] : memref<10000x128xf32, #tpu.memory_space<hbm>> -> memref<240x128xf32, #tpu.memory_space<hbm>>
        %dma_wait3A_120 = arith.constant 0 : i32
        %dma_wait3A_121 = arith.constant 0 : i32
        %dma_wait3A_122 = tpu.memref_slice %arg9[%dma_wait3A_120, %dma_wait3A_121] : memref<240x128xf32, #tpu.memory_space<vmem>> -> memref<240x128xf32, #tpu.memory_space<vmem>>
        tpu.wait_dma2 semaphore(%run_scoped3A_102 : memref<!tpu.dma_semaphore, #tpu.memory_space<semaphore_mem>>) src(%dma_wait3A_122 : memref<240x128xf32, #tpu.memory_space<vmem>>) dst(%dma_wait3A_119 : memref<240x128xf32, #tpu.memory_space<hbm>>)
        tpu.yield
      }) : () -> ()
      %add3A_98 = arith.constant 480 : i32
      %add3A_99 = arith.addi %mul3A_2, %add3A_98 : i32
      "tpu.region"() ({
        %run_scoped3A_102 = tpu.sem_alloc : memref<!tpu.dma_semaphore, #tpu.memory_space<semaphore_mem>>
        %dma_start3A_103 = arith.constant 0 : i32
        %dma_start3A_104 = arith.constant 0 : i32
        %dma_start3A_105 = tpu.memref_slice %arg9[%dma_start3A_103, %dma_start3A_104] : memref<240x128xf32, #tpu.memory_space<vmem>> -> memref<145x128xf32, #tpu.memory_space<vmem>>
        %dma_start3A_106 = arith.constant 0 : i32
        %dma_start3A_107 = tpu.memref_slice %arg10[%add3A_99, %dma_start3A_106] : memref<10000x128xf32, #tpu.memory_space<vmem_shared>> -> memref<145x128xf32, #tpu.memory_space<vmem_shared>>
        %dma_start3A_108 = arith.constant 0 : i32
        %dma_start3A_109 = arith.constant 0 : i32
        %dma_start3A_110 = tpu.memref_slice %arg9[%dma_start3A_108, %dma_start3A_109] : memref<240x128xf32, #tpu.memory_space<vmem>> -> memref<145x128xf32, #tpu.memory_space<vmem>>
        %dma_start3A_111 = arith.constant 0 : i32
        %dma_start3A_112 = tpu.memref_slice %arg10[%add3A_99, %dma_start3A_111] : memref<10000x128xf32, #tpu.memory_space<vmem_shared>> -> memref<145x128xf32, #tpu.memory_space<vmem_shared>>
        tpu.enqueue_dma source(%dma_start3A_112 : memref<145x128xf32, #tpu.memory_space<vmem_shared>>) target(%dma_start3A_110 : memref<145x128xf32, #tpu.memory_space<vmem>>) target_semaphore(%run_scoped3A_102 : memref<!tpu.dma_semaphore, #tpu.memory_space<semaphore_mem>>)
        %dma_wait3A_113 = arith.constant 0 : i32
        %dma_wait3A_114 = arith.constant 0 : i32
        %dma_wait3A_115 = tpu.memref_slice %arg9[%dma_wait3A_113, %dma_wait3A_114] : memref<240x128xf32, #tpu.memory_space<vmem>> -> memref<145x128xf32, #tpu.memory_space<vmem>>
        %dma_wait3A_116 = arith.constant 0 : i32
        %dma_wait3A_117 = tpu.memref_slice %arg10[%add3A_99, %dma_wait3A_116] : memref<10000x128xf32, #tpu.memory_space<vmem_shared>> -> memref<145x128xf32, #tpu.memory_space<vmem_shared>>
        %dma_wait3A_118 = arith.constant 0 : i32
        %dma_wait3A_119 = arith.constant 0 : i32
        %dma_wait3A_120 = tpu.memref_slice %arg9[%dma_wait3A_118, %dma_wait3A_119] : memref<240x128xf32, #tpu.memory_space<vmem>> -> memref<145x128xf32, #tpu.memory_space<vmem>>
        %dma_wait3A_121 = arith.constant 0 : i32
        %dma_wait3A_122 = tpu.memref_slice %arg10[%add3A_99, %dma_wait3A_121] : memref<10000x128xf32, #tpu.memory_space<vmem_shared>> -> memref<145x128xf32, #tpu.memory_space<vmem_shared>>
        tpu.wait_dma2 semaphore(%run_scoped3A_102 : memref<!tpu.dma_semaphore, #tpu.memory_space<semaphore_mem>>) src(%dma_wait3A_122 : memref<145x128xf32, #tpu.memory_space<vmem_shared>>) dst(%dma_wait3A_120 : memref<145x128xf32, #tpu.memory_space<vmem>>)
        tpu.yield
      }) : () -> ()
      %add3A_100 = arith.constant 480 : i32
      %add3A_101 = arith.addi %mul3A_2, %add3A_100 : i32
      "tpu.region"() ({
        %run_scoped3A_102 = tpu.sem_alloc : memref<!tpu.dma_semaphore, #tpu.memory_space<semaphore_mem>>
        %dma_start3A_103 = arith.constant 0 : i32
        %dma_start3A_104 = arith.constant 0 : i32
        %dma_start3A_105 = tpu.memref_slice %arg9[%dma_start3A_103, %dma_start3A_104] : memref<240x128xf32, #tpu.memory_space<vmem>> -> memref<145x128xf32, #tpu.memory_space<vmem>>
        %dma_start3A_106 = arith.constant 0 : i32
        %dma_start3A_107 = tpu.memref_slice %arg5[%add3A_101, %dma_start3A_106] : memref<10000x128xf32, #tpu.memory_space<hbm>> -> memref<145x128xf32, #tpu.memory_space<hbm>>
        %dma_start3A_108 = arith.constant 0 : i32
        %dma_start3A_109 = tpu.memref_slice %arg5[%add3A_101, %dma_start3A_108] : memref<10000x128xf32, #tpu.memory_space<hbm>> -> memref<145x128xf32, #tpu.memory_space<hbm>>
        %dma_start3A_110 = arith.constant 0 : i32
        %dma_start3A_111 = arith.constant 0 : i32
        %dma_start3A_112 = tpu.memref_slice %arg9[%dma_start3A_110, %dma_start3A_111] : memref<240x128xf32, #tpu.memory_space<vmem>> -> memref<145x128xf32, #tpu.memory_space<vmem>>
        tpu.enqueue_dma source(%dma_start3A_112 : memref<145x128xf32, #tpu.memory_space<vmem>>) target(%dma_start3A_109 : memref<145x128xf32, #tpu.memory_space<hbm>>) target_semaphore(%run_scoped3A_102 : memref<!tpu.dma_semaphore, #tpu.memory_space<semaphore_mem>>)
        %dma_wait3A_113 = arith.constant 0 : i32
        %dma_wait3A_114 = arith.constant 0 : i32
        %dma_wait3A_115 = tpu.memref_slice %arg9[%dma_wait3A_113, %dma_wait3A_114] : memref<240x128xf32, #tpu.memory_space<vmem>> -> memref<145x128xf32, #tpu.memory_space<vmem>>
        %dma_wait3A_116 = arith.constant 0 : i32
        %dma_wait3A_117 = tpu.memref_slice %arg5[%add3A_101, %dma_wait3A_116] : memref<10000x128xf32, #tpu.memory_space<hbm>> -> memref<145x128xf32, #tpu.memory_space<hbm>>
        %dma_wait3A_118 = arith.constant 0 : i32
        %dma_wait3A_119 = tpu.memref_slice %arg5[%add3A_101, %dma_wait3A_118] : memref<10000x128xf32, #tpu.memory_space<hbm>> -> memref<145x128xf32, #tpu.memory_space<hbm>>
        %dma_wait3A_120 = arith.constant 0 : i32
        %dma_wait3A_121 = arith.constant 0 : i32
        %dma_wait3A_122 = tpu.memref_slice %arg9[%dma_wait3A_120, %dma_wait3A_121] : memref<240x128xf32, #tpu.memory_space<vmem>> -> memref<145x128xf32, #tpu.memory_space<vmem>>
        tpu.wait_dma2 semaphore(%run_scoped3A_102 : memref<!tpu.dma_semaphore, #tpu.memory_space<semaphore_mem>>) src(%dma_wait3A_122 : memref<145x128xf32, #tpu.memory_space<vmem>>) dst(%dma_wait3A_119 : memref<145x128xf32, #tpu.memory_space<hbm>>)
        tpu.yield
      }) : () -> ()
    } else {
    }
    %eq3A_85 = arith.constant 1 : i32
    %eq3A_86 = arith.cmpi eq, %arg0, %eq3A_85 : i32
    %convert_element_type3A_87 = arith.extui %eq3A_86 : i1 to i32
    %cond3A_88 = arith.constant 0 : i32
    %cond3A_89 = arith.cmpi ne, %convert_element_type3A_87, %cond3A_88 : i32
    scf.if %cond3A_89 {
      %add3A_90 = arith.constant 0 : i32
      %add3A_91 = arith.addi %mul3A_2, %add3A_90 : i32
      "tpu.region"() ({
        %run_scoped3A_102 = tpu.sem_alloc : memref<!tpu.dma_semaphore, #tpu.memory_space<semaphore_mem>>
        %dma_start3A_103 = arith.constant 0 : i32
        %dma_start3A_104 = arith.constant 0 : i32
        %dma_start3A_105 = tpu.memref_slice %arg9[%dma_start3A_103, %dma_start3A_104] : memref<240x128xf32, #tpu.memory_space<vmem>> -> memref<240x128xf32, #tpu.memory_space<vmem>>
        %dma_start3A_106 = arith.constant 0 : i32
        %dma_start3A_107 = tpu.memref_slice %arg10[%add3A_91, %dma_start3A_106] : memref<10000x128xf32, #tpu.memory_space<vmem_shared>> -> memref<240x128xf32, #tpu.memory_space<vmem_shared>>
        %dma_start3A_108 = arith.constant 0 : i32
        %dma_start3A_109 = arith.constant 0 : i32
        %dma_start3A_110 = tpu.memref_slice %arg9[%dma_start3A_108, %dma_start3A_109] : memref<240x128xf32, #tpu.memory_space<vmem>> -> memref<240x128xf32, #tpu.memory_space<vmem>>
        %dma_start3A_111 = arith.constant 0 : i32
        %dma_start3A_112 = tpu.memref_slice %arg10[%add3A_91, %dma_start3A_111] : memref<10000x128xf32, #tpu.memory_space<vmem_shared>> -> memref<240x128xf32, #tpu.memory_space<vmem_shared>>
        tpu.enqueue_dma source(%dma_start3A_112 : memref<240x128xf32, #tpu.memory_space<vmem_shared>>) target(%dma_start3A_110 : memref<240x128xf32, #tpu.memory_space<vmem>>) target_semaphore(%run_scoped3A_102 : memref<!tpu.dma_semaphore, #tpu.memory_space<semaphore_mem>>)
        %dma_wait3A_113 = arith.constant 0 : i32
        %dma_wait3A_114 = arith.constant 0 : i32
        %dma_wait3A_115 = tpu.memref_slice %arg9[%dma_wait3A_113, %dma_wait3A_114] : memref<240x128xf32, #tpu.memory_space<vmem>> -> memref<240x128xf32, #tpu.memory_space<vmem>>
        %dma_wait3A_116 = arith.constant 0 : i32
        %dma_wait3A_117 = tpu.memref_slice %arg10[%add3A_91, %dma_wait3A_116] : memref<10000x128xf32, #tpu.memory_space<vmem_shared>> -> memref<240x128xf32, #tpu.memory_space<vmem_shared>>
        %dma_wait3A_118 = arith.constant 0 : i32
        %dma_wait3A_119 = arith.constant 0 : i32
        %dma_wait3A_120 = tpu.memref_slice %arg9[%dma_wait3A_118, %dma_wait3A_119] : memref<240x128xf32, #tpu.memory_space<vmem>> -> memref<240x128xf32, #tpu.memory_space<vmem>>
        %dma_wait3A_121 = arith.constant 0 : i32
        %dma_wait3A_122 = tpu.memref_slice %arg10[%add3A_91, %dma_wait3A_121] : memref<10000x128xf32, #tpu.memory_space<vmem_shared>> -> memref<240x128xf32, #tpu.memory_space<vmem_shared>>
        tpu.wait_dma2 semaphore(%run_scoped3A_102 : memref<!tpu.dma_semaphore, #tpu.memory_space<semaphore_mem>>) src(%dma_wait3A_122 : memref<240x128xf32, #tpu.memory_space<vmem_shared>>) dst(%dma_wait3A_120 : memref<240x128xf32, #tpu.memory_space<vmem>>)
        tpu.yield
      }) : () -> ()
      %add3A_92 = arith.constant 0 : i32
      %add3A_93 = arith.addi %mul3A_2, %add3A_92 : i32
      "tpu.region"() ({
        %run_scoped3A_102 = tpu.sem_alloc : memref<!tpu.dma_semaphore, #tpu.memory_space<semaphore_mem>>
        %dma_start3A_103 = arith.constant 0 : i32
        %dma_start3A_104 = arith.constant 0 : i32
        %dma_start3A_105 = tpu.memref_slice %arg9[%dma_start3A_103, %dma_start3A_104] : memref<240x128xf32, #tpu.memory_space<vmem>> -> memref<240x128xf32, #tpu.memory_space<vmem>>
        %dma_start3A_106 = arith.constant 0 : i32
        %dma_start3A_107 = tpu.memref_slice %arg6[%add3A_93, %dma_start3A_106] : memref<10000x128xf32, #tpu.memory_space<hbm>> -> memref<240x128xf32, #tpu.memory_space<hbm>>
        %dma_start3A_108 = arith.constant 0 : i32
        %dma_start3A_109 = tpu.memref_slice %arg6[%add3A_93, %dma_start3A_108] : memref<10000x128xf32, #tpu.memory_space<hbm>> -> memref<240x128xf32, #tpu.memory_space<hbm>>
        %dma_start3A_110 = arith.constant 0 : i32
        %dma_start3A_111 = arith.constant 0 : i32
        %dma_start3A_112 = tpu.memref_slice %arg9[%dma_start3A_110, %dma_start3A_111] : memref<240x128xf32, #tpu.memory_space<vmem>> -> memref<240x128xf32, #tpu.memory_space<vmem>>
        tpu.enqueue_dma source(%dma_start3A_112 : memref<240x128xf32, #tpu.memory_space<vmem>>) target(%dma_start3A_109 : memref<240x128xf32, #tpu.memory_space<hbm>>) target_semaphore(%run_scoped3A_102 : memref<!tpu.dma_semaphore, #tpu.memory_space<semaphore_mem>>)
        %dma_wait3A_113 = arith.constant 0 : i32
        %dma_wait3A_114 = arith.constant 0 : i32
        %dma_wait3A_115 = tpu.memref_slice %arg9[%dma_wait3A_113, %dma_wait3A_114] : memref<240x128xf32, #tpu.memory_space<vmem>> -> memref<240x128xf32, #tpu.memory_space<vmem>>
        %dma_wait3A_116 = arith.constant 0 : i32
        %dma_wait3A_117 = tpu.memref_slice %arg6[%add3A_93, %dma_wait3A_116] : memref<10000x128xf32, #tpu.memory_space<hbm>> -> memref<240x128xf32, #tpu.memory_space<hbm>>
        %dma_wait3A_118 = arith.constant 0 : i32
        %dma_wait3A_119 = tpu.memref_slice %arg6[%add3A_93, %dma_wait3A_118] : memref<10000x128xf32, #tpu.memory_space<hbm>> -> memref<240x128xf32, #tpu.memory_space<hbm>>
        %dma_wait3A_120 = arith.constant 0 : i32
        %dma_wait3A_121 = arith.constant 0 : i32
        %dma_wait3A_122 = tpu.memref_slice %arg9[%dma_wait3A_120, %dma_wait3A_121] : memref<240x128xf32, #tpu.memory_space<vmem>> -> memref<240x128xf32, #tpu.memory_space<vmem>>
        tpu.wait_dma2 semaphore(%run_scoped3A_102 : memref<!tpu.dma_semaphore, #tpu.memory_space<semaphore_mem>>) src(%dma_wait3A_122 : memref<240x128xf32, #tpu.memory_space<vmem>>) dst(%dma_wait3A_119 : memref<240x128xf32, #tpu.memory_space<hbm>>)
        tpu.yield
      }) : () -> ()
      %add3A_94 = arith.constant 240 : i32
      %add3A_95 = arith.addi %mul3A_2, %add3A_94 : i32
      "tpu.region"() ({
        %run_scoped3A_102 = tpu.sem_alloc : memref<!tpu.dma_semaphore, #tpu.memory_space<semaphore_mem>>
        %dma_start3A_103 = arith.constant 0 : i32
        %dma_start3A_104 = arith.constant 0 : i32
        %dma_start3A_105 = tpu.memref_slice %arg9[%dma_start3A_103, %dma_start3A_104] : memref<240x128xf32, #tpu.memory_space<vmem>> -> memref<240x128xf32, #tpu.memory_space<vmem>>
        %dma_start3A_106 = arith.constant 0 : i32
        %dma_start3A_107 = tpu.memref_slice %arg10[%add3A_95, %dma_start3A_106] : memref<10000x128xf32, #tpu.memory_space<vmem_shared>> -> memref<240x128xf32, #tpu.memory_space<vmem_shared>>
        %dma_start3A_108 = arith.constant 0 : i32
        %dma_start3A_109 = arith.constant 0 : i32
        %dma_start3A_110 = tpu.memref_slice %arg9[%dma_start3A_108, %dma_start3A_109] : memref<240x128xf32, #tpu.memory_space<vmem>> -> memref<240x128xf32, #tpu.memory_space<vmem>>
        %dma_start3A_111 = arith.constant 0 : i32
        %dma_start3A_112 = tpu.memref_slice %arg10[%add3A_95, %dma_start3A_111] : memref<10000x128xf32, #tpu.memory_space<vmem_shared>> -> memref<240x128xf32, #tpu.memory_space<vmem_shared>>
        tpu.enqueue_dma source(%dma_start3A_112 : memref<240x128xf32, #tpu.memory_space<vmem_shared>>) target(%dma_start3A_110 : memref<240x128xf32, #tpu.memory_space<vmem>>) target_semaphore(%run_scoped3A_102 : memref<!tpu.dma_semaphore, #tpu.memory_space<semaphore_mem>>)
        %dma_wait3A_113 = arith.constant 0 : i32
        %dma_wait3A_114 = arith.constant 0 : i32
        %dma_wait3A_115 = tpu.memref_slice %arg9[%dma_wait3A_113, %dma_wait3A_114] : memref<240x128xf32, #tpu.memory_space<vmem>> -> memref<240x128xf32, #tpu.memory_space<vmem>>
        %dma_wait3A_116 = arith.constant 0 : i32
        %dma_wait3A_117 = tpu.memref_slice %arg10[%add3A_95, %dma_wait3A_116] : memref<10000x128xf32, #tpu.memory_space<vmem_shared>> -> memref<240x128xf32, #tpu.memory_space<vmem_shared>>
        %dma_wait3A_118 = arith.constant 0 : i32
        %dma_wait3A_119 = arith.constant 0 : i32
        %dma_wait3A_120 = tpu.memref_slice %arg9[%dma_wait3A_118, %dma_wait3A_119] : memref<240x128xf32, #tpu.memory_space<vmem>> -> memref<240x128xf32, #tpu.memory_space<vmem>>
        %dma_wait3A_121 = arith.constant 0 : i32
        %dma_wait3A_122 = tpu.memref_slice %arg10[%add3A_95, %dma_wait3A_121] : memref<10000x128xf32, #tpu.memory_space<vmem_shared>> -> memref<240x128xf32, #tpu.memory_space<vmem_shared>>
        tpu.wait_dma2 semaphore(%run_scoped3A_102 : memref<!tpu.dma_semaphore, #tpu.memory_space<semaphore_mem>>) src(%dma_wait3A_122 : memref<240x128xf32, #tpu.memory_space<vmem_shared>>) dst(%dma_wait3A_120 : memref<240x128xf32, #tpu.memory_space<vmem>>)
        tpu.yield
      }) : () -> ()
      %add3A_96 = arith.constant 240 : i32
      %add3A_97 = arith.addi %mul3A_2, %add3A_96 : i32
      "tpu.region"() ({
        %run_scoped3A_102 = tpu.sem_alloc : memref<!tpu.dma_semaphore, #tpu.memory_space<semaphore_mem>>
        %dma_start3A_103 = arith.constant 0 : i32
        %dma_start3A_104 = arith.constant 0 : i32
        %dma_start3A_105 = tpu.memref_slice %arg9[%dma_start3A_103, %dma_start3A_104] : memref<240x128xf32, #tpu.memory_space<vmem>> -> memref<240x128xf32, #tpu.memory_space<vmem>>
        %dma_start3A_106 = arith.constant 0 : i32
        %dma_start3A_107 = tpu.memref_slice %arg6[%add3A_97, %dma_start3A_106] : memref<10000x128xf32, #tpu.memory_space<hbm>> -> memref<240x128xf32, #tpu.memory_space<hbm>>
        %dma_start3A_108 = arith.constant 0 : i32
        %dma_start3A_109 = tpu.memref_slice %arg6[%add3A_97, %dma_start3A_108] : memref<10000x128xf32, #tpu.memory_space<hbm>> -> memref<240x128xf32, #tpu.memory_space<hbm>>
        %dma_start3A_110 = arith.constant 0 : i32
        %dma_start3A_111 = arith.constant 0 : i32
        %dma_start3A_112 = tpu.memref_slice %arg9[%dma_start3A_110, %dma_start3A_111] : memref<240x128xf32, #tpu.memory_space<vmem>> -> memref<240x128xf32, #tpu.memory_space<vmem>>
        tpu.enqueue_dma source(%dma_start3A_112 : memref<240x128xf32, #tpu.memory_space<vmem>>) target(%dma_start3A_109 : memref<240x128xf32, #tpu.memory_space<hbm>>) target_semaphore(%run_scoped3A_102 : memref<!tpu.dma_semaphore, #tpu.memory_space<semaphore_mem>>)
        %dma_wait3A_113 = arith.constant 0 : i32
        %dma_wait3A_114 = arith.constant 0 : i32
        %dma_wait3A_115 = tpu.memref_slice %arg9[%dma_wait3A_113, %dma_wait3A_114] : memref<240x128xf32, #tpu.memory_space<vmem>> -> memref<240x128xf32, #tpu.memory_space<vmem>>
        %dma_wait3A_116 = arith.constant 0 : i32
        %dma_wait3A_117 = tpu.memref_slice %arg6[%add3A_97, %dma_wait3A_116] : memref<10000x128xf32, #tpu.memory_space<hbm>> -> memref<240x128xf32, #tpu.memory_space<hbm>>
        %dma_wait3A_118 = arith.constant 0 : i32
        %dma_wait3A_119 = tpu.memref_slice %arg6[%add3A_97, %dma_wait3A_118] : memref<10000x128xf32, #tpu.memory_space<hbm>> -> memref<240x128xf32, #tpu.memory_space<hbm>>
        %dma_wait3A_120 = arith.constant 0 : i32
        %dma_wait3A_121 = arith.constant 0 : i32
        %dma_wait3A_122 = tpu.memref_slice %arg9[%dma_wait3A_120, %dma_wait3A_121] : memref<240x128xf32, #tpu.memory_space<vmem>> -> memref<240x128xf32, #tpu.memory_space<vmem>>
        tpu.wait_dma2 semaphore(%run_scoped3A_102 : memref<!tpu.dma_semaphore, #tpu.memory_space<semaphore_mem>>) src(%dma_wait3A_122 : memref<240x128xf32, #tpu.memory_space<vmem>>) dst(%dma_wait3A_119 : memref<240x128xf32, #tpu.memory_space<hbm>>)
        tpu.yield
      }) : () -> ()
      %add3A_98 = arith.constant 480 : i32
      %add3A_99 = arith.addi %mul3A_2, %add3A_98 : i32
      "tpu.region"() ({
        %run_scoped3A_102 = tpu.sem_alloc : memref<!tpu.dma_semaphore, #tpu.memory_space<semaphore_mem>>
        %dma_start3A_103 = arith.constant 0 : i32
        %dma_start3A_104 = arith.constant 0 : i32
        %dma_start3A_105 = tpu.memref_slice %arg9[%dma_start3A_103, %dma_start3A_104] : memref<240x128xf32, #tpu.memory_space<vmem>> -> memref<145x128xf32, #tpu.memory_space<vmem>>
        %dma_start3A_106 = arith.constant 0 : i32
        %dma_start3A_107 = tpu.memref_slice %arg10[%add3A_99, %dma_start3A_106] : memref<10000x128xf32, #tpu.memory_space<vmem_shared>> -> memref<145x128xf32, #tpu.memory_space<vmem_shared>>
        %dma_start3A_108 = arith.constant 0 : i32
        %dma_start3A_109 = arith.constant 0 : i32
        %dma_start3A_110 = tpu.memref_slice %arg9[%dma_start3A_108, %dma_start3A_109] : memref<240x128xf32, #tpu.memory_space<vmem>> -> memref<145x128xf32, #tpu.memory_space<vmem>>
        %dma_start3A_111 = arith.constant 0 : i32
        %dma_start3A_112 = tpu.memref_slice %arg10[%add3A_99, %dma_start3A_111] : memref<10000x128xf32, #tpu.memory_space<vmem_shared>> -> memref<145x128xf32, #tpu.memory_space<vmem_shared>>
        tpu.enqueue_dma source(%dma_start3A_112 : memref<145x128xf32, #tpu.memory_space<vmem_shared>>) target(%dma_start3A_110 : memref<145x128xf32, #tpu.memory_space<vmem>>) target_semaphore(%run_scoped3A_102 : memref<!tpu.dma_semaphore, #tpu.memory_space<semaphore_mem>>)
        %dma_wait3A_113 = arith.constant 0 : i32
        %dma_wait3A_114 = arith.constant 0 : i32
        %dma_wait3A_115 = tpu.memref_slice %arg9[%dma_wait3A_113, %dma_wait3A_114] : memref<240x128xf32, #tpu.memory_space<vmem>> -> memref<145x128xf32, #tpu.memory_space<vmem>>
        %dma_wait3A_116 = arith.constant 0 : i32
        %dma_wait3A_117 = tpu.memref_slice %arg10[%add3A_99, %dma_wait3A_116] : memref<10000x128xf32, #tpu.memory_space<vmem_shared>> -> memref<145x128xf32, #tpu.memory_space<vmem_shared>>
        %dma_wait3A_118 = arith.constant 0 : i32
        %dma_wait3A_119 = arith.constant 0 : i32
        %dma_wait3A_120 = tpu.memref_slice %arg9[%dma_wait3A_118, %dma_wait3A_119] : memref<240x128xf32, #tpu.memory_space<vmem>> -> memref<145x128xf32, #tpu.memory_space<vmem>>
        %dma_wait3A_121 = arith.constant 0 : i32
        %dma_wait3A_122 = tpu.memref_slice %arg10[%add3A_99, %dma_wait3A_121] : memref<10000x128xf32, #tpu.memory_space<vmem_shared>> -> memref<145x128xf32, #tpu.memory_space<vmem_shared>>
        tpu.wait_dma2 semaphore(%run_scoped3A_102 : memref<!tpu.dma_semaphore, #tpu.memory_space<semaphore_mem>>) src(%dma_wait3A_122 : memref<145x128xf32, #tpu.memory_space<vmem_shared>>) dst(%dma_wait3A_120 : memref<145x128xf32, #tpu.memory_space<vmem>>)
        tpu.yield
      }) : () -> ()
      %add3A_100 = arith.constant 480 : i32
      %add3A_101 = arith.addi %mul3A_2, %add3A_100 : i32
      "tpu.region"() ({
        %run_scoped3A_102 = tpu.sem_alloc : memref<!tpu.dma_semaphore, #tpu.memory_space<semaphore_mem>>
        %dma_start3A_103 = arith.constant 0 : i32
        %dma_start3A_104 = arith.constant 0 : i32
        %dma_start3A_105 = tpu.memref_slice %arg9[%dma_start3A_103, %dma_start3A_104] : memref<240x128xf32, #tpu.memory_space<vmem>> -> memref<145x128xf32, #tpu.memory_space<vmem>>
        %dma_start3A_106 = arith.constant 0 : i32
        %dma_start3A_107 = tpu.memref_slice %arg6[%add3A_101, %dma_start3A_106] : memref<10000x128xf32, #tpu.memory_space<hbm>> -> memref<145x128xf32, #tpu.memory_space<hbm>>
        %dma_start3A_108 = arith.constant 0 : i32
        %dma_start3A_109 = tpu.memref_slice %arg6[%add3A_101, %dma_start3A_108] : memref<10000x128xf32, #tpu.memory_space<hbm>> -> memref<145x128xf32, #tpu.memory_space<hbm>>
        %dma_start3A_110 = arith.constant 0 : i32
        %dma_start3A_111 = arith.constant 0 : i32
        %dma_start3A_112 = tpu.memref_slice %arg9[%dma_start3A_110, %dma_start3A_111] : memref<240x128xf32, #tpu.memory_space<vmem>> -> memref<145x128xf32, #tpu.memory_space<vmem>>
        tpu.enqueue_dma source(%dma_start3A_112 : memref<145x128xf32, #tpu.memory_space<vmem>>) target(%dma_start3A_109 : memref<145x128xf32, #tpu.memory_space<hbm>>) target_semaphore(%run_scoped3A_102 : memref<!tpu.dma_semaphore, #tpu.memory_space<semaphore_mem>>)
        %dma_wait3A_113 = arith.constant 0 : i32
        %dma_wait3A_114 = arith.constant 0 : i32
        %dma_wait3A_115 = tpu.memref_slice %arg9[%dma_wait3A_113, %dma_wait3A_114] : memref<240x128xf32, #tpu.memory_space<vmem>> -> memref<145x128xf32, #tpu.memory_space<vmem>>
        %dma_wait3A_116 = arith.constant 0 : i32
        %dma_wait3A_117 = tpu.memref_slice %arg6[%add3A_101, %dma_wait3A_116] : memref<10000x128xf32, #tpu.memory_space<hbm>> -> memref<145x128xf32, #tpu.memory_space<hbm>>
        %dma_wait3A_118 = arith.constant 0 : i32
        %dma_wait3A_119 = tpu.memref_slice %arg6[%add3A_101, %dma_wait3A_118] : memref<10000x128xf32, #tpu.memory_space<hbm>> -> memref<145x128xf32, #tpu.memory_space<hbm>>
        %dma_wait3A_120 = arith.constant 0 : i32
        %dma_wait3A_121 = arith.constant 0 : i32
        %dma_wait3A_122 = tpu.memref_slice %arg9[%dma_wait3A_120, %dma_wait3A_121] : memref<240x128xf32, #tpu.memory_space<vmem>> -> memref<145x128xf32, #tpu.memory_space<vmem>>
        tpu.wait_dma2 semaphore(%run_scoped3A_102 : memref<!tpu.dma_semaphore, #tpu.memory_space<semaphore_mem>>) src(%dma_wait3A_122 : memref<145x128xf32, #tpu.memory_space<vmem>>) dst(%dma_wait3A_119 : memref<145x128xf32, #tpu.memory_space<hbm>>)
        tpu.yield
      }) : () -> ()
    } else {
    }
    return
  }
}

#map = affine_map<(d0, d1) -> (0, 0, 0)>
#map1 = affine_map<(d0, d1) -> (0)>
module attributes {stable_mosaic.version = 14 : i64} {
  func.func @_deg_body(%arg0: i32, %arg1: i32, %arg2: memref<32x125x80xi32, #tpu.memory_space<hbm>>, %arg3: memref<10240xf32, #tpu.memory_space<hbm>>, %arg4: memref<10240xf32, #tpu.memory_space<hbm>>, %arg5: memref<125x80xi32, #tpu.memory_space<vmem>>, %arg6: memref<80xf32, #tpu.memory_space<vmem>>, %arg7: memref<640xf32, #tpu.memory_space<vmem>>, %arg8: memref<10240xf32, #tpu.memory_space<vmem_shared>>) attributes {dimension_semantics = [#tpu.dimension_semantics<core_parallel>, #tpu.dimension_semantics<subcore_parallel>], iteration_bounds = array<i64: 2, 16>, scalar_prefetch = 0 : i64, scratch_operands = 4 : i64, tpu.core_type = #tpu.core_type<sc_vector_subcore>, window_params = [{transform_indices = #map}, {transform_indices = #map1}, {transform_indices = #map1}]} {
    %mul3A = arith.constant 16 : i32
    %mul3A_0 = arith.muli %arg0, %mul3A : i32
    %add3A = arith.addi %mul3A_0, %arg1 : i32
    "tpu.region"() ({
      %run_scoped3A = tpu.sem_alloc : memref<!tpu.dma_semaphore, #tpu.memory_space<semaphore_mem>>
      %dma_start3A = arith.constant 0 : i32
      %dma_start3A_284 = arith.constant 0 : i32
      %dma_start3A_285 = tpu.memref_slice %arg2[%add3A, %dma_start3A, %dma_start3A_284] : memref<32x125x80xi32, #tpu.memory_space<hbm>> -> memref<1x125x80xi32, #tpu.memory_space<hbm>>
      %dma_start3A_286 = tpu.memref_squeeze %dma_start3A_285 : memref<1x125x80xi32, #tpu.memory_space<hbm>> -> memref<125x80xi32, #tpu.memory_space<hbm>>
      %dma_start3A_287 = arith.constant 0 : i32
      %dma_start3A_288 = arith.constant 0 : i32
      %dma_start3A_289 = tpu.memref_slice %arg2[%add3A, %dma_start3A_287, %dma_start3A_288] : memref<32x125x80xi32, #tpu.memory_space<hbm>> -> memref<1x125x80xi32, #tpu.memory_space<hbm>>
      %dma_start3A_290 = tpu.memref_squeeze %dma_start3A_289 : memref<1x125x80xi32, #tpu.memory_space<hbm>> -> memref<125x80xi32, #tpu.memory_space<hbm>>
      tpu.enqueue_dma source(%dma_start3A_290 : memref<125x80xi32, #tpu.memory_space<hbm>>) target(%arg5 : memref<125x80xi32, #tpu.memory_space<vmem>>) target_semaphore(%run_scoped3A : memref<!tpu.dma_semaphore, #tpu.memory_space<semaphore_mem>>)
      %dma_wait3A = arith.constant 0 : i32
      %dma_wait3A_291 = arith.constant 0 : i32
      %dma_wait3A_292 = tpu.memref_slice %arg2[%add3A, %dma_wait3A, %dma_wait3A_291] : memref<32x125x80xi32, #tpu.memory_space<hbm>> -> memref<1x125x80xi32, #tpu.memory_space<hbm>>
      %dma_wait3A_293 = tpu.memref_squeeze %dma_wait3A_292 : memref<1x125x80xi32, #tpu.memory_space<hbm>> -> memref<125x80xi32, #tpu.memory_space<hbm>>
      %dma_wait3A_294 = arith.constant 0 : i32
      %dma_wait3A_295 = arith.constant 0 : i32
      %dma_wait3A_296 = tpu.memref_slice %arg2[%add3A, %dma_wait3A_294, %dma_wait3A_295] : memref<32x125x80xi32, #tpu.memory_space<hbm>> -> memref<1x125x80xi32, #tpu.memory_space<hbm>>
      %dma_wait3A_297 = tpu.memref_squeeze %dma_wait3A_296 : memref<1x125x80xi32, #tpu.memory_space<hbm>> -> memref<125x80xi32, #tpu.memory_space<hbm>>
      tpu.wait_dma2 semaphore(%run_scoped3A : memref<!tpu.dma_semaphore, #tpu.memory_space<semaphore_mem>>) src(%dma_wait3A_297 : memref<125x80xi32, #tpu.memory_space<hbm>>) dst(%arg5 : memref<125x80xi32, #tpu.memory_space<vmem>>)
      tpu.yield
    }) : () -> ()
    %broadcast_in_dim3A = arith.constant 1.000000e+00 : f32
    %broadcast_in_dim3A_1 = vector.broadcast %broadcast_in_dim3A : f32 to vector<16xf32>
    %swap3A = arith.constant 0 : index
    %swap3A_2 = tpu.vector_load %arg6[%swap3A] {strides = array<i32>} : memref<80xf32, #tpu.memory_space<vmem>>, vector<16xf32>,
    %swap3A_3 = vector.shape_cast %swap3A_2 : vector<16xf32> to vector<16xf32>
    %swap3A_4 = vector.shape_cast %broadcast_in_dim3A_1 : vector<16xf32> to vector<16xf32>
    tpu.vector_store %arg6[%swap3A], %swap3A_4 {strides = array<i32>} : memref<80xf32, #tpu.memory_space<vmem>>, vector<16xf32>,
    %broadcast_in_dim3A_5 = arith.constant 1.000000e+00 : f32
    %broadcast_in_dim3A_6 = vector.broadcast %broadcast_in_dim3A_5 : f32 to vector<16xf32>
    %swap3A_7 = arith.constant 16 : index
    %swap3A_8 = tpu.vector_load %arg6[%swap3A_7] {strides = array<i32>} : memref<80xf32, #tpu.memory_space<vmem>>, vector<16xf32>,
    %swap3A_9 = vector.shape_cast %swap3A_8 : vector<16xf32> to vector<16xf32>
    %swap3A_10 = vector.shape_cast %broadcast_in_dim3A_6 : vector<16xf32> to vector<16xf32>
    tpu.vector_store %arg6[%swap3A_7], %swap3A_10 {strides = array<i32>} : memref<80xf32, #tpu.memory_space<vmem>>, vector<16xf32>,
    %broadcast_in_dim3A_11 = arith.constant 1.000000e+00 : f32
    %broadcast_in_dim3A_12 = vector.broadcast %broadcast_in_dim3A_11 : f32 to vector<16xf32>
    %swap3A_13 = arith.constant 32 : index
    %swap3A_14 = tpu.vector_load %arg6[%swap3A_13] {strides = array<i32>} : memref<80xf32, #tpu.memory_space<vmem>>, vector<16xf32>,
    %swap3A_15 = vector.shape_cast %swap3A_14 : vector<16xf32> to vector<16xf32>
    %swap3A_16 = vector.shape_cast %broadcast_in_dim3A_12 : vector<16xf32> to vector<16xf32>
    tpu.vector_store %arg6[%swap3A_13], %swap3A_16 {strides = array<i32>} : memref<80xf32, #tpu.memory_space<vmem>>, vector<16xf32>,
    %broadcast_in_dim3A_17 = arith.constant 1.000000e+00 : f32
    %broadcast_in_dim3A_18 = vector.broadcast %broadcast_in_dim3A_17 : f32 to vector<16xf32>
    %swap3A_19 = arith.constant 48 : index
    %swap3A_20 = tpu.vector_load %arg6[%swap3A_19] {strides = array<i32>} : memref<80xf32, #tpu.memory_space<vmem>>, vector<16xf32>,
    %swap3A_21 = vector.shape_cast %swap3A_20 : vector<16xf32> to vector<16xf32>
    %swap3A_22 = vector.shape_cast %broadcast_in_dim3A_18 : vector<16xf32> to vector<16xf32>
    tpu.vector_store %arg6[%swap3A_19], %swap3A_22 {strides = array<i32>} : memref<80xf32, #tpu.memory_space<vmem>>, vector<16xf32>,
    %broadcast_in_dim3A_23 = arith.constant 1.000000e+00 : f32
    %broadcast_in_dim3A_24 = vector.broadcast %broadcast_in_dim3A_23 : f32 to vector<16xf32>
    %swap3A_25 = arith.constant 64 : index
    %swap3A_26 = tpu.vector_load %arg6[%swap3A_25] {strides = array<i32>} : memref<80xf32, #tpu.memory_space<vmem>>, vector<16xf32>,
    %swap3A_27 = vector.shape_cast %swap3A_26 : vector<16xf32> to vector<16xf32>
    %swap3A_28 = vector.shape_cast %broadcast_in_dim3A_24 : vector<16xf32> to vector<16xf32>
    tpu.vector_store %arg6[%swap3A_25], %swap3A_28 {strides = array<i32>} : memref<80xf32, #tpu.memory_space<vmem>>, vector<16xf32>,
    %broadcast_in_dim3A_29 = arith.constant 0.000000e+00 : f32
    %broadcast_in_dim3A_30 = vector.broadcast %broadcast_in_dim3A_29 : f32 to vector<16xf32>
    %swap3A_31 = arith.constant 0 : index
    %swap3A_32 = tpu.vector_load %arg7[%swap3A_31] {strides = array<i32>} : memref<640xf32, #tpu.memory_space<vmem>>, vector<16xf32>,
    %swap3A_33 = vector.shape_cast %swap3A_32 : vector<16xf32> to vector<16xf32>
    %swap3A_34 = vector.shape_cast %broadcast_in_dim3A_30 : vector<16xf32> to vector<16xf32>
    tpu.vector_store %arg7[%swap3A_31], %swap3A_34 {strides = array<i32>} : memref<640xf32, #tpu.memory_space<vmem>>, vector<16xf32>,
    %broadcast_in_dim3A_35 = arith.constant 0.000000e+00 : f32
    %broadcast_in_dim3A_36 = vector.broadcast %broadcast_in_dim3A_35 : f32 to vector<16xf32>
    %swap3A_37 = arith.constant 16 : index
    %swap3A_38 = tpu.vector_load %arg7[%swap3A_37] {strides = array<i32>} : memref<640xf32, #tpu.memory_space<vmem>>, vector<16xf32>,
    %swap3A_39 = vector.shape_cast %swap3A_38 : vector<16xf32> to vector<16xf32>
    %swap3A_40 = vector.shape_cast %broadcast_in_dim3A_36 : vector<16xf32> to vector<16xf32>
    tpu.vector_store %arg7[%swap3A_37], %swap3A_40 {strides = array<i32>} : memref<640xf32, #tpu.memory_space<vmem>>, vector<16xf32>,
    %broadcast_in_dim3A_41 = arith.constant 0.000000e+00 : f32
    %broadcast_in_dim3A_42 = vector.broadcast %broadcast_in_dim3A_41 : f32 to vector<16xf32>
    %swap3A_43 = arith.constant 32 : index
    %swap3A_44 = tpu.vector_load %arg7[%swap3A_43] {strides = array<i32>} : memref<640xf32, #tpu.memory_space<vmem>>, vector<16xf32>,
    %swap3A_45 = vector.shape_cast %swap3A_44 : vector<16xf32> to vector<16xf32>
    %swap3A_46 = vector.shape_cast %broadcast_in_dim3A_42 : vector<16xf32> to vector<16xf32>
    tpu.vector_store %arg7[%swap3A_43], %swap3A_46 {strides = array<i32>} : memref<640xf32, #tpu.memory_space<vmem>>, vector<16xf32>,
    %broadcast_in_dim3A_47 = arith.constant 0.000000e+00 : f32
    %broadcast_in_dim3A_48 = vector.broadcast %broadcast_in_dim3A_47 : f32 to vector<16xf32>
    %swap3A_49 = arith.constant 48 : index
    %swap3A_50 = tpu.vector_load %arg7[%swap3A_49] {strides = array<i32>} : memref<640xf32, #tpu.memory_space<vmem>>, vector<16xf32>,
    %swap3A_51 = vector.shape_cast %swap3A_50 : vector<16xf32> to vector<16xf32>
    %swap3A_52 = vector.shape_cast %broadcast_in_dim3A_48 : vector<16xf32> to vector<16xf32>
    tpu.vector_store %arg7[%swap3A_49], %swap3A_52 {strides = array<i32>} : memref<640xf32, #tpu.memory_space<vmem>>, vector<16xf32>,
    %broadcast_in_dim3A_53 = arith.constant 0.000000e+00 : f32
    %broadcast_in_dim3A_54 = vector.broadcast %broadcast_in_dim3A_53 : f32 to vector<16xf32>
    %swap3A_55 = arith.constant 64 : index
    %swap3A_56 = tpu.vector_load %arg7[%swap3A_55] {strides = array<i32>} : memref<640xf32, #tpu.memory_space<vmem>>, vector<16xf32>,
    %swap3A_57 = vector.shape_cast %swap3A_56 : vector<16xf32> to vector<16xf32>
    %swap3A_58 = vector.shape_cast %broadcast_in_dim3A_54 : vector<16xf32> to vector<16xf32>
    tpu.vector_store %arg7[%swap3A_55], %swap3A_58 {strides = array<i32>} : memref<640xf32, #tpu.memory_space<vmem>>, vector<16xf32>,
    %broadcast_in_dim3A_59 = arith.constant 0.000000e+00 : f32
    %broadcast_in_dim3A_60 = vector.broadcast %broadcast_in_dim3A_59 : f32 to vector<16xf32>
    %swap3A_61 = arith.constant 80 : index
    %swap3A_62 = tpu.vector_load %arg7[%swap3A_61] {strides = array<i32>} : memref<640xf32, #tpu.memory_space<vmem>>, vector<16xf32>,
    %swap3A_63 = vector.shape_cast %swap3A_62 : vector<16xf32> to vector<16xf32>
    %swap3A_64 = vector.shape_cast %broadcast_in_dim3A_60 : vector<16xf32> to vector<16xf32>
    tpu.vector_store %arg7[%swap3A_61], %swap3A_64 {strides = array<i32>} : memref<640xf32, #tpu.memory_space<vmem>>, vector<16xf32>,
    %broadcast_in_dim3A_65 = arith.constant 0.000000e+00 : f32
    %broadcast_in_dim3A_66 = vector.broadcast %broadcast_in_dim3A_65 : f32 to vector<16xf32>
    %swap3A_67 = arith.constant 96 : index
    %swap3A_68 = tpu.vector_load %arg7[%swap3A_67] {strides = array<i32>} : memref<640xf32, #tpu.memory_space<vmem>>, vector<16xf32>,
    %swap3A_69 = vector.shape_cast %swap3A_68 : vector<16xf32> to vector<16xf32>
    %swap3A_70 = vector.shape_cast %broadcast_in_dim3A_66 : vector<16xf32> to vector<16xf32>
    tpu.vector_store %arg7[%swap3A_67], %swap3A_70 {strides = array<i32>} : memref<640xf32, #tpu.memory_space<vmem>>, vector<16xf32>,
    %broadcast_in_dim3A_71 = arith.constant 0.000000e+00 : f32
    %broadcast_in_dim3A_72 = vector.broadcast %broadcast_in_dim3A_71 : f32 to vector<16xf32>
    %swap3A_73 = arith.constant 112 : index
    %swap3A_74 = tpu.vector_load %arg7[%swap3A_73] {strides = array<i32>} : memref<640xf32, #tpu.memory_space<vmem>>, vector<16xf32>,
    %swap3A_75 = vector.shape_cast %swap3A_74 : vector<16xf32> to vector<16xf32>
    %swap3A_76 = vector.shape_cast %broadcast_in_dim3A_72 : vector<16xf32> to vector<16xf32>
    tpu.vector_store %arg7[%swap3A_73], %swap3A_76 {strides = array<i32>} : memref<640xf32, #tpu.memory_space<vmem>>, vector<16xf32>,
    %broadcast_in_dim3A_77 = arith.constant 0.000000e+00 : f32
    %broadcast_in_dim3A_78 = vector.broadcast %broadcast_in_dim3A_77 : f32 to vector<16xf32>
    %swap3A_79 = arith.constant 128 : index
    %swap3A_80 = tpu.vector_load %arg7[%swap3A_79] {strides = array<i32>} : memref<640xf32, #tpu.memory_space<vmem>>, vector<16xf32>,
    %swap3A_81 = vector.shape_cast %swap3A_80 : vector<16xf32> to vector<16xf32>
    %swap3A_82 = vector.shape_cast %broadcast_in_dim3A_78 : vector<16xf32> to vector<16xf32>
    tpu.vector_store %arg7[%swap3A_79], %swap3A_82 {strides = array<i32>} : memref<640xf32, #tpu.memory_space<vmem>>, vector<16xf32>,
    %broadcast_in_dim3A_83 = arith.constant 0.000000e+00 : f32
    %broadcast_in_dim3A_84 = vector.broadcast %broadcast_in_dim3A_83 : f32 to vector<16xf32>
    %swap3A_85 = arith.constant 144 : index
    %swap3A_86 = tpu.vector_load %arg7[%swap3A_85] {strides = array<i32>} : memref<640xf32, #tpu.memory_space<vmem>>, vector<16xf32>,
    %swap3A_87 = vector.shape_cast %swap3A_86 : vector<16xf32> to vector<16xf32>
    %swap3A_88 = vector.shape_cast %broadcast_in_dim3A_84 : vector<16xf32> to vector<16xf32>
    tpu.vector_store %arg7[%swap3A_85], %swap3A_88 {strides = array<i32>} : memref<640xf32, #tpu.memory_space<vmem>>, vector<16xf32>,
    %broadcast_in_dim3A_89 = arith.constant 0.000000e+00 : f32
    %broadcast_in_dim3A_90 = vector.broadcast %broadcast_in_dim3A_89 : f32 to vector<16xf32>
    %swap3A_91 = arith.constant 160 : index
    %swap3A_92 = tpu.vector_load %arg7[%swap3A_91] {strides = array<i32>} : memref<640xf32, #tpu.memory_space<vmem>>, vector<16xf32>,
    %swap3A_93 = vector.shape_cast %swap3A_92 : vector<16xf32> to vector<16xf32>
    %swap3A_94 = vector.shape_cast %broadcast_in_dim3A_90 : vector<16xf32> to vector<16xf32>
    tpu.vector_store %arg7[%swap3A_91], %swap3A_94 {strides = array<i32>} : memref<640xf32, #tpu.memory_space<vmem>>, vector<16xf32>,
    %broadcast_in_dim3A_95 = arith.constant 0.000000e+00 : f32
    %broadcast_in_dim3A_96 = vector.broadcast %broadcast_in_dim3A_95 : f32 to vector<16xf32>
    %swap3A_97 = arith.constant 176 : index
    %swap3A_98 = tpu.vector_load %arg7[%swap3A_97] {strides = array<i32>} : memref<640xf32, #tpu.memory_space<vmem>>, vector<16xf32>,
    %swap3A_99 = vector.shape_cast %swap3A_98 : vector<16xf32> to vector<16xf32>
    %swap3A_100 = vector.shape_cast %broadcast_in_dim3A_96 : vector<16xf32> to vector<16xf32>
    tpu.vector_store %arg7[%swap3A_97], %swap3A_100 {strides = array<i32>} : memref<640xf32, #tpu.memory_space<vmem>>, vector<16xf32>,
    %broadcast_in_dim3A_101 = arith.constant 0.000000e+00 : f32
    %broadcast_in_dim3A_102 = vector.broadcast %broadcast_in_dim3A_101 : f32 to vector<16xf32>
    %swap3A_103 = arith.constant 192 : index
    %swap3A_104 = tpu.vector_load %arg7[%swap3A_103] {strides = array<i32>} : memref<640xf32, #tpu.memory_space<vmem>>, vector<16xf32>,
    %swap3A_105 = vector.shape_cast %swap3A_104 : vector<16xf32> to vector<16xf32>
    %swap3A_106 = vector.shape_cast %broadcast_in_dim3A_102 : vector<16xf32> to vector<16xf32>
    tpu.vector_store %arg7[%swap3A_103], %swap3A_106 {strides = array<i32>} : memref<640xf32, #tpu.memory_space<vmem>>, vector<16xf32>,
    %broadcast_in_dim3A_107 = arith.constant 0.000000e+00 : f32
    %broadcast_in_dim3A_108 = vector.broadcast %broadcast_in_dim3A_107 : f32 to vector<16xf32>
    %swap3A_109 = arith.constant 208 : index
    %swap3A_110 = tpu.vector_load %arg7[%swap3A_109] {strides = array<i32>} : memref<640xf32, #tpu.memory_space<vmem>>, vector<16xf32>,
    %swap3A_111 = vector.shape_cast %swap3A_110 : vector<16xf32> to vector<16xf32>
    %swap3A_112 = vector.shape_cast %broadcast_in_dim3A_108 : vector<16xf32> to vector<16xf32>
    tpu.vector_store %arg7[%swap3A_109], %swap3A_112 {strides = array<i32>} : memref<640xf32, #tpu.memory_space<vmem>>, vector<16xf32>,
    %broadcast_in_dim3A_113 = arith.constant 0.000000e+00 : f32
    %broadcast_in_dim3A_114 = vector.broadcast %broadcast_in_dim3A_113 : f32 to vector<16xf32>
    %swap3A_115 = arith.constant 224 : index
    %swap3A_116 = tpu.vector_load %arg7[%swap3A_115] {strides = array<i32>} : memref<640xf32, #tpu.memory_space<vmem>>, vector<16xf32>,
    %swap3A_117 = vector.shape_cast %swap3A_116 : vector<16xf32> to vector<16xf32>
    %swap3A_118 = vector.shape_cast %broadcast_in_dim3A_114 : vector<16xf32> to vector<16xf32>
    tpu.vector_store %arg7[%swap3A_115], %swap3A_118 {strides = array<i32>} : memref<640xf32, #tpu.memory_space<vmem>>, vector<16xf32>,
    %broadcast_in_dim3A_119 = arith.constant 0.000000e+00 : f32
    %broadcast_in_dim3A_120 = vector.broadcast %broadcast_in_dim3A_119 : f32 to vector<16xf32>
    %swap3A_121 = arith.constant 240 : index
    %swap3A_122 = tpu.vector_load %arg7[%swap3A_121] {strides = array<i32>} : memref<640xf32, #tpu.memory_space<vmem>>, vector<16xf32>,
    %swap3A_123 = vector.shape_cast %swap3A_122 : vector<16xf32> to vector<16xf32>
    %swap3A_124 = vector.shape_cast %broadcast_in_dim3A_120 : vector<16xf32> to vector<16xf32>
    tpu.vector_store %arg7[%swap3A_121], %swap3A_124 {strides = array<i32>} : memref<640xf32, #tpu.memory_space<vmem>>, vector<16xf32>,
    %broadcast_in_dim3A_125 = arith.constant 0.000000e+00 : f32
    %broadcast_in_dim3A_126 = vector.broadcast %broadcast_in_dim3A_125 : f32 to vector<16xf32>
    %swap3A_127 = arith.constant 256 : index
    %swap3A_128 = tpu.vector_load %arg7[%swap3A_127] {strides = array<i32>} : memref<640xf32, #tpu.memory_space<vmem>>, vector<16xf32>,
    %swap3A_129 = vector.shape_cast %swap3A_128 : vector<16xf32> to vector<16xf32>
    %swap3A_130 = vector.shape_cast %broadcast_in_dim3A_126 : vector<16xf32> to vector<16xf32>
    tpu.vector_store %arg7[%swap3A_127], %swap3A_130 {strides = array<i32>} : memref<640xf32, #tpu.memory_space<vmem>>, vector<16xf32>,
    %broadcast_in_dim3A_131 = arith.constant 0.000000e+00 : f32
    %broadcast_in_dim3A_132 = vector.broadcast %broadcast_in_dim3A_131 : f32 to vector<16xf32>
    %swap3A_133 = arith.constant 272 : index
    %swap3A_134 = tpu.vector_load %arg7[%swap3A_133] {strides = array<i32>} : memref<640xf32, #tpu.memory_space<vmem>>, vector<16xf32>,
    %swap3A_135 = vector.shape_cast %swap3A_134 : vector<16xf32> to vector<16xf32>
    %swap3A_136 = vector.shape_cast %broadcast_in_dim3A_132 : vector<16xf32> to vector<16xf32>
    tpu.vector_store %arg7[%swap3A_133], %swap3A_136 {strides = array<i32>} : memref<640xf32, #tpu.memory_space<vmem>>, vector<16xf32>,
    %broadcast_in_dim3A_137 = arith.constant 0.000000e+00 : f32
    %broadcast_in_dim3A_138 = vector.broadcast %broadcast_in_dim3A_137 : f32 to vector<16xf32>
    %swap3A_139 = arith.constant 288 : index
    %swap3A_140 = tpu.vector_load %arg7[%swap3A_139] {strides = array<i32>} : memref<640xf32, #tpu.memory_space<vmem>>, vector<16xf32>,
    %swap3A_141 = vector.shape_cast %swap3A_140 : vector<16xf32> to vector<16xf32>
    %swap3A_142 = vector.shape_cast %broadcast_in_dim3A_138 : vector<16xf32> to vector<16xf32>
    tpu.vector_store %arg7[%swap3A_139], %swap3A_142 {strides = array<i32>} : memref<640xf32, #tpu.memory_space<vmem>>, vector<16xf32>,
    %broadcast_in_dim3A_143 = arith.constant 0.000000e+00 : f32
    %broadcast_in_dim3A_144 = vector.broadcast %broadcast_in_dim3A_143 : f32 to vector<16xf32>
    %swap3A_145 = arith.constant 304 : index
    %swap3A_146 = tpu.vector_load %arg7[%swap3A_145] {strides = array<i32>} : memref<640xf32, #tpu.memory_space<vmem>>, vector<16xf32>,
    %swap3A_147 = vector.shape_cast %swap3A_146 : vector<16xf32> to vector<16xf32>
    %swap3A_148 = vector.shape_cast %broadcast_in_dim3A_144 : vector<16xf32> to vector<16xf32>
    tpu.vector_store %arg7[%swap3A_145], %swap3A_148 {strides = array<i32>} : memref<640xf32, #tpu.memory_space<vmem>>, vector<16xf32>,
    %broadcast_in_dim3A_149 = arith.constant 0.000000e+00 : f32
    %broadcast_in_dim3A_150 = vector.broadcast %broadcast_in_dim3A_149 : f32 to vector<16xf32>
    %swap3A_151 = arith.constant 320 : index
    %swap3A_152 = tpu.vector_load %arg7[%swap3A_151] {strides = array<i32>} : memref<640xf32, #tpu.memory_space<vmem>>, vector<16xf32>,
    %swap3A_153 = vector.shape_cast %swap3A_152 : vector<16xf32> to vector<16xf32>
    %swap3A_154 = vector.shape_cast %broadcast_in_dim3A_150 : vector<16xf32> to vector<16xf32>
    tpu.vector_store %arg7[%swap3A_151], %swap3A_154 {strides = array<i32>} : memref<640xf32, #tpu.memory_space<vmem>>, vector<16xf32>,
    %broadcast_in_dim3A_155 = arith.constant 0.000000e+00 : f32
    %broadcast_in_dim3A_156 = vector.broadcast %broadcast_in_dim3A_155 : f32 to vector<16xf32>
    %swap3A_157 = arith.constant 336 : index
    %swap3A_158 = tpu.vector_load %arg7[%swap3A_157] {strides = array<i32>} : memref<640xf32, #tpu.memory_space<vmem>>, vector<16xf32>,
    %swap3A_159 = vector.shape_cast %swap3A_158 : vector<16xf32> to vector<16xf32>
    %swap3A_160 = vector.shape_cast %broadcast_in_dim3A_156 : vector<16xf32> to vector<16xf32>
    tpu.vector_store %arg7[%swap3A_157], %swap3A_160 {strides = array<i32>} : memref<640xf32, #tpu.memory_space<vmem>>, vector<16xf32>,
    %broadcast_in_dim3A_161 = arith.constant 0.000000e+00 : f32
    %broadcast_in_dim3A_162 = vector.broadcast %broadcast_in_dim3A_161 : f32 to vector<16xf32>
    %swap3A_163 = arith.constant 352 : index
    %swap3A_164 = tpu.vector_load %arg7[%swap3A_163] {strides = array<i32>} : memref<640xf32, #tpu.memory_space<vmem>>, vector<16xf32>,
    %swap3A_165 = vector.shape_cast %swap3A_164 : vector<16xf32> to vector<16xf32>
    %swap3A_166 = vector.shape_cast %broadcast_in_dim3A_162 : vector<16xf32> to vector<16xf32>
    tpu.vector_store %arg7[%swap3A_163], %swap3A_166 {strides = array<i32>} : memref<640xf32, #tpu.memory_space<vmem>>, vector<16xf32>,
    %broadcast_in_dim3A_167 = arith.constant 0.000000e+00 : f32
    %broadcast_in_dim3A_168 = vector.broadcast %broadcast_in_dim3A_167 : f32 to vector<16xf32>
    %swap3A_169 = arith.constant 368 : index
    %swap3A_170 = tpu.vector_load %arg7[%swap3A_169] {strides = array<i32>} : memref<640xf32, #tpu.memory_space<vmem>>, vector<16xf32>,
    %swap3A_171 = vector.shape_cast %swap3A_170 : vector<16xf32> to vector<16xf32>
    %swap3A_172 = vector.shape_cast %broadcast_in_dim3A_168 : vector<16xf32> to vector<16xf32>
    tpu.vector_store %arg7[%swap3A_169], %swap3A_172 {strides = array<i32>} : memref<640xf32, #tpu.memory_space<vmem>>, vector<16xf32>,
    %broadcast_in_dim3A_173 = arith.constant 0.000000e+00 : f32
    %broadcast_in_dim3A_174 = vector.broadcast %broadcast_in_dim3A_173 : f32 to vector<16xf32>
    %swap3A_175 = arith.constant 384 : index
    %swap3A_176 = tpu.vector_load %arg7[%swap3A_175] {strides = array<i32>} : memref<640xf32, #tpu.memory_space<vmem>>, vector<16xf32>,
    %swap3A_177 = vector.shape_cast %swap3A_176 : vector<16xf32> to vector<16xf32>
    %swap3A_178 = vector.shape_cast %broadcast_in_dim3A_174 : vector<16xf32> to vector<16xf32>
    tpu.vector_store %arg7[%swap3A_175], %swap3A_178 {strides = array<i32>} : memref<640xf32, #tpu.memory_space<vmem>>, vector<16xf32>,
    %broadcast_in_dim3A_179 = arith.constant 0.000000e+00 : f32
    %broadcast_in_dim3A_180 = vector.broadcast %broadcast_in_dim3A_179 : f32 to vector<16xf32>
    %swap3A_181 = arith.constant 400 : index
    %swap3A_182 = tpu.vector_load %arg7[%swap3A_181] {strides = array<i32>} : memref<640xf32, #tpu.memory_space<vmem>>, vector<16xf32>,
    %swap3A_183 = vector.shape_cast %swap3A_182 : vector<16xf32> to vector<16xf32>
    %swap3A_184 = vector.shape_cast %broadcast_in_dim3A_180 : vector<16xf32> to vector<16xf32>
    tpu.vector_store %arg7[%swap3A_181], %swap3A_184 {strides = array<i32>} : memref<640xf32, #tpu.memory_space<vmem>>, vector<16xf32>,
    %broadcast_in_dim3A_185 = arith.constant 0.000000e+00 : f32
    %broadcast_in_dim3A_186 = vector.broadcast %broadcast_in_dim3A_185 : f32 to vector<16xf32>
    %swap3A_187 = arith.constant 416 : index
    %swap3A_188 = tpu.vector_load %arg7[%swap3A_187] {strides = array<i32>} : memref<640xf32, #tpu.memory_space<vmem>>, vector<16xf32>,
    %swap3A_189 = vector.shape_cast %swap3A_188 : vector<16xf32> to vector<16xf32>
    %swap3A_190 = vector.shape_cast %broadcast_in_dim3A_186 : vector<16xf32> to vector<16xf32>
    tpu.vector_store %arg7[%swap3A_187], %swap3A_190 {strides = array<i32>} : memref<640xf32, #tpu.memory_space<vmem>>, vector<16xf32>,
    %broadcast_in_dim3A_191 = arith.constant 0.000000e+00 : f32
    %broadcast_in_dim3A_192 = vector.broadcast %broadcast_in_dim3A_191 : f32 to vector<16xf32>
    %swap3A_193 = arith.constant 432 : index
    %swap3A_194 = tpu.vector_load %arg7[%swap3A_193] {strides = array<i32>} : memref<640xf32, #tpu.memory_space<vmem>>, vector<16xf32>,
    %swap3A_195 = vector.shape_cast %swap3A_194 : vector<16xf32> to vector<16xf32>
    %swap3A_196 = vector.shape_cast %broadcast_in_dim3A_192 : vector<16xf32> to vector<16xf32>
    tpu.vector_store %arg7[%swap3A_193], %swap3A_196 {strides = array<i32>} : memref<640xf32, #tpu.memory_space<vmem>>, vector<16xf32>,
    %broadcast_in_dim3A_197 = arith.constant 0.000000e+00 : f32
    %broadcast_in_dim3A_198 = vector.broadcast %broadcast_in_dim3A_197 : f32 to vector<16xf32>
    %swap3A_199 = arith.constant 448 : index
    %swap3A_200 = tpu.vector_load %arg7[%swap3A_199] {strides = array<i32>} : memref<640xf32, #tpu.memory_space<vmem>>, vector<16xf32>,
    %swap3A_201 = vector.shape_cast %swap3A_200 : vector<16xf32> to vector<16xf32>
    %swap3A_202 = vector.shape_cast %broadcast_in_dim3A_198 : vector<16xf32> to vector<16xf32>
    tpu.vector_store %arg7[%swap3A_199], %swap3A_202 {strides = array<i32>} : memref<640xf32, #tpu.memory_space<vmem>>, vector<16xf32>,
    %broadcast_in_dim3A_203 = arith.constant 0.000000e+00 : f32
    %broadcast_in_dim3A_204 = vector.broadcast %broadcast_in_dim3A_203 : f32 to vector<16xf32>
    %swap3A_205 = arith.constant 464 : index
    %swap3A_206 = tpu.vector_load %arg7[%swap3A_205] {strides = array<i32>} : memref<640xf32, #tpu.memory_space<vmem>>, vector<16xf32>,
    %swap3A_207 = vector.shape_cast %swap3A_206 : vector<16xf32> to vector<16xf32>
    %swap3A_208 = vector.shape_cast %broadcast_in_dim3A_204 : vector<16xf32> to vector<16xf32>
    tpu.vector_store %arg7[%swap3A_205], %swap3A_208 {strides = array<i32>} : memref<640xf32, #tpu.memory_space<vmem>>, vector<16xf32>,
    %broadcast_in_dim3A_209 = arith.constant 0.000000e+00 : f32
    %broadcast_in_dim3A_210 = vector.broadcast %broadcast_in_dim3A_209 : f32 to vector<16xf32>
    %swap3A_211 = arith.constant 480 : index
    %swap3A_212 = tpu.vector_load %arg7[%swap3A_211] {strides = array<i32>} : memref<640xf32, #tpu.memory_space<vmem>>, vector<16xf32>,
    %swap3A_213 = vector.shape_cast %swap3A_212 : vector<16xf32> to vector<16xf32>
    %swap3A_214 = vector.shape_cast %broadcast_in_dim3A_210 : vector<16xf32> to vector<16xf32>
    tpu.vector_store %arg7[%swap3A_211], %swap3A_214 {strides = array<i32>} : memref<640xf32, #tpu.memory_space<vmem>>, vector<16xf32>,
    %broadcast_in_dim3A_215 = arith.constant 0.000000e+00 : f32
    %broadcast_in_dim3A_216 = vector.broadcast %broadcast_in_dim3A_215 : f32 to vector<16xf32>
    %swap3A_217 = arith.constant 496 : index
    %swap3A_218 = tpu.vector_load %arg7[%swap3A_217] {strides = array<i32>} : memref<640xf32, #tpu.memory_space<vmem>>, vector<16xf32>,
    %swap3A_219 = vector.shape_cast %swap3A_218 : vector<16xf32> to vector<16xf32>
    %swap3A_220 = vector.shape_cast %broadcast_in_dim3A_216 : vector<16xf32> to vector<16xf32>
    tpu.vector_store %arg7[%swap3A_217], %swap3A_220 {strides = array<i32>} : memref<640xf32, #tpu.memory_space<vmem>>, vector<16xf32>,
    %broadcast_in_dim3A_221 = arith.constant 0.000000e+00 : f32
    %broadcast_in_dim3A_222 = vector.broadcast %broadcast_in_dim3A_221 : f32 to vector<16xf32>
    %swap3A_223 = arith.constant 512 : index
    %swap3A_224 = tpu.vector_load %arg7[%swap3A_223] {strides = array<i32>} : memref<640xf32, #tpu.memory_space<vmem>>, vector<16xf32>,
    %swap3A_225 = vector.shape_cast %swap3A_224 : vector<16xf32> to vector<16xf32>
    %swap3A_226 = vector.shape_cast %broadcast_in_dim3A_222 : vector<16xf32> to vector<16xf32>
    tpu.vector_store %arg7[%swap3A_223], %swap3A_226 {strides = array<i32>} : memref<640xf32, #tpu.memory_space<vmem>>, vector<16xf32>,
    %broadcast_in_dim3A_227 = arith.constant 0.000000e+00 : f32
    %broadcast_in_dim3A_228 = vector.broadcast %broadcast_in_dim3A_227 : f32 to vector<16xf32>
    %swap3A_229 = arith.constant 528 : index
    %swap3A_230 = tpu.vector_load %arg7[%swap3A_229] {strides = array<i32>} : memref<640xf32, #tpu.memory_space<vmem>>, vector<16xf32>,
    %swap3A_231 = vector.shape_cast %swap3A_230 : vector<16xf32> to vector<16xf32>
    %swap3A_232 = vector.shape_cast %broadcast_in_dim3A_228 : vector<16xf32> to vector<16xf32>
    tpu.vector_store %arg7[%swap3A_229], %swap3A_232 {strides = array<i32>} : memref<640xf32, #tpu.memory_space<vmem>>, vector<16xf32>,
    %broadcast_in_dim3A_233 = arith.constant 0.000000e+00 : f32
    %broadcast_in_dim3A_234 = vector.broadcast %broadcast_in_dim3A_233 : f32 to vector<16xf32>
    %swap3A_235 = arith.constant 544 : index
    %swap3A_236 = tpu.vector_load %arg7[%swap3A_235] {strides = array<i32>} : memref<640xf32, #tpu.memory_space<vmem>>, vector<16xf32>,
    %swap3A_237 = vector.shape_cast %swap3A_236 : vector<16xf32> to vector<16xf32>
    %swap3A_238 = vector.shape_cast %broadcast_in_dim3A_234 : vector<16xf32> to vector<16xf32>
    tpu.vector_store %arg7[%swap3A_235], %swap3A_238 {strides = array<i32>} : memref<640xf32, #tpu.memory_space<vmem>>, vector<16xf32>,
    %broadcast_in_dim3A_239 = arith.constant 0.000000e+00 : f32
    %broadcast_in_dim3A_240 = vector.broadcast %broadcast_in_dim3A_239 : f32 to vector<16xf32>
    %swap3A_241 = arith.constant 560 : index
    %swap3A_242 = tpu.vector_load %arg7[%swap3A_241] {strides = array<i32>} : memref<640xf32, #tpu.memory_space<vmem>>, vector<16xf32>,
    %swap3A_243 = vector.shape_cast %swap3A_242 : vector<16xf32> to vector<16xf32>
    %swap3A_244 = vector.shape_cast %broadcast_in_dim3A_240 : vector<16xf32> to vector<16xf32>
    tpu.vector_store %arg7[%swap3A_241], %swap3A_244 {strides = array<i32>} : memref<640xf32, #tpu.memory_space<vmem>>, vector<16xf32>,
    %broadcast_in_dim3A_245 = arith.constant 0.000000e+00 : f32
    %broadcast_in_dim3A_246 = vector.broadcast %broadcast_in_dim3A_245 : f32 to vector<16xf32>
    %swap3A_247 = arith.constant 576 : index
    %swap3A_248 = tpu.vector_load %arg7[%swap3A_247] {strides = array<i32>} : memref<640xf32, #tpu.memory_space<vmem>>, vector<16xf32>,
    %swap3A_249 = vector.shape_cast %swap3A_248 : vector<16xf32> to vector<16xf32>
    %swap3A_250 = vector.shape_cast %broadcast_in_dim3A_246 : vector<16xf32> to vector<16xf32>
    tpu.vector_store %arg7[%swap3A_247], %swap3A_250 {strides = array<i32>} : memref<640xf32, #tpu.memory_space<vmem>>, vector<16xf32>,
    %broadcast_in_dim3A_251 = arith.constant 0.000000e+00 : f32
    %broadcast_in_dim3A_252 = vector.broadcast %broadcast_in_dim3A_251 : f32 to vector<16xf32>
    %swap3A_253 = arith.constant 592 : index
    %swap3A_254 = tpu.vector_load %arg7[%swap3A_253] {strides = array<i32>} : memref<640xf32, #tpu.memory_space<vmem>>, vector<16xf32>,
    %swap3A_255 = vector.shape_cast %swap3A_254 : vector<16xf32> to vector<16xf32>
    %swap3A_256 = vector.shape_cast %broadcast_in_dim3A_252 : vector<16xf32> to vector<16xf32>
    tpu.vector_store %arg7[%swap3A_253], %swap3A_256 {strides = array<i32>} : memref<640xf32, #tpu.memory_space<vmem>>, vector<16xf32>,
    %broadcast_in_dim3A_257 = arith.constant 0.000000e+00 : f32
    %broadcast_in_dim3A_258 = vector.broadcast %broadcast_in_dim3A_257 : f32 to vector<16xf32>
    %swap3A_259 = arith.constant 608 : index
    %swap3A_260 = tpu.vector_load %arg7[%swap3A_259] {strides = array<i32>} : memref<640xf32, #tpu.memory_space<vmem>>, vector<16xf32>,
    %swap3A_261 = vector.shape_cast %swap3A_260 : vector<16xf32> to vector<16xf32>
    %swap3A_262 = vector.shape_cast %broadcast_in_dim3A_258 : vector<16xf32> to vector<16xf32>
    tpu.vector_store %arg7[%swap3A_259], %swap3A_262 {strides = array<i32>} : memref<640xf32, #tpu.memory_space<vmem>>, vector<16xf32>,
    %broadcast_in_dim3A_263 = arith.constant 0.000000e+00 : f32
    %broadcast_in_dim3A_264 = vector.broadcast %broadcast_in_dim3A_263 : f32 to vector<16xf32>
    %swap3A_265 = arith.constant 624 : index
    %swap3A_266 = tpu.vector_load %arg7[%swap3A_265] {strides = array<i32>} : memref<640xf32, #tpu.memory_space<vmem>>, vector<16xf32>,
    %swap3A_267 = vector.shape_cast %swap3A_266 : vector<16xf32> to vector<16xf32>
    %swap3A_268 = vector.shape_cast %broadcast_in_dim3A_264 : vector<16xf32> to vector<16xf32>
    tpu.vector_store %arg7[%swap3A_265], %swap3A_268 {strides = array<i32>} : memref<640xf32, #tpu.memory_space<vmem>>, vector<16xf32>,
    %mul3A_269 = arith.constant 640 : i32
    %mul3A_270 = arith.muli %arg1, %mul3A_269 : i32
    "tpu.region"() ({
      %run_scoped3A = tpu.sem_alloc : memref<!tpu.dma_semaphore, #tpu.memory_space<semaphore_mem>>
      %dma_start3A = tpu.memref_slice %arg8[%mul3A_270] : memref<10240xf32, #tpu.memory_space<vmem_shared>> -> memref<640xf32, #tpu.memory_space<vmem_shared>>
      %dma_start3A_284 = tpu.memref_slice %arg8[%mul3A_270] : memref<10240xf32, #tpu.memory_space<vmem_shared>> -> memref<640xf32, #tpu.memory_space<vmem_shared>>
      tpu.enqueue_dma source(%arg7 : memref<640xf32, #tpu.memory_space<vmem>>) target(%dma_start3A_284 : memref<640xf32, #tpu.memory_space<vmem_shared>>) target_semaphore(%run_scoped3A : memref<!tpu.dma_semaphore, #tpu.memory_space<semaphore_mem>>)
      %dma_wait3A = tpu.memref_slice %arg8[%mul3A_270] : memref<10240xf32, #tpu.memory_space<vmem_shared>> -> memref<640xf32, #tpu.memory_space<vmem_shared>>
      %dma_wait3A_285 = tpu.memref_slice %arg8[%mul3A_270] : memref<10240xf32, #tpu.memory_space<vmem_shared>> -> memref<640xf32, #tpu.memory_space<vmem_shared>>
      tpu.wait_dma2 semaphore(%run_scoped3A : memref<!tpu.dma_semaphore, #tpu.memory_space<semaphore_mem>>) src(%arg7 : memref<640xf32, #tpu.memory_space<vmem>>) dst(%dma_wait3A_285 : memref<640xf32, #tpu.memory_space<vmem_shared>>)
      tpu.yield
    }) : () -> ()
    %barrier3A = arith.constant 0 : index
    tpu.barrier barrier_id(%barrier3A)
    %scan3A = arith.constant 0 : i32
    %scan3A_271 = arith.constant 0 : i32
    %scan3A_272 = arith.constant 125 : i32
    %scan3A_273 = arith.addi %scan3A_271, %scan3A_272 : i32
    %scan3A_274 = arith.constant 1 : i32
    scf.for %scan3A_284 = %scan3A_271 to %scan3A_273 step %scan3A_274  : i32 {
      "tpu.region"() ({
        %run_scoped3A = tpu.sem_alloc : memref<!tpu.dma_semaphore, #tpu.memory_space<semaphore_mem>>
        %dma_start3A = arith.constant 0 : i32
        %dma_start3A_285 = tpu.memref_slice %arg5[%scan3A_284, %dma_start3A] : memref<125x80xi32, #tpu.memory_space<vmem>> -> memref<1x80xi32, #tpu.memory_space<vmem>>
        %dma_start3A_286 = tpu.memref_squeeze %dma_start3A_285 : memref<1x80xi32, #tpu.memory_space<vmem>> -> memref<80xi32, #tpu.memory_space<vmem>>
        %dma_start3A_287 = arith.constant 0 : i32
        %dma_start3A_288 = tpu.memref_slice %arg8[%dma_start3A_287] : memref<10240xf32, #tpu.memory_space<vmem_shared>> -> memref<10240xf32, #tpu.memory_space<vmem_shared>>
        tpu.enqueue_indirect_dma source(%arg6 : memref<80xf32, #tpu.memory_space<vmem>>) target(%dma_start3A_288 : memref<10240xf32, #tpu.memory_space<vmem_shared>>) offsets(%dma_start3A_286 : memref<80xi32, #tpu.memory_space<vmem>>) semaphore(%run_scoped3A : memref<!tpu.dma_semaphore, #tpu.memory_space<semaphore_mem>>) {add = true}
        %dma_wait3A = arith.constant 0 : i32
        %dma_wait3A_289 = tpu.memref_slice %arg5[%scan3A_284, %dma_wait3A] : memref<125x80xi32, #tpu.memory_space<vmem>> -> memref<1x80xi32, #tpu.memory_space<vmem>>
        %dma_wait3A_290 = tpu.memref_squeeze %dma_wait3A_289 : memref<1x80xi32, #tpu.memory_space<vmem>> -> memref<80xi32, #tpu.memory_space<vmem>>
        %dma_wait3A_291 = arith.constant 0 : i32
        %dma_wait3A_292 = tpu.memref_slice %arg8[%dma_wait3A_291] : memref<10240xf32, #tpu.memory_space<vmem_shared>> -> memref<10240xf32, #tpu.memory_space<vmem_shared>>
        tpu.wait_indirect_dma semaphore(%run_scoped3A : memref<!tpu.dma_semaphore, #tpu.memory_space<semaphore_mem>>) src(%arg6 : memref<80xf32, #tpu.memory_space<vmem>>) dst(%dma_wait3A_292 : memref<10240xf32, #tpu.memory_space<vmem_shared>>)
        tpu.yield
      }) : () -> ()
    }
    %scan3A_275 = arith.constant 125 : i32
    %barrier3A_276 = arith.constant 0 : index
    tpu.barrier barrier_id(%barrier3A_276)
    "tpu.region"() ({
      %run_scoped3A = tpu.sem_alloc : memref<!tpu.dma_semaphore, #tpu.memory_space<semaphore_mem>>
      %dma_start3A = tpu.memref_slice %arg8[%mul3A_270] : memref<10240xf32, #tpu.memory_space<vmem_shared>> -> memref<640xf32, #tpu.memory_space<vmem_shared>>
      %dma_start3A_284 = tpu.memref_slice %arg8[%mul3A_270] : memref<10240xf32, #tpu.memory_space<vmem_shared>> -> memref<640xf32, #tpu.memory_space<vmem_shared>>
      tpu.enqueue_dma source(%dma_start3A_284 : memref<640xf32, #tpu.memory_space<vmem_shared>>) target(%arg7 : memref<640xf32, #tpu.memory_space<vmem>>) target_semaphore(%run_scoped3A : memref<!tpu.dma_semaphore, #tpu.memory_space<semaphore_mem>>)
      %dma_wait3A = tpu.memref_slice %arg8[%mul3A_270] : memref<10240xf32, #tpu.memory_space<vmem_shared>> -> memref<640xf32, #tpu.memory_space<vmem_shared>>
      %dma_wait3A_285 = tpu.memref_slice %arg8[%mul3A_270] : memref<10240xf32, #tpu.memory_space<vmem_shared>> -> memref<640xf32, #tpu.memory_space<vmem_shared>>
      tpu.wait_dma2 semaphore(%run_scoped3A : memref<!tpu.dma_semaphore, #tpu.memory_space<semaphore_mem>>) src(%dma_wait3A_285 : memref<640xf32, #tpu.memory_space<vmem_shared>>) dst(%arg7 : memref<640xf32, #tpu.memory_space<vmem>>)
      tpu.yield
    }) : () -> ()
    %eq3A = arith.constant 0 : i32
    %eq3A_277 = arith.cmpi eq, %arg0, %eq3A : i32
    %convert_element_type3A = arith.extui %eq3A_277 : i1 to i32
    %cond3A = arith.constant 0 : i32
    %cond3A_278 = arith.cmpi ne, %convert_element_type3A, %cond3A : i32
    scf.if %cond3A_278 {
      "tpu.region"() ({
        %run_scoped3A = tpu.sem_alloc : memref<!tpu.dma_semaphore, #tpu.memory_space<semaphore_mem>>
        %dma_start3A = tpu.memref_slice %arg3[%mul3A_270] : memref<10240xf32, #tpu.memory_space<hbm>> -> memref<640xf32, #tpu.memory_space<hbm>>
        %dma_start3A_284 = tpu.memref_slice %arg3[%mul3A_270] : memref<10240xf32, #tpu.memory_space<hbm>> -> memref<640xf32, #tpu.memory_space<hbm>>
        tpu.enqueue_dma source(%arg7 : memref<640xf32, #tpu.memory_space<vmem>>) target(%dma_start3A_284 : memref<640xf32, #tpu.memory_space<hbm>>) target_semaphore(%run_scoped3A : memref<!tpu.dma_semaphore, #tpu.memory_space<semaphore_mem>>)
        %dma_wait3A = tpu.memref_slice %arg3[%mul3A_270] : memref<10240xf32, #tpu.memory_space<hbm>> -> memref<640xf32, #tpu.memory_space<hbm>>
        %dma_wait3A_285 = tpu.memref_slice %arg3[%mul3A_270] : memref<10240xf32, #tpu.memory_space<hbm>> -> memref<640xf32, #tpu.memory_space<hbm>>
        tpu.wait_dma2 semaphore(%run_scoped3A : memref<!tpu.dma_semaphore, #tpu.memory_space<semaphore_mem>>) src(%arg7 : memref<640xf32, #tpu.memory_space<vmem>>) dst(%dma_wait3A_285 : memref<640xf32, #tpu.memory_space<hbm>>)
        tpu.yield
      }) : () -> ()
    } else {
    }
    %eq3A_279 = arith.constant 1 : i32
    %eq3A_280 = arith.cmpi eq, %arg0, %eq3A_279 : i32
    %convert_element_type3A_281 = arith.extui %eq3A_280 : i1 to i32
    %cond3A_282 = arith.constant 0 : i32
    %cond3A_283 = arith.cmpi ne, %convert_element_type3A_281, %cond3A_282 : i32
    scf.if %cond3A_283 {
      "tpu.region"() ({
        %run_scoped3A = tpu.sem_alloc : memref<!tpu.dma_semaphore, #tpu.memory_space<semaphore_mem>>
        %dma_start3A = tpu.memref_slice %arg4[%mul3A_270] : memref<10240xf32, #tpu.memory_space<hbm>> -> memref<640xf32, #tpu.memory_space<hbm>>
        %dma_start3A_284 = tpu.memref_slice %arg4[%mul3A_270] : memref<10240xf32, #tpu.memory_space<hbm>> -> memref<640xf32, #tpu.memory_space<hbm>>
        tpu.enqueue_dma source(%arg7 : memref<640xf32, #tpu.memory_space<vmem>>) target(%dma_start3A_284 : memref<640xf32, #tpu.memory_space<hbm>>) target_semaphore(%run_scoped3A : memref<!tpu.dma_semaphore, #tpu.memory_space<semaphore_mem>>)
        %dma_wait3A = tpu.memref_slice %arg4[%mul3A_270] : memref<10240xf32, #tpu.memory_space<hbm>> -> memref<640xf32, #tpu.memory_space<hbm>>
        %dma_wait3A_285 = tpu.memref_slice %arg4[%mul3A_270] : memref<10240xf32, #tpu.memory_space<hbm>> -> memref<640xf32, #tpu.memory_space<hbm>>
        tpu.wait_dma2 semaphore(%run_scoped3A : memref<!tpu.dma_semaphore, #tpu.memory_space<semaphore_mem>>) src(%arg7 : memref<640xf32, #tpu.memory_space<vmem>>) dst(%dma_wait3A_285 : memref<640xf32, #tpu.memory_space<hbm>>)
        tpu.yield
      }) : () -> ()
    } else {
    }
    return
  }
}

module attributes {stable_mosaic.version = 14 : i64} {
  func.func @_m1_body(%arg0: i32, %arg1: memref<1000x128xf32, #tpu.memory_space<vmem>>, %arg2: memref<128x128xf32, #tpu.memory_space<vmem>>, %arg3: memref<1000x128xf32, #tpu.memory_space<vmem>>) attributes {dimension_semantics = [#tpu.dimension_semantics<arbitrary>], iteration_bounds = array<i64: 10>, scalar_prefetch = 0 : i64, scratch_operands = 0 : i64, tpu.core_type = #tpu.core_type<tc>, window_params = [{transform_indices = @transform_0, window_bounds = array<i64: 1000, 128>}, {pipeline_mode = #tpu.pipeline_mode<synchronous>, transform_indices = @transform_1, window_bounds = array<i64: 128, 128>}, {transform_indices = @transform_2, window_bounds = array<i64: 1000, 128>}]} {
    %get3A = arith.constant 0 : index
    %get3A_0 = arith.constant 0 : index
    %get3A_1 = vector.load %arg1[%get3A, %get3A_0] : memref<1000x128xf32, #tpu.memory_space<vmem>>, vector<1000x128xf32>
    %get3A_2 = arith.constant 0 : index
    %get3A_3 = arith.constant 0 : index
    %get3A_4 = vector.load %arg2[%get3A_2, %get3A_3] : memref<128x128xf32, #tpu.memory_space<vmem>>, vector<128x128xf32>
    %dot_general3A = arith.constant dense<0.000000e+00> : vector<1000x128xf32>
    %dot_general3A_5 = tpu.matmul %get3A_1, %get3A_4, %dot_general3A {dimension_numbers = #tpu.dot_dimension_numbers<[1], [0], [0], [1], [0, 0, 1, 1], [], []>, transpose_lhs_hint = false} : vector<1000x128xf32>, vector<128x128xf32>, vector<1000x128xf32> -> vector<1000x128xf32>
    %swap3A = arith.constant 0 : index
    %swap3A_6 = arith.constant 0 : index
    %swap3A_7 = vector.load %arg3[%swap3A, %swap3A_6] : memref<1000x128xf32, #tpu.memory_space<vmem>>, vector<1000x128xf32>
    tpu.vector_store %arg3[%swap3A, %swap3A_6], %dot_general3A_5 {strides = array<i32>} : memref<1000x128xf32, #tpu.memory_space<vmem>>, vector<1000x128xf32>,
    return
  }
  func.func @transform_0(%arg0: i32) -> (i32, i32) {
    %c0_i32 = arith.constant 0 : i32
    %c0_i32_0 = arith.constant 0 : i32
    return %arg0, %c0_i32 : i32, i32
  }
  func.func @transform_1(%arg0: i32) -> (i32, i32) {
    %c0_i32 = arith.constant 0 : i32
    %c0_i32_0 = arith.constant 0 : i32
    %c0_i32_1 = arith.constant 0 : i32
    return %c0_i32, %c0_i32_0 : i32, i32
  }
  func.func @transform_2(%arg0: i32) -> (i32, i32) {
    %c0_i32 = arith.constant 0 : i32
    %c0_i32_0 = arith.constant 0 : i32
    return %arg0, %c0_i32 : i32, i32
  }
}

module attributes {stable_mosaic.version = 14 : i64} {
  func.func @_t1_body(%arg0: i32, %arg1: memref<1000x128xf32, #tpu.memory_space<vmem>>, %arg2: memref<1000x1xf32, #tpu.memory_space<vmem>>, %arg3: memref<1000x1xf32, #tpu.memory_space<vmem>>, %arg4: memref<1000x128xf32, #tpu.memory_space<vmem>>, %arg5: memref<1000x1xf32, #tpu.memory_space<vmem>>) attributes {dimension_semantics = [#tpu.dimension_semantics<arbitrary>], iteration_bounds = array<i64: 10>, scalar_prefetch = 0 : i64, scratch_operands = 0 : i64, tpu.core_type = #tpu.core_type<tc>, window_params = [{transform_indices = @transform_0, window_bounds = array<i64: 1000, 128>}, {transform_indices = @transform_1, window_bounds = array<i64: 1000, 1>}, {transform_indices = @transform_2, window_bounds = array<i64: 1000, 1>}, {transform_indices = @transform_3, window_bounds = array<i64: 1000, 128>}, {transform_indices = @transform_4, window_bounds = array<i64: 1000, 1>}]} {
    %get3A = arith.constant 0 : index
    %get3A_0 = arith.constant 0 : index
    %get3A_1 = vector.load %arg2[%get3A, %get3A_0] : memref<1000x1xf32, #tpu.memory_space<vmem>>, vector<1000x1xf32>
    %add3A = arith.constant 1.000000e+00 : f32
    %add3A_2 = vector.broadcast %add3A : f32 to vector<1000x1xf32>
    %add3A_3 = arith.addf %add3A_2, %get3A_1 : vector<1000x1xf32>
    %get3A_4 = arith.constant 0 : index
    %get3A_5 = arith.constant 0 : index
    %get3A_6 = vector.load %arg3[%get3A_4, %get3A_5] : memref<1000x1xf32, #tpu.memory_space<vmem>>, vector<1000x1xf32>
    %add3A_7 = arith.addf %add3A_3, %get3A_6 : vector<1000x1xf32>
    %rsqrt3A = math.rsqrt %add3A_7 : vector<1000x1xf32>
    %get3A_8 = arith.constant 0 : index
    %get3A_9 = arith.constant 0 : index
    %get3A_10 = vector.load %arg1[%get3A_8, %get3A_9] : memref<1000x128xf32, #tpu.memory_space<vmem>>, vector<1000x128xf32>
    %mul3A = vector.broadcast %rsqrt3A : vector<1000x1xf32> to vector<1000x128xf32>
    %mul3A_11 = arith.mulf %get3A_10, %mul3A : vector<1000x128xf32>
    %swap3A = arith.constant 0 : index
    %swap3A_12 = arith.constant 0 : index
    %swap3A_13 = vector.load %arg4[%swap3A, %swap3A_12] : memref<1000x128xf32, #tpu.memory_space<vmem>>, vector<1000x128xf32>
    tpu.vector_store %arg4[%swap3A, %swap3A_12], %mul3A_11 {strides = array<i32>} : memref<1000x128xf32, #tpu.memory_space<vmem>>, vector<1000x128xf32>,
    %swap3A_14 = arith.constant 0 : index
    %swap3A_15 = arith.constant 0 : index
    %swap3A_16 = vector.load %arg5[%swap3A_14, %swap3A_15] : memref<1000x1xf32, #tpu.memory_space<vmem>>, vector<1000x1xf32>
    tpu.vector_store %arg5[%swap3A_14, %swap3A_15], %rsqrt3A {strides = array<i32>} : memref<1000x1xf32, #tpu.memory_space<vmem>>, vector<1000x1xf32>,
    return
  }
  func.func @transform_0(%arg0: i32) -> (i32, i32) {
    %c0_i32 = arith.constant 0 : i32
    %c0_i32_0 = arith.constant 0 : i32
    return %arg0, %c0_i32 : i32, i32
  }
  func.func @transform_1(%arg0: i32) -> (i32, i32) {
    %c0_i32 = arith.constant 0 : i32
    %c0_i32_0 = arith.constant 0 : i32
    return %arg0, %c0_i32 : i32, i32
  }
  func.func @transform_2(%arg0: i32) -> (i32, i32) {
    %c0_i32 = arith.constant 0 : i32
    %c0_i32_0 = arith.constant 0 : i32
    return %arg0, %c0_i32 : i32, i32
  }
  func.func @transform_3(%arg0: i32) -> (i32, i32) {
    %c0_i32 = arith.constant 0 : i32
    %c0_i32_0 = arith.constant 0 : i32
    return %arg0, %c0_i32 : i32, i32
  }
  func.func @transform_4(%arg0: i32) -> (i32, i32) {
    %c0_i32 = arith.constant 0 : i32
    %c0_i32_0 = arith.constant 0 : i32
    return %arg0, %c0_i32 : i32, i32
  }
}

module attributes {stable_mosaic.version = 14 : i64} {
  func.func @_t2_body(%arg0: i32, %arg1: memref<1000x128xf32, #tpu.memory_space<vmem>>, %arg2: memref<1000x128xf32, #tpu.memory_space<vmem>>, %arg3: memref<1000x1xf32, #tpu.memory_space<vmem>>, %arg4: memref<1x128xf32, #tpu.memory_space<vmem>>, %arg5: memref<128x64xf32, #tpu.memory_space<vmem>>, %arg6: memref<1000x64xf32, #tpu.memory_space<vmem>>) attributes {dimension_semantics = [#tpu.dimension_semantics<arbitrary>], iteration_bounds = array<i64: 10>, scalar_prefetch = 0 : i64, scratch_operands = 0 : i64, tpu.core_type = #tpu.core_type<tc>, window_params = [{transform_indices = @transform_0, window_bounds = array<i64: 1000, 128>}, {transform_indices = @transform_1, window_bounds = array<i64: 1000, 128>}, {transform_indices = @transform_2, window_bounds = array<i64: 1000, 1>}, {pipeline_mode = #tpu.pipeline_mode<synchronous>, transform_indices = @transform_3, window_bounds = array<i64: 1, 128>}, {pipeline_mode = #tpu.pipeline_mode<synchronous>, transform_indices = @transform_4, window_bounds = array<i64: 128, 64>}, {transform_indices = @transform_5, window_bounds = array<i64: 1000, 64>}]} {
    %get3A = arith.constant 0 : index
    %get3A_0 = arith.constant 0 : index
    %get3A_1 = vector.load %arg3[%get3A, %get3A_0] : memref<1000x1xf32, #tpu.memory_space<vmem>>, vector<1000x1xf32>
    %get3A_2 = arith.constant 0 : index
    %get3A_3 = arith.constant 0 : index
    %get3A_4 = vector.load %arg1[%get3A_2, %get3A_3] : memref<1000x128xf32, #tpu.memory_space<vmem>>, vector<1000x128xf32>
    %get3A_5 = arith.constant 0 : index
    %get3A_6 = arith.constant 0 : index
    %get3A_7 = vector.load %arg2[%get3A_5, %get3A_6] : memref<1000x128xf32, #tpu.memory_space<vmem>>, vector<1000x128xf32>
    %add3A = arith.addf %get3A_4, %get3A_7 : vector<1000x128xf32>
    %mul3A = vector.broadcast %get3A_1 : vector<1000x1xf32> to vector<1000x128xf32>
    %mul3A_8 = arith.mulf %add3A, %mul3A : vector<1000x128xf32>
    %get3A_9 = arith.constant 0 : index
    %get3A_10 = arith.constant 0 : index
    %get3A_11 = vector.load %arg4[%get3A_9, %get3A_10] : memref<1x128xf32, #tpu.memory_space<vmem>>, vector<1x128xf32>
    %add3A_12 = vector.broadcast %get3A_11 : vector<1x128xf32> to vector<1000x128xf32>
    %add3A_13 = arith.addf %mul3A_8, %add3A_12 : vector<1000x128xf32>
    %max3A = arith.constant 0.000000e+00 : f32
    %max3A_14 = vector.broadcast %max3A : f32 to vector<1000x128xf32>
    %max3A_15 = arith.maximumf %add3A_13, %max3A_14 : vector<1000x128xf32>
    %get3A_16 = arith.constant 0 : index
    %get3A_17 = arith.constant 0 : index
    %get3A_18 = vector.load %arg5[%get3A_16, %get3A_17] : memref<128x64xf32, #tpu.memory_space<vmem>>, vector<128x64xf32>
    %dot_general3A = arith.constant dense<0.000000e+00> : vector<1000x64xf32>
    %dot_general3A_19 = tpu.matmul %max3A_15, %get3A_18, %dot_general3A {dimension_numbers = #tpu.dot_dimension_numbers<[1], [0], [0], [1], [0, 0, 1, 1], [], []>, transpose_lhs_hint = false} : vector<1000x128xf32>, vector<128x64xf32>, vector<1000x64xf32> -> vector<1000x64xf32>
    %mul3A_20 = vector.broadcast %get3A_1 : vector<1000x1xf32> to vector<1000x64xf32>
    %mul3A_21 = arith.mulf %dot_general3A_19, %mul3A_20 : vector<1000x64xf32>
    %swap3A = arith.constant 0 : index
    %swap3A_22 = arith.constant 0 : index
    %swap3A_23 = vector.load %arg6[%swap3A, %swap3A_22] : memref<1000x64xf32, #tpu.memory_space<vmem>>, vector<1000x64xf32>
    tpu.vector_store %arg6[%swap3A, %swap3A_22], %mul3A_21 {strides = array<i32>} : memref<1000x64xf32, #tpu.memory_space<vmem>>, vector<1000x64xf32>,
    return
  }
  func.func @transform_0(%arg0: i32) -> (i32, i32) {
    %c0_i32 = arith.constant 0 : i32
    %c0_i32_0 = arith.constant 0 : i32
    return %arg0, %c0_i32 : i32, i32
  }
  func.func @transform_1(%arg0: i32) -> (i32, i32) {
    %c0_i32 = arith.constant 0 : i32
    %c0_i32_0 = arith.constant 0 : i32
    return %arg0, %c0_i32 : i32, i32
  }
  func.func @transform_2(%arg0: i32) -> (i32, i32) {
    %c0_i32 = arith.constant 0 : i32
    %c0_i32_0 = arith.constant 0 : i32
    return %arg0, %c0_i32 : i32, i32
  }
  func.func @transform_3(%arg0: i32) -> (i32, i32) {
    %c0_i32 = arith.constant 0 : i32
    %c0_i32_0 = arith.constant 0 : i32
    %c0_i32_1 = arith.constant 0 : i32
    return %c0_i32, %c0_i32_0 : i32, i32
  }
  func.func @transform_4(%arg0: i32) -> (i32, i32) {
    %c0_i32 = arith.constant 0 : i32
    %c0_i32_0 = arith.constant 0 : i32
    %c0_i32_1 = arith.constant 0 : i32
    return %c0_i32, %c0_i32_0 : i32, i32
  }
  func.func @transform_5(%arg0: i32) -> (i32, i32) {
    %c0_i32 = arith.constant 0 : i32
    %c0_i32_0 = arith.constant 0 : i32
    return %arg0, %c0_i32 : i32, i32
  }
}

module attributes {stable_mosaic.version = 14 : i64} {
  func.func @_t3_body(%arg0: i32, %arg1: memref<1000x64xf32, #tpu.memory_space<vmem>>, %arg2: memref<1000x64xf32, #tpu.memory_space<vmem>>, %arg3: memref<1000x1xf32, #tpu.memory_space<vmem>>, %arg4: memref<1x64xf32, #tpu.memory_space<vmem>>, %arg5: memref<1000x64xf32, #tpu.memory_space<vmem>>) attributes {dimension_semantics = [#tpu.dimension_semantics<arbitrary>], iteration_bounds = array<i64: 10>, scalar_prefetch = 0 : i64, scratch_operands = 0 : i64, tpu.core_type = #tpu.core_type<tc>, window_params = [{transform_indices = @transform_0, window_bounds = array<i64: 1000, 64>}, {transform_indices = @transform_1, window_bounds = array<i64: 1000, 64>}, {transform_indices = @transform_2, window_bounds = array<i64: 1000, 1>}, {pipeline_mode = #tpu.pipeline_mode<synchronous>, transform_indices = @transform_3, window_bounds = array<i64: 1, 64>}, {transform_indices = @transform_4, window_bounds = array<i64: 1000, 64>}]} {
    %get3A = arith.constant 0 : index
    %get3A_0 = arith.constant 0 : index
    %get3A_1 = vector.load %arg1[%get3A, %get3A_0] : memref<1000x64xf32, #tpu.memory_space<vmem>>, vector<1000x64xf32>
    %get3A_2 = arith.constant 0 : index
    %get3A_3 = arith.constant 0 : index
    %get3A_4 = vector.load %arg2[%get3A_2, %get3A_3] : memref<1000x64xf32, #tpu.memory_space<vmem>>, vector<1000x64xf32>
    %add3A = arith.addf %get3A_1, %get3A_4 : vector<1000x64xf32>
    %get3A_5 = arith.constant 0 : index
    %get3A_6 = arith.constant 0 : index
    %get3A_7 = vector.load %arg3[%get3A_5, %get3A_6] : memref<1000x1xf32, #tpu.memory_space<vmem>>, vector<1000x1xf32>
    %mul3A = vector.broadcast %get3A_7 : vector<1000x1xf32> to vector<1000x64xf32>
    %mul3A_8 = arith.mulf %add3A, %mul3A : vector<1000x64xf32>
    %get3A_9 = arith.constant 0 : index
    %get3A_10 = arith.constant 0 : index
    %get3A_11 = vector.load %arg4[%get3A_9, %get3A_10] : memref<1x64xf32, #tpu.memory_space<vmem>>, vector<1x64xf32>
    %add3A_12 = vector.broadcast %get3A_11 : vector<1x64xf32> to vector<1000x64xf32>
    %add3A_13 = arith.addf %mul3A_8, %add3A_12 : vector<1000x64xf32>
    %reduce_max3A = arith.constant dense<0xFF800000> : vector<1000xf32>
    %reduce_max3A_14 = vector.multi_reduction <maximumf>, %add3A_13, %reduce_max3A [1] : vector<1000x64xf32> to vector<1000xf32>
    %broadcast_in_dim3A = vector.shape_cast %reduce_max3A_14 : vector<1000xf32> to vector<1000x1xf32>
    %sub3A = vector.broadcast %broadcast_in_dim3A : vector<1000x1xf32> to vector<1000x64xf32>
    %sub3A_15 = arith.subf %add3A_13, %sub3A : vector<1000x64xf32>
    %exp3A = math.exp %sub3A_15 : vector<1000x64xf32>
    %reduce_sum3A = arith.constant dense<0.000000e+00> : vector<1000xf32>
    %reduce_sum3A_16 = vector.multi_reduction <add>, %exp3A, %reduce_sum3A [1] : vector<1000x64xf32> to vector<1000xf32>
    %broadcast_in_dim3A_17 = vector.shape_cast %reduce_sum3A_16 : vector<1000xf32> to vector<1000x1xf32>
    %log3A = math.log %broadcast_in_dim3A_17 : vector<1000x1xf32>
    %add3A_18 = arith.addf %broadcast_in_dim3A, %log3A : vector<1000x1xf32>
    %sub3A_19 = vector.broadcast %add3A_18 : vector<1000x1xf32> to vector<1000x64xf32>
    %sub3A_20 = arith.subf %add3A_13, %sub3A_19 : vector<1000x64xf32>
    %swap3A = arith.constant 0 : index
    %swap3A_21 = arith.constant 0 : index
    %swap3A_22 = vector.load %arg5[%swap3A, %swap3A_21] : memref<1000x64xf32, #tpu.memory_space<vmem>>, vector<1000x64xf32>
    tpu.vector_store %arg5[%swap3A, %swap3A_21], %sub3A_20 {strides = array<i32>} : memref<1000x64xf32, #tpu.memory_space<vmem>>, vector<1000x64xf32>,
    return
  }
  func.func @transform_0(%arg0: i32) -> (i32, i32) {
    %c0_i32 = arith.constant 0 : i32
    %c0_i32_0 = arith.constant 0 : i32
    return %arg0, %c0_i32 : i32, i32
  }
  func.func @transform_1(%arg0: i32) -> (i32, i32) {
    %c0_i32 = arith.constant 0 : i32
    %c0_i32_0 = arith.constant 0 : i32
    return %arg0, %c0_i32 : i32, i32
  }
  func.func @transform_2(%arg0: i32) -> (i32, i32) {
    %c0_i32 = arith.constant 0 : i32
    %c0_i32_0 = arith.constant 0 : i32
    return %arg0, %c0_i32 : i32, i32
  }
  func.func @transform_3(%arg0: i32) -> (i32, i32) {
    %c0_i32 = arith.constant 0 : i32
    %c0_i32_0 = arith.constant 0 : i32
    %c0_i32_1 = arith.constant 0 : i32
    return %c0_i32, %c0_i32_0 : i32, i32
  }
  func.func @transform_4(%arg0: i32) -> (i32, i32) {
    %c0_i32 = arith.constant 0 : i32
    %c0_i32_0 = arith.constant 0 : i32
    return %arg0, %c0_i32 : i32, i32
  }
}

</mosaic_0001>

<sc_bundles>
// kernel: kernel.12.cloned.1.call-start
scs
__scs_entry_jumppad:
0x0: {  	(pc) =	sbr.rel $0x88, $3  }
0x1: {  	(tag) =	ssettag $0x0;
	lr =	simm.s32 $0x1  }
0x2: {  	[smem:$0x3F9B] =	sst lr;
	_ =	strace $0xD0000000  }
0x3: {  	_ = 	snop  }
0x4: {  	_ = 	snop  }
0x5: {  	_ = 	snop  }
0x6: {  	_ = 	snop  }
0x7: {  	_ = 	snop  }
__scs_overlays_trampoline_lowered:
0x8: {  	[smem:$0x3FAA] =	sst s0  }
0x9: {  	[smem:$0x3FAB] =	sst s1  }
0xa: {  	[smem:$0x3FAC] =	sst s2  }
0xb: {  	[smem:$0x3FAD] =	sst s3  }
0xc: {  	[smem:$0x3FAE] =	sst s4  }
0xd: {  	[smem:$0x3FAF] =	sst s5  }
0xe: {  	[smem:$0x3FB0] =	sst s6  }
0xf: {  	[smem:$0x3FB1] =	sst s7  }
0x10: {  	[smem:$0x3FB2] =	sst s8  }
0x11: {  	[smem:$0x3FB3] =	sst s9;
	s0 =	simm.s32 @!p0 $0x0  }
0x12: {  	s1 =	sld [smem:$0x3F99];
	s0 =	simm.s32 @p0 $0x1  }
0x13: {  	[smem:$0x3FB4] =	sst s0;
	s0 =	simm.s32 @!p1 $0x0  }
0x14: {  	s2 =	sld [smem:$0x3F98];
	s0 =	simm.s32 @p1 $0x1  }
0x15: {  	[smem:$0x3FB5] =	sst s0;
	s0 =	simm.s32 @!p2 $0x0  }
0x16: {  	s3 =	sld [smem:$0x3FDB];
	s0 =	simm.s32 @p2 $0x1  }
0x17: {  	s4 =	simm.s32 $0x1BF5;
	[smem:$0x3FB7] =	sst s0  }
0x18: {  	s0 =	sld [smem:$0x3F9A];
	_ =	swait.ge [sflag:s4], $0x0  }
0x19: {  	s7 =	sld [smem:$0x3F9B]  }
0x1a: {  	s8 =	sadd.s32 $0xFFFFE003, lr  }
0x1b: {  	s9 =	sadd.s32 $0xFFFFFEF7, lr;
	s5 =	simm.s32 $0xFFFFFFFF;
	p2 =	slt.u32 s8, $0xFFFFF086  }
0x1c: {  	p1 =	slt.u32 s9, $0xF7A;
	s5 =	simm.s32 @!p2 $0x0  }
0x1d: {  	s5 =	simm.s32 @p1 $0x1;
	p0 =	seq.s32 s7, s2  }
0x1e: {  	s7 =	smul.u32 @!p0 $0xF7A, s2;
	p2 =	seq.s32 @!p0 s5, $0x0  }
0x1f: {  	s9 =	smul.u32 $0xF7A, s1;
	s8 =	simm.s32 @!p0 $0x1BF5;
	p2 =	por !p2, p0  }
0x20: {  	[sflag:s8] =	ssyncset.s32 @!p0 $0xFFFFF086;
	s6 =	sadd.s32 @!p0 s3, s7;
	s7 =	simm.s32 @!p0 $0x108  }
0x21: {  	s3 =	sadd.s32 s3, s9;
	s6 =	sadd.s32 @!p0 $0x88, s6;
	s7 =	simm.s32 @p2 $0x1082  }
0x22: {  	[simem:s7], [sflag:s8] =	dma.local @!p0 [hbm:s6], $0xF7A  }
0x23: {  	s9 =	sor.u32 $0xD0000000, s2;
	s6 =	simm.s32 $0x108;
	_ =	swait.ge @!p0 [sflag:s8], $0x0  }
0x24: {  	s3 =	sadd.s32 $0x88, s3;
	s6 =	simm.s32 @!p1 $0x1082;
	[sflag:s4] =	ssyncset.s32 $0xFFFFF086  }
0x25: {  	[simem:s6], [sflag:s4] =	dma.local [hbm:s3], $0xF7A  }
0x26: {  	[smem:$0x3F9B] =	sst s1;
	(tag) =	ssettag s2;
	_ =	strace s9  }
0x27: {  	s1 =	sld [smem:$0x3FAB]  }
0x28: {  	s2 =	sld [smem:$0x3FAC]  }
0x29: {  	s4 =	sld [smem:$0x3FAE]  }
0x2a: {  	p0 =	seq.s32 s5, $0x0;
	s5 =	sld [smem:$0x3FAF]  }
0x2b: {  	s6 =	sld [smem:$0x3FB0]  }
0x2c: {  	s7 =	sld [smem:$0x3FB1]  }
0x2d: {  	s3 =	simm.s32 $0x108;
	s8 =	sld [smem:$0x3FB2]  }
0x2e: {  	s3 =	simm.s32 @!p0 $0x1082;
	s9 =	sld [smem:$0x3FB3]  }
0x2f: {  	lr =	sadd.s32 s0, s3;
	s0 =	sld [smem:$0x3FAA]  }
0x30: {  	s3 =	sld [smem:$0x3FAD]  }
0x31: {  	[smem:$0x3FB6] =	sst s10  }
0x32: {  	s10 =	sld [smem:$0x3FB4];
	_ =	sdelay $0x3  }
0x33: {  	p0 =	seq.s32 s10, $0x1;
	s10 =	sld [smem:$0x3FB6];
	_ =	sdelay $0x3  }
0x34: {  	[smem:$0x3FB6] =	sst s10  }
0x35: {  	s10 =	sld [smem:$0x3FB5];
	_ =	sdelay $0x3  }
0x36: {  	p1 =	seq.s32 s10, $0x1;
	s10 =	sld [smem:$0x3FB6];
	_ =	sdelay $0x3  }
0x37: {  	[smem:$0x3FB6] =	sst s10  }
0x38: {  	s10 =	sld [smem:$0x3FB7]  }
0x39: {  	_ = 	snop;
	(pc) =	sbr.ind lr, $3  }
0x3a: {  	_ = 	snop  }
0x3b: {  	_ = 	snop  }
0x3c: {  	p2 =	seq.s32 s10, $0x1;
	s10 =	sld [smem:$0x3FB6]  }
0x3d: {  	_ =	shalt  }
0x3e: {  	_ =	shalt  }
0x3f: {  	_ =	shalt  }
0x40: {  	_ =	shalt  }
0x41: {  	_ =	shalt  }
0x42: {  	_ =	shalt  }
0x43: {  	_ =	shalt  }
0x44: {  	_ =	shalt  }
0x45: {  	_ =	shalt  }
0x46: {  	_ =	shalt  }
0x47: {  	_ =	shalt  }
0x48: {  	_ =	shalt  }
0x49: {  	_ =	shalt  }
0x4a: {  	_ =	shalt  }
0x4b: {  	_ =	shalt  }
0x4c: {  	_ =	shalt  }
0x4d: {  	_ =	shalt  }
0x4e: {  	_ =	shalt  }
0x4f: {  	_ =	shalt  }
0x50: {  	_ =	shalt  }
0x51: {  	_ =	shalt  }
0x52: {  	_ =	shalt  }
0x53: {  	_ =	shalt  }
0x54: {  	_ =	shalt  }
0x55: {  	_ =	shalt  }
0x56: {  	_ =	shalt  }
0x57: {  	_ =	shalt  }
0x58: {  	_ =	shalt  }
0x59: {  	_ =	shalt  }
0x5a: {  	_ =	shalt  }
0x5b: {  	_ =	shalt  }
0x5c: {  	_ =	shalt  }
0x5d: {  	_ =	shalt  }
0x5e: {  	_ =	shalt  }
0x5f: {  	_ =	shalt  }
0x60: {  	_ =	shalt  }
0x61: {  	_ =	shalt  }
0x62: {  	_ =	shalt  }
0x63: {  	_ =	shalt  }
0x64: {  	_ =	shalt  }
0x65: {  	_ =	shalt  }
0x66: {  	_ =	shalt  }
0x67: {  	_ =	shalt  }
0x68: {  	_ =	shalt  }
0x69: {  	_ =	shalt  }
0x6a: {  	_ =	shalt  }
0x6b: {  	_ =	shalt  }
0x6c: {  	_ =	shalt  }
0x6d: {  	_ =	shalt  }
0x6e: {  	_ =	shalt  }
0x6f: {  	_ =	shalt  }
0x70: {  	_ =	shalt  }
0x71: {  	_ =	shalt  }
0x72: {  	_ =	shalt  }
0x73: {  	_ =	shalt  }
0x74: {  	_ =	shalt  }
0x75: {  	_ =	shalt  }
0x76: {  	_ =	shalt  }
0x77: {  	_ =	shalt  }
0x78: {  	_ =	shalt  }
0x79: {  	_ =	shalt  }
0x7a: {  	_ =	shalt  }
0x7b: {  	_ =	shalt  }
0x7c: {  	_ =	shalt  }
0x7d: {  	_ =	shalt  }
0x7e: {  	_ =	shalt  }
0x7f: {  	_ =	shalt  }
0x80: {  	_ =	shalt  }
0x81: {  	_ =	shalt  }
0x82: {  	_ =	shalt  }
0x83: {  	_ =	shalt  }
0x84: {  	_ =	shalt  }
0x85: {  	_ =	shalt  }
0x86: {  	_ =	shalt  }
0x87: {  	_ =	shalt  }
.Lfunc_end0:
.L_simem_size_0:
called_computation.1_lowered:
.L_overlay_start_0:
0x88: {  	s2 =	sld [smem:$0x3FD9]  }
0x89: {  	s3 =	sld [smem:$0x3FFE];
	_ =	sdelay $0x1  }
0x8a: {  	s1 =	srdreg.scid  }
0x8b: {  	s0 =	sand.u32 $0x1, s1  }
0x8c: {  	s16 =	sshll.u32 s0, $0xA;
	s2 =	sadd.s32 s3, s2  }
0x8d: {  	s2 =	sadd.s32 s2, s16  }
0x8e: {  	[smem:$0x3FC2] =	sst s2  }
0x8f: {  	_ = 	snop  }
0x90: {  	(tm) =	ssettm $0x1  }
0x91: {  	s17 =	sld [smem:$0x3FFB];
	_ =	sdelay $0x3  }
0x92: {  	_ =	strace s17  }
0x93: {  	s2 =	sld [smem:$0x3FFC];
	_ =	sdelay $0x3  }
0x94: {  	_ =	strace s2  }
0x95: {  	s2 =	sld [smem:$0x3FFD];
	_ =	sdelay $0x3  }
0x96: {  	_ =	strace s2  }
0x97: {  	_ =	strace $0x8FFFFFFF  }
0x98: {  	s18 =	sld [smem:$0x3FDB];
	_ =	sdelay $0x1  }
0x99: {  	s19 =	simm.s32 $_scs_section_size  }
0x9a: {  	s4 =	simm.s32 $_size__tile_overlayer_lowered;
	s5 =	simm.s32 $_tile_overlayer_lowered  }
0x9b: {  	s22 =	simm.s32 $0x1BFF;
	s21 =	sshll.u32 s5, $0x1;
	s2 =	sadd.s32 s19, s18  }
0x9c: {  	s6 =	simm.s32 $0x0;
	s20 =	sshll.u32 s4, $0x1;
	s4 =	sadd.s32 s21, s2  }
0x9d: {  	[timem:s6], [sflag:s22] =	dma.local [hbm:s4], s20  }
0x9e: {  	_ =	swait.ge [sflag:s22], s20  }
0x9f: {  	s3 =	ssub.s32 $0x0, s20;
	[sflag:s22] =	ssyncset.done $0x0  }
0xa0: {  	[sflag:s22] =	ssyncadd.s32 s3;
	_ =	sdelay $0x1  }
0xa1: {  	s23 =	simm.s32 $0x1B8B  }
0xa2: {  	_ =	swait.ge [sflag:s23], $0x1  }
0xa3: {  	[sflag:s23] =	ssyncset.done $0x0  }
0xa4: {  	s25 =	simm.s32 $0x1B8E;
	s24 =	sld [smem:$0x3FFE];
	[sflag:s23] =	ssyncadd.s32 $0xFFFFFFFF  }
0xa5: {  	s26 =	simm.s32 $execute0_lowered;
	[smem:$0x3FD2] =	sst s25  }
0xa6: {  	s4 =	sshll.u32 s26, $0x1;
	_ =	strace $0x80000049;
	[dreg:$0x1] =	wrdreg $0xFFFFFFFF  }
0xa7: {  	s28 =	simm.s32 $_size_execute0_lowered;
	s2 =	sadd.s32 s2, s4;
	[dreg:$0x0] =	wrdreg $0x0  }
0xa8: {  	s4 =	sshll.u32 s28, $0x1;
	[dreg:$0x2] =	wrdreg s2  }
0xa9: {  	[dreg:$0x3] =	wrdreg s4  }
0xaa: {  	[dreg:$0x4] =	wrdreg $0xC0  }
0xab: {  	_ =	task [dreg:s6], $0x5FFFF  }
0xac: {  	[dreg:$0x1] =	wrdreg $0xFFFFFFFF  }
0xad: {  	[dreg:$0x0] =	wrdreg $0x60  }
0xae: {  	[dreg:$0x2] =	wrdreg s24  }
0xaf: {  	[dreg:$0x3] =	wrdreg $0xC6200  }
0xb0: {  	[dreg:$0x4] =	wrdreg $0x9  }
0xb1: {  	_ =	task.clear_ibuf [dreg:s6], $0x5FFFF;
	_ =	strace $0x90000049  }
0xb2: {  	s29 =	simm.s32 $0x9;
	_ =	strace $0x8000004B  }
0xb3: {  	_ =	swait.ge [sflag:s29], $0x1  }
0xb4: {  	[sflag:s29] =	ssyncadd.s32 $0xFFFFFFFF  }
0xb5: {  	_ =	strace $0x9000004B  }
0xb6: {  	_ =	sfence  }
0xb7: {  	s30 =	sld [smem:$0x0];
	_ =	sdelay $0x2  }
0xb8: {  	s31 =	sshll.u32 s1, $0xD;
	s1 =	sshrl.u32 s1, $0x2  }
0xb9: {  	s3 =	sand.u32 $0x4000, s31;
	s1 =	sadd.s32 s1, s30  }
0xba: {  	s0 =	sor.u32 s3, s0;
	s1 =	sshll.u32 s1, $0x11  }
0xbb: {  	s0 =	sor.u32 s1, s0  }
0xbc: {  	s0 =	sadd.s32 $0x8F2B, s0  }
0xbd: {  	[sflag:s0] =	ssyncadd.remote.s32 $0x1  }
0xbe: {  	_ =	sfence.sel $0xFFFF  }
0xbf: {  	[dreg:$0x0] =	wrdreg $0xFFFFFFFF;
	(pc) =	sbr.abs _section_cstart, $3  }
0xc0: {  	[dreg:$0x1] =	wrdreg $0xFFFFFFFF  }
0xc1: {  	_ =	task.clear_ibuf [dreg:s6], $0x2FFFF;
	_ =	strace $0x9FFFFFFF  }
0xc2: {  	(tm) =	ssettm $0x7FFFFFFF  }
0xc3: {  	_ =	shalt  }
tec
execute0_lowered:
.L_overlay_start_1:
0x0: {  	(tag) =	ssettag $0x1  }
0x1: {  	s0 =	srdreg.scid;
	s1 =	rddreg [dreg:$0x0]  }
0x2: {  	s2 =	rddreg [dreg:$0x1];
	s11 =	stileid.u32  }
0x3: {  	s3 =	simm.s32 $0x0;
	s15 =	simm.s32 $0x3D400;
	s20 =	simm.s32 $0x4  }
0x4: {  	s28 =	simm.s32 $0x1;
	s29 =	simm.s32 $0x2;
	s30 =	simm.s32 $0x3  }
0x5: {  	s0 =	sand.u32 $0x1, s0;
	[smem:$0x7FF] =	sst s3;
	s8 =	smul.u32 $0x4E200, s11  }
0x6: {  	s22 =	smul.u32 $0x13880, s11;
	s4 =	sshll.u32 s0, $0x4;
	s6 =	ssub.s32 $0x2, s0  }
0x7: {  	_ =	strace $0x8000004A;
	p0 =	seq.s32 s0, $0x0;
	s4 =	sor.u32 s11, s4  }
0x8: {  	s7 =	sshrl.u32 s6, $0x1;
	s21 =	sshrl.u32 s8, $0x2;
	s25 =	sshrl.u32 s22, $0x3  }
0x9: {  	s11 =	sadd.s32 s22, s2;
	s12 =	sadd.s32 $0x7800, s22;
	s8 =	sadd.s32 $0xF000, s22  }
0xa: {  	s15 =	simm.s32 @!p0 $0x64600;
	p0 =	sne.s32 s0, $0x0;
	s22 =	simm.s32 $0x4E20  }
0xb: {  	s0 =	simm.s32 $0x2670;
	s10 =	ssub.s32 s6, s7;
	s7 =	sadd.s32 s21, s2  }
0xc: {  	s5 =	smul.u32 $0x4E2, s4;
	s4 =	sadd.s32 $0x16200, s1;
	s23 =	sadd.s32 $0x7800, s7  }
0xd: {  	s14 =	sshrl.u32 s12, $0x3;
	s24 =	sadd.s32 $0xF000, s7;
	[dreg:$0x3] =	wrdreg s23  }
0xe: {  	s19 =	sshrl.u32 s8, $0x3;
	s26 =	sadd.s32 s4, s25;
	[dreg:$0x4] =	wrdreg s24  }
0xf: {  	s13 =	sadd.s32 s4, s14;
	s31 =	sadd.s32 s4, s19;
	[dreg:$0x5] =	wrdreg s26  }
0x10: {  	s16 =	smax.u32 s10, $0x1;
	s10 =	simm.s32 $0x4D30;
	[dreg:$0x6] =	wrdreg s13  }
0x11: {  	s9 =	sadd.s32 s5, s1;
	s13 =	sadd.s32 s12, s2;
	[dreg:$0x7] =	wrdreg s31  }
0x12: {  	s1 =	sadd.s32 s15, s1;
	s15 =	sadd.s32 s8, s2;
	s23 =	simm.s32 $0x50  }
0x13: {  	s24 =	simm.s32 $0x7620;
	s26 =	simm.s32 $0x9E20;
	s8 =	simm.s32 $0x26C0  }
0x14: {  	s12 =	simm.s32 $0x4DD0;
	s5 =	sadd.s32 $0x2600, s9;
	s6 =	sadd.s32 $0xC400, s9  }
0x15: {  	s17 =	sadd.s32 s1, s25;
	s18 =	sadd.s32 s1, s14;
	s19 =	sadd.s32 s1, s19  }
0x16: {  	v0 =	vimm.f32 $0.0e+00;
	s1 =	simm.s32 $0x4CE0;
	s9 =	simm.s32 $0x4D80;
	s14 =	simm.s32 $0x0  }
.LBB2_1:
0x17: {  	[tilespmem:s3], [sflag:$0x4] =	stream.linear.gather [hbm4b:s5+s3], $0x2710, $0x38;
	[tilespmem:$0x1FEA0] =	vst v63  }
0x18: {  	_ =	swait.ge [sflag:s20], $0x2710  }
0x19: {  	[sflag:s20] =	ssyncset.done $0x0  }
.Ltmp0:
0x1a: {  	s21 =	simm.s32 $0x2710;
	[sflag:s20] =	ssyncadd.s32 $0xFFFFD8F0;
	(pc) =	sbr.rel @p0 .LBB2_3-.Ltmp0, $4  }
0x1b: {  	[tilespmem:s21], [sflag:$0x4] =	stream.linear.gather [hbm4b:s6+s3], $0x2710, $0x38;
	[tilespmem:$0x1FEA0] =	vst v63  }
0x1c: {  	_ =	swait.ge [sflag:s20], $0x2710  }
0x1d: {  	[sflag:s20] =	ssyncset.done $0x0  }
0x1e: {  	[sflag:s20] =	ssyncadd.s32 $0xFFFFD8F0  }
0x1f: {  	s21 =	rddreg [dreg:$0x5]  }
0x20: {  	[tilespmem:s22], [sflag:$0x4] =	stream.linear.gather [hbm4b:s21+s3], $0x7800, $0x38;
	[tilespmem:$0x1FEA0] =	vst v63  }
0x21: {  	_ =	swait.ge [sflag:s20], $0x7800  }
0x22: {  	[sflag:s20] =	ssyncset.done $0x0  }
0x23: {  	[sflag:s20] =	ssyncadd.s32 $0xFFFF8800  }
0x24: {  	[spmem:s11] =	stream.linear.scatter [tilespmem:s22], [sflag:$0x4], $0x7800, $0x38;
	[tilespmem:$0x1FEA0] =	vst v63  }
0x25: {  	_ =	swait.ge [sflag:s20], $0x7800  }
0x26: {  	[sflag:s20] =	ssyncset.done $0x0  }
0x27: {  	s25 =	rddreg [dreg:$0x6];
	[sflag:s20] =	ssyncadd.s32 $0xFFFF8800  }
0x28: {  	[tilespmem:s22], [sflag:$0x4] =	stream.linear.gather [hbm4b:s25+s3], $0x7800, $0x38;
	[tilespmem:$0x1FEA0] =	vst v63  }
0x29: {  	_ =	swait.ge [sflag:s20], $0x7800  }
0x2a: {  	[sflag:s20] =	ssyncset.done $0x0  }
0x2b: {  	[sflag:s20] =	ssyncadd.s32 $0xFFFF8800  }
0x2c: {  	[spmem:s13] =	stream.linear.scatter [tilespmem:s22], [sflag:$0x4], $0x7800, $0x38;
	[tilespmem:$0x1FEA0] =	vst v63  }
0x2d: {  	_ =	swait.ge [sflag:s20], $0x7800  }
0x2e: {  	[sflag:s20] =	ssyncset.done $0x0  }
.Ltmp1:
0x2f: {  	s31 =	rddreg [dreg:$0x7];
	[sflag:s20] =	ssyncadd.s32 $0xFFFF8800;
	(pc) =	sbr.rel .LBB2_6-.Ltmp1, $4  }
0x30: {  	[tilespmem:s22], [sflag:$0x4] =	stream.linear.gather [hbm4b:s31+s3], $0x4880, $0x38;
	[tilespmem:$0x1FEA0] =	vst v63  }
0x31: {  	_ =	swait.ge [sflag:s20], $0x4880  }
0x32: {  	[sflag:s20] =	ssyncset.done $0x0  }
0x33: {  	s21 =	smov.u32 s15;
	[sflag:s20] =	ssyncadd.s32 $0xFFFFB780  }
.LBB2_3:
0x34: {  	s21 =	sshra.s32 s3, $0x2;
	s25 =	sadd.s32 $0x200, s3  }
.LBB2_4:
0x35: {  	p1 =	sne.s32 s25, $0x1DE00;
	[tilespmem:s21+$0x4E90] =	vst v0  }
0x36: {  	[tilespmem:s21+$0x4E20] =	vst v0  }
0x37: {  	[tilespmem:s21+$0x4E30] =	vst v0  }
.Ltmp2:
0x38: {  	[tilespmem:s21+$0x4E40] =	vst v0;
	(pc) =	sbr.rel @p1 .LBB2_4-.Ltmp2, $4  }
0x39: {  	[tilespmem:s21+$0x4E50] =	vst v0  }
0x3a: {  	[tilespmem:s21+$0x4E60] =	vst v0  }
0x3b: {  	[tilespmem:s21+$0x4E70] =	vst v0  }
0x3c: {  	[tilespmem:s21+$0x4E80] =	vst v0;
	s21 =	sshra.s32 s25, $0x2;
	s25 =	sadd.s32 $0x200, s25  }
0x3d: {  	[tilespmem:s21+$0x4E90] =	vst v0  }
0x3e: {  	[tilespmem:s21+$0x4E20] =	vst v0  }
0x3f: {  	[tilespmem:s21+$0x4E30] =	vst v0  }
0x40: {  	[tilespmem:s21+$0x4E40] =	vst v0  }
0x41: {  	[tilespmem:s21+$0x4E50] =	vst v0  }
0x42: {  	[tilespmem:s21+$0x4E60] =	vst v0  }
0x43: {  	[tilespmem:s21+$0x4E70] =	vst v0  }
0x44: {  	[tilespmem:s21+$0x4E80] =	vst v0  }
0x45: {  	[spmem:s7] =	stream.linear.scatter [tilespmem:s22], [sflag:$0x4], $0x7800, $0x38;
	[tilespmem:$0x1FEA0] =	vst v63  }
0x46: {  	_ =	swait.ge [sflag:s20], $0x7800  }
0x47: {  	[sflag:s20] =	ssyncset.done $0x0  }
0x48: {  	s31 =	rddreg [dreg:$0x3];
	[sflag:s20] =	ssyncadd.s32 $0xFFFF8800  }
0x49: {  	[spmem:s31] =	stream.linear.scatter [tilespmem:s22], [sflag:$0x4], $0x7800, $0x38;
	[tilespmem:$0x1FEA0] =	vst v63  }
0x4a: {  	_ =	swait.ge [sflag:s20], $0x7800  }
0x4b: {  	[sflag:s20] =	ssyncset.done $0x0  }
0x4c: {  	s21 =	rddreg [dreg:$0x4];
	[sflag:s20] =	ssyncadd.s32 $0xFFFF8800  }
.LBB2_6:
0x4d: {  	[spmem:s21] =	stream.linear.scatter [tilespmem:s22], [sflag:$0x4], $0x4880, $0x38;
	[tilespmem:$0x1FEA0] =	vst v63  }
0x4e: {  	_ =	swait.ge [sflag:s20], $0x4880  }
0x4f: {  	[sflag:s20] =	ssyncset.done $0x0  }
0x50: {  	[sflag:s20] =	ssyncadd.s32 $0xFFFFB780  }
0x51: {  	s31 =	simm.s32 $0x0;
	[bflag:$0x0] =	sbarrier.arrive $0xFFFF  }
0x52: {  	[tilespmem:s22], [sflag:$0x1] =	stream.indirect.gather [hbm4b:s4+s23], $0x80, s31, s23, $0xb8;
	[tilespmem:$0x1FEA0] =	vst v63  }
0x53: {  	_ = 	snop  }
0x54: {  	[tilespmem:s24], [sflag:$0x2] =	stream.indirect.gather [hbm4b:s4+s23], $0x80, s23, s23, $0xb8;
	[tilespmem:$0x1FEA0] =	vst v63  }
0x55: {  	s25 =	simm.s32 $0xA0  }
0x56: {  	[tilespmem:s26], [sflag:$0x3] =	stream.indirect.gather [hbm4b:s4+s23], $0x80, s25, s23, $0xb8;
	[tilespmem:$0x1FEA0] =	vst v63  }
0x57: {  	_ =	swait.ge [sflag:s28], $0x2800  }
0x58: {  	[sflag:s28] =	ssyncset.done $0x0  }
0x59: {  	s31 =	simm.s32 $0x2710;
	[sflag:s28] =	ssyncadd.s32 $0xFFFFD800  }
0x5a: {  	[spmem:s2] =	stream.indirect.scatter.add.f32 [tilespmem:s22], [sflag:$0x4], $0x80, s31, s23, $0xb8;
	[tilespmem:$0x1FEA0] =	vst v63  }
0x5b: {  	_ =	swait.ge [sflag:s20], $0x2800  }
0x5c: {  	[sflag:s20] =	ssyncset.done $0x0  }
0x5d: {  	s25 =	simm.s32 $0xF0;
	[sflag:s20] =	ssyncadd.s32 $0xFFFFD800  }
0x5e: {  	[tilespmem:s22], [sflag:$0x1] =	stream.indirect.gather [hbm4b:s4+s23], $0x80, s25, s23, $0xb8;
	[tilespmem:$0x1FEA0] =	vst v63  }
0x5f: {  	_ =	swait.ge [sflag:s29], $0x2800  }
0x60: {  	[sflag:s29] =	ssyncset.done $0x0  }
0x61: {  	s31 =	simm.s32 $0x2760;
	[sflag:s29] =	ssyncadd.s32 $0xFFFFD800  }
0x62: {  	[spmem:s2] =	stream.indirect.scatter.add.f32 [tilespmem:s24], [sflag:$0x4], $0x80, s31, s23, $0xb8;
	[tilespmem:$0x1FEA0] =	vst v63  }
0x63: {  	_ =	swait.ge [sflag:s20], $0x2800  }
0x64: {  	[sflag:s20] =	ssyncset.done $0x0  }
0x65: {  	s25 =	simm.s32 $0x140;
	[sflag:s20] =	ssyncadd.s32 $0xFFFFD800  }
0x66: {  	[tilespmem:s24], [sflag:$0x2] =	stream.indirect.gather [hbm4b:s4+s23], $0x80, s25, s23, $0xb8;
	[tilespmem:$0x1FEA0] =	vst v63  }
0x67: {  	_ =	swait.ge [sflag:s30], $0x2800  }
0x68: {  	[sflag:s30] =	ssyncset.done $0x0  }
0x69: {  	s31 =	simm.s32 $0x27B0;
	[sflag:s30] =	ssyncadd.s32 $0xFFFFD800  }
0x6a: {  	[spmem:s2] =	stream.indirect.scatter.add.f32 [tilespmem:s26], [sflag:$0x4], $0x80, s31, s23, $0xb8;
	[tilespmem:$0x1FEA0] =	vst v63  }
0x6b: {  	_ =	swait.ge [sflag:s20], $0x2800  }
0x6c: {  	[sflag:s20] =	ssyncset.done $0x0  }
0x6d: {  	s21 =	simm.s32 $0x3C0;
	s25 =	simm.s32 $0x190;
	[sflag:s20] =	ssyncadd.s32 $0xFFFFD800  }
.LBB2_7:
0x6e: {  	[tilespmem:s26], [sflag:$0x3] =	stream.indirect.gather [hbm4b:s4+s23], $0x80, s25, s23, $0xb8;
	[tilespmem:$0x1FEA0] =	vst v63  }
0x6f: {  	s25 =	smov.u32 s21  }
0x70: {  	p1 =	sne.s32 s21, $0x9240;
	s21 =	sadd.s32 $0x3C0, s21;
	_ =	swait.ge [sflag:s28], $0x2800  }
0x71: {  	s25 =	sshra.s32 s25, $0x2;
	[sflag:s28] =	ssyncset.done $0x0  }
0x72: {  	s31 =	sadd.s32 $0x2710, s25;
	[sflag:s28] =	ssyncadd.s32 $0xFFFFD800  }
0x73: {  	[spmem:s2] =	stream.indirect.scatter.add.f32 [tilespmem:s22], [sflag:$0x4], $0x80, s31, s23, $0xb8;
	[tilespmem:$0x1FEA0] =	vst v63  }
0x74: {  	_ =	swait.ge [sflag:s20], $0x2800  }
0x75: {  	[sflag:s20] =	ssyncset.done $0x0  }
0x76: {  	s31 =	sadd.s32 $0xF0, s25;
	[sflag:s20] =	ssyncadd.s32 $0xFFFFD800  }
0x77: {  	[tilespmem:s22], [sflag:$0x1] =	stream.indirect.gather [hbm4b:s4+s23], $0x80, s31, s23, $0xb8;
	[tilespmem:$0x1FEA0] =	vst v63  }
0x78: {  	_ =	swait.ge [sflag:s29], $0x2800  }
0x79: {  	[sflag:s29] =	ssyncset.done $0x0  }
0x7a: {  	s31 =	sadd.s32 $0x2760, s25;
	[sflag:s29] =	ssyncadd.s32 $0xFFFFD800  }
0x7b: {  	[spmem:s2] =	stream.indirect.scatter.add.f32 [tilespmem:s24], [sflag:$0x4], $0x80, s31, s23, $0xb8;
	[tilespmem:$0x1FEA0] =	vst v63  }
0x7c: {  	_ =	swait.ge [sflag:s20], $0x2800  }
0x7d: {  	[sflag:s20] =	ssyncset.done $0x0  }
0x7e: {  	s31 =	sadd.s32 $0x140, s25;
	[sflag:s20] =	ssyncadd.s32 $0xFFFFD800  }
0x7f: {  	[tilespmem:s24], [sflag:$0x2] =	stream.indirect.gather [hbm4b:s4+s23], $0x80, s31, s23, $0xb8;
	[tilespmem:$0x1FEA0] =	vst v63  }
0x80: {  	_ =	swait.ge [sflag:s30], $0x2800  }
0x81: {  	[sflag:s30] =	ssyncset.done $0x0  }
.Ltmp3:
0x82: {  	s31 =	sadd.s32 $0x27B0, s25;
	[sflag:s30] =	ssyncadd.s32 $0xFFFFD800;
	(pc) =	sbr.rel @p1 .LBB2_7-.Ltmp3, $4  }
0x83: {  	[spmem:s2] =	stream.indirect.scatter.add.f32 [tilespmem:s26], [sflag:$0x4], $0x80, s31, s23, $0xb8;
	[tilespmem:$0x1FEA0] =	vst v63  }
0x84: {  	_ =	swait.ge [sflag:s20], $0x2800  }
0x85: {  	[sflag:s20] =	ssyncset.done $0x0  }
0x86: {  	s25 =	sadd.s32 $0x190, s25;
	[sflag:s20] =	ssyncadd.s32 $0xFFFFD800  }
0x87: {  	[tilespmem:s26], [sflag:$0x3] =	stream.indirect.gather [hbm4b:s4+s23], $0x80, s25, s23, $0xb8;
	[tilespmem:$0x1FEA0] =	vst v63  }
0x88: {  	_ =	swait.ge [sflag:s28], $0x2800  }
0x89: {  	[sflag:s28] =	ssyncset.done $0x0  }
0x8a: {  	s21 =	simm.s32 $0x4C90;
	[sflag:s28] =	ssyncadd.s32 $0xFFFFD800  }
0x8b: {  	[spmem:s2] =	stream.indirect.scatter.add.f32 [tilespmem:s22], [sflag:$0x4], $0x80, s21, s23, $0xb8;
	[tilespmem:$0x1FEA0] =	vst v63  }
0x8c: {  	_ =	swait.ge [sflag:s20], $0x2800  }
0x8d: {  	[sflag:s20] =	ssyncset.done $0x0  }
0x8e: {  	[sflag:s20] =	ssyncadd.s32 $0xFFFFD800  }
0x8f: {  	[tilespmem:s22], [sflag:$0x1] =	stream.indirect.gather [hbm4b:s4+s23], $0x80, s0, s23, $0xb8;
	[tilespmem:$0x1FEA0] =	vst v63  }
0x90: {  	_ =	swait.ge [sflag:s29], $0x2800  }
0x91: {  	[sflag:s29] =	ssyncset.done $0x0  }
0x92: {  	[sflag:s29] =	ssyncadd.s32 $0xFFFFD800  }
0x93: {  	[spmem:s2] =	stream.indirect.scatter.add.f32 [tilespmem:s24], [sflag:$0x4], $0x80, s1, s23, $0xb8;
	[tilespmem:$0x1FEA0] =	vst v63  }
0x94: {  	_ =	swait.ge [sflag:s20], $0x2800  }
0x95: {  	[sflag:s20] =	ssyncset.done $0x0  }
0x96: {  	[sflag:s20] =	ssyncadd.s32 $0xFFFFD800  }
0x97: {  	[tilespmem:s24], [sflag:$0x2] =	stream.indirect.gather [hbm4b:s4+s23], $0x80, s8, s23, $0xb8;
	[tilespmem:$0x1FEA0] =	vst v63  }
0x98: {  	_ =	swait.ge [sflag:s30], $0x2800  }
0x99: {  	[sflag:s30] =	ssyncset.done $0x0  }
0x9a: {  	[sflag:s30] =	ssyncadd.s32 $0xFFFFD800  }
0x9b: {  	[spmem:s2] =	stream.indirect.scatter.add.f32 [tilespmem:s26], [sflag:$0x4], $0x80, s10, s23, $0xb8;
	[tilespmem:$0x1FEA0] =	vst v63  }
0x9c: {  	_ =	swait.ge [sflag:s20], $0x2800  }
0x9d: {  	[sflag:s20] =	ssyncset.done $0x0  }
0x9e: {  	[sflag:s20] =	ssyncadd.s32 $0xFFFFD800  }
0x9f: {  	_ =	swait.ge [sflag:s28], $0x2800  }
0xa0: {  	[sflag:s28] =	ssyncset.done $0x0  }
0xa1: {  	[sflag:s28] =	ssyncadd.s32 $0xFFFFD800  }
0xa2: {  	[spmem:s2] =	stream.indirect.scatter.add.f32 [tilespmem:s22], [sflag:$0x4], $0x80, s9, s23, $0xb8;
	[tilespmem:$0x1FEA0] =	vst v63  }
0xa3: {  	_ =	swait.ge [sflag:s20], $0x2800  }
0xa4: {  	[sflag:s20] =	ssyncset.done $0x0  }
0xa5: {  	[sflag:s20] =	ssyncadd.s32 $0xFFFFD800  }
0xa6: {  	_ =	swait.ge [sflag:s29], $0x2800  }
0xa7: {  	[sflag:s29] =	ssyncset.done $0x0  }
0xa8: {  	[sflag:s29] =	ssyncadd.s32 $0xFFFFD800  }
0xa9: {  	[spmem:s2] =	stream.indirect.scatter.add.f32 [tilespmem:s24], [sflag:$0x4], $0x80, s12, s23, $0xb8;
	[tilespmem:$0x1FEA0] =	vst v63  }
0xaa: {  	_ =	swait.ge [sflag:s20], $0x2800  }
0xab: {  	[sflag:s20] =	ssyncset.done $0x0  }
0xac: {  	[sflag:s20] =	ssyncadd.s32 $0xFFFFD800  }
0xad: {  	[bflag:$0x0] =	sbarrier.arrive $0xFFFF  }
0xae: {  	[tilespmem:s22], [sflag:$0x4] =	stream.linear.gather [spmem:s11], $0x7800, $0x38;
	[tilespmem:$0x1FEA0] =	vst v63  }
0xaf: {  	_ =	swait.ge [sflag:s20], $0x7800  }
0xb0: {  	[sflag:s20] =	ssyncset.done $0x0  }
0xb1: {  	[sflag:s20] =	ssyncadd.s32 $0xFFFF8800  }
0xb2: {  	[hbm4b:s17+s3] =	stream.linear.scatter [tilespmem:s22], [sflag:$0x4], $0x7800, $0x38;
	[tilespmem:$0x1FEA0] =	vst v63  }
0xb3: {  	_ =	swait.ge [sflag:s20], $0x7800  }
0xb4: {  	[sflag:s20] =	ssyncset.done $0x0  }
0xb5: {  	[sflag:s20] =	ssyncadd.s32 $0xFFFF8800  }
0xb6: {  	[tilespmem:s22], [sflag:$0x4] =	stream.linear.gather [spmem:s13], $0x7800, $0x38;
	[tilespmem:$0x1FEA0] =	vst v63  }
0xb7: {  	_ =	swait.ge [sflag:s20], $0x7800  }
0xb8: {  	[sflag:s20] =	ssyncset.done $0x0  }
0xb9: {  	[sflag:s20] =	ssyncadd.s32 $0xFFFF8800  }
0xba: {  	[hbm4b:s18+s3] =	stream.linear.scatter [tilespmem:s22], [sflag:$0x4], $0x7800, $0x38;
	[tilespmem:$0x1FEA0] =	vst v63  }
0xbb: {  	_ =	swait.ge [sflag:s20], $0x7800  }
0xbc: {  	[sflag:s20] =	ssyncset.done $0x0  }
0xbd: {  	[sflag:s20] =	ssyncadd.s32 $0xFFFF8800  }
0xbe: {  	[tilespmem:s22], [sflag:$0x4] =	stream.linear.gather [spmem:s15], $0x4880, $0x38;
	[tilespmem:$0x1FEA0] =	vst v63  }
0xbf: {  	s14 =	sadd.s32 $0x1, s14;
	_ =	swait.ge [sflag:s20], $0x4880  }
0xc0: {  	p1 =	sne.s32 s14, s16;
	[sflag:s20] =	ssyncset.done $0x0  }
.Ltmp4:
0xc1: {  	[sflag:s20] =	ssyncadd.s32 $0xFFFFB780;
	(pc) =	sbr.rel @p1 .LBB2_1-.Ltmp4, $4  }
0xc2: {  	[hbm4b:s19+s3] =	stream.linear.scatter [tilespmem:s22], [sflag:$0x4], $0x4880, $0x38;
	[tilespmem:$0x1FEA0] =	vst v63  }
0xc3: {  	_ =	swait.ge [sflag:s20], $0x4880  }
0xc4: {  	[sflag:s20] =	ssyncset.done $0x0  }
0xc5: {  	[sflag:s20] =	ssyncadd.s32 $0xFFFFB780  }
0xc6: {  	_ =	sfence.sel $0x180000  }
0xc7: {  	[bflag:$0x0] =	sbarrier.arrive $0xFFFF  }
0xc8: {  	_ =	strace $0x9000004A  }
0xc9: {  	s0 =	stileid.u32;
	[bflag:$0x2] =	sbarrier.arrive $0xFFFF  }
0xca: {  	p0 =	sne.s32 s0, $0x0;
	s0 =	rddreg [dreg:$0x2]  }
0xcb: {  	s0 =	sadd.s32 @!p0 $0x100000, s0  }
0xcc: {  	[sflag:s0] =	ssyncadd.tile.s32 @!p0 $0x1;
	_ =	shalt  }
.Lfunc_end2:
_tile_overlayer_lowered:
.L_overlay_start_2:
0xcd: {  	(tag) =	ssettag $0x2  }
0xce: {  	s0 =	rddreg [dreg:$0x0];
	s2 =	stileid.u32  }
0xcf: {  	s1 =	rddreg [dreg:$0x1];
	p0 =	sne.s32 s2, $0x0  }
0xd0: {  	s3 =	rddreg [dreg:$0x2];
	[bflag:$0x3] =	sbarrier.arrive $0xFFFF;
	s2 =	simm.s32 @!p0 $0x1C04  }
0xd1: {  	[timem:s3], [sflag:s2] =	dma.local @!p0 [hbm:s0], s1  }
0xd2: {  	s0 =	simm.s32 @!p0 $0x4  }
0xd3: {  	_ =	swait.ge @!p0 [sflag:s0], s1  }
0xd4: {  	s1 =	ssub.s32 @!p0 $0x0, s1;
	[sflag:s0] =	ssyncset.done @!p0 $0x0  }
0xd5: {  	[sflag:s0] =	ssyncadd.s32 @!p0 s1  }
0xd6: {  	[bflag:$0x3] =	sbarrier.arrive $0xFFFF  }
0xd7: {  	_ =	shalt  }

// kernel: kernel.15.cloned.1.call-start
scs
__scs_entry_jumppad:
0x0: {  	(pc) =	sbr.rel $0x88, $3  }
0x1: {  	(tag) =	ssettag $0x0;
	lr =	simm.s32 $0x1  }
0x2: {  	[smem:$0x3F9B] =	sst lr;
	_ =	strace $0xD0000000  }
0x3: {  	_ = 	snop  }
0x4: {  	_ = 	snop  }
0x5: {  	_ = 	snop  }
0x6: {  	_ = 	snop  }
0x7: {  	_ = 	snop  }
__scs_overlays_trampoline_lowered:
0x8: {  	[smem:$0x3FAA] =	sst s0  }
0x9: {  	[smem:$0x3FAB] =	sst s1  }
0xa: {  	[smem:$0x3FAC] =	sst s2  }
0xb: {  	[smem:$0x3FAD] =	sst s3  }
0xc: {  	[smem:$0x3FAE] =	sst s4  }
0xd: {  	[smem:$0x3FAF] =	sst s5  }
0xe: {  	[smem:$0x3FB0] =	sst s6  }
0xf: {  	[smem:$0x3FB1] =	sst s7  }
0x10: {  	[smem:$0x3FB2] =	sst s8  }
0x11: {  	[smem:$0x3FB3] =	sst s9;
	s0 =	simm.s32 @!p0 $0x0  }
0x12: {  	s1 =	sld [smem:$0x3F99];
	s0 =	simm.s32 @p0 $0x1  }
0x13: {  	[smem:$0x3FB4] =	sst s0;
	s0 =	simm.s32 @!p1 $0x0  }
0x14: {  	s2 =	sld [smem:$0x3F98];
	s0 =	simm.s32 @p1 $0x1  }
0x15: {  	[smem:$0x3FB5] =	sst s0;
	s0 =	simm.s32 @!p2 $0x0  }
0x16: {  	s3 =	sld [smem:$0x3FDB];
	s0 =	simm.s32 @p2 $0x1  }
0x17: {  	s4 =	simm.s32 $0x1BF5;
	[smem:$0x3FB7] =	sst s0  }
0x18: {  	s0 =	sld [smem:$0x3F9A];
	_ =	swait.ge [sflag:s4], $0x0  }
0x19: {  	s7 =	sld [smem:$0x3F9B]  }
0x1a: {  	s8 =	sadd.s32 $0xFFFFE003, lr  }
0x1b: {  	s9 =	sadd.s32 $0xFFFFFEF7, lr;
	s5 =	simm.s32 $0xFFFFFFFF;
	p2 =	slt.u32 s8, $0xFFFFF086  }
0x1c: {  	p1 =	slt.u32 s9, $0xF7A;
	s5 =	simm.s32 @!p2 $0x0  }
0x1d: {  	s5 =	simm.s32 @p1 $0x1;
	p0 =	seq.s32 s7, s2  }
0x1e: {  	s7 =	smul.u32 @!p0 $0xF7A, s2;
	p2 =	seq.s32 @!p0 s5, $0x0  }
0x1f: {  	s9 =	smul.u32 $0xF7A, s1;
	s8 =	simm.s32 @!p0 $0x1BF5;
	p2 =	por !p2, p0  }
0x20: {  	[sflag:s8] =	ssyncset.s32 @!p0 $0xFFFFF086;
	s6 =	sadd.s32 @!p0 s3, s7;
	s7 =	simm.s32 @!p0 $0x108  }
0x21: {  	s3 =	sadd.s32 s3, s9;
	s6 =	sadd.s32 @!p0 $0x88, s6;
	s7 =	simm.s32 @p2 $0x1082  }
0x22: {  	[simem:s7], [sflag:s8] =	dma.local @!p0 [hbm:s6], $0xF7A  }
0x23: {  	s9 =	sor.u32 $0xD0000000, s2;
	s6 =	simm.s32 $0x108;
	_ =	swait.ge @!p0 [sflag:s8], $0x0  }
0x24: {  	s3 =	sadd.s32 $0x88, s3;
	s6 =	simm.s32 @!p1 $0x1082;
	[sflag:s4] =	ssyncset.s32 $0xFFFFF086  }
0x25: {  	[simem:s6], [sflag:s4] =	dma.local [hbm:s3], $0xF7A  }
0x26: {  	[smem:$0x3F9B] =	sst s1;
	(tag) =	ssettag s2;
	_ =	strace s9  }
0x27: {  	s1 =	sld [smem:$0x3FAB]  }
0x28: {  	s2 =	sld [smem:$0x3FAC]  }
0x29: {  	s4 =	sld [smem:$0x3FAE]  }
0x2a: {  	p0 =	seq.s32 s5, $0x0;
	s5 =	sld [smem:$0x3FAF]  }
0x2b: {  	s6 =	sld [smem:$0x3FB0]  }
0x2c: {  	s7 =	sld [smem:$0x3FB1]  }
0x2d: {  	s3 =	simm.s32 $0x108;
	s8 =	sld [smem:$0x3FB2]  }
0x2e: {  	s3 =	simm.s32 @!p0 $0x1082;
	s9 =	sld [smem:$0x3FB3]  }
0x2f: {  	lr =	sadd.s32 s0, s3;
	s0 =	sld [smem:$0x3FAA]  }
0x30: {  	s3 =	sld [smem:$0x3FAD]  }
0x31: {  	[smem:$0x3FB6] =	sst s10  }
0x32: {  	s10 =	sld [smem:$0x3FB4];
	_ =	sdelay $0x3  }
0x33: {  	p0 =	seq.s32 s10, $0x1;
	s10 =	sld [smem:$0x3FB6];
	_ =	sdelay $0x3  }
0x34: {  	[smem:$0x3FB6] =	sst s10  }
0x35: {  	s10 =	sld [smem:$0x3FB5];
	_ =	sdelay $0x3  }
0x36: {  	p1 =	seq.s32 s10, $0x1;
	s10 =	sld [smem:$0x3FB6];
	_ =	sdelay $0x3  }
0x37: {  	[smem:$0x3FB6] =	sst s10  }
0x38: {  	s10 =	sld [smem:$0x3FB7]  }
0x39: {  	_ = 	snop;
	(pc) =	sbr.ind lr, $3  }
0x3a: {  	_ = 	snop  }
0x3b: {  	_ = 	snop  }
0x3c: {  	p2 =	seq.s32 s10, $0x1;
	s10 =	sld [smem:$0x3FB6]  }
0x3d: {  	_ =	shalt  }
0x3e: {  	_ =	shalt  }
0x3f: {  	_ =	shalt  }
0x40: {  	_ =	shalt  }
0x41: {  	_ =	shalt  }
0x42: {  	_ =	shalt  }
0x43: {  	_ =	shalt  }
0x44: {  	_ =	shalt  }
0x45: {  	_ =	shalt  }
0x46: {  	_ =	shalt  }
0x47: {  	_ =	shalt  }
0x48: {  	_ =	shalt  }
0x49: {  	_ =	shalt  }
0x4a: {  	_ =	shalt  }
0x4b: {  	_ =	shalt  }
0x4c: {  	_ =	shalt  }
0x4d: {  	_ =	shalt  }
0x4e: {  	_ =	shalt  }
0x4f: {  	_ =	shalt  }
0x50: {  	_ =	shalt  }
0x51: {  	_ =	shalt  }
0x52: {  	_ =	shalt  }
0x53: {  	_ =	shalt  }
0x54: {  	_ =	shalt  }
0x55: {  	_ =	shalt  }
0x56: {  	_ =	shalt  }
0x57: {  	_ =	shalt  }
0x58: {  	_ =	shalt  }
0x59: {  	_ =	shalt  }
0x5a: {  	_ =	shalt  }
0x5b: {  	_ =	shalt  }
0x5c: {  	_ =	shalt  }
0x5d: {  	_ =	shalt  }
0x5e: {  	_ =	shalt  }
0x5f: {  	_ =	shalt  }
0x60: {  	_ =	shalt  }
0x61: {  	_ =	shalt  }
0x62: {  	_ =	shalt  }
0x63: {  	_ =	shalt  }
0x64: {  	_ =	shalt  }
0x65: {  	_ =	shalt  }
0x66: {  	_ =	shalt  }
0x67: {  	_ =	shalt  }
0x68: {  	_ =	shalt  }
0x69: {  	_ =	shalt  }
0x6a: {  	_ =	shalt  }
0x6b: {  	_ =	shalt  }
0x6c: {  	_ =	shalt  }
0x6d: {  	_ =	shalt  }
0x6e: {  	_ =	shalt  }
0x6f: {  	_ =	shalt  }
0x70: {  	_ =	shalt  }
0x71: {  	_ =	shalt  }
0x72: {  	_ =	shalt  }
0x73: {  	_ =	shalt  }
0x74: {  	_ =	shalt  }
0x75: {  	_ =	shalt  }
0x76: {  	_ =	shalt  }
0x77: {  	_ =	shalt  }
0x78: {  	_ =	shalt  }
0x79: {  	_ =	shalt  }
0x7a: {  	_ =	shalt  }
0x7b: {  	_ =	shalt  }
0x7c: {  	_ =	shalt  }
0x7d: {  	_ =	shalt  }
0x7e: {  	_ =	shalt  }
0x7f: {  	_ =	shalt  }
0x80: {  	_ =	shalt  }
0x81: {  	_ =	shalt  }
0x82: {  	_ =	shalt  }
0x83: {  	_ =	shalt  }
0x84: {  	_ =	shalt  }
0x85: {  	_ =	shalt  }
0x86: {  	_ =	shalt  }
0x87: {  	_ =	shalt  }
.Lfunc_end0:
.L_simem_size_0:
called_computation.2_lowered:
.L_overlay_start_0:
0x88: {  	s2 =	sld [smem:$0x3FD9]  }
0x89: {  	s3 =	sld [smem:$0x3FFE];
	_ =	sdelay $0x1  }
0x8a: {  	s1 =	srdreg.scid  }
0x8b: {  	s0 =	sand.u32 $0x1, s1  }
0x8c: {  	s17 =	sshll.u32 s0, $0xA;
	s2 =	sadd.s32 s3, s2  }
0x8d: {  	s2 =	sadd.s32 s2, s17  }
0x8e: {  	[smem:$0x3FC2] =	sst s2  }
0x8f: {  	_ = 	snop  }
0x90: {  	s2 =	sld [smem:$0x3FD0];
	(tm) =	ssettm $0x1  }
0x91: {  	s18 =	sld [smem:$0x3FFB];
	_ =	sdelay $0x3  }
0x92: {  	_ =	strace s18  }
0x93: {  	s3 =	sld [smem:$0x3FFC];
	_ =	sdelay $0x3  }
0x94: {  	_ =	strace s3  }
0x95: {  	s3 =	sld [smem:$0x3FFD];
	_ =	sdelay $0x3  }
0x96: {  	_ =	strace s3  }
0x97: {  	_ =	strace $0x8FFFFFFF  }
0x98: {  	s19 =	sld [smem:$0x3FDB];
	_ =	sdelay $0x1  }
0x99: {  	s4 =	simm.s32 $_scs_section_size  }
0x9a: {  	s5 =	simm.s32 $_size__tile_overlayer_lowered;
	s6 =	simm.s32 $_tile_overlayer_lowered  }
0x9b: {  	s22 =	simm.s32 $0x1BFF;
	s21 =	sshll.u32 s6, $0x1;
	s3 =	sadd.s32 s4, s19  }
0x9c: {  	s7 =	simm.s32 $0x0;
	s20 =	sshll.u32 s5, $0x1;
	s5 =	sadd.s32 s21, s3  }
0x9d: {  	[timem:s7], [sflag:s22] =	dma.local [hbm:s5], s20  }
0x9e: {  	_ =	swait.ge [sflag:s22], s20  }
0x9f: {  	s4 =	ssub.s32 $0x0, s20;
	[sflag:s22] =	ssyncset.done $0x0  }
0xa0: {  	[sflag:s22] =	ssyncadd.s32 s4;
	_ =	sdelay $0x1  }
0xa1: {  	s23 =	simm.s32 $0x1B8B  }
0xa2: {  	_ =	swait.ge [sflag:s23], $0x1  }
0xa3: {  	[sflag:s23] =	ssyncset.done $0x0  }
0xa4: {  	s25 =	simm.s32 $0x1B8E;
	s24 =	sld [smem:$0x3FFE];
	[sflag:s23] =	ssyncadd.s32 $0xFFFFFFFF  }
0xa5: {  	s26 =	simm.s32 $execute0_lowered;
	[smem:$0x3FD2] =	sst s25  }
0xa6: {  	s5 =	sshll.u32 s26, $0x1;
	_ =	strace $0x8000004C;
	[dreg:$0x1] =	wrdreg $0xFFFFFFFF  }
0xa7: {  	s28 =	simm.s32 $_size_execute0_lowered;
	s3 =	sadd.s32 s3, s5;
	[dreg:$0x0] =	wrdreg $0x0  }
0xa8: {  	s5 =	sshll.u32 s28, $0x1;
	[dreg:$0x2] =	wrdreg s3  }
0xa9: {  	[dreg:$0x3] =	wrdreg s5  }
0xaa: {  	[dreg:$0x4] =	wrdreg $0xC0  }
0xab: {  	_ =	task [dreg:s7], $0x5FFFF  }
0xac: {  	[dreg:$0x1] =	wrdreg $0xFFFFFFFF  }
0xad: {  	[dreg:$0x0] =	wrdreg $0x60  }
0xae: {  	[dreg:$0x2] =	wrdreg s2  }
0xaf: {  	[dreg:$0x3] =	wrdreg s24  }
0xb0: {  	[dreg:$0x4] =	wrdreg $0x8A200  }
0xb1: {  	[dreg:$0x5] =	wrdreg $0x9  }
0xb2: {  	_ =	task.clear_ibuf [dreg:s7], $0x6FFFF;
	_ =	strace $0x9000004C  }
0xb3: {  	s29 =	simm.s32 $0x9;
	_ =	strace $0x8000004E  }
0xb4: {  	_ =	swait.ge [sflag:s29], $0x1  }
0xb5: {  	[sflag:s29] =	ssyncadd.s32 $0xFFFFFFFF  }
0xb6: {  	_ =	strace $0x9000004E  }
0xb7: {  	_ =	sfence  }
0xb8: {  	s30 =	sld [smem:$0x0];
	_ =	sdelay $0x2  }
0xb9: {  	s31 =	sshll.u32 s1, $0xD;
	s1 =	sshrl.u32 s1, $0x2  }
0xba: {  	s3 =	sand.u32 $0x4000, s31;
	s1 =	sadd.s32 s1, s30  }
0xbb: {  	s0 =	sor.u32 s3, s0;
	s1 =	sshll.u32 s1, $0x11  }
0xbc: {  	s0 =	sor.u32 s1, s0  }
0xbd: {  	s0 =	sadd.s32 $0x8F2B, s0  }
0xbe: {  	[sflag:s0] =	ssyncadd.remote.s32 $0x1  }
0xbf: {  	_ =	sfence.sel $0xFFFF  }
0xc0: {  	[dreg:$0x0] =	wrdreg $0xFFFFFFFF;
	(pc) =	sbr.abs _section_cstart, $3  }
0xc1: {  	[dreg:$0x1] =	wrdreg $0xFFFFFFFF  }
0xc2: {  	_ =	task.clear_ibuf [dreg:s7], $0x2FFFF;
	_ =	strace $0x9FFFFFFF  }
0xc3: {  	(tm) =	ssettm $0x7FFFFFFF  }
tec
execute0_lowered:
.L_overlay_start_1:
0x0: {  	(tag) =	ssettag $0x1  }
0x1: {  	s0 =	rddreg [dreg:$0x0]  }
0x2: {  	s2 =	rddreg [dreg:$0x1]  }
0x3: {  	s1 =	srdreg.scid;
	s3 =	rddreg [dreg:$0x2]  }
0x4: {  	s11 =	stileid.u32;
	s15 =	simm.s32 $0x29C00;
	s20 =	simm.s32 $0x4  }
0x5: {  	s28 =	simm.s32 $0x1;
	s29 =	simm.s32 $0x2;
	s8 =	smul.u32 $0x27100, s11  }
0x6: {  	s30 =	simm.s32 $0x3;
	s1 =	sand.u32 $0x1, s1;
	s22 =	smul.u32 $0x9C40, s11  }
0x7: {  	s4 =	sshll.u32 s1, $0x4;
	s6 =	ssub.s32 $0x2, s1;
	p0 =	seq.s32 s1, $0x0  }
0x8: {  	s5 =	sor.u32 s11, s4;
	s4 =	simm.s32 $0x0;
	s7 =	sshrl.u32 s6, $0x1  }
0x9: {  	s21 =	sshrl.u32 s8, $0x2;
	s25 =	sshrl.u32 s22, $0x3;
	s11 =	sadd.s32 s22, s3  }
0xa: {  	s12 =	sadd.s32 $0x3C00, s22;
	s8 =	sadd.s32 $0x7800, s22;
	s15 =	simm.s32 @!p0 $0x16200  }
0xb: {  	p0 =	sne.s32 s1, $0x0;
	s22 =	simm.s32 $0x4E20;
	s1 =	simm.s32 $0x2670  }
0xc: {  	s5 =	smul.u32 $0x4E2, s5;
	[smem:$0x7FF] =	sst s4;
	s10 =	ssub.s32 s6, s7  }
0xd: {  	s7 =	sadd.s32 s21, s3;
	s26 =	sadd.s32 s0, s25;
	s14 =	sshrl.u32 s12, $0x3  }
0xe: {  	s19 =	sshrl.u32 s8, $0x3;
	_ =	strace $0x8000004D;
	s23 =	sadd.s32 $0x3C00, s7  }
0xf: {  	s24 =	sadd.s32 $0x7800, s7;
	[dreg:$0x6] =	wrdreg s26;
	s13 =	sadd.s32 s0, s14  }
0x10: {  	s31 =	sadd.s32 s0, s19;
	s16 =	smax.u32 s10, $0x1;
	[dreg:$0x4] =	wrdreg s23  }
0x11: {  	s26 =	simm.s32 $0x7620;
	s10 =	simm.s32 $0x4D30;
	[dreg:$0x5] =	wrdreg s24  }
0x12: {  	s9 =	sadd.s32 s5, s2;
	[dreg:$0x7] =	wrdreg s13;
	s13 =	sadd.s32 s12, s3  }
0x13: {  	[dreg:$0x8] =	wrdreg s31;
	s2 =	sadd.s32 s15, s2;
	s15 =	sadd.s32 s8, s3  }
0x14: {  	s23 =	simm.s32 $0x50;
	s24 =	simm.s32 $0x6220;
	s8 =	simm.s32 $0x26C0  }
0x15: {  	s12 =	simm.s32 $0x4DD0;
	s5 =	sadd.s32 $0x2600, s9;
	s6 =	sadd.s32 $0xC400, s9  }
0x16: {  	s17 =	sadd.s32 s2, s25;
	s18 =	sadd.s32 s2, s14;
	s19 =	sadd.s32 s2, s19  }
0x17: {  	v0 =	vimm.f32 $0.0e+00;
	s2 =	simm.s32 $0x4CE0;
	s9 =	simm.s32 $0x4D80;
	s14 =	simm.s32 $0x0  }
.LBB2_1:
0x18: {  	[tilespmem:s4], [sflag:$0x4] =	stream.linear.gather [hbm4b:s5+s4], $0x2710, $0x38;
	[tilespmem:$0x12660] =	vst v63  }
0x19: {  	_ =	swait.ge [sflag:s20], $0x2710  }
0x1a: {  	[sflag:s20] =	ssyncset.done $0x0  }
.Ltmp0:
0x1b: {  	s21 =	simm.s32 $0x2710;
	[sflag:s20] =	ssyncadd.s32 $0xFFFFD8F0;
	(pc) =	sbr.rel @p0 .LBB2_3-.Ltmp0, $4  }
0x1c: {  	[tilespmem:s21], [sflag:$0x4] =	stream.linear.gather [hbm4b:s6+s4], $0x2710, $0x38;
	[tilespmem:$0x12660] =	vst v63  }
0x1d: {  	_ =	swait.ge [sflag:s20], $0x2710  }
0x1e: {  	[sflag:s20] =	ssyncset.done $0x0  }
0x1f: {  	[sflag:s20] =	ssyncadd.s32 $0xFFFFD8F0  }
0x20: {  	s21 =	rddreg [dreg:$0x6]  }
0x21: {  	[tilespmem:s22], [sflag:$0x4] =	stream.linear.gather [hbm4b:s21+s4], $0x3C00, $0x38;
	[tilespmem:$0x12660] =	vst v63  }
0x22: {  	_ =	swait.ge [sflag:s20], $0x3C00  }
0x23: {  	[sflag:s20] =	ssyncset.done $0x0  }
0x24: {  	[sflag:s20] =	ssyncadd.s32 $0xFFFFC400  }
0x25: {  	[spmem:s11] =	stream.linear.scatter [tilespmem:s22], [sflag:$0x4], $0x3C00, $0x38;
	[tilespmem:$0x12660] =	vst v63  }
0x26: {  	_ =	swait.ge [sflag:s20], $0x3C00  }
0x27: {  	[sflag:s20] =	ssyncset.done $0x0  }
0x28: {  	s25 =	rddreg [dreg:$0x7];
	[sflag:s20] =	ssyncadd.s32 $0xFFFFC400  }
0x29: {  	[tilespmem:s22], [sflag:$0x4] =	stream.linear.gather [hbm4b:s25+s4], $0x3C00, $0x38;
	[tilespmem:$0x12660] =	vst v63  }
0x2a: {  	_ =	swait.ge [sflag:s20], $0x3C00  }
0x2b: {  	[sflag:s20] =	ssyncset.done $0x0  }
0x2c: {  	[sflag:s20] =	ssyncadd.s32 $0xFFFFC400  }
0x2d: {  	[spmem:s13] =	stream.linear.scatter [tilespmem:s22], [sflag:$0x4], $0x3C00, $0x38;
	[tilespmem:$0x12660] =	vst v63  }
0x2e: {  	_ =	swait.ge [sflag:s20], $0x3C00  }
0x2f: {  	[sflag:s20] =	ssyncset.done $0x0  }
.Ltmp1:
0x30: {  	s31 =	rddreg [dreg:$0x8];
	[sflag:s20] =	ssyncadd.s32 $0xFFFFC400;
	(pc) =	sbr.rel .LBB2_6-.Ltmp1, $4  }
0x31: {  	[tilespmem:s22], [sflag:$0x4] =	stream.linear.gather [hbm4b:s31+s4], $0x2440, $0x38;
	[tilespmem:$0x12660] =	vst v63  }
0x32: {  	_ =	swait.ge [sflag:s20], $0x2440  }
0x33: {  	[sflag:s20] =	ssyncset.done $0x0  }
0x34: {  	s21 =	smov.u32 s15;
	[sflag:s20] =	ssyncadd.s32 $0xFFFFDBC0  }
.LBB2_3:
0x35: {  	s25 =	simm.s32 $0x100;
	s21 =	simm.s32 $0x0  }
.LBB2_4:
0x36: {  	p1 =	sne.s32 s25, $0xEF00;
	[tilespmem:s21+$0x4E50] =	vst v0;
	s31 =	smov.u32 s25;
	s25 =	sadd.s32 $0x100, s25  }
.Ltmp2:
0x37: {  	[tilespmem:s21+$0x4E40] =	vst v0;
	(pc) =	sbr.rel @p1 .LBB2_4-.Ltmp2, $3  }
0x38: {  	[tilespmem:s21+$0x4E20] =	vst v0  }
0x39: {  	[tilespmem:s21+$0x4E30] =	vst v0;
	_ =	sdelay $0x1  }
0x3a: {  	s21 =	sshra.s32 s31, $0x2  }
0x3b: {  	[tilespmem:s21+$0x4E50] =	vst v0  }
0x3c: {  	[tilespmem:s21+$0x4E40] =	vst v0  }
0x3d: {  	[tilespmem:s21+$0x4E20] =	vst v0  }
0x3e: {  	[tilespmem:s21+$0x4E30] =	vst v0  }
0x3f: {  	[spmem:s7] =	stream.linear.scatter [tilespmem:s22], [sflag:$0x4], $0x3C00, $0x38;
	[tilespmem:$0x12660] =	vst v63  }
0x40: {  	_ =	swait.ge [sflag:s20], $0x3C00  }
0x41: {  	[sflag:s20] =	ssyncset.done $0x0  }
0x42: {  	s31 =	rddreg [dreg:$0x4];
	[sflag:s20] =	ssyncadd.s32 $0xFFFFC400  }
0x43: {  	[spmem:s31] =	stream.linear.scatter [tilespmem:s22], [sflag:$0x4], $0x3C00, $0x38;
	[tilespmem:$0x12660] =	vst v63  }
0x44: {  	_ =	swait.ge [sflag:s20], $0x3C00  }
0x45: {  	[sflag:s20] =	ssyncset.done $0x0  }
0x46: {  	s21 =	rddreg [dreg:$0x5];
	[sflag:s20] =	ssyncadd.s32 $0xFFFFC400  }
.LBB2_6:
0x47: {  	[spmem:s21] =	stream.linear.scatter [tilespmem:s22], [sflag:$0x4], $0x2440, $0x38;
	[tilespmem:$0x12660] =	vst v63  }
0x48: {  	_ =	swait.ge [sflag:s20], $0x2440  }
0x49: {  	[sflag:s20] =	ssyncset.done $0x0  }
0x4a: {  	[sflag:s20] =	ssyncadd.s32 $0xFFFFDBC0  }
0x4b: {  	s31 =	simm.s32 $0x0;
	[bflag:$0x0] =	sbarrier.arrive $0xFFFF  }
0x4c: {  	[tilespmem:s22], [sflag:$0x1] =	stream.indirect.gather [hbm4b:s0+s23], $0x40, s31, s23, $0xb8;
	[tilespmem:$0x12660] =	vst v63  }
0x4d: {  	_ = 	snop  }
0x4e: {  	[tilespmem:s24], [sflag:$0x2] =	stream.indirect.gather [hbm4b:s0+s23], $0x40, s23, s23, $0xb8;
	[tilespmem:$0x12660] =	vst v63  }
0x4f: {  	s25 =	simm.s32 $0xA0  }
0x50: {  	[tilespmem:s26], [sflag:$0x3] =	stream.indirect.gather [hbm4b:s0+s23], $0x40, s25, s23, $0xb8;
	[tilespmem:$0x12660] =	vst v63  }
0x51: {  	_ =	swait.ge [sflag:s28], $0x1400  }
0x52: {  	[sflag:s28] =	ssyncset.done $0x0  }
0x53: {  	s31 =	simm.s32 $0x2710;
	[sflag:s28] =	ssyncadd.s32 $0xFFFFEC00  }
0x54: {  	[spmem:s3] =	stream.indirect.scatter.add.f32 [tilespmem:s22], [sflag:$0x4], $0x40, s31, s23, $0xb8;
	[tilespmem:$0x12660] =	vst v63  }
0x55: {  	_ =	swait.ge [sflag:s20], $0x1400  }
0x56: {  	[sflag:s20] =	ssyncset.done $0x0  }
0x57: {  	s25 =	simm.s32 $0xF0;
	[sflag:s20] =	ssyncadd.s32 $0xFFFFEC00  }
0x58: {  	[tilespmem:s22], [sflag:$0x1] =	stream.indirect.gather [hbm4b:s0+s23], $0x40, s25, s23, $0xb8;
	[tilespmem:$0x12660] =	vst v63  }
0x59: {  	_ =	swait.ge [sflag:s29], $0x1400  }
0x5a: {  	[sflag:s29] =	ssyncset.done $0x0  }
0x5b: {  	s31 =	simm.s32 $0x2760;
	[sflag:s29] =	ssyncadd.s32 $0xFFFFEC00  }
0x5c: {  	[spmem:s3] =	stream.indirect.scatter.add.f32 [tilespmem:s24], [sflag:$0x4], $0x40, s31, s23, $0xb8;
	[tilespmem:$0x12660] =	vst v63  }
0x5d: {  	_ =	swait.ge [sflag:s20], $0x1400  }
0x5e: {  	[sflag:s20] =	ssyncset.done $0x0  }
0x5f: {  	s25 =	simm.s32 $0x140;
	[sflag:s20] =	ssyncadd.s32 $0xFFFFEC00  }
0x60: {  	[tilespmem:s24], [sflag:$0x2] =	stream.indirect.gather [hbm4b:s0+s23], $0x40, s25, s23, $0xb8;
	[tilespmem:$0x12660] =	vst v63  }
0x61: {  	_ =	swait.ge [sflag:s30], $0x1400  }
0x62: {  	[sflag:s30] =	ssyncset.done $0x0  }
0x63: {  	s31 =	simm.s32 $0x27B0;
	[sflag:s30] =	ssyncadd.s32 $0xFFFFEC00  }
0x64: {  	[spmem:s3] =	stream.indirect.scatter.add.f32 [tilespmem:s26], [sflag:$0x4], $0x40, s31, s23, $0xb8;
	[tilespmem:$0x12660] =	vst v63  }
0x65: {  	_ =	swait.ge [sflag:s20], $0x1400  }
0x66: {  	[sflag:s20] =	ssyncset.done $0x0  }
0x67: {  	s21 =	simm.s32 $0x3C0;
	s25 =	simm.s32 $0x190;
	[sflag:s20] =	ssyncadd.s32 $0xFFFFEC00  }
.LBB2_7:
0x68: {  	[tilespmem:s26], [sflag:$0x3] =	stream.indirect.gather [hbm4b:s0+s23], $0x40, s25, s23, $0xb8;
	[tilespmem:$0x12660] =	vst v63  }
0x69: {  	s25 =	smov.u32 s21  }
0x6a: {  	p1 =	sne.s32 s21, $0x9240;
	s21 =	sadd.s32 $0x3C0, s21;
	_ =	swait.ge [sflag:s28], $0x1400  }
0x6b: {  	s25 =	sshra.s32 s25, $0x2;
	[sflag:s28] =	ssyncset.done $0x0  }
0x6c: {  	s31 =	sadd.s32 $0x2710, s25;
	[sflag:s28] =	ssyncadd.s32 $0xFFFFEC00  }
0x6d: {  	[spmem:s3] =	stream.indirect.scatter.add.f32 [tilespmem:s22], [sflag:$0x4], $0x40, s31, s23, $0xb8;
	[tilespmem:$0x12660] =	vst v63  }
0x6e: {  	_ =	swait.ge [sflag:s20], $0x1400  }
0x6f: {  	[sflag:s20] =	ssyncset.done $0x0  }
0x70: {  	s31 =	sadd.s32 $0xF0, s25;
	[sflag:s20] =	ssyncadd.s32 $0xFFFFEC00  }
0x71: {  	[tilespmem:s22], [sflag:$0x1] =	stream.indirect.gather [hbm4b:s0+s23], $0x40, s31, s23, $0xb8;
	[tilespmem:$0x12660] =	vst v63  }
0x72: {  	_ =	swait.ge [sflag:s29], $0x1400  }
0x73: {  	[sflag:s29] =	ssyncset.done $0x0  }
0x74: {  	s31 =	sadd.s32 $0x2760, s25;
	[sflag:s29] =	ssyncadd.s32 $0xFFFFEC00  }
0x75: {  	[spmem:s3] =	stream.indirect.scatter.add.f32 [tilespmem:s24], [sflag:$0x4], $0x40, s31, s23, $0xb8;
	[tilespmem:$0x12660] =	vst v63  }
0x76: {  	_ =	swait.ge [sflag:s20], $0x1400  }
0x77: {  	[sflag:s20] =	ssyncset.done $0x0  }
0x78: {  	s31 =	sadd.s32 $0x140, s25;
	[sflag:s20] =	ssyncadd.s32 $0xFFFFEC00  }
0x79: {  	[tilespmem:s24], [sflag:$0x2] =	stream.indirect.gather [hbm4b:s0+s23], $0x40, s31, s23, $0xb8;
	[tilespmem:$0x12660] =	vst v63  }
0x7a: {  	_ =	swait.ge [sflag:s30], $0x1400  }
0x7b: {  	[sflag:s30] =	ssyncset.done $0x0  }
.Ltmp3:
0x7c: {  	s31 =	sadd.s32 $0x27B0, s25;
	[sflag:s30] =	ssyncadd.s32 $0xFFFFEC00;
	(pc) =	sbr.rel @p1 .LBB2_7-.Ltmp3, $4  }
0x7d: {  	[spmem:s3] =	stream.indirect.scatter.add.f32 [tilespmem:s26], [sflag:$0x4], $0x40, s31, s23, $0xb8;
	[tilespmem:$0x12660] =	vst v63  }
0x7e: {  	_ =	swait.ge [sflag:s20], $0x1400  }
0x7f: {  	[sflag:s20] =	ssyncset.done $0x0  }
0x80: {  	s25 =	sadd.s32 $0x190, s25;
	[sflag:s20] =	ssyncadd.s32 $0xFFFFEC00  }
0x81: {  	[tilespmem:s26], [sflag:$0x3] =	stream.indirect.gather [hbm4b:s0+s23], $0x40, s25, s23, $0xb8;
	[tilespmem:$0x12660] =	vst v63  }
0x82: {  	_ =	swait.ge [sflag:s28], $0x1400  }
0x83: {  	[sflag:s28] =	ssyncset.done $0x0  }
0x84: {  	s21 =	simm.s32 $0x4C90;
	[sflag:s28] =	ssyncadd.s32 $0xFFFFEC00  }
0x85: {  	[spmem:s3] =	stream.indirect.scatter.add.f32 [tilespmem:s22], [sflag:$0x4], $0x40, s21, s23, $0xb8;
	[tilespmem:$0x12660] =	vst v63  }
0x86: {  	_ =	swait.ge [sflag:s20], $0x1400  }
0x87: {  	[sflag:s20] =	ssyncset.done $0x0  }
0x88: {  	[sflag:s20] =	ssyncadd.s32 $0xFFFFEC00  }
0x89: {  	[tilespmem:s22], [sflag:$0x1] =	stream.indirect.gather [hbm4b:s0+s23], $0x40, s1, s23, $0xb8;
	[tilespmem:$0x12660] =	vst v63  }
0x8a: {  	_ =	swait.ge [sflag:s29], $0x1400  }
0x8b: {  	[sflag:s29] =	ssyncset.done $0x0  }
0x8c: {  	[sflag:s29] =	ssyncadd.s32 $0xFFFFEC00  }
0x8d: {  	[spmem:s3] =	stream.indirect.scatter.add.f32 [tilespmem:s24], [sflag:$0x4], $0x40, s2, s23, $0xb8;
	[tilespmem:$0x12660] =	vst v63  }
0x8e: {  	_ =	swait.ge [sflag:s20], $0x1400  }
0x8f: {  	[sflag:s20] =	ssyncset.done $0x0  }
0x90: {  	[sflag:s20] =	ssyncadd.s32 $0xFFFFEC00  }
0x91: {  	[tilespmem:s24], [sflag:$0x2] =	stream.indirect.gather [hbm4b:s0+s23], $0x40, s8, s23, $0xb8;
	[tilespmem:$0x12660] =	vst v63  }
0x92: {  	_ =	swait.ge [sflag:s30], $0x1400  }
0x93: {  	[sflag:s30] =	ssyncset.done $0x0  }
0x94: {  	[sflag:s30] =	ssyncadd.s32 $0xFFFFEC00  }
0x95: {  	[spmem:s3] =	stream.indirect.scatter.add.f32 [tilespmem:s26], [sflag:$0x4], $0x40, s10, s23, $0xb8;
	[tilespmem:$0x12660] =	vst v63  }
0x96: {  	_ =	swait.ge [sflag:s20], $0x1400  }
0x97: {  	[sflag:s20] =	ssyncset.done $0x0  }
0x98: {  	[sflag:s20] =	ssyncadd.s32 $0xFFFFEC00  }
0x99: {  	_ =	swait.ge [sflag:s28], $0x1400  }
0x9a: {  	[sflag:s28] =	ssyncset.done $0x0  }
0x9b: {  	[sflag:s28] =	ssyncadd.s32 $0xFFFFEC00  }
0x9c: {  	[spmem:s3] =	stream.indirect.scatter.add.f32 [tilespmem:s22], [sflag:$0x4], $0x40, s9, s23, $0xb8;
	[tilespmem:$0x12660] =	vst v63  }
0x9d: {  	_ =	swait.ge [sflag:s20], $0x1400  }
0x9e: {  	[sflag:s20] =	ssyncset.done $0x0  }
0x9f: {  	[sflag:s20] =	ssyncadd.s32 $0xFFFFEC00  }
0xa0: {  	_ =	swait.ge [sflag:s29], $0x1400  }
0xa1: {  	[sflag:s29] =	ssyncset.done $0x0  }
0xa2: {  	[sflag:s29] =	ssyncadd.s32 $0xFFFFEC00  }
0xa3: {  	[spmem:s3] =	stream.indirect.scatter.add.f32 [tilespmem:s24], [sflag:$0x4], $0x40, s12, s23, $0xb8;
	[tilespmem:$0x12660] =	vst v63  }
0xa4: {  	_ =	swait.ge [sflag:s20], $0x1400  }
0xa5: {  	[sflag:s20] =	ssyncset.done $0x0  }
0xa6: {  	[sflag:s20] =	ssyncadd.s32 $0xFFFFEC00  }
0xa7: {  	[bflag:$0x0] =	sbarrier.arrive $0xFFFF  }
0xa8: {  	[tilespmem:s22], [sflag:$0x4] =	stream.linear.gather [spmem:s11], $0x3C00, $0x38;
	[tilespmem:$0x12660] =	vst v63  }
0xa9: {  	_ =	swait.ge [sflag:s20], $0x3C00  }
0xaa: {  	[sflag:s20] =	ssyncset.done $0x0  }
0xab: {  	[sflag:s20] =	ssyncadd.s32 $0xFFFFC400  }
0xac: {  	[hbm4b:s17+s4] =	stream.linear.scatter [tilespmem:s22], [sflag:$0x4], $0x3C00, $0x38;
	[tilespmem:$0x12660] =	vst v63  }
0xad: {  	_ =	swait.ge [sflag:s20], $0x3C00  }
0xae: {  	[sflag:s20] =	ssyncset.done $0x0  }
0xaf: {  	[sflag:s20] =	ssyncadd.s32 $0xFFFFC400  }
0xb0: {  	[tilespmem:s22], [sflag:$0x4] =	stream.linear.gather [spmem:s13], $0x3C00, $0x38;
	[tilespmem:$0x12660] =	vst v63  }
0xb1: {  	_ =	swait.ge [sflag:s20], $0x3C00  }
0xb2: {  	[sflag:s20] =	ssyncset.done $0x0  }
0xb3: {  	[sflag:s20] =	ssyncadd.s32 $0xFFFFC400  }
0xb4: {  	[hbm4b:s18+s4] =	stream.linear.scatter [tilespmem:s22], [sflag:$0x4], $0x3C00, $0x38;
	[tilespmem:$0x12660] =	vst v63  }
0xb5: {  	_ =	swait.ge [sflag:s20], $0x3C00  }
0xb6: {  	[sflag:s20] =	ssyncset.done $0x0  }
0xb7: {  	[sflag:s20] =	ssyncadd.s32 $0xFFFFC400  }
0xb8: {  	[tilespmem:s22], [sflag:$0x4] =	stream.linear.gather [spmem:s15], $0x2440, $0x38;
	[tilespmem:$0x12660] =	vst v63  }
0xb9: {  	s14 =	sadd.s32 $0x1, s14;
	_ =	swait.ge [sflag:s20], $0x2440  }
0xba: {  	p1 =	sne.s32 s14, s16;
	[sflag:s20] =	ssyncset.done $0x0  }
.Ltmp4:
0xbb: {  	[sflag:s20] =	ssyncadd.s32 $0xFFFFDBC0;
	(pc) =	sbr.rel @p1 .LBB2_1-.Ltmp4, $4  }
0xbc: {  	[hbm4b:s19+s4] =	stream.linear.scatter [tilespmem:s22], [sflag:$0x4], $0x2440, $0x38;
	[tilespmem:$0x12660] =	vst v63  }
0xbd: {  	_ =	swait.ge [sflag:s20], $0x2440  }
0xbe: {  	[sflag:s20] =	ssyncset.done $0x0  }
0xbf: {  	[sflag:s20] =	ssyncadd.s32 $0xFFFFDBC0  }
0xc0: {  	_ =	sfence.sel $0x180000  }
0xc1: {  	[bflag:$0x0] =	sbarrier.arrive $0xFFFF  }
0xc2: {  	_ =	strace $0x9000004D  }
0xc3: {  	s0 =	stileid.u32;
	[bflag:$0x2] =	sbarrier.arrive $0xFFFF  }
0xc4: {  	p0 =	sne.s32 s0, $0x0;
	s0 =	rddreg [dreg:$0x3]  }
0xc5: {  	s0 =	sadd.s32 @!p0 $0x100000, s0  }
0xc6: {  	[sflag:s0] =	ssyncadd.tile.s32 @!p0 $0x1;
	_ =	shalt  }
.Lfunc_end2:
_tile_overlayer_lowered:
.L_overlay_start_2:
0xc7: {  	(tag) =	ssettag $0x2  }
0xc8: {  	s0 =	rddreg [dreg:$0x0];
	s2 =	stileid.u32  }
0xc9: {  	s1 =	rddreg [dreg:$0x1];
	p0 =	sne.s32 s2, $0x0  }
0xca: {  	s3 =	rddreg [dreg:$0x2];
	[bflag:$0x3] =	sbarrier.arrive $0xFFFF;
	s2 =	simm.s32 @!p0 $0x1C04  }
0xcb: {  	[timem:s3], [sflag:s2] =	dma.local @!p0 [hbm:s0], s1  }
0xcc: {  	s0 =	simm.s32 @!p0 $0x4  }
0xcd: {  	_ =	swait.ge @!p0 [sflag:s0], s1  }
0xce: {  	s1 =	ssub.s32 @!p0 $0x0, s1;
	[sflag:s0] =	ssyncset.done @!p0 $0x0  }
0xcf: {  	[sflag:s0] =	ssyncadd.s32 @!p0 s1  }
0xd0: {  	[bflag:$0x3] =	sbarrier.arrive $0xFFFF  }
0xd1: {  	_ =	shalt  }

// kernel: kernel.9.cloned.1.call-start
scs
__scs_entry_jumppad:
0x0: {  	(pc) =	sbr.rel $0x88, $3  }
0x1: {  	(tag) =	ssettag $0x0;
	lr =	simm.s32 $0x1  }
0x2: {  	[smem:$0x3F9B] =	sst lr;
	_ =	strace $0xD0000000  }
0x3: {  	_ = 	snop  }
0x4: {  	_ = 	snop  }
0x5: {  	_ = 	snop  }
0x6: {  	_ = 	snop  }
0x7: {  	_ = 	snop  }
__scs_overlays_trampoline_lowered:
0x8: {  	[smem:$0x3FAA] =	sst s0  }
0x9: {  	[smem:$0x3FAB] =	sst s1  }
0xa: {  	[smem:$0x3FAC] =	sst s2  }
0xb: {  	[smem:$0x3FAD] =	sst s3  }
0xc: {  	[smem:$0x3FAE] =	sst s4  }
0xd: {  	[smem:$0x3FAF] =	sst s5  }
0xe: {  	[smem:$0x3FB0] =	sst s6  }
0xf: {  	[smem:$0x3FB1] =	sst s7  }
0x10: {  	[smem:$0x3FB2] =	sst s8  }
0x11: {  	[smem:$0x3FB3] =	sst s9;
	s0 =	simm.s32 @!p0 $0x0  }
0x12: {  	s1 =	sld [smem:$0x3F99];
	s0 =	simm.s32 @p0 $0x1  }
0x13: {  	[smem:$0x3FB4] =	sst s0;
	s0 =	simm.s32 @!p1 $0x0  }
0x14: {  	s2 =	sld [smem:$0x3F98];
	s0 =	simm.s32 @p1 $0x1  }
0x15: {  	[smem:$0x3FB5] =	sst s0;
	s0 =	simm.s32 @!p2 $0x0  }
0x16: {  	s3 =	sld [smem:$0x3FDB];
	s0 =	simm.s32 @p2 $0x1  }
0x17: {  	s4 =	simm.s32 $0x1BF5;
	[smem:$0x3FB7] =	sst s0  }
0x18: {  	s0 =	sld [smem:$0x3F9A];
	_ =	swait.ge [sflag:s4], $0x0  }
0x19: {  	s7 =	sld [smem:$0x3F9B]  }
0x1a: {  	s8 =	sadd.s32 $0xFFFFE003, lr  }
0x1b: {  	s9 =	sadd.s32 $0xFFFFFEF7, lr;
	s5 =	simm.s32 $0xFFFFFFFF;
	p2 =	slt.u32 s8, $0xFFFFF086  }
0x1c: {  	p1 =	slt.u32 s9, $0xF7A;
	s5 =	simm.s32 @!p2 $0x0  }
0x1d: {  	s5 =	simm.s32 @p1 $0x1;
	p0 =	seq.s32 s7, s2  }
0x1e: {  	s7 =	smul.u32 @!p0 $0xF7A, s2;
	p2 =	seq.s32 @!p0 s5, $0x0  }
0x1f: {  	s9 =	smul.u32 $0xF7A, s1;
	s8 =	simm.s32 @!p0 $0x1BF5;
	p2 =	por !p2, p0  }
0x20: {  	[sflag:s8] =	ssyncset.s32 @!p0 $0xFFFFF086;
	s6 =	sadd.s32 @!p0 s3, s7;
	s7 =	simm.s32 @!p0 $0x108  }
0x21: {  	s3 =	sadd.s32 s3, s9;
	s6 =	sadd.s32 @!p0 $0x88, s6;
	s7 =	simm.s32 @p2 $0x1082  }
0x22: {  	[simem:s7], [sflag:s8] =	dma.local @!p0 [hbm:s6], $0xF7A  }
0x23: {  	s9 =	sor.u32 $0xD0000000, s2;
	s6 =	simm.s32 $0x108;
	_ =	swait.ge @!p0 [sflag:s8], $0x0  }
0x24: {  	s3 =	sadd.s32 $0x88, s3;
	s6 =	simm.s32 @!p1 $0x1082;
	[sflag:s4] =	ssyncset.s32 $0xFFFFF086  }
0x25: {  	[simem:s6], [sflag:s4] =	dma.local [hbm:s3], $0xF7A  }
0x26: {  	[smem:$0x3F9B] =	sst s1;
	(tag) =	ssettag s2;
	_ =	strace s9  }
0x27: {  	s1 =	sld [smem:$0x3FAB]  }
0x28: {  	s2 =	sld [smem:$0x3FAC]  }
0x29: {  	s4 =	sld [smem:$0x3FAE]  }
0x2a: {  	p0 =	seq.s32 s5, $0x0;
	s5 =	sld [smem:$0x3FAF]  }
0x2b: {  	s6 =	sld [smem:$0x3FB0]  }
0x2c: {  	s7 =	sld [smem:$0x3FB1]  }
0x2d: {  	s3 =	simm.s32 $0x108;
	s8 =	sld [smem:$0x3FB2]  }
0x2e: {  	s3 =	simm.s32 @!p0 $0x1082;
	s9 =	sld [smem:$0x3FB3]  }
0x2f: {  	lr =	sadd.s32 s0, s3;
	s0 =	sld [smem:$0x3FAA]  }
0x30: {  	s3 =	sld [smem:$0x3FAD]  }
0x31: {  	[smem:$0x3FB6] =	sst s10  }
0x32: {  	s10 =	sld [smem:$0x3FB4];
	_ =	sdelay $0x3  }
0x33: {  	p0 =	seq.s32 s10, $0x1;
	s10 =	sld [smem:$0x3FB6];
	_ =	sdelay $0x3  }
0x34: {  	[smem:$0x3FB6] =	sst s10  }
0x35: {  	s10 =	sld [smem:$0x3FB5];
	_ =	sdelay $0x3  }
0x36: {  	p1 =	seq.s32 s10, $0x1;
	s10 =	sld [smem:$0x3FB6];
	_ =	sdelay $0x3  }
0x37: {  	[smem:$0x3FB6] =	sst s10  }
0x38: {  	s10 =	sld [smem:$0x3FB7]  }
0x39: {  	_ = 	snop;
	(pc) =	sbr.ind lr, $3  }
0x3a: {  	_ = 	snop  }
0x3b: {  	_ = 	snop  }
0x3c: {  	p2 =	seq.s32 s10, $0x1;
	s10 =	sld [smem:$0x3FB6]  }
0x3d: {  	_ =	shalt  }
0x3e: {  	_ =	shalt  }
0x3f: {  	_ =	shalt  }
0x40: {  	_ =	shalt  }
0x41: {  	_ =	shalt  }
0x42: {  	_ =	shalt  }
0x43: {  	_ =	shalt  }
0x44: {  	_ =	shalt  }
0x45: {  	_ =	shalt  }
0x46: {  	_ =	shalt  }
0x47: {  	_ =	shalt  }
0x48: {  	_ =	shalt  }
0x49: {  	_ =	shalt  }
0x4a: {  	_ =	shalt  }
0x4b: {  	_ =	shalt  }
0x4c: {  	_ =	shalt  }
0x4d: {  	_ =	shalt  }
0x4e: {  	_ =	shalt  }
0x4f: {  	_ =	shalt  }
0x50: {  	_ =	shalt  }
0x51: {  	_ =	shalt  }
0x52: {  	_ =	shalt  }
0x53: {  	_ =	shalt  }
0x54: {  	_ =	shalt  }
0x55: {  	_ =	shalt  }
0x56: {  	_ =	shalt  }
0x57: {  	_ =	shalt  }
0x58: {  	_ =	shalt  }
0x59: {  	_ =	shalt  }
0x5a: {  	_ =	shalt  }
0x5b: {  	_ =	shalt  }
0x5c: {  	_ =	shalt  }
0x5d: {  	_ =	shalt  }
0x5e: {  	_ =	shalt  }
0x5f: {  	_ =	shalt  }
0x60: {  	_ =	shalt  }
0x61: {  	_ =	shalt  }
0x62: {  	_ =	shalt  }
0x63: {  	_ =	shalt  }
0x64: {  	_ =	shalt  }
0x65: {  	_ =	shalt  }
0x66: {  	_ =	shalt  }
0x67: {  	_ =	shalt  }
0x68: {  	_ =	shalt  }
0x69: {  	_ =	shalt  }
0x6a: {  	_ =	shalt  }
0x6b: {  	_ =	shalt  }
0x6c: {  	_ =	shalt  }
0x6d: {  	_ =	shalt  }
0x6e: {  	_ =	shalt  }
0x6f: {  	_ =	shalt  }
0x70: {  	_ =	shalt  }
0x71: {  	_ =	shalt  }
0x72: {  	_ =	shalt  }
0x73: {  	_ =	shalt  }
0x74: {  	_ =	shalt  }
0x75: {  	_ =	shalt  }
0x76: {  	_ =	shalt  }
0x77: {  	_ =	shalt  }
0x78: {  	_ =	shalt  }
0x79: {  	_ =	shalt  }
0x7a: {  	_ =	shalt  }
0x7b: {  	_ =	shalt  }
0x7c: {  	_ =	shalt  }
0x7d: {  	_ =	shalt  }
0x7e: {  	_ =	shalt  }
0x7f: {  	_ =	shalt  }
0x80: {  	_ =	shalt  }
0x81: {  	_ =	shalt  }
0x82: {  	_ =	shalt  }
0x83: {  	_ =	shalt  }
0x84: {  	_ =	shalt  }
0x85: {  	_ =	shalt  }
0x86: {  	_ =	shalt  }
0x87: {  	_ =	shalt  }
.Lfunc_end0:
.L_simem_size_0:
called_computation_lowered:
.L_overlay_start_0:
0x88: {  	s2 =	sld [smem:$0x3FD9]  }
0x89: {  	s3 =	sld [smem:$0x3FFE];
	_ =	sdelay $0x1  }
0x8a: {  	s1 =	srdreg.scid  }
0x8b: {  	s0 =	sand.u32 $0x1, s1  }
0x8c: {  	s17 =	sshll.u32 s0, $0xA;
	s2 =	sadd.s32 s3, s2  }
0x8d: {  	s2 =	sadd.s32 s2, s17  }
0x8e: {  	[smem:$0x3FC2] =	sst s2  }
0x8f: {  	_ = 	snop  }
0x90: {  	s2 =	sld [smem:$0x3FD0];
	(tm) =	ssettm $0x1  }
0x91: {  	s18 =	sld [smem:$0x3FFB];
	_ =	sdelay $0x3  }
0x92: {  	_ =	strace s18  }
0x93: {  	s3 =	sld [smem:$0x3FFC];
	_ =	sdelay $0x3  }
0x94: {  	_ =	strace s3  }
0x95: {  	s3 =	sld [smem:$0x3FFD];
	_ =	sdelay $0x3  }
0x96: {  	_ =	strace s3  }
0x97: {  	_ =	strace $0x8FFFFFFF  }
0x98: {  	s19 =	sld [smem:$0x3FDB];
	_ =	sdelay $0x1  }
0x99: {  	s4 =	simm.s32 $_scs_section_size  }
0x9a: {  	s5 =	simm.s32 $_size__tile_overlayer_lowered;
	s6 =	simm.s32 $_tile_overlayer_lowered  }
0x9b: {  	s22 =	simm.s32 $0x1BFF;
	s21 =	sshll.u32 s6, $0x1;
	s3 =	sadd.s32 s4, s19  }
0x9c: {  	s7 =	simm.s32 $0x0;
	s20 =	sshll.u32 s5, $0x1;
	s5 =	sadd.s32 s21, s3  }
0x9d: {  	[timem:s7], [sflag:s22] =	dma.local [hbm:s5], s20  }
0x9e: {  	_ =	swait.ge [sflag:s22], s20  }
0x9f: {  	s4 =	ssub.s32 $0x0, s20;
	[sflag:s22] =	ssyncset.done $0x0  }
0xa0: {  	[sflag:s22] =	ssyncadd.s32 s4;
	_ =	sdelay $0x1  }
0xa1: {  	s23 =	simm.s32 $0x1B8B  }
0xa2: {  	_ =	swait.ge [sflag:s23], $0x1  }
0xa3: {  	[sflag:s23] =	ssyncset.done $0x0  }
0xa4: {  	s25 =	simm.s32 $0x1B8E;
	s24 =	sld [smem:$0x3FFE];
	[sflag:s23] =	ssyncadd.s32 $0xFFFFFFFF  }
0xa5: {  	s26 =	simm.s32 $execute0_lowered;
	[smem:$0x3FD2] =	sst s25  }
0xa6: {  	s5 =	sshll.u32 s26, $0x1;
	_ =	strace $0x80000046;
	[dreg:$0x1] =	wrdreg $0xFFFFFFFF  }
0xa7: {  	s28 =	simm.s32 $_size_execute0_lowered;
	s3 =	sadd.s32 s3, s5;
	[dreg:$0x0] =	wrdreg $0x0  }
0xa8: {  	s5 =	sshll.u32 s28, $0x1;
	[dreg:$0x2] =	wrdreg s3  }
0xa9: {  	[dreg:$0x3] =	wrdreg s5  }
0xaa: {  	[dreg:$0x4] =	wrdreg $0xC0  }
0xab: {  	_ =	task [dreg:s7], $0x5FFFF  }
0xac: {  	[dreg:$0x1] =	wrdreg $0xFFFFFFFF  }
0xad: {  	[dreg:$0x0] =	wrdreg $0x60  }
0xae: {  	[dreg:$0x2] =	wrdreg s24  }
0xaf: {  	[dreg:$0x3] =	wrdreg s2  }
0xb0: {  	[dreg:$0x4] =	wrdreg $0x29E00  }
0xb1: {  	[dreg:$0x5] =	wrdreg $0x9  }
0xb2: {  	_ =	task.clear_ibuf [dreg:s7], $0x6FFFF;
	_ =	strace $0x90000046  }
0xb3: {  	s29 =	simm.s32 $0x9;
	_ =	strace $0x80000048  }
0xb4: {  	_ =	swait.ge [sflag:s29], $0x1  }
0xb5: {  	[sflag:s29] =	ssyncadd.s32 $0xFFFFFFFF  }
0xb6: {  	_ =	strace $0x90000048  }
0xb7: {  	_ =	sfence  }
0xb8: {  	s30 =	sld [smem:$0x0];
	_ =	sdelay $0x2  }
0xb9: {  	s31 =	sshll.u32 s1, $0xD;
	s1 =	sshrl.u32 s1, $0x2  }
0xba: {  	s3 =	sand.u32 $0x4000, s31;
	s1 =	sadd.s32 s1, s30  }
0xbb: {  	s0 =	sor.u32 s3, s0;
	s1 =	sshll.u32 s1, $0x11  }
0xbc: {  	s0 =	sor.u32 s1, s0  }
0xbd: {  	s0 =	sadd.s32 $0x8F2B, s0  }
0xbe: {  	[sflag:s0] =	ssyncadd.remote.s32 $0x1  }
0xbf: {  	_ =	sfence.sel $0xFFFF  }
0xc0: {  	[dreg:$0x0] =	wrdreg $0xFFFFFFFF;
	(pc) =	sbr.abs _section_cstart, $3  }
0xc1: {  	[dreg:$0x1] =	wrdreg $0xFFFFFFFF  }
0xc2: {  	_ =	task.clear_ibuf [dreg:s7], $0x2FFFF;
	_ =	strace $0x9FFFFFFF  }
0xc3: {  	(tm) =	ssettm $0x7FFFFFFF  }
tec
execute0_lowered:
.L_overlay_start_1:
0x0: {  	(tag) =	ssettag $0x1  }
0x1: {  	s4 =	rddreg [dreg:$0x0]  }
0x2: {  	s7 =	rddreg [dreg:$0x1]  }
0x3: {  	s0 =	srdreg.scid;
	s2 =	rddreg [dreg:$0x2]  }
0x4: {  	s3 =	simm.s32 $0x0;
	s6 =	sand.u32 $0x1, s0;
	s0 =	rddreg [dreg:$0x3]  }
0x5: {  	s1 =	stileid.u32;
	s12 =	simm.s32 $0x0;
	[smem:$0x7FF] =	sst s3  }
0x6: {  	s10 =	smul.u32 $0x280, s1;
	s11 =	sadd.s32 $0x16200, s4;
	s5 =	sshll.u32 s6, $0x4  }
0x7: {  	s8 =	ssub.s32 $0x2, s6;
	_ =	strace $0x80000047;
	p0 =	seq.s32 s6, $0x1  }
0x8: {  	s5 =	sor.u32 s1, s5;
	s9 =	sshrl.u32 s8, $0x1;
	s31 =	sshrl.u32 s10, $0x3  }
0x9: {  	s7 =	smov.u32 @p0 s11;
	s11 =	simm.s32 $0x2710;
	s5 =	smul.u32 $0x4E2, s5  }
0xa: {  	s8 =	ssub.s32 s8, s9;
	s7 =	sadd.s32 s7, s31;
	s9 =	simm.s32 $0x2760  }
0xb: {  	s6 =	smax.u32 s8, $0x1;
	s8 =	simm.s32 $0x1;
	s5 =	sadd.s32 s5, s4  }
0xc: {  	v0 =	vimm.f32 $1.000000000e+00;
	v1 =	vimm.f32 $0.0e+00;
	s4 =	sadd.s32 $0xC400, s5;
	s5 =	sadd.s32 s10, s2;
	s10 =	simm.s32 $0x50  }
.LBB2_1:
0xd: {  	[tilespmem:s3], [sflag:$0x1] =	stream.linear.gather [hbm4b:s4+s3], $0x2710, $0x38;
	[tilespmem:$0x2C60] =	vst v63  }
0xe: {  	_ =	swait.ge [sflag:s8], $0x2710  }
0xf: {  	[sflag:s8] =	ssyncset.done $0x0  }
0x10: {  	[sflag:s8] =	ssyncadd.s32 $0xFFFFD8F0  }
0x11: {  	[tilespmem:$0x2710] =	vst v0  }
0x12: {  	[tilespmem:$0x2720] =	vst v0  }
0x13: {  	[tilespmem:$0x2730] =	vst v0  }
0x14: {  	[tilespmem:$0x2740] =	vst v0  }
0x15: {  	[tilespmem:$0x2750] =	vst v0  }
0x16: {  	[tilespmem:$0x2760] =	vst v1  }
0x17: {  	[tilespmem:$0x2770] =	vst v1  }
0x18: {  	[tilespmem:$0x2780] =	vst v1  }
0x19: {  	[tilespmem:$0x2790] =	vst v1  }
0x1a: {  	[tilespmem:$0x27A0] =	vst v1  }
0x1b: {  	[tilespmem:$0x27B0] =	vst v1  }
0x1c: {  	[tilespmem:$0x27C0] =	vst v1  }
0x1d: {  	[tilespmem:$0x27D0] =	vst v1  }
0x1e: {  	[tilespmem:$0x27E0] =	vst v1  }
0x1f: {  	[tilespmem:$0x27F0] =	vst v1  }
0x20: {  	[tilespmem:$0x2800] =	vst v1  }
0x21: {  	[tilespmem:$0x2810] =	vst v1  }
0x22: {  	[tilespmem:$0x2820] =	vst v1  }
0x23: {  	[tilespmem:$0x2830] =	vst v1  }
0x24: {  	[tilespmem:$0x2840] =	vst v1  }
0x25: {  	[tilespmem:$0x2850] =	vst v1  }
0x26: {  	[tilespmem:$0x2860] =	vst v1  }
0x27: {  	[tilespmem:$0x2870] =	vst v1  }
0x28: {  	[tilespmem:$0x2880] =	vst v1  }
0x29: {  	[tilespmem:$0x2890] =	vst v1  }
0x2a: {  	[tilespmem:$0x28A0] =	vst v1  }
0x2b: {  	[tilespmem:$0x28B0] =	vst v1  }
0x2c: {  	[tilespmem:$0x28C0] =	vst v1  }
0x2d: {  	[tilespmem:$0x28D0] =	vst v1  }
0x2e: {  	[tilespmem:$0x28E0] =	vst v1  }
0x2f: {  	[tilespmem:$0x28F0] =	vst v1  }
0x30: {  	[tilespmem:$0x2900] =	vst v1  }
0x31: {  	[tilespmem:$0x2910] =	vst v1  }
0x32: {  	[tilespmem:$0x2920] =	vst v1  }
0x33: {  	[tilespmem:$0x2930] =	vst v1  }
0x34: {  	[tilespmem:$0x2940] =	vst v1  }
0x35: {  	[tilespmem:$0x2950] =	vst v1  }
0x36: {  	[tilespmem:$0x2960] =	vst v1  }
0x37: {  	[tilespmem:$0x2970] =	vst v1  }
0x38: {  	[tilespmem:$0x2980] =	vst v1  }
0x39: {  	[tilespmem:$0x2990] =	vst v1  }
0x3a: {  	[tilespmem:$0x29A0] =	vst v1  }
0x3b: {  	[tilespmem:$0x29B0] =	vst v1  }
0x3c: {  	[tilespmem:$0x29C0] =	vst v1  }
0x3d: {  	[tilespmem:$0x29D0] =	vst v1  }
0x3e: {  	[spmem:s5] =	stream.linear.scatter [tilespmem:s9], [sflag:$0x1], $0x280, $0x38;
	[tilespmem:$0x2C60] =	vst v63  }
0x3f: {  	_ =	swait.ge [sflag:s8], $0x280  }
0x40: {  	[sflag:s8] =	ssyncset.done $0x0  }
0x41: {  	[sflag:s8] =	ssyncadd.s32 $0xFFFFFD80  }
0x42: {  	s13 =	simm.s32 $0x0;
	[bflag:$0x0] =	sbarrier.arrive $0xFFFF  }
0x43: {  	[spmem:s2] =	stream.indirect.scatter.add.f32 [tilespmem:s11], [sflag:$0x1], $0x1, s13, s10, $0xb8;
	[tilespmem:$0x2C60] =	vst v63  }
0x44: {  	_ =	swait.ge [sflag:s8], $0x50  }
0x45: {  	s13 =	simm.s32 $0x140;
	[sflag:s8] =	ssyncset.done $0x0  }
.LBB2_2:
0x46: {  	s14 =	sshra.s32 s13, $0x2;
	[sflag:s8] =	ssyncadd.s32 $0xFFFFFFB0;
	p0 =	sne.s32 s13, $0x9B00  }
0x47: {  	[spmem:s2] =	stream.indirect.scatter.add.f32 [tilespmem:s11], [sflag:$0x1], $0x1, s14, s10, $0xb8;
	[tilespmem:$0x2C60] =	vst v63  }
.Ltmp0:
0x48: {  	_ = 	snop;
	(pc) =	sbr.rel @p0 .LBB2_2-.Ltmp0, $4  }
0x49: {  	_ = 	snop  }
0x4a: {  	s13 =	sadd.s32 $0x140, s13  }
0x4b: {  	_ =	swait.ge [sflag:s8], $0x50  }
0x4c: {  	[sflag:s8] =	ssyncset.done $0x0  }
0x4d: {  	[sflag:s8] =	ssyncadd.s32 $0xFFFFFFB0  }
0x4e: {  	[bflag:$0x0] =	sbarrier.arrive $0xFFFF  }
0x4f: {  	[tilespmem:s9], [sflag:$0x1] =	stream.linear.gather [spmem:s5], $0x280, $0x38;
	[tilespmem:$0x2C60] =	vst v63  }
0x50: {  	s12 =	sadd.s32 $0x1, s12;
	_ =	swait.ge [sflag:s8], $0x280  }
0x51: {  	p0 =	sne.s32 s12, s6;
	[sflag:s8] =	ssyncset.done $0x0  }
.Ltmp1:
0x52: {  	[sflag:s8] =	ssyncadd.s32 $0xFFFFFD80;
	(pc) =	sbr.rel @p0 .LBB2_1-.Ltmp1, $4  }
0x53: {  	[hbm4b:s7+s3] =	stream.linear.scatter [tilespmem:s9], [sflag:$0x1], $0x280, $0x38;
	[tilespmem:$0x2C60] =	vst v63  }
0x54: {  	_ =	swait.ge [sflag:s8], $0x280  }
0x55: {  	[sflag:s8] =	ssyncset.done $0x0  }
0x56: {  	[sflag:s8] =	ssyncadd.s32 $0xFFFFFD80  }
0x57: {  	_ =	sfence.sel $0x180000  }
0x58: {  	[bflag:$0x0] =	sbarrier.arrive $0xFFFF  }
0x59: {  	p0 =	sne.s32 s1, $0x0;
	_ =	strace $0x90000047  }
0x5a: {  	s0 =	sadd.s32 @!p0 $0x100000, s0;
	[bflag:$0x2] =	sbarrier.arrive $0xFFFF  }
0x5b: {  	[sflag:s0] =	ssyncadd.tile.s32 @!p0 $0x1;
	_ =	shalt  }
.Lfunc_end2:
_tile_overlayer_lowered:
.L_overlay_start_2:
0x5c: {  	(tag) =	ssettag $0x2  }
0x5d: {  	s0 =	rddreg [dreg:$0x0];
	s2 =	stileid.u32  }
0x5e: {  	s1 =	rddreg [dreg:$0x1];
	p0 =	sne.s32 s2, $0x0  }
0x5f: {  	s3 =	rddreg [dreg:$0x2];
	[bflag:$0x3] =	sbarrier.arrive $0xFFFF;
	s2 =	simm.s32 @!p0 $0x1C01  }
0x60: {  	[timem:s3], [sflag:s2] =	dma.local @!p0 [hbm:s0], s1  }
0x61: {  	s0 =	simm.s32 @!p0 $0x1  }
0x62: {  	_ =	swait.ge @!p0 [sflag:s0], s1  }
0x63: {  	s1 =	ssub.s32 @!p0 $0x0, s1;
	[sflag:s0] =	ssyncset.done @!p0 $0x0  }
0x64: {  	[sflag:s0] =	ssyncadd.s32 @!p0 s1  }
0x65: {  	[bflag:$0x3] =	sbarrier.arrive $0xFFFF  }
0x66: {  	_ =	shalt  }

</sc_bundles>
